<compile_context>
chip_gen: v7x
topology: tpu7x:2x2x1
jax: 0.10.2.dev20260603
libtpu: 0.0.44.dev20260713+nightly
codegen_flags: <defaults>
</compile_context>

<pallas_src>
import functools

import jax
import jax.numpy as jnp
from jax import lax
from jax.experimental import pallas as pl
from jax.experimental.pallas import tpu as pltpu
from jax.experimental.pallas import tpu_sc as plsc

N = 10000
E = 320000
D = 128

NC = 2
NS = 16
NW = NC * NS

CHUNK = 80
N_PAD = 10240
RPT = N_PAD // NS
EPW = 10240
NCHUNK = EPW // CHUNK
IG = 8
NG = NCHUNK // IG
NVEC = EPW // 16
E_PAD = NW * EPW

_MESH = plsc.VectorSubcoreMesh(core_axis_name="c", subcore_axis_name="s")


@functools.partial(
    pl.kernel,
    out_type=jax.ShapeDtypeStruct((NW, 2, N_PAD), jnp.float32),
    mesh=_MESH,
    compiler_params=pltpu.CompilerParams(needs_layout_passes=False),
    scratch_types=[
        pltpu.VMEM((EPW,), jnp.int32),
        pltpu.VMEM((EPW,), jnp.int32),
        pltpu.VMEM((N_PAD,), jnp.float32),
        pltpu.VMEM((N_PAD,), jnp.float32),
    ],
)
def _deg_kernel(src_hbm, dst_hbm, zeros_hbm, hp_hbm,
                src_v, dst_v, hist_s, hist_d):
    cid = lax.axis_index("c")
    sid = lax.axis_index("s")
    wid = cid * NS + sid

    pltpu.sync_copy(src_hbm.at[wid], src_v)
    pltpu.sync_copy(dst_hbm.at[wid], dst_v)
    pltpu.sync_copy(zeros_hbm, hist_s)
    pltpu.sync_copy(zeros_hbm, hist_d)
    ones = jnp.full((16,), 1.0, jnp.float32)

    def body(j, carry):
        plsc.addupdate_scatter(hist_s, [src_v[pl.ds(j * 16, 16)]], ones)
        plsc.addupdate_scatter(hist_d, [dst_v[pl.ds(j * 16, 16)]], ones)
        return carry

    lax.fori_loop(0, NVEC, body, 0)
    pltpu.sync_copy(hist_s, hp_hbm.at[wid, 0])
    pltpu.sync_copy(hist_d, hp_hbm.at[wid, 1])


NBUF = 4

@functools.partial(
    pl.kernel,
    out_type=jax.ShapeDtypeStruct((NC, N_PAD, D), jnp.float32),
    mesh=_MESH,
    scratch_types=[
        pltpu.VMEM((2, IG, CHUNK), jnp.int32),
        pltpu.VMEM((2, IG, CHUNK), jnp.int32),
        pltpu.VMEM((CHUNK, D), jnp.float32),
        pltpu.VMEM((CHUNK, D), jnp.float32),
        pltpu.VMEM((CHUNK, D), jnp.float32),
        pltpu.VMEM((CHUNK, D), jnp.float32),
        pltpu.VMEM_SHARED((N_PAD, D), jnp.float32),
        pltpu.SemaphoreType.DMA,
        pltpu.SemaphoreType.DMA,
        pltpu.SemaphoreType.DMA,
        pltpu.SemaphoreType.DMA,
        pltpu.SemaphoreType.DMA,
        pltpu.SemaphoreType.DMA,
    ],
)
def _edge_kernel(ids_hbm, x_hbm, zeros_hbm, p_hbm,
                 idb_0, idb_1, rows_0, rows_1, rows_2, rows_3, acc,
                 gsem_0, gsem_1, gsem_2, gsem_3, isem_0, isem_1):
    idb = (idb_0, idb_1)
    rows_v = (rows_0, rows_1, rows_2, rows_3)
    gsem = (gsem_0, gsem_1, gsem_2, gsem_3)
    isem = (isem_0, isem_1)
    cid = lax.axis_index("c")
    sid = lax.axis_index("s")
    wid = cid * NS + sid

    rows = pl.ds(sid * RPT, RPT)
    pltpu.sync_copy(zeros_hbm.at[rows], acc.at[rows])
    pltpu.sync_copy(ids_hbm.at[wid, 0], idb_0)
    pltpu.async_copy(ids_hbm.at[wid, 1], idb_1, isem_1)
    plsc.subcore_barrier()

    for b in range(NBUF):
        pltpu.async_copy(x_hbm.at[idb_0.at[0, b]], rows_v[b], gsem[b])

    def body(p, carry):
        for gg in range(2):
            idc = idb[gg]
            idn = idb[1 - gg]
            pltpu.make_async_copy(
                ids_hbm.at[wid, 0], idn, isem[1 - gg]).wait()
            for k in range(IG):
                b = k % NBUF
                pltpu.make_async_copy(
                    x_hbm.at[idc.at[0, k]], rows_v[b], gsem[b]).wait()
                pltpu.sync_copy(rows_v[b], acc.at[idc.at[1, k]], add=True)
                if k < IG - NBUF:
                    pltpu.async_copy(
                        x_hbm.at[idc.at[0, k + NBUF]], rows_v[b], gsem[b])
                else:
                    pltpu.async_copy(
                        x_hbm.at[idn.at[0, k + NBUF - IG]], rows_v[b],
                        gsem[b])
            gnext = jnp.minimum(2 * p + 2 + gg, NG - 1)
            pltpu.async_copy(ids_hbm.at[wid, gnext], idc, isem[gg])
        return carry

    lax.fori_loop(0, NG // 2, body, 0)

    pltpu.make_async_copy(ids_hbm.at[wid, 0], idb_1, isem_1).wait()
    for b in range(NBUF):
        pltpu.make_async_copy(
            x_hbm.at[idb_0.at[0, b]], rows_v[b], gsem[b]).wait()

    plsc.subcore_barrier()
    pltpu.sync_copy(acc.at[rows], p_hbm.at[cid, rows])


def _norm_prescale_body(hp_ref, x_ref, x1s_ref, smid_ref, sfin_ref):
    h = jnp.sum(hp_ref[...], axis=0)
    no = lax.rsqrt(jnp.clip(h[0], 1.0, None))
    ni = lax.rsqrt(jnp.clip(h[1], 1.0, None))
    x1s_ref[...] = x_ref[...] * no[:, None]
    smid_ref[...] = (no * ni)[:, None]
    sfin_ref[...] = ni[:, None]


def _norm_prescale(hp, x_pad):
    col = jax.ShapeDtypeStruct((N_PAD, 1), jnp.float32)
    return pl.pallas_call(
        _norm_prescale_body,
        grid=(NS,),
        in_specs=[
            pl.BlockSpec((NW, 2, RPT), lambda i: (0, 0, i)),
            pl.BlockSpec((RPT, D), lambda i: (i, 0)),
        ],
        out_specs=[
            pl.BlockSpec((RPT, D), lambda i: (i, 0)),
            pl.BlockSpec((RPT, 1), lambda i: (i, 0)),
            pl.BlockSpec((RPT, 1), lambda i: (i, 0)),
        ],
        out_shape=[jax.ShapeDtypeStruct((N_PAD, D), jnp.float32), col, col],
    )(hp, x_pad)


def _combine_body(p_ref, s_ref, out_ref):
    pb = p_ref[...]
    out_ref[...] = (pb[0] + pb[1]) * s_ref[...]


def _combine(p, s_col):
    return pl.pallas_call(
        _combine_body,
        grid=(NS,),
        in_specs=[
            pl.BlockSpec((NC, RPT, D), lambda i: (0, i, 0)),
            pl.BlockSpec((RPT, 1), lambda i: (i, 0)),
        ],
        out_specs=pl.BlockSpec((RPT, D), lambda i: (i, 0)),
        out_shape=jax.ShapeDtypeStruct((N_PAD, D), jnp.float32),
    )(p, s_col)


def kernel(adj_t, x):
    src = adj_t[0].astype(jnp.int32)
    dst = adj_t[1].astype(jnp.int32)
    pad_ids = N + (jnp.arange(E_PAD - E, dtype=jnp.int32) % 128)
    src_flat = jnp.concatenate([src, pad_ids]).reshape(NW, EPW)
    dst_flat = jnp.concatenate([dst, pad_ids]).reshape(NW, EPW)
    ids_p = jnp.stack([src_flat.reshape(NW, NG, IG, CHUNK),
                       dst_flat.reshape(NW, NG, IG, CHUNK)], axis=2)
    x_pad = jnp.concatenate(
        [x.astype(jnp.float32), jnp.zeros((N_PAD - N, D), jnp.float32)])

    zeros_n = jnp.zeros((N_PAD,), jnp.float32)
    zeros_nd = jnp.zeros((N_PAD, D), jnp.float32)

    hp = _deg_kernel(src_flat, dst_flat, zeros_n)
    x1s, smid_col, sfin_col = _norm_prescale(hp, x_pad)
    p1 = _edge_kernel(ids_p, x1s, zeros_nd)
    x2s = _combine(p1, smid_col)
    p2 = _edge_kernel(ids_p, x2s, zeros_nd)
    out_pad = _combine(p2, sfin_col)
    return out_pad[:N]

# --- scband reference (transcript-rebuilt; emitter-appended) ---
"""Pipeline reference for scband-pure-gcn-no-para-34720515620918 (READ-ONLY COPY).

The authoritative reference and input builder live on the scoring server;
editing this copy changes nothing except your own understanding.
"""

import jax, jax.numpy as jnp
import numpy as np

N = 10000
E = 320000
D = 128
NUM_LAYERS = 2

def setup_inputs(seed: int = 0) -> dict:
    key = jax.random.key(seed)
    k1, k2 = jax.random.split(key)
    adj_t = jax.random.randint(k1, (2, E), 0, N, dtype=jnp.int32)
    x = jax.random.normal(k2, (N, D), dtype=jnp.float32)
    return {"adj_t": adj_t, "x": x}

def _gcn_conv(adj_t, x):
    # DGL GraphConv with norm='both', weight=False, bias=False:
    # out = D_in^{-1/2} * A^T * (D_out^{-1/2} * x)
    src = adj_t[0]
    dst = adj_t[1]
    n = x.shape[0]
    ones = jnp.ones(src.shape[0], dtype=x.dtype)
    deg_out = jnp.zeros((n,), dtype=x.dtype).at[src].add(ones)
    deg_in = jnp.zeros((n,), dtype=x.dtype).at[dst].add(ones)
    norm_src = jax.lax.rsqrt(jnp.clip(deg_out, 1.0, None))
    norm_dst = jax.lax.rsqrt(jnp.clip(deg_in, 1.0, None))
    h = x * norm_src[:, None]
    msg = jnp.take(h, src, axis=0)
    agg = jax.ops.segment_sum(msg, dst, num_segments=n)
    return agg * norm_dst[:, None]

def reference(adj_t, x):
    # PureGCN_no_para: relu=False, norm=False, res=False -> just stacked convs
    h = x
    for _ in range(NUM_LAYERS):
        h = _gcn_conv(adj_t, h)
    return h

if __name__ == "__main__":
    import jax
    _d = setup_inputs()
    print(jax.jit(kernel)(*tuple(_d.values())))

</pallas_src>

<mosaic_0001>
#map = affine_map<(d0, d1) -> (0, 0)>
#map1 = affine_map<(d0, d1) -> (0)>
#map2 = affine_map<(d0, d1) -> (0, 0, 0)>
module attributes {stable_mosaic.version = 14 : i64} {
  func.func @_deg_kernel(%arg0: i32, %arg1: i32, %arg2: memref<32x10240xi32, #tpu.memory_space<hbm>>, %arg3: memref<32x10240xi32, #tpu.memory_space<hbm>>, %arg4: memref<10240xf32, #tpu.memory_space<hbm>>, %arg5: memref<32x2x10240xf32, #tpu.memory_space<hbm>>, %arg6: memref<10240xi32, #tpu.memory_space<vmem>>, %arg7: memref<10240xi32, #tpu.memory_space<vmem>>, %arg8: memref<10240xf32, #tpu.memory_space<vmem>>, %arg9: memref<10240xf32, #tpu.memory_space<vmem>>) attributes {dimension_semantics = [#tpu.dimension_semantics<core_parallel>, #tpu.dimension_semantics<subcore_parallel>], iteration_bounds = array<i64: 2, 16>, scalar_prefetch = 0 : i64, scratch_operands = 4 : i64, tpu.core_type = #tpu.core_type<sc_vector_subcore>, window_params = [{transform_indices = #map}, {transform_indices = #map}, {transform_indices = #map1}, {transform_indices = #map2}]} {
    %mul3A = arith.constant 16 : i32
    %mul3A_0 = arith.muli %arg0, %mul3A : i32
    %add3A = arith.addi %mul3A_0, %arg1 : i32
    "tpu.region"() ({
      %run_scoped3A_8 = tpu.sem_alloc : memref<!tpu.dma_semaphore, #tpu.memory_space<semaphore_mem>>
      %dma_start3A = arith.constant 0 : i32
      %dma_start3A_9 = tpu.memref_slice %arg2[%add3A, %dma_start3A] : memref<32x10240xi32, #tpu.memory_space<hbm>> -> memref<1x10240xi32, #tpu.memory_space<hbm>>
      %dma_start3A_10 = tpu.memref_squeeze %dma_start3A_9 : memref<1x10240xi32, #tpu.memory_space<hbm>> -> memref<10240xi32, #tpu.memory_space<hbm>>
      %dma_start3A_11 = arith.constant 0 : i32
      %dma_start3A_12 = tpu.memref_slice %arg2[%add3A, %dma_start3A_11] : memref<32x10240xi32, #tpu.memory_space<hbm>> -> memref<1x10240xi32, #tpu.memory_space<hbm>>
      %dma_start3A_13 = tpu.memref_squeeze %dma_start3A_12 : memref<1x10240xi32, #tpu.memory_space<hbm>> -> memref<10240xi32, #tpu.memory_space<hbm>>
      tpu.enqueue_dma source(%dma_start3A_13 : memref<10240xi32, #tpu.memory_space<hbm>>) target(%arg6 : memref<10240xi32, #tpu.memory_space<vmem>>) target_semaphore(%run_scoped3A_8 : memref<!tpu.dma_semaphore, #tpu.memory_space<semaphore_mem>>)
      %dma_wait3A = arith.constant 0 : i32
      %dma_wait3A_14 = tpu.memref_slice %arg2[%add3A, %dma_wait3A] : memref<32x10240xi32, #tpu.memory_space<hbm>> -> memref<1x10240xi32, #tpu.memory_space<hbm>>
      %dma_wait3A_15 = tpu.memref_squeeze %dma_wait3A_14 : memref<1x10240xi32, #tpu.memory_space<hbm>> -> memref<10240xi32, #tpu.memory_space<hbm>>
      %dma_wait3A_16 = arith.constant 0 : i32
      %dma_wait3A_17 = tpu.memref_slice %arg2[%add3A, %dma_wait3A_16] : memref<32x10240xi32, #tpu.memory_space<hbm>> -> memref<1x10240xi32, #tpu.memory_space<hbm>>
      %dma_wait3A_18 = tpu.memref_squeeze %dma_wait3A_17 : memref<1x10240xi32, #tpu.memory_space<hbm>> -> memref<10240xi32, #tpu.memory_space<hbm>>
      tpu.wait_dma2 semaphore(%run_scoped3A_8 : memref<!tpu.dma_semaphore, #tpu.memory_space<semaphore_mem>>) src(%dma_wait3A_18 : memref<10240xi32, #tpu.memory_space<hbm>>) dst(%arg6 : memref<10240xi32, #tpu.memory_space<vmem>>)
      tpu.yield
    }) : () -> ()
    "tpu.region"() ({
      %run_scoped3A_8 = tpu.sem_alloc : memref<!tpu.dma_semaphore, #tpu.memory_space<semaphore_mem>>
      %dma_start3A = arith.constant 0 : i32
      %dma_start3A_9 = tpu.memref_slice %arg3[%add3A, %dma_start3A] : memref<32x10240xi32, #tpu.memory_space<hbm>> -> memref<1x10240xi32, #tpu.memory_space<hbm>>
      %dma_start3A_10 = tpu.memref_squeeze %dma_start3A_9 : memref<1x10240xi32, #tpu.memory_space<hbm>> -> memref<10240xi32, #tpu.memory_space<hbm>>
      %dma_start3A_11 = arith.constant 0 : i32
      %dma_start3A_12 = tpu.memref_slice %arg3[%add3A, %dma_start3A_11] : memref<32x10240xi32, #tpu.memory_space<hbm>> -> memref<1x10240xi32, #tpu.memory_space<hbm>>
      %dma_start3A_13 = tpu.memref_squeeze %dma_start3A_12 : memref<1x10240xi32, #tpu.memory_space<hbm>> -> memref<10240xi32, #tpu.memory_space<hbm>>
      tpu.enqueue_dma source(%dma_start3A_13 : memref<10240xi32, #tpu.memory_space<hbm>>) target(%arg7 : memref<10240xi32, #tpu.memory_space<vmem>>) target_semaphore(%run_scoped3A_8 : memref<!tpu.dma_semaphore, #tpu.memory_space<semaphore_mem>>)
      %dma_wait3A = arith.constant 0 : i32
      %dma_wait3A_14 = tpu.memref_slice %arg3[%add3A, %dma_wait3A] : memref<32x10240xi32, #tpu.memory_space<hbm>> -> memref<1x10240xi32, #tpu.memory_space<hbm>>
      %dma_wait3A_15 = tpu.memref_squeeze %dma_wait3A_14 : memref<1x10240xi32, #tpu.memory_space<hbm>> -> memref<10240xi32, #tpu.memory_space<hbm>>
      %dma_wait3A_16 = arith.constant 0 : i32
      %dma_wait3A_17 = tpu.memref_slice %arg3[%add3A, %dma_wait3A_16] : memref<32x10240xi32, #tpu.memory_space<hbm>> -> memref<1x10240xi32, #tpu.memory_space<hbm>>
      %dma_wait3A_18 = tpu.memref_squeeze %dma_wait3A_17 : memref<1x10240xi32, #tpu.memory_space<hbm>> -> memref<10240xi32, #tpu.memory_space<hbm>>
      tpu.wait_dma2 semaphore(%run_scoped3A_8 : memref<!tpu.dma_semaphore, #tpu.memory_space<semaphore_mem>>) src(%dma_wait3A_18 : memref<10240xi32, #tpu.memory_space<hbm>>) dst(%arg7 : memref<10240xi32, #tpu.memory_space<vmem>>)
      tpu.yield
    }) : () -> ()
    "tpu.region"() ({
      %run_scoped3A_8 = tpu.sem_alloc : memref<!tpu.dma_semaphore, #tpu.memory_space<semaphore_mem>>
      tpu.enqueue_dma source(%arg4 : memref<10240xf32, #tpu.memory_space<hbm>>) target(%arg8 : memref<10240xf32, #tpu.memory_space<vmem>>) target_semaphore(%run_scoped3A_8 : memref<!tpu.dma_semaphore, #tpu.memory_space<semaphore_mem>>)
      tpu.wait_dma2 semaphore(%run_scoped3A_8 : memref<!tpu.dma_semaphore, #tpu.memory_space<semaphore_mem>>) src(%arg4 : memref<10240xf32, #tpu.memory_space<hbm>>) dst(%arg8 : memref<10240xf32, #tpu.memory_space<vmem>>)
      tpu.yield
    }) : () -> ()
    "tpu.region"() ({
      %run_scoped3A_8 = tpu.sem_alloc : memref<!tpu.dma_semaphore, #tpu.memory_space<semaphore_mem>>
      tpu.enqueue_dma source(%arg4 : memref<10240xf32, #tpu.memory_space<hbm>>) target(%arg9 : memref<10240xf32, #tpu.memory_space<vmem>>) target_semaphore(%run_scoped3A_8 : memref<!tpu.dma_semaphore, #tpu.memory_space<semaphore_mem>>)
      tpu.wait_dma2 semaphore(%run_scoped3A_8 : memref<!tpu.dma_semaphore, #tpu.memory_space<semaphore_mem>>) src(%arg4 : memref<10240xf32, #tpu.memory_space<hbm>>) dst(%arg9 : memref<10240xf32, #tpu.memory_space<vmem>>)
      tpu.yield
    }) : () -> ()
    %broadcast_in_dim3A = arith.constant 1.000000e+00 : f32
    %broadcast_in_dim3A_1 = vector.broadcast %broadcast_in_dim3A : f32 to vector<16xf32>
    %scan3A = arith.constant 0 : i32
    %scan3A_2 = arith.constant 0 : i32
    %scan3A_3 = arith.constant 640 : i32
    %scan3A_4 = arith.addi %scan3A_2, %scan3A_3 : i32
    %scan3A_5 = arith.constant 1 : i32
    scf.for %scan3A_8 = %scan3A_2 to %scan3A_4 step %scan3A_5  : i32 {
      %mul3A_9 = arith.constant 16 : i32
      %mul3A_10 = arith.muli %scan3A_8, %mul3A_9 : i32
      %get3A = arith.index_cast %mul3A_10 : i32 to index
      %get3A_11 = tpu.vector_load %arg6[%get3A] {strides = array<i32>} : memref<10240xi32, #tpu.memory_space<vmem>>, vector<16xi32>,
      tpu.vector_store_idx %arg8[%get3A_11], %broadcast_in_dim3A_1 {add = true} : memref<10240xf32, #tpu.memory_space<vmem>>[vector<16xi32>], vector<16xf32>,
      %mul3A_12 = arith.constant 16 : i32
      %mul3A_13 = arith.muli %scan3A_8, %mul3A_12 : i32
      %get3A_14 = arith.index_cast %mul3A_13 : i32 to index
      %get3A_15 = tpu.vector_load %arg7[%get3A_14] {strides = array<i32>} : memref<10240xi32, #tpu.memory_space<vmem>>, vector<16xi32>,
      tpu.vector_store_idx %arg9[%get3A_15], %broadcast_in_dim3A_1 {add = true} : memref<10240xf32, #tpu.memory_space<vmem>>[vector<16xi32>], vector<16xf32>,
    }
    %scan3A_6 = arith.constant 640 : i32
    %run_scoped3A = arith.constant 0 : i32
    "tpu.region"() ({
      %run_scoped3A_8 = tpu.sem_alloc : memref<!tpu.dma_semaphore, #tpu.memory_space<semaphore_mem>>
      %dma_start3A = arith.constant 0 : i32
      %dma_start3A_9 = tpu.memref_slice %arg5[%add3A, %run_scoped3A, %dma_start3A] : memref<32x2x10240xf32, #tpu.memory_space<hbm>> -> memref<1x1x10240xf32, #tpu.memory_space<hbm>>
      %dma_start3A_10 = tpu.memref_squeeze %dma_start3A_9 : memref<1x1x10240xf32, #tpu.memory_space<hbm>> -> memref<10240xf32, #tpu.memory_space<hbm>>
      %dma_start3A_11 = arith.constant 0 : i32
      %dma_start3A_12 = tpu.memref_slice %arg5[%add3A, %run_scoped3A, %dma_start3A_11] : memref<32x2x10240xf32, #tpu.memory_space<hbm>> -> memref<1x1x10240xf32, #tpu.memory_space<hbm>>
      %dma_start3A_13 = tpu.memref_squeeze %dma_start3A_12 : memref<1x1x10240xf32, #tpu.memory_space<hbm>> -> memref<10240xf32, #tpu.memory_space<hbm>>
      tpu.enqueue_dma source(%arg8 : memref<10240xf32, #tpu.memory_space<vmem>>) target(%dma_start3A_13 : memref<10240xf32, #tpu.memory_space<hbm>>) target_semaphore(%run_scoped3A_8 : memref<!tpu.dma_semaphore, #tpu.memory_space<semaphore_mem>>)
      %dma_wait3A = arith.constant 0 : i32
      %dma_wait3A_14 = tpu.memref_slice %arg5[%add3A, %run_scoped3A, %dma_wait3A] : memref<32x2x10240xf32, #tpu.memory_space<hbm>> -> memref<1x1x10240xf32, #tpu.memory_space<hbm>>
      %dma_wait3A_15 = tpu.memref_squeeze %dma_wait3A_14 : memref<1x1x10240xf32, #tpu.memory_space<hbm>> -> memref<10240xf32, #tpu.memory_space<hbm>>
      %dma_wait3A_16 = arith.constant 0 : i32
      %dma_wait3A_17 = tpu.memref_slice %arg5[%add3A, %run_scoped3A, %dma_wait3A_16] : memref<32x2x10240xf32, #tpu.memory_space<hbm>> -> memref<1x1x10240xf32, #tpu.memory_space<hbm>>
      %dma_wait3A_18 = tpu.memref_squeeze %dma_wait3A_17 : memref<1x1x10240xf32, #tpu.memory_space<hbm>> -> memref<10240xf32, #tpu.memory_space<hbm>>
      tpu.wait_dma2 semaphore(%run_scoped3A_8 : memref<!tpu.dma_semaphore, #tpu.memory_space<semaphore_mem>>) src(%arg8 : memref<10240xf32, #tpu.memory_space<vmem>>) dst(%dma_wait3A_18 : memref<10240xf32, #tpu.memory_space<hbm>>)
      tpu.yield
    }) : () -> ()
    %run_scoped3A_7 = arith.constant 1 : i32
    "tpu.region"() ({
      %run_scoped3A_8 = tpu.sem_alloc : memref<!tpu.dma_semaphore, #tpu.memory_space<semaphore_mem>>
      %dma_start3A = arith.constant 0 : i32
      %dma_start3A_9 = tpu.memref_slice %arg5[%add3A, %run_scoped3A_7, %dma_start3A] : memref<32x2x10240xf32, #tpu.memory_space<hbm>> -> memref<1x1x10240xf32, #tpu.memory_space<hbm>>
      %dma_start3A_10 = tpu.memref_squeeze %dma_start3A_9 : memref<1x1x10240xf32, #tpu.memory_space<hbm>> -> memref<10240xf32, #tpu.memory_space<hbm>>
      %dma_start3A_11 = arith.constant 0 : i32
      %dma_start3A_12 = tpu.memref_slice %arg5[%add3A, %run_scoped3A_7, %dma_start3A_11] : memref<32x2x10240xf32, #tpu.memory_space<hbm>> -> memref<1x1x10240xf32, #tpu.memory_space<hbm>>
      %dma_start3A_13 = tpu.memref_squeeze %dma_start3A_12 : memref<1x1x10240xf32, #tpu.memory_space<hbm>> -> memref<10240xf32, #tpu.memory_space<hbm>>
      tpu.enqueue_dma source(%arg9 : memref<10240xf32, #tpu.memory_space<vmem>>) target(%dma_start3A_13 : memref<10240xf32, #tpu.memory_space<hbm>>) target_semaphore(%run_scoped3A_8 : memref<!tpu.dma_semaphore, #tpu.memory_space<semaphore_mem>>)
      %dma_wait3A = arith.constant 0 : i32
      %dma_wait3A_14 = tpu.memref_slice %arg5[%add3A, %run_scoped3A_7, %dma_wait3A] : memref<32x2x10240xf32, #tpu.memory_space<hbm>> -> memref<1x1x10240xf32, #tpu.memory_space<hbm>>
      %dma_wait3A_15 = tpu.memref_squeeze %dma_wait3A_14 : memref<1x1x10240xf32, #tpu.memory_space<hbm>> -> memref<10240xf32, #tpu.memory_space<hbm>>
      %dma_wait3A_16 = arith.constant 0 : i32
      %dma_wait3A_17 = tpu.memref_slice %arg5[%add3A, %run_scoped3A_7, %dma_wait3A_16] : memref<32x2x10240xf32, #tpu.memory_space<hbm>> -> memref<1x1x10240xf32, #tpu.memory_space<hbm>>
      %dma_wait3A_18 = tpu.memref_squeeze %dma_wait3A_17 : memref<1x1x10240xf32, #tpu.memory_space<hbm>> -> memref<10240xf32, #tpu.memory_space<hbm>>
      tpu.wait_dma2 semaphore(%run_scoped3A_8 : memref<!tpu.dma_semaphore, #tpu.memory_space<semaphore_mem>>) src(%arg9 : memref<10240xf32, #tpu.memory_space<vmem>>) dst(%dma_wait3A_18 : memref<10240xf32, #tpu.memory_space<hbm>>)
      tpu.yield
    }) : () -> ()
    return
  }
}

#map = affine_map<(d0, d1) -> (0, 0, 0, 0, 0)>
#map1 = affine_map<(d0, d1) -> (0, 0)>
#map2 = affine_map<(d0, d1) -> (0, 0, 0)>
module attributes {stable_mosaic.version = 14 : i64} {
  func.func @_edge_kernel(%arg0: i32, %arg1: i32, %arg2: memref<32x16x2x8x80xi32, #tpu.memory_space<hbm>>, %arg3: memref<10240x128xf32, #tpu.memory_space<hbm>>, %arg4: memref<10240x128xf32, #tpu.memory_space<hbm>>, %arg5: memref<2x10240x128xf32, #tpu.memory_space<hbm>>, %arg6: memref<2x8x80xi32, #tpu.memory_space<vmem>>, %arg7: memref<2x8x80xi32, #tpu.memory_space<vmem>>, %arg8: memref<80x128xf32, #tpu.memory_space<vmem>>, %arg9: memref<80x128xf32, #tpu.memory_space<vmem>>, %arg10: memref<80x128xf32, #tpu.memory_space<vmem>>, %arg11: memref<80x128xf32, #tpu.memory_space<vmem>>, %arg12: memref<10240x128xf32, #tpu.memory_space<vmem_shared>>, %arg13: memref<!tpu.dma_semaphore, #tpu.memory_space<semaphore_mem>>, %arg14: memref<!tpu.dma_semaphore, #tpu.memory_space<semaphore_mem>>, %arg15: memref<!tpu.dma_semaphore, #tpu.memory_space<semaphore_mem>>, %arg16: memref<!tpu.dma_semaphore, #tpu.memory_space<semaphore_mem>>, %arg17: memref<!tpu.dma_semaphore, #tpu.memory_space<semaphore_mem>>, %arg18: memref<!tpu.dma_semaphore, #tpu.memory_space<semaphore_mem>>) attributes {dimension_semantics = [#tpu.dimension_semantics<core_parallel>, #tpu.dimension_semantics<subcore_parallel>], iteration_bounds = array<i64: 2, 16>, scalar_prefetch = 0 : i64, scratch_operands = 13 : i64, tpu.core_type = #tpu.core_type<sc_vector_subcore>, window_params = [{transform_indices = #map}, {transform_indices = #map1}, {transform_indices = #map1}, {transform_indices = #map2}]} {
    %mul3A = arith.constant 16 : i32
    %mul3A_0 = arith.muli %arg0, %mul3A : i32
    %add3A = arith.addi %mul3A_0, %arg1 : i32
    %mul3A_1 = arith.constant 640 : i32
    %mul3A_2 = arith.muli %arg1, %mul3A_1 : i32
    "tpu.region"() ({
      %run_scoped3A_93 = tpu.sem_alloc : memref<!tpu.dma_semaphore, #tpu.memory_space<semaphore_mem>>
      %dma_start3A_94 = arith.constant 0 : i32
      %dma_start3A_95 = tpu.memref_slice %arg12[%mul3A_2, %dma_start3A_94] : memref<10240x128xf32, #tpu.memory_space<vmem_shared>> -> memref<640x128xf32, #tpu.memory_space<vmem_shared>>
      %dma_start3A_96 = arith.constant 0 : i32
      %dma_start3A_97 = tpu.memref_slice %arg4[%mul3A_2, %dma_start3A_96] : memref<10240x128xf32, #tpu.memory_space<hbm>> -> memref<640x128xf32, #tpu.memory_space<hbm>>
      tpu.enqueue_dma source(%dma_start3A_97 : memref<640x128xf32, #tpu.memory_space<hbm>>) target(%dma_start3A_95 : memref<640x128xf32, #tpu.memory_space<vmem_shared>>) target_semaphore(%run_scoped3A_93 : memref<!tpu.dma_semaphore, #tpu.memory_space<semaphore_mem>>)
      %dma_wait3A_98 = arith.constant 0 : i32
      %dma_wait3A_99 = tpu.memref_slice %arg12[%mul3A_2, %dma_wait3A_98] : memref<10240x128xf32, #tpu.memory_space<vmem_shared>> -> memref<640x128xf32, #tpu.memory_space<vmem_shared>>
      %dma_wait3A_100 = arith.constant 0 : i32
      %dma_wait3A_101 = tpu.memref_slice %arg4[%mul3A_2, %dma_wait3A_100] : memref<10240x128xf32, #tpu.memory_space<hbm>> -> memref<640x128xf32, #tpu.memory_space<hbm>>
      tpu.wait_dma2 semaphore(%run_scoped3A_93 : memref<!tpu.dma_semaphore, #tpu.memory_space<semaphore_mem>>) src(%dma_wait3A_101 : memref<640x128xf32, #tpu.memory_space<hbm>>) dst(%dma_wait3A_99 : memref<640x128xf32, #tpu.memory_space<vmem_shared>>)
      tpu.yield
    }) : () -> ()
    %run_scoped3A = arith.constant 0 : i32
    "tpu.region"() ({
      %run_scoped3A_93 = tpu.sem_alloc : memref<!tpu.dma_semaphore, #tpu.memory_space<semaphore_mem>>
      %dma_start3A_94 = arith.constant 0 : i32
      %dma_start3A_95 = arith.constant 0 : i32
      %dma_start3A_96 = arith.constant 0 : i32
      %dma_start3A_97 = tpu.memref_slice %arg2[%add3A, %run_scoped3A, %dma_start3A_94, %dma_start3A_95, %dma_start3A_96] : memref<32x16x2x8x80xi32, #tpu.memory_space<hbm>> -> memref<1x1x2x8x80xi32, #tpu.memory_space<hbm>>
      %dma_start3A_98 = tpu.memref_squeeze %dma_start3A_97 : memref<1x1x2x8x80xi32, #tpu.memory_space<hbm>> -> memref<2x8x80xi32, #tpu.memory_space<hbm>>
      %dma_start3A_99 = arith.constant 0 : i32
      %dma_start3A_100 = arith.constant 0 : i32
      %dma_start3A_101 = arith.constant 0 : i32
      %dma_start3A_102 = tpu.memref_slice %arg2[%add3A, %run_scoped3A, %dma_start3A_99, %dma_start3A_100, %dma_start3A_101] : memref<32x16x2x8x80xi32, #tpu.memory_space<hbm>> -> memref<1x1x2x8x80xi32, #tpu.memory_space<hbm>>
      %dma_start3A_103 = tpu.memref_squeeze %dma_start3A_102 : memref<1x1x2x8x80xi32, #tpu.memory_space<hbm>> -> memref<2x8x80xi32, #tpu.memory_space<hbm>>
      tpu.enqueue_dma source(%dma_start3A_103 : memref<2x8x80xi32, #tpu.memory_space<hbm>>) target(%arg6 : memref<2x8x80xi32, #tpu.memory_space<vmem>>) target_semaphore(%run_scoped3A_93 : memref<!tpu.dma_semaphore, #tpu.memory_space<semaphore_mem>>)
      %dma_wait3A_104 = arith.constant 0 : i32
      %dma_wait3A_105 = arith.constant 0 : i32
      %dma_wait3A_106 = arith.constant 0 : i32
      %dma_wait3A_107 = tpu.memref_slice %arg2[%add3A, %run_scoped3A, %dma_wait3A_104, %dma_wait3A_105, %dma_wait3A_106] : memref<32x16x2x8x80xi32, #tpu.memory_space<hbm>> -> memref<1x1x2x8x80xi32, #tpu.memory_space<hbm>>
      %dma_wait3A_108 = tpu.memref_squeeze %dma_wait3A_107 : memref<1x1x2x8x80xi32, #tpu.memory_space<hbm>> -> memref<2x8x80xi32, #tpu.memory_space<hbm>>
      %dma_wait3A_109 = arith.constant 0 : i32
      %dma_wait3A_110 = arith.constant 0 : i32
      %dma_wait3A_111 = arith.constant 0 : i32
      %dma_wait3A_112 = tpu.memref_slice %arg2[%add3A, %run_scoped3A, %dma_wait3A_109, %dma_wait3A_110, %dma_wait3A_111] : memref<32x16x2x8x80xi32, #tpu.memory_space<hbm>> -> memref<1x1x2x8x80xi32, #tpu.memory_space<hbm>>
      %dma_wait3A_113 = tpu.memref_squeeze %dma_wait3A_112 : memref<1x1x2x8x80xi32, #tpu.memory_space<hbm>> -> memref<2x8x80xi32, #tpu.memory_space<hbm>>
      tpu.wait_dma2 semaphore(%run_scoped3A_93 : memref<!tpu.dma_semaphore, #tpu.memory_space<semaphore_mem>>) src(%dma_wait3A_113 : memref<2x8x80xi32, #tpu.memory_space<hbm>>) dst(%arg6 : memref<2x8x80xi32, #tpu.memory_space<vmem>>)
      tpu.yield
    }) : () -> ()
    %dma_start3A = arith.constant 1 : i32
    %dma_start3A_3 = arith.constant 0 : i32
    %dma_start3A_4 = arith.constant 0 : i32
    %dma_start3A_5 = arith.constant 0 : i32
    %dma_start3A_6 = tpu.memref_slice %arg2[%add3A, %dma_start3A, %dma_start3A_3, %dma_start3A_4, %dma_start3A_5] : memref<32x16x2x8x80xi32, #tpu.memory_space<hbm>> -> memref<1x1x2x8x80xi32, #tpu.memory_space<hbm>>
    %dma_start3A_7 = tpu.memref_squeeze %dma_start3A_6 : memref<1x1x2x8x80xi32, #tpu.memory_space<hbm>> -> memref<2x8x80xi32, #tpu.memory_space<hbm>>
    %dma_start3A_8 = arith.constant 0 : i32
    %dma_start3A_9 = arith.constant 0 : i32
    %dma_start3A_10 = arith.constant 0 : i32
    %dma_start3A_11 = tpu.memref_slice %arg2[%add3A, %dma_start3A, %dma_start3A_8, %dma_start3A_9, %dma_start3A_10] : memref<32x16x2x8x80xi32, #tpu.memory_space<hbm>> -> memref<1x1x2x8x80xi32, #tpu.memory_space<hbm>>
    %dma_start3A_12 = tpu.memref_squeeze %dma_start3A_11 : memref<1x1x2x8x80xi32, #tpu.memory_space<hbm>> -> memref<2x8x80xi32, #tpu.memory_space<hbm>>
    tpu.enqueue_dma source(%dma_start3A_12 : memref<2x8x80xi32, #tpu.memory_space<hbm>>) target(%arg7 : memref<2x8x80xi32, #tpu.memory_space<vmem>>) target_semaphore(%arg18 : memref<!tpu.dma_semaphore, #tpu.memory_space<semaphore_mem>>)
    %barrier3A = arith.constant 0 : index
    tpu.barrier barrier_id(%barrier3A)
    %dma_start3A_13 = arith.constant 0 : i32
    %dma_start3A_14 = arith.constant 0 : i32
    %dma_start3A_15 = arith.constant 0 : i32
    %dma_start3A_16 = tpu.memref_slice %arg6[%dma_start3A_13, %dma_start3A_14, %dma_start3A_15] : memref<2x8x80xi32, #tpu.memory_space<vmem>> -> memref<1x1x80xi32, #tpu.memory_space<vmem>>
    %dma_start3A_17 = tpu.memref_squeeze %dma_start3A_16 : memref<1x1x80xi32, #tpu.memory_space<vmem>> -> memref<80xi32, #tpu.memory_space<vmem>>
    %dma_start3A_18 = arith.constant 0 : i32
    %dma_start3A_19 = arith.constant 0 : i32
    %dma_start3A_20 = tpu.memref_slice %arg3[%dma_start3A_18, %dma_start3A_19] : memref<10240x128xf32, #tpu.memory_space<hbm>> -> memref<10240x128xf32, #tpu.memory_space<hbm>>
    tpu.enqueue_indirect_dma source(%dma_start3A_20 : memref<10240x128xf32, #tpu.memory_space<hbm>>) target(%arg8 : memref<80x128xf32, #tpu.memory_space<vmem>>) offsets(%dma_start3A_17 : memref<80xi32, #tpu.memory_space<vmem>>) semaphore(%arg13 : memref<!tpu.dma_semaphore, #tpu.memory_space<semaphore_mem>>)
    %dma_start3A_21 = arith.constant 0 : i32
    %dma_start3A_22 = arith.constant 1 : i32
    %dma_start3A_23 = arith.constant 0 : i32
    %dma_start3A_24 = tpu.memref_slice %arg6[%dma_start3A_21, %dma_start3A_22, %dma_start3A_23] : memref<2x8x80xi32, #tpu.memory_space<vmem>> -> memref<1x1x80xi32, #tpu.memory_space<vmem>>
    %dma_start3A_25 = tpu.memref_squeeze %dma_start3A_24 : memref<1x1x80xi32, #tpu.memory_space<vmem>> -> memref<80xi32, #tpu.memory_space<vmem>>
    %dma_start3A_26 = arith.constant 0 : i32
    %dma_start3A_27 = arith.constant 0 : i32
    %dma_start3A_28 = tpu.memref_slice %arg3[%dma_start3A_26, %dma_start3A_27] : memref<10240x128xf32, #tpu.memory_space<hbm>> -> memref<10240x128xf32, #tpu.memory_space<hbm>>
    tpu.enqueue_indirect_dma source(%dma_start3A_28 : memref<10240x128xf32, #tpu.memory_space<hbm>>) target(%arg9 : memref<80x128xf32, #tpu.memory_space<vmem>>) offsets(%dma_start3A_25 : memref<80xi32, #tpu.memory_space<vmem>>) semaphore(%arg14 : memref<!tpu.dma_semaphore, #tpu.memory_space<semaphore_mem>>)
    %dma_start3A_29 = arith.constant 0 : i32
    %dma_start3A_30 = arith.constant 2 : i32
    %dma_start3A_31 = arith.constant 0 : i32
    %dma_start3A_32 = tpu.memref_slice %arg6[%dma_start3A_29, %dma_start3A_30, %dma_start3A_31] : memref<2x8x80xi32, #tpu.memory_space<vmem>> -> memref<1x1x80xi32, #tpu.memory_space<vmem>>
    %dma_start3A_33 = tpu.memref_squeeze %dma_start3A_32 : memref<1x1x80xi32, #tpu.memory_space<vmem>> -> memref<80xi32, #tpu.memory_space<vmem>>
    %dma_start3A_34 = arith.constant 0 : i32
    %dma_start3A_35 = arith.constant 0 : i32
    %dma_start3A_36 = tpu.memref_slice %arg3[%dma_start3A_34, %dma_start3A_35] : memref<10240x128xf32, #tpu.memory_space<hbm>> -> memref<10240x128xf32, #tpu.memory_space<hbm>>
    tpu.enqueue_indirect_dma source(%dma_start3A_36 : memref<10240x128xf32, #tpu.memory_space<hbm>>) target(%arg10 : memref<80x128xf32, #tpu.memory_space<vmem>>) offsets(%dma_start3A_33 : memref<80xi32, #tpu.memory_space<vmem>>) semaphore(%arg15 : memref<!tpu.dma_semaphore, #tpu.memory_space<semaphore_mem>>)
    %dma_start3A_37 = arith.constant 0 : i32
    %dma_start3A_38 = arith.constant 3 : i32
    %dma_start3A_39 = arith.constant 0 : i32
    %dma_start3A_40 = tpu.memref_slice %arg6[%dma_start3A_37, %dma_start3A_38, %dma_start3A_39] : memref<2x8x80xi32, #tpu.memory_space<vmem>> -> memref<1x1x80xi32, #tpu.memory_space<vmem>>
    %dma_start3A_41 = tpu.memref_squeeze %dma_start3A_40 : memref<1x1x80xi32, #tpu.memory_space<vmem>> -> memref<80xi32, #tpu.memory_space<vmem>>
    %dma_start3A_42 = arith.constant 0 : i32
    %dma_start3A_43 = arith.constant 0 : i32
    %dma_start3A_44 = tpu.memref_slice %arg3[%dma_start3A_42, %dma_start3A_43] : memref<10240x128xf32, #tpu.memory_space<hbm>> -> memref<10240x128xf32, #tpu.memory_space<hbm>>
    tpu.enqueue_indirect_dma source(%dma_start3A_44 : memref<10240x128xf32, #tpu.memory_space<hbm>>) target(%arg11 : memref<80x128xf32, #tpu.memory_space<vmem>>) offsets(%dma_start3A_41 : memref<80xi32, #tpu.memory_space<vmem>>) semaphore(%arg16 : memref<!tpu.dma_semaphore, #tpu.memory_space<semaphore_mem>>)
    %scan3A = arith.constant 0 : i32
    %scan3A_45 = arith.constant 0 : i32
    %scan3A_46 = arith.constant 8 : i32
    %scan3A_47 = arith.addi %scan3A_45, %scan3A_46 : i32
    %scan3A_48 = arith.constant 1 : i32
    scf.for %scan3A_93 = %scan3A_45 to %scan3A_47 step %scan3A_48  : i32 {
      %dma_wait3A_94 = arith.constant 0 : i32
      %dma_wait3A_95 = arith.constant 0 : i32
      %dma_wait3A_96 = arith.constant 0 : i32
      %dma_wait3A_97 = arith.constant 0 : i32
      %dma_wait3A_98 = tpu.memref_slice %arg2[%add3A, %dma_wait3A_94, %dma_wait3A_95, %dma_wait3A_96, %dma_wait3A_97] : memref<32x16x2x8x80xi32, #tpu.memory_space<hbm>> -> memref<1x1x2x8x80xi32, #tpu.memory_space<hbm>>
      %dma_wait3A_99 = tpu.memref_squeeze %dma_wait3A_98 : memref<1x1x2x8x80xi32, #tpu.memory_space<hbm>> -> memref<2x8x80xi32, #tpu.memory_space<hbm>>
      %dma_wait3A_100 = arith.constant 0 : i32
      %dma_wait3A_101 = arith.constant 0 : i32
      %dma_wait3A_102 = arith.constant 0 : i32
      %dma_wait3A_103 = tpu.memref_slice %arg2[%add3A, %dma_wait3A_94, %dma_wait3A_100, %dma_wait3A_101, %dma_wait3A_102] : memref<32x16x2x8x80xi32, #tpu.memory_space<hbm>> -> memref<1x1x2x8x80xi32, #tpu.memory_space<hbm>>
      %dma_wait3A_104 = tpu.memref_squeeze %dma_wait3A_103 : memref<1x1x2x8x80xi32, #tpu.memory_space<hbm>> -> memref<2x8x80xi32, #tpu.memory_space<hbm>>
      tpu.wait_dma2 semaphore(%arg18 : memref<!tpu.dma_semaphore, #tpu.memory_space<semaphore_mem>>) src(%dma_wait3A_104 : memref<2x8x80xi32, #tpu.memory_space<hbm>>) dst(%arg7 : memref<2x8x80xi32, #tpu.memory_space<vmem>>)
      %dma_wait3A_105 = arith.constant 0 : i32
      %dma_wait3A_106 = arith.constant 0 : i32
      %dma_wait3A_107 = arith.constant 0 : i32
      %dma_wait3A_108 = tpu.memref_slice %arg6[%dma_wait3A_105, %dma_wait3A_106, %dma_wait3A_107] : memref<2x8x80xi32, #tpu.memory_space<vmem>> -> memref<1x1x80xi32, #tpu.memory_space<vmem>>
      %dma_wait3A_109 = tpu.memref_squeeze %dma_wait3A_108 : memref<1x1x80xi32, #tpu.memory_space<vmem>> -> memref<80xi32, #tpu.memory_space<vmem>>
      %dma_wait3A_110 = arith.constant 0 : i32
      %dma_wait3A_111 = arith.constant 0 : i32
      %dma_wait3A_112 = tpu.memref_slice %arg3[%dma_wait3A_110, %dma_wait3A_111] : memref<10240x128xf32, #tpu.memory_space<hbm>> -> memref<10240x128xf32, #tpu.memory_space<hbm>>
      tpu.wait_indirect_dma semaphore(%arg13 : memref<!tpu.dma_semaphore, #tpu.memory_space<semaphore_mem>>) src(%dma_wait3A_112 : memref<10240x128xf32, #tpu.memory_space<hbm>>) dst(%arg8 : memref<80x128xf32, #tpu.memory_space<vmem>>)
      %run_scoped3A_113 = arith.constant 1 : i32
      %run_scoped3A_114 = arith.constant 0 : i32
      "tpu.region"() ({
        %run_scoped3A_439 = tpu.sem_alloc : memref<!tpu.dma_semaphore, #tpu.memory_space<semaphore_mem>>
        %dma_start3A_440 = arith.constant 0 : i32
        %dma_start3A_441 = tpu.memref_slice %arg6[%run_scoped3A_113, %run_scoped3A_114, %dma_start3A_440] : memref<2x8x80xi32, #tpu.memory_space<vmem>> -> memref<1x1x80xi32, #tpu.memory_space<vmem>>
        %dma_start3A_442 = tpu.memref_squeeze %dma_start3A_441 : memref<1x1x80xi32, #tpu.memory_space<vmem>> -> memref<80xi32, #tpu.memory_space<vmem>>
        %dma_start3A_443 = arith.constant 0 : i32
        %dma_start3A_444 = arith.constant 0 : i32
        %dma_start3A_445 = tpu.memref_slice %arg12[%dma_start3A_443, %dma_start3A_444] : memref<10240x128xf32, #tpu.memory_space<vmem_shared>> -> memref<10240x128xf32, #tpu.memory_space<vmem_shared>>
        tpu.enqueue_indirect_dma source(%arg8 : memref<80x128xf32, #tpu.memory_space<vmem>>) target(%dma_start3A_445 : memref<10240x128xf32, #tpu.memory_space<vmem_shared>>) offsets(%dma_start3A_442 : memref<80xi32, #tpu.memory_space<vmem>>) semaphore(%run_scoped3A_439 : memref<!tpu.dma_semaphore, #tpu.memory_space<semaphore_mem>>) {add = true}
        %dma_wait3A_446 = arith.constant 0 : i32
        %dma_wait3A_447 = tpu.memref_slice %arg6[%run_scoped3A_113, %run_scoped3A_114, %dma_wait3A_446] : memref<2x8x80xi32, #tpu.memory_space<vmem>> -> memref<1x1x80xi32, #tpu.memory_space<vmem>>
        %dma_wait3A_448 = tpu.memref_squeeze %dma_wait3A_447 : memref<1x1x80xi32, #tpu.memory_space<vmem>> -> memref<80xi32, #tpu.memory_space<vmem>>
        %dma_wait3A_449 = arith.constant 0 : i32
        %dma_wait3A_450 = arith.constant 0 : i32
        %dma_wait3A_451 = tpu.memref_slice %arg12[%dma_wait3A_449, %dma_wait3A_450] : memref<10240x128xf32, #tpu.memory_space<vmem_shared>> -> memref<10240x128xf32, #tpu.memory_space<vmem_shared>>
        tpu.wait_indirect_dma semaphore(%run_scoped3A_439 : memref<!tpu.dma_semaphore, #tpu.memory_space<semaphore_mem>>) src(%arg8 : memref<80x128xf32, #tpu.memory_space<vmem>>) dst(%dma_wait3A_451 : memref<10240x128xf32, #tpu.memory_space<vmem_shared>>)
        tpu.yield
      }) : () -> ()
      %dma_start3A_115 = arith.constant 0 : i32
      %dma_start3A_116 = arith.constant 4 : i32
      %dma_start3A_117 = arith.constant 0 : i32
      %dma_start3A_118 = tpu.memref_slice %arg6[%dma_start3A_115, %dma_start3A_116, %dma_start3A_117] : memref<2x8x80xi32, #tpu.memory_space<vmem>> -> memref<1x1x80xi32, #tpu.memory_space<vmem>>
      %dma_start3A_119 = tpu.memref_squeeze %dma_start3A_118 : memref<1x1x80xi32, #tpu.memory_space<vmem>> -> memref<80xi32, #tpu.memory_space<vmem>>
      %dma_start3A_120 = arith.constant 0 : i32
      %dma_start3A_121 = arith.constant 0 : i32
      %dma_start3A_122 = tpu.memref_slice %arg3[%dma_start3A_120, %dma_start3A_121] : memref<10240x128xf32, #tpu.memory_space<hbm>> -> memref<10240x128xf32, #tpu.memory_space<hbm>>
      tpu.enqueue_indirect_dma source(%dma_start3A_122 : memref<10240x128xf32, #tpu.memory_space<hbm>>) target(%arg8 : memref<80x128xf32, #tpu.memory_space<vmem>>) offsets(%dma_start3A_119 : memref<80xi32, #tpu.memory_space<vmem>>) semaphore(%arg13 : memref<!tpu.dma_semaphore, #tpu.memory_space<semaphore_mem>>)
      %dma_wait3A_123 = arith.constant 0 : i32
      %dma_wait3A_124 = arith.constant 1 : i32
      %dma_wait3A_125 = arith.constant 0 : i32
      %dma_wait3A_126 = tpu.memref_slice %arg6[%dma_wait3A_123, %dma_wait3A_124, %dma_wait3A_125] : memref<2x8x80xi32, #tpu.memory_space<vmem>> -> memref<1x1x80xi32, #tpu.memory_space<vmem>>
      %dma_wait3A_127 = tpu.memref_squeeze %dma_wait3A_126 : memref<1x1x80xi32, #tpu.memory_space<vmem>> -> memref<80xi32, #tpu.memory_space<vmem>>
      %dma_wait3A_128 = arith.constant 0 : i32
      %dma_wait3A_129 = arith.constant 0 : i32
      %dma_wait3A_130 = tpu.memref_slice %arg3[%dma_wait3A_128, %dma_wait3A_129] : memref<10240x128xf32, #tpu.memory_space<hbm>> -> memref<10240x128xf32, #tpu.memory_space<hbm>>
      tpu.wait_indirect_dma semaphore(%arg14 : memref<!tpu.dma_semaphore, #tpu.memory_space<semaphore_mem>>) src(%dma_wait3A_130 : memref<10240x128xf32, #tpu.memory_space<hbm>>) dst(%arg9 : memref<80x128xf32, #tpu.memory_space<vmem>>)
      %run_scoped3A_131 = arith.constant 1 : i32
      %run_scoped3A_132 = arith.constant 1 : i32
      "tpu.region"() ({
        %run_scoped3A_439 = tpu.sem_alloc : memref<!tpu.dma_semaphore, #tpu.memory_space<semaphore_mem>>
        %dma_start3A_440 = arith.constant 0 : i32
        %dma_start3A_441 = tpu.memref_slice %arg6[%run_scoped3A_131, %run_scoped3A_132, %dma_start3A_440] : memref<2x8x80xi32, #tpu.memory_space<vmem>> -> memref<1x1x80xi32, #tpu.memory_space<vmem>>
        %dma_start3A_442 = tpu.memref_squeeze %dma_start3A_441 : memref<1x1x80xi32, #tpu.memory_space<vmem>> -> memref<80xi32, #tpu.memory_space<vmem>>
        %dma_start3A_443 = arith.constant 0 : i32
        %dma_start3A_444 = arith.constant 0 : i32
        %dma_start3A_445 = tpu.memref_slice %arg12[%dma_start3A_443, %dma_start3A_444] : memref<10240x128xf32, #tpu.memory_space<vmem_shared>> -> memref<10240x128xf32, #tpu.memory_space<vmem_shared>>
        tpu.enqueue_indirect_dma source(%arg9 : memref<80x128xf32, #tpu.memory_space<vmem>>) target(%dma_start3A_445 : memref<10240x128xf32, #tpu.memory_space<vmem_shared>>) offsets(%dma_start3A_442 : memref<80xi32, #tpu.memory_space<vmem>>) semaphore(%run_scoped3A_439 : memref<!tpu.dma_semaphore, #tpu.memory_space<semaphore_mem>>) {add = true}
        %dma_wait3A_446 = arith.constant 0 : i32
        %dma_wait3A_447 = tpu.memref_slice %arg6[%run_scoped3A_131, %run_scoped3A_132, %dma_wait3A_446] : memref<2x8x80xi32, #tpu.memory_space<vmem>> -> memref<1x1x80xi32, #tpu.memory_space<vmem>>
        %dma_wait3A_448 = tpu.memref_squeeze %dma_wait3A_447 : memref<1x1x80xi32, #tpu.memory_space<vmem>> -> memref<80xi32, #tpu.memory_space<vmem>>
        %dma_wait3A_449 = arith.constant 0 : i32
        %dma_wait3A_450 = arith.constant 0 : i32
        %dma_wait3A_451 = tpu.memref_slice %arg12[%dma_wait3A_449, %dma_wait3A_450] : memref<10240x128xf32, #tpu.memory_space<vmem_shared>> -> memref<10240x128xf32, #tpu.memory_space<vmem_shared>>
        tpu.wait_indirect_dma semaphore(%run_scoped3A_439 : memref<!tpu.dma_semaphore, #tpu.memory_space<semaphore_mem>>) src(%arg9 : memref<80x128xf32, #tpu.memory_space<vmem>>) dst(%dma_wait3A_451 : memref<10240x128xf32, #tpu.memory_space<vmem_shared>>)
        tpu.yield
      }) : () -> ()
      %dma_start3A_133 = arith.constant 0 : i32
      %dma_start3A_134 = arith.constant 5 : i32
      %dma_start3A_135 = arith.constant 0 : i32
      %dma_start3A_136 = tpu.memref_slice %arg6[%dma_start3A_133, %dma_start3A_134, %dma_start3A_135] : memref<2x8x80xi32, #tpu.memory_space<vmem>> -> memref<1x1x80xi32, #tpu.memory_space<vmem>>
      %dma_start3A_137 = tpu.memref_squeeze %dma_start3A_136 : memref<1x1x80xi32, #tpu.memory_space<vmem>> -> memref<80xi32, #tpu.memory_space<vmem>>
      %dma_start3A_138 = arith.constant 0 : i32
      %dma_start3A_139 = arith.constant 0 : i32
      %dma_start3A_140 = tpu.memref_slice %arg3[%dma_start3A_138, %dma_start3A_139] : memref<10240x128xf32, #tpu.memory_space<hbm>> -> memref<10240x128xf32, #tpu.memory_space<hbm>>
      tpu.enqueue_indirect_dma source(%dma_start3A_140 : memref<10240x128xf32, #tpu.memory_space<hbm>>) target(%arg9 : memref<80x128xf32, #tpu.memory_space<vmem>>) offsets(%dma_start3A_137 : memref<80xi32, #tpu.memory_space<vmem>>) semaphore(%arg14 : memref<!tpu.dma_semaphore, #tpu.memory_space<semaphore_mem>>)
      %dma_wait3A_141 = arith.constant 0 : i32
      %dma_wait3A_142 = arith.constant 2 : i32
      %dma_wait3A_143 = arith.constant 0 : i32
      %dma_wait3A_144 = tpu.memref_slice %arg6[%dma_wait3A_141, %dma_wait3A_142, %dma_wait3A_143] : memref<2x8x80xi32, #tpu.memory_space<vmem>> -> memref<1x1x80xi32, #tpu.memory_space<vmem>>
      %dma_wait3A_145 = tpu.memref_squeeze %dma_wait3A_144 : memref<1x1x80xi32, #tpu.memory_space<vmem>> -> memref<80xi32, #tpu.memory_space<vmem>>
      %dma_wait3A_146 = arith.constant 0 : i32
      %dma_wait3A_147 = arith.constant 0 : i32
      %dma_wait3A_148 = tpu.memref_slice %arg3[%dma_wait3A_146, %dma_wait3A_147] : memref<10240x128xf32, #tpu.memory_space<hbm>> -> memref<10240x128xf32, #tpu.memory_space<hbm>>
      tpu.wait_indirect_dma semaphore(%arg15 : memref<!tpu.dma_semaphore, #tpu.memory_space<semaphore_mem>>) src(%dma_wait3A_148 : memref<10240x128xf32, #tpu.memory_space<hbm>>) dst(%arg10 : memref<80x128xf32, #tpu.memory_space<vmem>>)
      %run_scoped3A_149 = arith.constant 1 : i32
      %run_scoped3A_150 = arith.constant 2 : i32
      "tpu.region"() ({
        %run_scoped3A_439 = tpu.sem_alloc : memref<!tpu.dma_semaphore, #tpu.memory_space<semaphore_mem>>
        %dma_start3A_440 = arith.constant 0 : i32
        %dma_start3A_441 = tpu.memref_slice %arg6[%run_scoped3A_149, %run_scoped3A_150, %dma_start3A_440] : memref<2x8x80xi32, #tpu.memory_space<vmem>> -> memref<1x1x80xi32, #tpu.memory_space<vmem>>
        %dma_start3A_442 = tpu.memref_squeeze %dma_start3A_441 : memref<1x1x80xi32, #tpu.memory_space<vmem>> -> memref<80xi32, #tpu.memory_space<vmem>>
        %dma_start3A_443 = arith.constant 0 : i32
        %dma_start3A_444 = arith.constant 0 : i32
        %dma_start3A_445 = tpu.memref_slice %arg12[%dma_start3A_443, %dma_start3A_444] : memref<10240x128xf32, #tpu.memory_space<vmem_shared>> -> memref<10240x128xf32, #tpu.memory_space<vmem_shared>>
        tpu.enqueue_indirect_dma source(%arg10 : memref<80x128xf32, #tpu.memory_space<vmem>>) target(%dma_start3A_445 : memref<10240x128xf32, #tpu.memory_space<vmem_shared>>) offsets(%dma_start3A_442 : memref<80xi32, #tpu.memory_space<vmem>>) semaphore(%run_scoped3A_439 : memref<!tpu.dma_semaphore, #tpu.memory_space<semaphore_mem>>) {add = true}
        %dma_wait3A_446 = arith.constant 0 : i32
        %dma_wait3A_447 = tpu.memref_slice %arg6[%run_scoped3A_149, %run_scoped3A_150, %dma_wait3A_446] : memref<2x8x80xi32, #tpu.memory_space<vmem>> -> memref<1x1x80xi32, #tpu.memory_space<vmem>>
        %dma_wait3A_448 = tpu.memref_squeeze %dma_wait3A_447 : memref<1x1x80xi32, #tpu.memory_space<vmem>> -> memref<80xi32, #tpu.memory_space<vmem>>
        %dma_wait3A_449 = arith.constant 0 : i32
        %dma_wait3A_450 = arith.constant 0 : i32
        %dma_wait3A_451 = tpu.memref_slice %arg12[%dma_wait3A_449, %dma_wait3A_450] : memref<10240x128xf32, #tpu.memory_space<vmem_shared>> -> memref<10240x128xf32, #tpu.memory_space<vmem_shared>>
        tpu.wait_indirect_dma semaphore(%run_scoped3A_439 : memref<!tpu.dma_semaphore, #tpu.memory_space<semaphore_mem>>) src(%arg10 : memref<80x128xf32, #tpu.memory_space<vmem>>) dst(%dma_wait3A_451 : memref<10240x128xf32, #tpu.memory_space<vmem_shared>>)
        tpu.yield
      }) : () -> ()
      %dma_start3A_151 = arith.constant 0 : i32
      %dma_start3A_152 = arith.constant 6 : i32
      %dma_start3A_153 = arith.constant 0 : i32
      %dma_start3A_154 = tpu.memref_slice %arg6[%dma_start3A_151, %dma_start3A_152, %dma_start3A_153] : memref<2x8x80xi32, #tpu.memory_space<vmem>> -> memref<1x1x80xi32, #tpu.memory_space<vmem>>
      %dma_start3A_155 = tpu.memref_squeeze %dma_start3A_154 : memref<1x1x80xi32, #tpu.memory_space<vmem>> -> memref<80xi32, #tpu.memory_space<vmem>>
      %dma_start3A_156 = arith.constant 0 : i32
      %dma_start3A_157 = arith.constant 0 : i32
      %dma_start3A_158 = tpu.memref_slice %arg3[%dma_start3A_156, %dma_start3A_157] : memref<10240x128xf32, #tpu.memory_space<hbm>> -> memref<10240x128xf32, #tpu.memory_space<hbm>>
      tpu.enqueue_indirect_dma source(%dma_start3A_158 : memref<10240x128xf32, #tpu.memory_space<hbm>>) target(%arg10 : memref<80x128xf32, #tpu.memory_space<vmem>>) offsets(%dma_start3A_155 : memref<80xi32, #tpu.memory_space<vmem>>) semaphore(%arg15 : memref<!tpu.dma_semaphore, #tpu.memory_space<semaphore_mem>>)
      %dma_wait3A_159 = arith.constant 0 : i32
      %dma_wait3A_160 = arith.constant 3 : i32
      %dma_wait3A_161 = arith.constant 0 : i32
      %dma_wait3A_162 = tpu.memref_slice %arg6[%dma_wait3A_159, %dma_wait3A_160, %dma_wait3A_161] : memref<2x8x80xi32, #tpu.memory_space<vmem>> -> memref<1x1x80xi32, #tpu.memory_space<vmem>>
      %dma_wait3A_163 = tpu.memref_squeeze %dma_wait3A_162 : memref<1x1x80xi32, #tpu.memory_space<vmem>> -> memref<80xi32, #tpu.memory_space<vmem>>
      %dma_wait3A_164 = arith.constant 0 : i32
      %dma_wait3A_165 = arith.constant 0 : i32
      %dma_wait3A_166 = tpu.memref_slice %arg3[%dma_wait3A_164, %dma_wait3A_165] : memref<10240x128xf32, #tpu.memory_space<hbm>> -> memref<10240x128xf32, #tpu.memory_space<hbm>>
      tpu.wait_indirect_dma semaphore(%arg16 : memref<!tpu.dma_semaphore, #tpu.memory_space<semaphore_mem>>) src(%dma_wait3A_166 : memref<10240x128xf32, #tpu.memory_space<hbm>>) dst(%arg11 : memref<80x128xf32, #tpu.memory_space<vmem>>)
      %run_scoped3A_167 = arith.constant 1 : i32
      %run_scoped3A_168 = arith.constant 3 : i32
      "tpu.region"() ({
        %run_scoped3A_439 = tpu.sem_alloc : memref<!tpu.dma_semaphore, #tpu.memory_space<semaphore_mem>>
        %dma_start3A_440 = arith.constant 0 : i32
        %dma_start3A_441 = tpu.memref_slice %arg6[%run_scoped3A_167, %run_scoped3A_168, %dma_start3A_440] : memref<2x8x80xi32, #tpu.memory_space<vmem>> -> memref<1x1x80xi32, #tpu.memory_space<vmem>>
        %dma_start3A_442 = tpu.memref_squeeze %dma_start3A_441 : memref<1x1x80xi32, #tpu.memory_space<vmem>> -> memref<80xi32, #tpu.memory_space<vmem>>
        %dma_start3A_443 = arith.constant 0 : i32
        %dma_start3A_444 = arith.constant 0 : i32
        %dma_start3A_445 = tpu.memref_slice %arg12[%dma_start3A_443, %dma_start3A_444] : memref<10240x128xf32, #tpu.memory_space<vmem_shared>> -> memref<10240x128xf32, #tpu.memory_space<vmem_shared>>
        tpu.enqueue_indirect_dma source(%arg11 : memref<80x128xf32, #tpu.memory_space<vmem>>) target(%dma_start3A_445 : memref<10240x128xf32, #tpu.memory_space<vmem_shared>>) offsets(%dma_start3A_442 : memref<80xi32, #tpu.memory_space<vmem>>) semaphore(%run_scoped3A_439 : memref<!tpu.dma_semaphore, #tpu.memory_space<semaphore_mem>>) {add = true}
        %dma_wait3A_446 = arith.constant 0 : i32
        %dma_wait3A_447 = tpu.memref_slice %arg6[%run_scoped3A_167, %run_scoped3A_168, %dma_wait3A_446] : memref<2x8x80xi32, #tpu.memory_space<vmem>> -> memref<1x1x80xi32, #tpu.memory_space<vmem>>
        %dma_wait3A_448 = tpu.memref_squeeze %dma_wait3A_447 : memref<1x1x80xi32, #tpu.memory_space<vmem>> -> memref<80xi32, #tpu.memory_space<vmem>>
        %dma_wait3A_449 = arith.constant 0 : i32
        %dma_wait3A_450 = arith.constant 0 : i32
        %dma_wait3A_451 = tpu.memref_slice %arg12[%dma_wait3A_449, %dma_wait3A_450] : memref<10240x128xf32, #tpu.memory_space<vmem_shared>> -> memref<10240x128xf32, #tpu.memory_space<vmem_shared>>
        tpu.wait_indirect_dma semaphore(%run_scoped3A_439 : memref<!tpu.dma_semaphore, #tpu.memory_space<semaphore_mem>>) src(%arg11 : memref<80x128xf32, #tpu.memory_space<vmem>>) dst(%dma_wait3A_451 : memref<10240x128xf32, #tpu.memory_space<vmem_shared>>)
        tpu.yield
      }) : () -> ()
      %dma_start3A_169 = arith.constant 0 : i32
      %dma_start3A_170 = arith.constant 7 : i32
      %dma_start3A_171 = arith.constant 0 : i32
      %dma_start3A_172 = tpu.memref_slice %arg6[%dma_start3A_169, %dma_start3A_170, %dma_start3A_171] : memref<2x8x80xi32, #tpu.memory_space<vmem>> -> memref<1x1x80xi32, #tpu.memory_space<vmem>>
      %dma_start3A_173 = tpu.memref_squeeze %dma_start3A_172 : memref<1x1x80xi32, #tpu.memory_space<vmem>> -> memref<80xi32, #tpu.memory_space<vmem>>
      %dma_start3A_174 = arith.constant 0 : i32
      %dma_start3A_175 = arith.constant 0 : i32
      %dma_start3A_176 = tpu.memref_slice %arg3[%dma_start3A_174, %dma_start3A_175] : memref<10240x128xf32, #tpu.memory_space<hbm>> -> memref<10240x128xf32, #tpu.memory_space<hbm>>
      tpu.enqueue_indirect_dma source(%dma_start3A_176 : memref<10240x128xf32, #tpu.memory_space<hbm>>) target(%arg11 : memref<80x128xf32, #tpu.memory_space<vmem>>) offsets(%dma_start3A_173 : memref<80xi32, #tpu.memory_space<vmem>>) semaphore(%arg16 : memref<!tpu.dma_semaphore, #tpu.memory_space<semaphore_mem>>)
      %dma_wait3A_177 = arith.constant 0 : i32
      %dma_wait3A_178 = arith.constant 4 : i32
      %dma_wait3A_179 = arith.constant 0 : i32
      %dma_wait3A_180 = tpu.memref_slice %arg6[%dma_wait3A_177, %dma_wait3A_178, %dma_wait3A_179] : memref<2x8x80xi32, #tpu.memory_space<vmem>> -> memref<1x1x80xi32, #tpu.memory_space<vmem>>
      %dma_wait3A_181 = tpu.memref_squeeze %dma_wait3A_180 : memref<1x1x80xi32, #tpu.memory_space<vmem>> -> memref<80xi32, #tpu.memory_space<vmem>>
      %dma_wait3A_182 = arith.constant 0 : i32
      %dma_wait3A_183 = arith.constant 0 : i32
      %dma_wait3A_184 = tpu.memref_slice %arg3[%dma_wait3A_182, %dma_wait3A_183] : memref<10240x128xf32, #tpu.memory_space<hbm>> -> memref<10240x128xf32, #tpu.memory_space<hbm>>
      tpu.wait_indirect_dma semaphore(%arg13 : memref<!tpu.dma_semaphore, #tpu.memory_space<semaphore_mem>>) src(%dma_wait3A_184 : memref<10240x128xf32, #tpu.memory_space<hbm>>) dst(%arg8 : memref<80x128xf32, #tpu.memory_space<vmem>>)
      %run_scoped3A_185 = arith.constant 1 : i32
      %run_scoped3A_186 = arith.constant 4 : i32
      "tpu.region"() ({
        %run_scoped3A_439 = tpu.sem_alloc : memref<!tpu.dma_semaphore, #tpu.memory_space<semaphore_mem>>
        %dma_start3A_440 = arith.constant 0 : i32
        %dma_start3A_441 = tpu.memref_slice %arg6[%run_scoped3A_185, %run_scoped3A_186, %dma_start3A_440] : memref<2x8x80xi32, #tpu.memory_space<vmem>> -> memref<1x1x80xi32, #tpu.memory_space<vmem>>
        %dma_start3A_442 = tpu.memref_squeeze %dma_start3A_441 : memref<1x1x80xi32, #tpu.memory_space<vmem>> -> memref<80xi32, #tpu.memory_space<vmem>>
        %dma_start3A_443 = arith.constant 0 : i32
        %dma_start3A_444 = arith.constant 0 : i32
        %dma_start3A_445 = tpu.memref_slice %arg12[%dma_start3A_443, %dma_start3A_444] : memref<10240x128xf32, #tpu.memory_space<vmem_shared>> -> memref<10240x128xf32, #tpu.memory_space<vmem_shared>>
        tpu.enqueue_indirect_dma source(%arg8 : memref<80x128xf32, #tpu.memory_space<vmem>>) target(%dma_start3A_445 : memref<10240x128xf32, #tpu.memory_space<vmem_shared>>) offsets(%dma_start3A_442 : memref<80xi32, #tpu.memory_space<vmem>>) semaphore(%run_scoped3A_439 : memref<!tpu.dma_semaphore, #tpu.memory_space<semaphore_mem>>) {add = true}
        %dma_wait3A_446 = arith.constant 0 : i32
        %dma_wait3A_447 = tpu.memref_slice %arg6[%run_scoped3A_185, %run_scoped3A_186, %dma_wait3A_446] : memref<2x8x80xi32, #tpu.memory_space<vmem>> -> memref<1x1x80xi32, #tpu.memory_space<vmem>>
        %dma_wait3A_448 = tpu.memref_squeeze %dma_wait3A_447 : memref<1x1x80xi32, #tpu.memory_space<vmem>> -> memref<80xi32, #tpu.memory_space<vmem>>
        %dma_wait3A_449 = arith.constant 0 : i32
        %dma_wait3A_450 = arith.constant 0 : i32
        %dma_wait3A_451 = tpu.memref_slice %arg12[%dma_wait3A_449, %dma_wait3A_450] : memref<10240x128xf32, #tpu.memory_space<vmem_shared>> -> memref<10240x128xf32, #tpu.memory_space<vmem_shared>>
        tpu.wait_indirect_dma semaphore(%run_scoped3A_439 : memref<!tpu.dma_semaphore, #tpu.memory_space<semaphore_mem>>) src(%arg8 : memref<80x128xf32, #tpu.memory_space<vmem>>) dst(%dma_wait3A_451 : memref<10240x128xf32, #tpu.memory_space<vmem_shared>>)
        tpu.yield
      }) : () -> ()
      %dma_start3A_187 = arith.constant 0 : i32
      %dma_start3A_188 = arith.constant 0 : i32
      %dma_start3A_189 = arith.constant 0 : i32
      %dma_start3A_190 = tpu.memref_slice %arg7[%dma_start3A_187, %dma_start3A_188, %dma_start3A_189] : memref<2x8x80xi32, #tpu.memory_space<vmem>> -> memref<1x1x80xi32, #tpu.memory_space<vmem>>
      %dma_start3A_191 = tpu.memref_squeeze %dma_start3A_190 : memref<1x1x80xi32, #tpu.memory_space<vmem>> -> memref<80xi32, #tpu.memory_space<vmem>>
      %dma_start3A_192 = arith.constant 0 : i32
      %dma_start3A_193 = arith.constant 0 : i32
      %dma_start3A_194 = tpu.memref_slice %arg3[%dma_start3A_192, %dma_start3A_193] : memref<10240x128xf32, #tpu.memory_space<hbm>> -> memref<10240x128xf32, #tpu.memory_space<hbm>>
      tpu.enqueue_indirect_dma source(%dma_start3A_194 : memref<10240x128xf32, #tpu.memory_space<hbm>>) target(%arg8 : memref<80x128xf32, #tpu.memory_space<vmem>>) offsets(%dma_start3A_191 : memref<80xi32, #tpu.memory_space<vmem>>) semaphore(%arg13 : memref<!tpu.dma_semaphore, #tpu.memory_space<semaphore_mem>>)
      %dma_wait3A_195 = arith.constant 0 : i32
      %dma_wait3A_196 = arith.constant 5 : i32
      %dma_wait3A_197 = arith.constant 0 : i32
      %dma_wait3A_198 = tpu.memref_slice %arg6[%dma_wait3A_195, %dma_wait3A_196, %dma_wait3A_197] : memref<2x8x80xi32, #tpu.memory_space<vmem>> -> memref<1x1x80xi32, #tpu.memory_space<vmem>>
      %dma_wait3A_199 = tpu.memref_squeeze %dma_wait3A_198 : memref<1x1x80xi32, #tpu.memory_space<vmem>> -> memref<80xi32, #tpu.memory_space<vmem>>
      %dma_wait3A_200 = arith.constant 0 : i32
      %dma_wait3A_201 = arith.constant 0 : i32
      %dma_wait3A_202 = tpu.memref_slice %arg3[%dma_wait3A_200, %dma_wait3A_201] : memref<10240x128xf32, #tpu.memory_space<hbm>> -> memref<10240x128xf32, #tpu.memory_space<hbm>>
      tpu.wait_indirect_dma semaphore(%arg14 : memref<!tpu.dma_semaphore, #tpu.memory_space<semaphore_mem>>) src(%dma_wait3A_202 : memref<10240x128xf32, #tpu.memory_space<hbm>>) dst(%arg9 : memref<80x128xf32, #tpu.memory_space<vmem>>)
      %run_scoped3A_203 = arith.constant 1 : i32
      %run_scoped3A_204 = arith.constant 5 : i32
      "tpu.region"() ({
        %run_scoped3A_439 = tpu.sem_alloc : memref<!tpu.dma_semaphore, #tpu.memory_space<semaphore_mem>>
        %dma_start3A_440 = arith.constant 0 : i32
        %dma_start3A_441 = tpu.memref_slice %arg6[%run_scoped3A_203, %run_scoped3A_204, %dma_start3A_440] : memref<2x8x80xi32, #tpu.memory_space<vmem>> -> memref<1x1x80xi32, #tpu.memory_space<vmem>>
        %dma_start3A_442 = tpu.memref_squeeze %dma_start3A_441 : memref<1x1x80xi32, #tpu.memory_space<vmem>> -> memref<80xi32, #tpu.memory_space<vmem>>
        %dma_start3A_443 = arith.constant 0 : i32
        %dma_start3A_444 = arith.constant 0 : i32
        %dma_start3A_445 = tpu.memref_slice %arg12[%dma_start3A_443, %dma_start3A_444] : memref<10240x128xf32, #tpu.memory_space<vmem_shared>> -> memref<10240x128xf32, #tpu.memory_space<vmem_shared>>
        tpu.enqueue_indirect_dma source(%arg9 : memref<80x128xf32, #tpu.memory_space<vmem>>) target(%dma_start3A_445 : memref<10240x128xf32, #tpu.memory_space<vmem_shared>>) offsets(%dma_start3A_442 : memref<80xi32, #tpu.memory_space<vmem>>) semaphore(%run_scoped3A_439 : memref<!tpu.dma_semaphore, #tpu.memory_space<semaphore_mem>>) {add = true}
        %dma_wait3A_446 = arith.constant 0 : i32
        %dma_wait3A_447 = tpu.memref_slice %arg6[%run_scoped3A_203, %run_scoped3A_204, %dma_wait3A_446] : memref<2x8x80xi32, #tpu.memory_space<vmem>> -> memref<1x1x80xi32, #tpu.memory_space<vmem>>
        %dma_wait3A_448 = tpu.memref_squeeze %dma_wait3A_447 : memref<1x1x80xi32, #tpu.memory_space<vmem>> -> memref<80xi32, #tpu.memory_space<vmem>>
        %dma_wait3A_449 = arith.constant 0 : i32
        %dma_wait3A_450 = arith.constant 0 : i32
        %dma_wait3A_451 = tpu.memref_slice %arg12[%dma_wait3A_449, %dma_wait3A_450] : memref<10240x128xf32, #tpu.memory_space<vmem_shared>> -> memref<10240x128xf32, #tpu.memory_space<vmem_shared>>
        tpu.wait_indirect_dma semaphore(%run_scoped3A_439 : memref<!tpu.dma_semaphore, #tpu.memory_space<semaphore_mem>>) src(%arg9 : memref<80x128xf32, #tpu.memory_space<vmem>>) dst(%dma_wait3A_451 : memref<10240x128xf32, #tpu.memory_space<vmem_shared>>)
        tpu.yield
      }) : () -> ()
      %dma_start3A_205 = arith.constant 0 : i32
      %dma_start3A_206 = arith.constant 1 : i32
      %dma_start3A_207 = arith.constant 0 : i32
      %dma_start3A_208 = tpu.memref_slice %arg7[%dma_start3A_205, %dma_start3A_206, %dma_start3A_207] : memref<2x8x80xi32, #tpu.memory_space<vmem>> -> memref<1x1x80xi32, #tpu.memory_space<vmem>>
      %dma_start3A_209 = tpu.memref_squeeze %dma_start3A_208 : memref<1x1x80xi32, #tpu.memory_space<vmem>> -> memref<80xi32, #tpu.memory_space<vmem>>
      %dma_start3A_210 = arith.constant 0 : i32
      %dma_start3A_211 = arith.constant 0 : i32
      %dma_start3A_212 = tpu.memref_slice %arg3[%dma_start3A_210, %dma_start3A_211] : memref<10240x128xf32, #tpu.memory_space<hbm>> -> memref<10240x128xf32, #tpu.memory_space<hbm>>
      tpu.enqueue_indirect_dma source(%dma_start3A_212 : memref<10240x128xf32, #tpu.memory_space<hbm>>) target(%arg9 : memref<80x128xf32, #tpu.memory_space<vmem>>) offsets(%dma_start3A_209 : memref<80xi32, #tpu.memory_space<vmem>>) semaphore(%arg14 : memref<!tpu.dma_semaphore, #tpu.memory_space<semaphore_mem>>)
      %dma_wait3A_213 = arith.constant 0 : i32
      %dma_wait3A_214 = arith.constant 6 : i32
      %dma_wait3A_215 = arith.constant 0 : i32
      %dma_wait3A_216 = tpu.memref_slice %arg6[%dma_wait3A_213, %dma_wait3A_214, %dma_wait3A_215] : memref<2x8x80xi32, #tpu.memory_space<vmem>> -> memref<1x1x80xi32, #tpu.memory_space<vmem>>
      %dma_wait3A_217 = tpu.memref_squeeze %dma_wait3A_216 : memref<1x1x80xi32, #tpu.memory_space<vmem>> -> memref<80xi32, #tpu.memory_space<vmem>>
      %dma_wait3A_218 = arith.constant 0 : i32
      %dma_wait3A_219 = arith.constant 0 : i32
      %dma_wait3A_220 = tpu.memref_slice %arg3[%dma_wait3A_218, %dma_wait3A_219] : memref<10240x128xf32, #tpu.memory_space<hbm>> -> memref<10240x128xf32, #tpu.memory_space<hbm>>
      tpu.wait_indirect_dma semaphore(%arg15 : memref<!tpu.dma_semaphore, #tpu.memory_space<semaphore_mem>>) src(%dma_wait3A_220 : memref<10240x128xf32, #tpu.memory_space<hbm>>) dst(%arg10 : memref<80x128xf32, #tpu.memory_space<vmem>>)
      %run_scoped3A_221 = arith.constant 1 : i32
      %run_scoped3A_222 = arith.constant 6 : i32
      "tpu.region"() ({
        %run_scoped3A_439 = tpu.sem_alloc : memref<!tpu.dma_semaphore, #tpu.memory_space<semaphore_mem>>
        %dma_start3A_440 = arith.constant 0 : i32
        %dma_start3A_441 = tpu.memref_slice %arg6[%run_scoped3A_221, %run_scoped3A_222, %dma_start3A_440] : memref<2x8x80xi32, #tpu.memory_space<vmem>> -> memref<1x1x80xi32, #tpu.memory_space<vmem>>
        %dma_start3A_442 = tpu.memref_squeeze %dma_start3A_441 : memref<1x1x80xi32, #tpu.memory_space<vmem>> -> memref<80xi32, #tpu.memory_space<vmem>>
        %dma_start3A_443 = arith.constant 0 : i32
        %dma_start3A_444 = arith.constant 0 : i32
        %dma_start3A_445 = tpu.memref_slice %arg12[%dma_start3A_443, %dma_start3A_444] : memref<10240x128xf32, #tpu.memory_space<vmem_shared>> -> memref<10240x128xf32, #tpu.memory_space<vmem_shared>>
        tpu.enqueue_indirect_dma source(%arg10 : memref<80x128xf32, #tpu.memory_space<vmem>>) target(%dma_start3A_445 : memref<10240x128xf32, #tpu.memory_space<vmem_shared>>) offsets(%dma_start3A_442 : memref<80xi32, #tpu.memory_space<vmem>>) semaphore(%run_scoped3A_439 : memref<!tpu.dma_semaphore, #tpu.memory_space<semaphore_mem>>) {add = true}
        %dma_wait3A_446 = arith.constant 0 : i32
        %dma_wait3A_447 = tpu.memref_slice %arg6[%run_scoped3A_221, %run_scoped3A_222, %dma_wait3A_446] : memref<2x8x80xi32, #tpu.memory_space<vmem>> -> memref<1x1x80xi32, #tpu.memory_space<vmem>>
        %dma_wait3A_448 = tpu.memref_squeeze %dma_wait3A_447 : memref<1x1x80xi32, #tpu.memory_space<vmem>> -> memref<80xi32, #tpu.memory_space<vmem>>
        %dma_wait3A_449 = arith.constant 0 : i32
        %dma_wait3A_450 = arith.constant 0 : i32
        %dma_wait3A_451 = tpu.memref_slice %arg12[%dma_wait3A_449, %dma_wait3A_450] : memref<10240x128xf32, #tpu.memory_space<vmem_shared>> -> memref<10240x128xf32, #tpu.memory_space<vmem_shared>>
        tpu.wait_indirect_dma semaphore(%run_scoped3A_439 : memref<!tpu.dma_semaphore, #tpu.memory_space<semaphore_mem>>) src(%arg10 : memref<80x128xf32, #tpu.memory_space<vmem>>) dst(%dma_wait3A_451 : memref<10240x128xf32, #tpu.memory_space<vmem_shared>>)
        tpu.yield
      }) : () -> ()
      %dma_start3A_223 = arith.constant 0 : i32
      %dma_start3A_224 = arith.constant 2 : i32
      %dma_start3A_225 = arith.constant 0 : i32
      %dma_start3A_226 = tpu.memref_slice %arg7[%dma_start3A_223, %dma_start3A_224, %dma_start3A_225] : memref<2x8x80xi32, #tpu.memory_space<vmem>> -> memref<1x1x80xi32, #tpu.memory_space<vmem>>
      %dma_start3A_227 = tpu.memref_squeeze %dma_start3A_226 : memref<1x1x80xi32, #tpu.memory_space<vmem>> -> memref<80xi32, #tpu.memory_space<vmem>>
      %dma_start3A_228 = arith.constant 0 : i32
      %dma_start3A_229 = arith.constant 0 : i32
      %dma_start3A_230 = tpu.memref_slice %arg3[%dma_start3A_228, %dma_start3A_229] : memref<10240x128xf32, #tpu.memory_space<hbm>> -> memref<10240x128xf32, #tpu.memory_space<hbm>>
      tpu.enqueue_indirect_dma source(%dma_start3A_230 : memref<10240x128xf32, #tpu.memory_space<hbm>>) target(%arg10 : memref<80x128xf32, #tpu.memory_space<vmem>>) offsets(%dma_start3A_227 : memref<80xi32, #tpu.memory_space<vmem>>) semaphore(%arg15 : memref<!tpu.dma_semaphore, #tpu.memory_space<semaphore_mem>>)
      %dma_wait3A_231 = arith.constant 0 : i32
      %dma_wait3A_232 = arith.constant 7 : i32
      %dma_wait3A_233 = arith.constant 0 : i32
      %dma_wait3A_234 = tpu.memref_slice %arg6[%dma_wait3A_231, %dma_wait3A_232, %dma_wait3A_233] : memref<2x8x80xi32, #tpu.memory_space<vmem>> -> memref<1x1x80xi32, #tpu.memory_space<vmem>>
      %dma_wait3A_235 = tpu.memref_squeeze %dma_wait3A_234 : memref<1x1x80xi32, #tpu.memory_space<vmem>> -> memref<80xi32, #tpu.memory_space<vmem>>
      %dma_wait3A_236 = arith.constant 0 : i32
      %dma_wait3A_237 = arith.constant 0 : i32
      %dma_wait3A_238 = tpu.memref_slice %arg3[%dma_wait3A_236, %dma_wait3A_237] : memref<10240x128xf32, #tpu.memory_space<hbm>> -> memref<10240x128xf32, #tpu.memory_space<hbm>>
      tpu.wait_indirect_dma semaphore(%arg16 : memref<!tpu.dma_semaphore, #tpu.memory_space<semaphore_mem>>) src(%dma_wait3A_238 : memref<10240x128xf32, #tpu.memory_space<hbm>>) dst(%arg11 : memref<80x128xf32, #tpu.memory_space<vmem>>)
      %run_scoped3A_239 = arith.constant 1 : i32
      %run_scoped3A_240 = arith.constant 7 : i32
      "tpu.region"() ({
        %run_scoped3A_439 = tpu.sem_alloc : memref<!tpu.dma_semaphore, #tpu.memory_space<semaphore_mem>>
        %dma_start3A_440 = arith.constant 0 : i32
        %dma_start3A_441 = tpu.memref_slice %arg6[%run_scoped3A_239, %run_scoped3A_240, %dma_start3A_440] : memref<2x8x80xi32, #tpu.memory_space<vmem>> -> memref<1x1x80xi32, #tpu.memory_space<vmem>>
        %dma_start3A_442 = tpu.memref_squeeze %dma_start3A_441 : memref<1x1x80xi32, #tpu.memory_space<vmem>> -> memref<80xi32, #tpu.memory_space<vmem>>
        %dma_start3A_443 = arith.constant 0 : i32
        %dma_start3A_444 = arith.constant 0 : i32
        %dma_start3A_445 = tpu.memref_slice %arg12[%dma_start3A_443, %dma_start3A_444] : memref<10240x128xf32, #tpu.memory_space<vmem_shared>> -> memref<10240x128xf32, #tpu.memory_space<vmem_shared>>
        tpu.enqueue_indirect_dma source(%arg11 : memref<80x128xf32, #tpu.memory_space<vmem>>) target(%dma_start3A_445 : memref<10240x128xf32, #tpu.memory_space<vmem_shared>>) offsets(%dma_start3A_442 : memref<80xi32, #tpu.memory_space<vmem>>) semaphore(%run_scoped3A_439 : memref<!tpu.dma_semaphore, #tpu.memory_space<semaphore_mem>>) {add = true}
        %dma_wait3A_446 = arith.constant 0 : i32
        %dma_wait3A_447 = tpu.memref_slice %arg6[%run_scoped3A_239, %run_scoped3A_240, %dma_wait3A_446] : memref<2x8x80xi32, #tpu.memory_space<vmem>> -> memref<1x1x80xi32, #tpu.memory_space<vmem>>
        %dma_wait3A_448 = tpu.memref_squeeze %dma_wait3A_447 : memref<1x1x80xi32, #tpu.memory_space<vmem>> -> memref<80xi32, #tpu.memory_space<vmem>>
        %dma_wait3A_449 = arith.constant 0 : i32
        %dma_wait3A_450 = arith.constant 0 : i32
        %dma_wait3A_451 = tpu.memref_slice %arg12[%dma_wait3A_449, %dma_wait3A_450] : memref<10240x128xf32, #tpu.memory_space<vmem_shared>> -> memref<10240x128xf32, #tpu.memory_space<vmem_shared>>
        tpu.wait_indirect_dma semaphore(%run_scoped3A_439 : memref<!tpu.dma_semaphore, #tpu.memory_space<semaphore_mem>>) src(%arg11 : memref<80x128xf32, #tpu.memory_space<vmem>>) dst(%dma_wait3A_451 : memref<10240x128xf32, #tpu.memory_space<vmem_shared>>)
        tpu.yield
      }) : () -> ()
      %dma_start3A_241 = arith.constant 0 : i32
      %dma_start3A_242 = arith.constant 3 : i32
      %dma_start3A_243 = arith.constant 0 : i32
      %dma_start3A_244 = tpu.memref_slice %arg7[%dma_start3A_241, %dma_start3A_242, %dma_start3A_243] : memref<2x8x80xi32, #tpu.memory_space<vmem>> -> memref<1x1x80xi32, #tpu.memory_space<vmem>>
      %dma_start3A_245 = tpu.memref_squeeze %dma_start3A_244 : memref<1x1x80xi32, #tpu.memory_space<vmem>> -> memref<80xi32, #tpu.memory_space<vmem>>
      %dma_start3A_246 = arith.constant 0 : i32
      %dma_start3A_247 = arith.constant 0 : i32
      %dma_start3A_248 = tpu.memref_slice %arg3[%dma_start3A_246, %dma_start3A_247] : memref<10240x128xf32, #tpu.memory_space<hbm>> -> memref<10240x128xf32, #tpu.memory_space<hbm>>
      tpu.enqueue_indirect_dma source(%dma_start3A_248 : memref<10240x128xf32, #tpu.memory_space<hbm>>) target(%arg11 : memref<80x128xf32, #tpu.memory_space<vmem>>) offsets(%dma_start3A_245 : memref<80xi32, #tpu.memory_space<vmem>>) semaphore(%arg16 : memref<!tpu.dma_semaphore, #tpu.memory_space<semaphore_mem>>)
      %mul3A_249 = arith.constant 2 : i32
      %mul3A_250 = arith.muli %mul3A_249, %scan3A_93 : i32
      %add3A_251 = arith.constant 2 : i32
      %add3A_252 = arith.addi %mul3A_250, %add3A_251 : i32
      %add3A_253 = arith.constant 0 : i32
      %add3A_254 = arith.addi %add3A_252, %add3A_253 : i32
      %min3A = arith.constant 15 : i32
      %min3A_255 = arith.minsi %add3A_254, %min3A : i32
      %dma_start3A_256 = arith.constant 0 : i32
      %dma_start3A_257 = arith.constant 0 : i32
      %dma_start3A_258 = arith.constant 0 : i32
      %dma_start3A_259 = tpu.memref_slice %arg2[%add3A, %min3A_255, %dma_start3A_256, %dma_start3A_257, %dma_start3A_258] : memref<32x16x2x8x80xi32, #tpu.memory_space<hbm>> -> memref<1x1x2x8x80xi32, #tpu.memory_space<hbm>>
      %dma_start3A_260 = tpu.memref_squeeze %dma_start3A_259 : memref<1x1x2x8x80xi32, #tpu.memory_space<hbm>> -> memref<2x8x80xi32, #tpu.memory_space<hbm>>
      %dma_start3A_261 = arith.constant 0 : i32
      %dma_start3A_262 = arith.constant 0 : i32
      %dma_start3A_263 = arith.constant 0 : i32
      %dma_start3A_264 = tpu.memref_slice %arg2[%add3A, %min3A_255, %dma_start3A_261, %dma_start3A_262, %dma_start3A_263] : memref<32x16x2x8x80xi32, #tpu.memory_space<hbm>> -> memref<1x1x2x8x80xi32, #tpu.memory_space<hbm>>
      %dma_start3A_265 = tpu.memref_squeeze %dma_start3A_264 : memref<1x1x2x8x80xi32, #tpu.memory_space<hbm>> -> memref<2x8x80xi32, #tpu.memory_space<hbm>>
      tpu.enqueue_dma source(%dma_start3A_265 : memref<2x8x80xi32, #tpu.memory_space<hbm>>) target(%arg6 : memref<2x8x80xi32, #tpu.memory_space<vmem>>) target_semaphore(%arg17 : memref<!tpu.dma_semaphore, #tpu.memory_space<semaphore_mem>>)
      %dma_wait3A_266 = arith.constant 0 : i32
      %dma_wait3A_267 = arith.constant 0 : i32
      %dma_wait3A_268 = arith.constant 0 : i32
      %dma_wait3A_269 = arith.constant 0 : i32
      %dma_wait3A_270 = tpu.memref_slice %arg2[%add3A, %dma_wait3A_266, %dma_wait3A_267, %dma_wait3A_268, %dma_wait3A_269] : memref<32x16x2x8x80xi32, #tpu.memory_space<hbm>> -> memref<1x1x2x8x80xi32, #tpu.memory_space<hbm>>
      %dma_wait3A_271 = tpu.memref_squeeze %dma_wait3A_270 : memref<1x1x2x8x80xi32, #tpu.memory_space<hbm>> -> memref<2x8x80xi32, #tpu.memory_space<hbm>>
      %dma_wait3A_272 = arith.constant 0 : i32
      %dma_wait3A_273 = arith.constant 0 : i32
      %dma_wait3A_274 = arith.constant 0 : i32
      %dma_wait3A_275 = tpu.memref_slice %arg2[%add3A, %dma_wait3A_266, %dma_wait3A_272, %dma_wait3A_273, %dma_wait3A_274] : memref<32x16x2x8x80xi32, #tpu.memory_space<hbm>> -> memref<1x1x2x8x80xi32, #tpu.memory_space<hbm>>
      %dma_wait3A_276 = tpu.memref_squeeze %dma_wait3A_275 : memref<1x1x2x8x80xi32, #tpu.memory_space<hbm>> -> memref<2x8x80xi32, #tpu.memory_space<hbm>>
      tpu.wait_dma2 semaphore(%arg17 : memref<!tpu.dma_semaphore, #tpu.memory_space<semaphore_mem>>) src(%dma_wait3A_276 : memref<2x8x80xi32, #tpu.memory_space<hbm>>) dst(%arg6 : memref<2x8x80xi32, #tpu.memory_space<vmem>>)
      %dma_wait3A_277 = arith.constant 0 : i32
      %dma_wait3A_278 = arith.constant 0 : i32
      %dma_wait3A_279 = arith.constant 0 : i32
      %dma_wait3A_280 = tpu.memref_slice %arg7[%dma_wait3A_277, %dma_wait3A_278, %dma_wait3A_279] : memref<2x8x80xi32, #tpu.memory_space<vmem>> -> memref<1x1x80xi32, #tpu.memory_space<vmem>>
      %dma_wait3A_281 = tpu.memref_squeeze %dma_wait3A_280 : memref<1x1x80xi32, #tpu.memory_space<vmem>> -> memref<80xi32, #tpu.memory_space<vmem>>
      %dma_wait3A_282 = arith.constant 0 : i32
      %dma_wait3A_283 = arith.constant 0 : i32
      %dma_wait3A_284 = tpu.memref_slice %arg3[%dma_wait3A_282, %dma_wait3A_283] : memref<10240x128xf32, #tpu.memory_space<hbm>> -> memref<10240x128xf32, #tpu.memory_space<hbm>>
      tpu.wait_indirect_dma semaphore(%arg13 : memref<!tpu.dma_semaphore, #tpu.memory_space<semaphore_mem>>) src(%dma_wait3A_284 : memref<10240x128xf32, #tpu.memory_space<hbm>>) dst(%arg8 : memref<80x128xf32, #tpu.memory_space<vmem>>)
      %run_scoped3A_285 = arith.constant 1 : i32
      %run_scoped3A_286 = arith.constant 0 : i32
      "tpu.region"() ({
        %run_scoped3A_439 = tpu.sem_alloc : memref<!tpu.dma_semaphore, #tpu.memory_space<semaphore_mem>>
        %dma_start3A_440 = arith.constant 0 : i32
        %dma_start3A_441 = tpu.memref_slice %arg7[%run_scoped3A_285, %run_scoped3A_286, %dma_start3A_440] : memref<2x8x80xi32, #tpu.memory_space<vmem>> -> memref<1x1x80xi32, #tpu.memory_space<vmem>>
        %dma_start3A_442 = tpu.memref_squeeze %dma_start3A_441 : memref<1x1x80xi32, #tpu.memory_space<vmem>> -> memref<80xi32, #tpu.memory_space<vmem>>
        %dma_start3A_443 = arith.constant 0 : i32
        %dma_start3A_444 = arith.constant 0 : i32
        %dma_start3A_445 = tpu.memref_slice %arg12[%dma_start3A_443, %dma_start3A_444] : memref<10240x128xf32, #tpu.memory_space<vmem_shared>> -> memref<10240x128xf32, #tpu.memory_space<vmem_shared>>
        tpu.enqueue_indirect_dma source(%arg8 : memref<80x128xf32, #tpu.memory_space<vmem>>) target(%dma_start3A_445 : memref<10240x128xf32, #tpu.memory_space<vmem_shared>>) offsets(%dma_start3A_442 : memref<80xi32, #tpu.memory_space<vmem>>) semaphore(%run_scoped3A_439 : memref<!tpu.dma_semaphore, #tpu.memory_space<semaphore_mem>>) {add = true}
        %dma_wait3A_446 = arith.constant 0 : i32
        %dma_wait3A_447 = tpu.memref_slice %arg7[%run_scoped3A_285, %run_scoped3A_286, %dma_wait3A_446] : memref<2x8x80xi32, #tpu.memory_space<vmem>> -> memref<1x1x80xi32, #tpu.memory_space<vmem>>
        %dma_wait3A_448 = tpu.memref_squeeze %dma_wait3A_447 : memref<1x1x80xi32, #tpu.memory_space<vmem>> -> memref<80xi32, #tpu.memory_space<vmem>>
        %dma_wait3A_449 = arith.constant 0 : i32
        %dma_wait3A_450 = arith.constant 0 : i32
        %dma_wait3A_451 = tpu.memref_slice %arg12[%dma_wait3A_449, %dma_wait3A_450] : memref<10240x128xf32, #tpu.memory_space<vmem_shared>> -> memref<10240x128xf32, #tpu.memory_space<vmem_shared>>
        tpu.wait_indirect_dma semaphore(%run_scoped3A_439 : memref<!tpu.dma_semaphore, #tpu.memory_space<semaphore_mem>>) src(%arg8 : memref<80x128xf32, #tpu.memory_space<vmem>>) dst(%dma_wait3A_451 : memref<10240x128xf32, #tpu.memory_space<vmem_shared>>)
        tpu.yield
      }) : () -> ()
      %dma_start3A_287 = arith.constant 0 : i32
      %dma_start3A_288 = arith.constant 4 : i32
      %dma_start3A_289 = arith.constant 0 : i32
      %dma_start3A_290 = tpu.memref_slice %arg7[%dma_start3A_287, %dma_start3A_288, %dma_start3A_289] : memref<2x8x80xi32, #tpu.memory_space<vmem>> -> memref<1x1x80xi32, #tpu.memory_space<vmem>>
      %dma_start3A_291 = tpu.memref_squeeze %dma_start3A_290 : memref<1x1x80xi32, #tpu.memory_space<vmem>> -> memref<80xi32, #tpu.memory_space<vmem>>
      %dma_start3A_292 = arith.constant 0 : i32
      %dma_start3A_293 = arith.constant 0 : i32
      %dma_start3A_294 = tpu.memref_slice %arg3[%dma_start3A_292, %dma_start3A_293] : memref<10240x128xf32, #tpu.memory_space<hbm>> -> memref<10240x128xf32, #tpu.memory_space<hbm>>
      tpu.enqueue_indirect_dma source(%dma_start3A_294 : memref<10240x128xf32, #tpu.memory_space<hbm>>) target(%arg8 : memref<80x128xf32, #tpu.memory_space<vmem>>) offsets(%dma_start3A_291 : memref<80xi32, #tpu.memory_space<vmem>>) semaphore(%arg13 : memref<!tpu.dma_semaphore, #tpu.memory_space<semaphore_mem>>)
      %dma_wait3A_295 = arith.constant 0 : i32
      %dma_wait3A_296 = arith.constant 1 : i32
      %dma_wait3A_297 = arith.constant 0 : i32
      %dma_wait3A_298 = tpu.memref_slice %arg7[%dma_wait3A_295, %dma_wait3A_296, %dma_wait3A_297] : memref<2x8x80xi32, #tpu.memory_space<vmem>> -> memref<1x1x80xi32, #tpu.memory_space<vmem>>
      %dma_wait3A_299 = tpu.memref_squeeze %dma_wait3A_298 : memref<1x1x80xi32, #tpu.memory_space<vmem>> -> memref<80xi32, #tpu.memory_space<vmem>>
      %dma_wait3A_300 = arith.constant 0 : i32
      %dma_wait3A_301 = arith.constant 0 : i32
      %dma_wait3A_302 = tpu.memref_slice %arg3[%dma_wait3A_300, %dma_wait3A_301] : memref<10240x128xf32, #tpu.memory_space<hbm>> -> memref<10240x128xf32, #tpu.memory_space<hbm>>
      tpu.wait_indirect_dma semaphore(%arg14 : memref<!tpu.dma_semaphore, #tpu.memory_space<semaphore_mem>>) src(%dma_wait3A_302 : memref<10240x128xf32, #tpu.memory_space<hbm>>) dst(%arg9 : memref<80x128xf32, #tpu.memory_space<vmem>>)
      %run_scoped3A_303 = arith.constant 1 : i32
      %run_scoped3A_304 = arith.constant 1 : i32
      "tpu.region"() ({
        %run_scoped3A_439 = tpu.sem_alloc : memref<!tpu.dma_semaphore, #tpu.memory_space<semaphore_mem>>
        %dma_start3A_440 = arith.constant 0 : i32
        %dma_start3A_441 = tpu.memref_slice %arg7[%run_scoped3A_303, %run_scoped3A_304, %dma_start3A_440] : memref<2x8x80xi32, #tpu.memory_space<vmem>> -> memref<1x1x80xi32, #tpu.memory_space<vmem>>
        %dma_start3A_442 = tpu.memref_squeeze %dma_start3A_441 : memref<1x1x80xi32, #tpu.memory_space<vmem>> -> memref<80xi32, #tpu.memory_space<vmem>>
        %dma_start3A_443 = arith.constant 0 : i32
        %dma_start3A_444 = arith.constant 0 : i32
        %dma_start3A_445 = tpu.memref_slice %arg12[%dma_start3A_443, %dma_start3A_444] : memref<10240x128xf32, #tpu.memory_space<vmem_shared>> -> memref<10240x128xf32, #tpu.memory_space<vmem_shared>>
        tpu.enqueue_indirect_dma source(%arg9 : memref<80x128xf32, #tpu.memory_space<vmem>>) target(%dma_start3A_445 : memref<10240x128xf32, #tpu.memory_space<vmem_shared>>) offsets(%dma_start3A_442 : memref<80xi32, #tpu.memory_space<vmem>>) semaphore(%run_scoped3A_439 : memref<!tpu.dma_semaphore, #tpu.memory_space<semaphore_mem>>) {add = true}
        %dma_wait3A_446 = arith.constant 0 : i32
        %dma_wait3A_447 = tpu.memref_slice %arg7[%run_scoped3A_303, %run_scoped3A_304, %dma_wait3A_446] : memref<2x8x80xi32, #tpu.memory_space<vmem>> -> memref<1x1x80xi32, #tpu.memory_space<vmem>>
        %dma_wait3A_448 = tpu.memref_squeeze %dma_wait3A_447 : memref<1x1x80xi32, #tpu.memory_space<vmem>> -> memref<80xi32, #tpu.memory_space<vmem>>
        %dma_wait3A_449 = arith.constant 0 : i32
        %dma_wait3A_450 = arith.constant 0 : i32
        %dma_wait3A_451 = tpu.memref_slice %arg12[%dma_wait3A_449, %dma_wait3A_450] : memref<10240x128xf32, #tpu.memory_space<vmem_shared>> -> memref<10240x128xf32, #tpu.memory_space<vmem_shared>>
        tpu.wait_indirect_dma semaphore(%run_scoped3A_439 : memref<!tpu.dma_semaphore, #tpu.memory_space<semaphore_mem>>) src(%arg9 : memref<80x128xf32, #tpu.memory_space<vmem>>) dst(%dma_wait3A_451 : memref<10240x128xf32, #tpu.memory_space<vmem_shared>>)
        tpu.yield
      }) : () -> ()
      %dma_start3A_305 = arith.constant 0 : i32
      %dma_start3A_306 = arith.constant 5 : i32
      %dma_start3A_307 = arith.constant 0 : i32
      %dma_start3A_308 = tpu.memref_slice %arg7[%dma_start3A_305, %dma_start3A_306, %dma_start3A_307] : memref<2x8x80xi32, #tpu.memory_space<vmem>> -> memref<1x1x80xi32, #tpu.memory_space<vmem>>
      %dma_start3A_309 = tpu.memref_squeeze %dma_start3A_308 : memref<1x1x80xi32, #tpu.memory_space<vmem>> -> memref<80xi32, #tpu.memory_space<vmem>>
      %dma_start3A_310 = arith.constant 0 : i32
      %dma_start3A_311 = arith.constant 0 : i32
      %dma_start3A_312 = tpu.memref_slice %arg3[%dma_start3A_310, %dma_start3A_311] : memref<10240x128xf32, #tpu.memory_space<hbm>> -> memref<10240x128xf32, #tpu.memory_space<hbm>>
      tpu.enqueue_indirect_dma source(%dma_start3A_312 : memref<10240x128xf32, #tpu.memory_space<hbm>>) target(%arg9 : memref<80x128xf32, #tpu.memory_space<vmem>>) offsets(%dma_start3A_309 : memref<80xi32, #tpu.memory_space<vmem>>) semaphore(%arg14 : memref<!tpu.dma_semaphore, #tpu.memory_space<semaphore_mem>>)
      %dma_wait3A_313 = arith.constant 0 : i32
      %dma_wait3A_314 = arith.constant 2 : i32
      %dma_wait3A_315 = arith.constant 0 : i32
      %dma_wait3A_316 = tpu.memref_slice %arg7[%dma_wait3A_313, %dma_wait3A_314, %dma_wait3A_315] : memref<2x8x80xi32, #tpu.memory_space<vmem>> -> memref<1x1x80xi32, #tpu.memory_space<vmem>>
      %dma_wait3A_317 = tpu.memref_squeeze %dma_wait3A_316 : memref<1x1x80xi32, #tpu.memory_space<vmem>> -> memref<80xi32, #tpu.memory_space<vmem>>
      %dma_wait3A_318 = arith.constant 0 : i32
      %dma_wait3A_319 = arith.constant 0 : i32
      %dma_wait3A_320 = tpu.memref_slice %arg3[%dma_wait3A_318, %dma_wait3A_319] : memref<10240x128xf32, #tpu.memory_space<hbm>> -> memref<10240x128xf32, #tpu.memory_space<hbm>>
      tpu.wait_indirect_dma semaphore(%arg15 : memref<!tpu.dma_semaphore, #tpu.memory_space<semaphore_mem>>) src(%dma_wait3A_320 : memref<10240x128xf32, #tpu.memory_space<hbm>>) dst(%arg10 : memref<80x128xf32, #tpu.memory_space<vmem>>)
      %run_scoped3A_321 = arith.constant 1 : i32
      %run_scoped3A_322 = arith.constant 2 : i32
      "tpu.region"() ({
        %run_scoped3A_439 = tpu.sem_alloc : memref<!tpu.dma_semaphore, #tpu.memory_space<semaphore_mem>>
        %dma_start3A_440 = arith.constant 0 : i32
        %dma_start3A_441 = tpu.memref_slice %arg7[%run_scoped3A_321, %run_scoped3A_322, %dma_start3A_440] : memref<2x8x80xi32, #tpu.memory_space<vmem>> -> memref<1x1x80xi32, #tpu.memory_space<vmem>>
        %dma_start3A_442 = tpu.memref_squeeze %dma_start3A_441 : memref<1x1x80xi32, #tpu.memory_space<vmem>> -> memref<80xi32, #tpu.memory_space<vmem>>
        %dma_start3A_443 = arith.constant 0 : i32
        %dma_start3A_444 = arith.constant 0 : i32
        %dma_start3A_445 = tpu.memref_slice %arg12[%dma_start3A_443, %dma_start3A_444] : memref<10240x128xf32, #tpu.memory_space<vmem_shared>> -> memref<10240x128xf32, #tpu.memory_space<vmem_shared>>
        tpu.enqueue_indirect_dma source(%arg10 : memref<80x128xf32, #tpu.memory_space<vmem>>) target(%dma_start3A_445 : memref<10240x128xf32, #tpu.memory_space<vmem_shared>>) offsets(%dma_start3A_442 : memref<80xi32, #tpu.memory_space<vmem>>) semaphore(%run_scoped3A_439 : memref<!tpu.dma_semaphore, #tpu.memory_space<semaphore_mem>>) {add = true}
        %dma_wait3A_446 = arith.constant 0 : i32
        %dma_wait3A_447 = tpu.memref_slice %arg7[%run_scoped3A_321, %run_scoped3A_322, %dma_wait3A_446] : memref<2x8x80xi32, #tpu.memory_space<vmem>> -> memref<1x1x80xi32, #tpu.memory_space<vmem>>
        %dma_wait3A_448 = tpu.memref_squeeze %dma_wait3A_447 : memref<1x1x80xi32, #tpu.memory_space<vmem>> -> memref<80xi32, #tpu.memory_space<vmem>>
        %dma_wait3A_449 = arith.constant 0 : i32
        %dma_wait3A_450 = arith.constant 0 : i32
        %dma_wait3A_451 = tpu.memref_slice %arg12[%dma_wait3A_449, %dma_wait3A_450] : memref<10240x128xf32, #tpu.memory_space<vmem_shared>> -> memref<10240x128xf32, #tpu.memory_space<vmem_shared>>
        tpu.wait_indirect_dma semaphore(%run_scoped3A_439 : memref<!tpu.dma_semaphore, #tpu.memory_space<semaphore_mem>>) src(%arg10 : memref<80x128xf32, #tpu.memory_space<vmem>>) dst(%dma_wait3A_451 : memref<10240x128xf32, #tpu.memory_space<vmem_shared>>)
        tpu.yield
      }) : () -> ()
      %dma_start3A_323 = arith.constant 0 : i32
      %dma_start3A_324 = arith.constant 6 : i32
      %dma_start3A_325 = arith.constant 0 : i32
      %dma_start3A_326 = tpu.memref_slice %arg7[%dma_start3A_323, %dma_start3A_324, %dma_start3A_325] : memref<2x8x80xi32, #tpu.memory_space<vmem>> -> memref<1x1x80xi32, #tpu.memory_space<vmem>>
      %dma_start3A_327 = tpu.memref_squeeze %dma_start3A_326 : memref<1x1x80xi32, #tpu.memory_space<vmem>> -> memref<80xi32, #tpu.memory_space<vmem>>
      %dma_start3A_328 = arith.constant 0 : i32
      %dma_start3A_329 = arith.constant 0 : i32
      %dma_start3A_330 = tpu.memref_slice %arg3[%dma_start3A_328, %dma_start3A_329] : memref<10240x128xf32, #tpu.memory_space<hbm>> -> memref<10240x128xf32, #tpu.memory_space<hbm>>
      tpu.enqueue_indirect_dma source(%dma_start3A_330 : memref<10240x128xf32, #tpu.memory_space<hbm>>) target(%arg10 : memref<80x128xf32, #tpu.memory_space<vmem>>) offsets(%dma_start3A_327 : memref<80xi32, #tpu.memory_space<vmem>>) semaphore(%arg15 : memref<!tpu.dma_semaphore, #tpu.memory_space<semaphore_mem>>)
      %dma_wait3A_331 = arith.constant 0 : i32
      %dma_wait3A_332 = arith.constant 3 : i32
      %dma_wait3A_333 = arith.constant 0 : i32
      %dma_wait3A_334 = tpu.memref_slice %arg7[%dma_wait3A_331, %dma_wait3A_332, %dma_wait3A_333] : memref<2x8x80xi32, #tpu.memory_space<vmem>> -> memref<1x1x80xi32, #tpu.memory_space<vmem>>
      %dma_wait3A_335 = tpu.memref_squeeze %dma_wait3A_334 : memref<1x1x80xi32, #tpu.memory_space<vmem>> -> memref<80xi32, #tpu.memory_space<vmem>>
      %dma_wait3A_336 = arith.constant 0 : i32
      %dma_wait3A_337 = arith.constant 0 : i32
      %dma_wait3A_338 = tpu.memref_slice %arg3[%dma_wait3A_336, %dma_wait3A_337] : memref<10240x128xf32, #tpu.memory_space<hbm>> -> memref<10240x128xf32, #tpu.memory_space<hbm>>
      tpu.wait_indirect_dma semaphore(%arg16 : memref<!tpu.dma_semaphore, #tpu.memory_space<semaphore_mem>>) src(%dma_wait3A_338 : memref<10240x128xf32, #tpu.memory_space<hbm>>) dst(%arg11 : memref<80x128xf32, #tpu.memory_space<vmem>>)
      %run_scoped3A_339 = arith.constant 1 : i32
      %run_scoped3A_340 = arith.constant 3 : i32
      "tpu.region"() ({
        %run_scoped3A_439 = tpu.sem_alloc : memref<!tpu.dma_semaphore, #tpu.memory_space<semaphore_mem>>
        %dma_start3A_440 = arith.constant 0 : i32
        %dma_start3A_441 = tpu.memref_slice %arg7[%run_scoped3A_339, %run_scoped3A_340, %dma_start3A_440] : memref<2x8x80xi32, #tpu.memory_space<vmem>> -> memref<1x1x80xi32, #tpu.memory_space<vmem>>
        %dma_start3A_442 = tpu.memref_squeeze %dma_start3A_441 : memref<1x1x80xi32, #tpu.memory_space<vmem>> -> memref<80xi32, #tpu.memory_space<vmem>>
        %dma_start3A_443 = arith.constant 0 : i32
        %dma_start3A_444 = arith.constant 0 : i32
        %dma_start3A_445 = tpu.memref_slice %arg12[%dma_start3A_443, %dma_start3A_444] : memref<10240x128xf32, #tpu.memory_space<vmem_shared>> -> memref<10240x128xf32, #tpu.memory_space<vmem_shared>>
        tpu.enqueue_indirect_dma source(%arg11 : memref<80x128xf32, #tpu.memory_space<vmem>>) target(%dma_start3A_445 : memref<10240x128xf32, #tpu.memory_space<vmem_shared>>) offsets(%dma_start3A_442 : memref<80xi32, #tpu.memory_space<vmem>>) semaphore(%run_scoped3A_439 : memref<!tpu.dma_semaphore, #tpu.memory_space<semaphore_mem>>) {add = true}
        %dma_wait3A_446 = arith.constant 0 : i32
        %dma_wait3A_447 = tpu.memref_slice %arg7[%run_scoped3A_339, %run_scoped3A_340, %dma_wait3A_446] : memref<2x8x80xi32, #tpu.memory_space<vmem>> -> memref<1x1x80xi32, #tpu.memory_space<vmem>>
        %dma_wait3A_448 = tpu.memref_squeeze %dma_wait3A_447 : memref<1x1x80xi32, #tpu.memory_space<vmem>> -> memref<80xi32, #tpu.memory_space<vmem>>
        %dma_wait3A_449 = arith.constant 0 : i32
        %dma_wait3A_450 = arith.constant 0 : i32
        %dma_wait3A_451 = tpu.memref_slice %arg12[%dma_wait3A_449, %dma_wait3A_450] : memref<10240x128xf32, #tpu.memory_space<vmem_shared>> -> memref<10240x128xf32, #tpu.memory_space<vmem_shared>>
        tpu.wait_indirect_dma semaphore(%run_scoped3A_439 : memref<!tpu.dma_semaphore, #tpu.memory_space<semaphore_mem>>) src(%arg11 : memref<80x128xf32, #tpu.memory_space<vmem>>) dst(%dma_wait3A_451 : memref<10240x128xf32, #tpu.memory_space<vmem_shared>>)
        tpu.yield
      }) : () -> ()
      %dma_start3A_341 = arith.constant 0 : i32
      %dma_start3A_342 = arith.constant 7 : i32
      %dma_start3A_343 = arith.constant 0 : i32
      %dma_start3A_344 = tpu.memref_slice %arg7[%dma_start3A_341, %dma_start3A_342, %dma_start3A_343] : memref<2x8x80xi32, #tpu.memory_space<vmem>> -> memref<1x1x80xi32, #tpu.memory_space<vmem>>
      %dma_start3A_345 = tpu.memref_squeeze %dma_start3A_344 : memref<1x1x80xi32, #tpu.memory_space<vmem>> -> memref<80xi32, #tpu.memory_space<vmem>>
      %dma_start3A_346 = arith.constant 0 : i32
      %dma_start3A_347 = arith.constant 0 : i32
      %dma_start3A_348 = tpu.memref_slice %arg3[%dma_start3A_346, %dma_start3A_347] : memref<10240x128xf32, #tpu.memory_space<hbm>> -> memref<10240x128xf32, #tpu.memory_space<hbm>>
      tpu.enqueue_indirect_dma source(%dma_start3A_348 : memref<10240x128xf32, #tpu.memory_space<hbm>>) target(%arg11 : memref<80x128xf32, #tpu.memory_space<vmem>>) offsets(%dma_start3A_345 : memref<80xi32, #tpu.memory_space<vmem>>) semaphore(%arg16 : memref<!tpu.dma_semaphore, #tpu.memory_space<semaphore_mem>>)
      %dma_wait3A_349 = arith.constant 0 : i32
      %dma_wait3A_350 = arith.constant 4 : i32
      %dma_wait3A_351 = arith.constant 0 : i32
      %dma_wait3A_352 = tpu.memref_slice %arg7[%dma_wait3A_349, %dma_wait3A_350, %dma_wait3A_351] : memref<2x8x80xi32, #tpu.memory_space<vmem>> -> memref<1x1x80xi32, #tpu.memory_space<vmem>>
      %dma_wait3A_353 = tpu.memref_squeeze %dma_wait3A_352 : memref<1x1x80xi32, #tpu.memory_space<vmem>> -> memref<80xi32, #tpu.memory_space<vmem>>
      %dma_wait3A_354 = arith.constant 0 : i32
      %dma_wait3A_355 = arith.constant 0 : i32
      %dma_wait3A_356 = tpu.memref_slice %arg3[%dma_wait3A_354, %dma_wait3A_355] : memref<10240x128xf32, #tpu.memory_space<hbm>> -> memref<10240x128xf32, #tpu.memory_space<hbm>>
      tpu.wait_indirect_dma semaphore(%arg13 : memref<!tpu.dma_semaphore, #tpu.memory_space<semaphore_mem>>) src(%dma_wait3A_356 : memref<10240x128xf32, #tpu.memory_space<hbm>>) dst(%arg8 : memref<80x128xf32, #tpu.memory_space<vmem>>)
      %run_scoped3A_357 = arith.constant 1 : i32
      %run_scoped3A_358 = arith.constant 4 : i32
      "tpu.region"() ({
        %run_scoped3A_439 = tpu.sem_alloc : memref<!tpu.dma_semaphore, #tpu.memory_space<semaphore_mem>>
        %dma_start3A_440 = arith.constant 0 : i32
        %dma_start3A_441 = tpu.memref_slice %arg7[%run_scoped3A_357, %run_scoped3A_358, %dma_start3A_440] : memref<2x8x80xi32, #tpu.memory_space<vmem>> -> memref<1x1x80xi32, #tpu.memory_space<vmem>>
        %dma_start3A_442 = tpu.memref_squeeze %dma_start3A_441 : memref<1x1x80xi32, #tpu.memory_space<vmem>> -> memref<80xi32, #tpu.memory_space<vmem>>
        %dma_start3A_443 = arith.constant 0 : i32
        %dma_start3A_444 = arith.constant 0 : i32
        %dma_start3A_445 = tpu.memref_slice %arg12[%dma_start3A_443, %dma_start3A_444] : memref<10240x128xf32, #tpu.memory_space<vmem_shared>> -> memref<10240x128xf32, #tpu.memory_space<vmem_shared>>
        tpu.enqueue_indirect_dma source(%arg8 : memref<80x128xf32, #tpu.memory_space<vmem>>) target(%dma_start3A_445 : memref<10240x128xf32, #tpu.memory_space<vmem_shared>>) offsets(%dma_start3A_442 : memref<80xi32, #tpu.memory_space<vmem>>) semaphore(%run_scoped3A_439 : memref<!tpu.dma_semaphore, #tpu.memory_space<semaphore_mem>>) {add = true}
        %dma_wait3A_446 = arith.constant 0 : i32
        %dma_wait3A_447 = tpu.memref_slice %arg7[%run_scoped3A_357, %run_scoped3A_358, %dma_wait3A_446] : memref<2x8x80xi32, #tpu.memory_space<vmem>> -> memref<1x1x80xi32, #tpu.memory_space<vmem>>
        %dma_wait3A_448 = tpu.memref_squeeze %dma_wait3A_447 : memref<1x1x80xi32, #tpu.memory_space<vmem>> -> memref<80xi32, #tpu.memory_space<vmem>>
        %dma_wait3A_449 = arith.constant 0 : i32
        %dma_wait3A_450 = arith.constant 0 : i32
        %dma_wait3A_451 = tpu.memref_slice %arg12[%dma_wait3A_449, %dma_wait3A_450] : memref<10240x128xf32, #tpu.memory_space<vmem_shared>> -> memref<10240x128xf32, #tpu.memory_space<vmem_shared>>
        tpu.wait_indirect_dma semaphore(%run_scoped3A_439 : memref<!tpu.dma_semaphore, #tpu.memory_space<semaphore_mem>>) src(%arg8 : memref<80x128xf32, #tpu.memory_space<vmem>>) dst(%dma_wait3A_451 : memref<10240x128xf32, #tpu.memory_space<vmem_shared>>)
        tpu.yield
      }) : () -> ()
      %dma_start3A_359 = arith.constant 0 : i32
      %dma_start3A_360 = arith.constant 0 : i32
      %dma_start3A_361 = arith.constant 0 : i32
      %dma_start3A_362 = tpu.memref_slice %arg6[%dma_start3A_359, %dma_start3A_360, %dma_start3A_361] : memref<2x8x80xi32, #tpu.memory_space<vmem>> -> memref<1x1x80xi32, #tpu.memory_space<vmem>>
      %dma_start3A_363 = tpu.memref_squeeze %dma_start3A_362 : memref<1x1x80xi32, #tpu.memory_space<vmem>> -> memref<80xi32, #tpu.memory_space<vmem>>
      %dma_start3A_364 = arith.constant 0 : i32
      %dma_start3A_365 = arith.constant 0 : i32
      %dma_start3A_366 = tpu.memref_slice %arg3[%dma_start3A_364, %dma_start3A_365] : memref<10240x128xf32, #tpu.memory_space<hbm>> -> memref<10240x128xf32, #tpu.memory_space<hbm>>
      tpu.enqueue_indirect_dma source(%dma_start3A_366 : memref<10240x128xf32, #tpu.memory_space<hbm>>) target(%arg8 : memref<80x128xf32, #tpu.memory_space<vmem>>) offsets(%dma_start3A_363 : memref<80xi32, #tpu.memory_space<vmem>>) semaphore(%arg13 : memref<!tpu.dma_semaphore, #tpu.memory_space<semaphore_mem>>)
      %dma_wait3A_367 = arith.constant 0 : i32
      %dma_wait3A_368 = arith.constant 5 : i32
      %dma_wait3A_369 = arith.constant 0 : i32
      %dma_wait3A_370 = tpu.memref_slice %arg7[%dma_wait3A_367, %dma_wait3A_368, %dma_wait3A_369] : memref<2x8x80xi32, #tpu.memory_space<vmem>> -> memref<1x1x80xi32, #tpu.memory_space<vmem>>
      %dma_wait3A_371 = tpu.memref_squeeze %dma_wait3A_370 : memref<1x1x80xi32, #tpu.memory_space<vmem>> -> memref<80xi32, #tpu.memory_space<vmem>>
      %dma_wait3A_372 = arith.constant 0 : i32
      %dma_wait3A_373 = arith.constant 0 : i32
      %dma_wait3A_374 = tpu.memref_slice %arg3[%dma_wait3A_372, %dma_wait3A_373] : memref<10240x128xf32, #tpu.memory_space<hbm>> -> memref<10240x128xf32, #tpu.memory_space<hbm>>
      tpu.wait_indirect_dma semaphore(%arg14 : memref<!tpu.dma_semaphore, #tpu.memory_space<semaphore_mem>>) src(%dma_wait3A_374 : memref<10240x128xf32, #tpu.memory_space<hbm>>) dst(%arg9 : memref<80x128xf32, #tpu.memory_space<vmem>>)
      %run_scoped3A_375 = arith.constant 1 : i32
      %run_scoped3A_376 = arith.constant 5 : i32
      "tpu.region"() ({
        %run_scoped3A_439 = tpu.sem_alloc : memref<!tpu.dma_semaphore, #tpu.memory_space<semaphore_mem>>
        %dma_start3A_440 = arith.constant 0 : i32
        %dma_start3A_441 = tpu.memref_slice %arg7[%run_scoped3A_375, %run_scoped3A_376, %dma_start3A_440] : memref<2x8x80xi32, #tpu.memory_space<vmem>> -> memref<1x1x80xi32, #tpu.memory_space<vmem>>
        %dma_start3A_442 = tpu.memref_squeeze %dma_start3A_441 : memref<1x1x80xi32, #tpu.memory_space<vmem>> -> memref<80xi32, #tpu.memory_space<vmem>>
        %dma_start3A_443 = arith.constant 0 : i32
        %dma_start3A_444 = arith.constant 0 : i32
        %dma_start3A_445 = tpu.memref_slice %arg12[%dma_start3A_443, %dma_start3A_444] : memref<10240x128xf32, #tpu.memory_space<vmem_shared>> -> memref<10240x128xf32, #tpu.memory_space<vmem_shared>>
        tpu.enqueue_indirect_dma source(%arg9 : memref<80x128xf32, #tpu.memory_space<vmem>>) target(%dma_start3A_445 : memref<10240x128xf32, #tpu.memory_space<vmem_shared>>) offsets(%dma_start3A_442 : memref<80xi32, #tpu.memory_space<vmem>>) semaphore(%run_scoped3A_439 : memref<!tpu.dma_semaphore, #tpu.memory_space<semaphore_mem>>) {add = true}
        %dma_wait3A_446 = arith.constant 0 : i32
        %dma_wait3A_447 = tpu.memref_slice %arg7[%run_scoped3A_375, %run_scoped3A_376, %dma_wait3A_446] : memref<2x8x80xi32, #tpu.memory_space<vmem>> -> memref<1x1x80xi32, #tpu.memory_space<vmem>>
        %dma_wait3A_448 = tpu.memref_squeeze %dma_wait3A_447 : memref<1x1x80xi32, #tpu.memory_space<vmem>> -> memref<80xi32, #tpu.memory_space<vmem>>
        %dma_wait3A_449 = arith.constant 0 : i32
        %dma_wait3A_450 = arith.constant 0 : i32
        %dma_wait3A_451 = tpu.memref_slice %arg12[%dma_wait3A_449, %dma_wait3A_450] : memref<10240x128xf32, #tpu.memory_space<vmem_shared>> -> memref<10240x128xf32, #tpu.memory_space<vmem_shared>>
        tpu.wait_indirect_dma semaphore(%run_scoped3A_439 : memref<!tpu.dma_semaphore, #tpu.memory_space<semaphore_mem>>) src(%arg9 : memref<80x128xf32, #tpu.memory_space<vmem>>) dst(%dma_wait3A_451 : memref<10240x128xf32, #tpu.memory_space<vmem_shared>>)
        tpu.yield
      }) : () -> ()
      %dma_start3A_377 = arith.constant 0 : i32
      %dma_start3A_378 = arith.constant 1 : i32
      %dma_start3A_379 = arith.constant 0 : i32
      %dma_start3A_380 = tpu.memref_slice %arg6[%dma_start3A_377, %dma_start3A_378, %dma_start3A_379] : memref<2x8x80xi32, #tpu.memory_space<vmem>> -> memref<1x1x80xi32, #tpu.memory_space<vmem>>
      %dma_start3A_381 = tpu.memref_squeeze %dma_start3A_380 : memref<1x1x80xi32, #tpu.memory_space<vmem>> -> memref<80xi32, #tpu.memory_space<vmem>>
      %dma_start3A_382 = arith.constant 0 : i32
      %dma_start3A_383 = arith.constant 0 : i32
      %dma_start3A_384 = tpu.memref_slice %arg3[%dma_start3A_382, %dma_start3A_383] : memref<10240x128xf32, #tpu.memory_space<hbm>> -> memref<10240x128xf32, #tpu.memory_space<hbm>>
      tpu.enqueue_indirect_dma source(%dma_start3A_384 : memref<10240x128xf32, #tpu.memory_space<hbm>>) target(%arg9 : memref<80x128xf32, #tpu.memory_space<vmem>>) offsets(%dma_start3A_381 : memref<80xi32, #tpu.memory_space<vmem>>) semaphore(%arg14 : memref<!tpu.dma_semaphore, #tpu.memory_space<semaphore_mem>>)
      %dma_wait3A_385 = arith.constant 0 : i32
      %dma_wait3A_386 = arith.constant 6 : i32
      %dma_wait3A_387 = arith.constant 0 : i32
      %dma_wait3A_388 = tpu.memref_slice %arg7[%dma_wait3A_385, %dma_wait3A_386, %dma_wait3A_387] : memref<2x8x80xi32, #tpu.memory_space<vmem>> -> memref<1x1x80xi32, #tpu.memory_space<vmem>>
      %dma_wait3A_389 = tpu.memref_squeeze %dma_wait3A_388 : memref<1x1x80xi32, #tpu.memory_space<vmem>> -> memref<80xi32, #tpu.memory_space<vmem>>
      %dma_wait3A_390 = arith.constant 0 : i32
      %dma_wait3A_391 = arith.constant 0 : i32
      %dma_wait3A_392 = tpu.memref_slice %arg3[%dma_wait3A_390, %dma_wait3A_391] : memref<10240x128xf32, #tpu.memory_space<hbm>> -> memref<10240x128xf32, #tpu.memory_space<hbm>>
      tpu.wait_indirect_dma semaphore(%arg15 : memref<!tpu.dma_semaphore, #tpu.memory_space<semaphore_mem>>) src(%dma_wait3A_392 : memref<10240x128xf32, #tpu.memory_space<hbm>>) dst(%arg10 : memref<80x128xf32, #tpu.memory_space<vmem>>)
      %run_scoped3A_393 = arith.constant 1 : i32
      %run_scoped3A_394 = arith.constant 6 : i32
      "tpu.region"() ({
        %run_scoped3A_439 = tpu.sem_alloc : memref<!tpu.dma_semaphore, #tpu.memory_space<semaphore_mem>>
        %dma_start3A_440 = arith.constant 0 : i32
        %dma_start3A_441 = tpu.memref_slice %arg7[%run_scoped3A_393, %run_scoped3A_394, %dma_start3A_440] : memref<2x8x80xi32, #tpu.memory_space<vmem>> -> memref<1x1x80xi32, #tpu.memory_space<vmem>>
        %dma_start3A_442 = tpu.memref_squeeze %dma_start3A_441 : memref<1x1x80xi32, #tpu.memory_space<vmem>> -> memref<80xi32, #tpu.memory_space<vmem>>
        %dma_start3A_443 = arith.constant 0 : i32
        %dma_start3A_444 = arith.constant 0 : i32
        %dma_start3A_445 = tpu.memref_slice %arg12[%dma_start3A_443, %dma_start3A_444] : memref<10240x128xf32, #tpu.memory_space<vmem_shared>> -> memref<10240x128xf32, #tpu.memory_space<vmem_shared>>
        tpu.enqueue_indirect_dma source(%arg10 : memref<80x128xf32, #tpu.memory_space<vmem>>) target(%dma_start3A_445 : memref<10240x128xf32, #tpu.memory_space<vmem_shared>>) offsets(%dma_start3A_442 : memref<80xi32, #tpu.memory_space<vmem>>) semaphore(%run_scoped3A_439 : memref<!tpu.dma_semaphore, #tpu.memory_space<semaphore_mem>>) {add = true}
        %dma_wait3A_446 = arith.constant 0 : i32
        %dma_wait3A_447 = tpu.memref_slice %arg7[%run_scoped3A_393, %run_scoped3A_394, %dma_wait3A_446] : memref<2x8x80xi32, #tpu.memory_space<vmem>> -> memref<1x1x80xi32, #tpu.memory_space<vmem>>
        %dma_wait3A_448 = tpu.memref_squeeze %dma_wait3A_447 : memref<1x1x80xi32, #tpu.memory_space<vmem>> -> memref<80xi32, #tpu.memory_space<vmem>>
        %dma_wait3A_449 = arith.constant 0 : i32
        %dma_wait3A_450 = arith.constant 0 : i32
        %dma_wait3A_451 = tpu.memref_slice %arg12[%dma_wait3A_449, %dma_wait3A_450] : memref<10240x128xf32, #tpu.memory_space<vmem_shared>> -> memref<10240x128xf32, #tpu.memory_space<vmem_shared>>
        tpu.wait_indirect_dma semaphore(%run_scoped3A_439 : memref<!tpu.dma_semaphore, #tpu.memory_space<semaphore_mem>>) src(%arg10 : memref<80x128xf32, #tpu.memory_space<vmem>>) dst(%dma_wait3A_451 : memref<10240x128xf32, #tpu.memory_space<vmem_shared>>)
        tpu.yield
      }) : () -> ()
      %dma_start3A_395 = arith.constant 0 : i32
      %dma_start3A_396 = arith.constant 2 : i32
      %dma_start3A_397 = arith.constant 0 : i32
      %dma_start3A_398 = tpu.memref_slice %arg6[%dma_start3A_395, %dma_start3A_396, %dma_start3A_397] : memref<2x8x80xi32, #tpu.memory_space<vmem>> -> memref<1x1x80xi32, #tpu.memory_space<vmem>>
      %dma_start3A_399 = tpu.memref_squeeze %dma_start3A_398 : memref<1x1x80xi32, #tpu.memory_space<vmem>> -> memref<80xi32, #tpu.memory_space<vmem>>
      %dma_start3A_400 = arith.constant 0 : i32
      %dma_start3A_401 = arith.constant 0 : i32
      %dma_start3A_402 = tpu.memref_slice %arg3[%dma_start3A_400, %dma_start3A_401] : memref<10240x128xf32, #tpu.memory_space<hbm>> -> memref<10240x128xf32, #tpu.memory_space<hbm>>
      tpu.enqueue_indirect_dma source(%dma_start3A_402 : memref<10240x128xf32, #tpu.memory_space<hbm>>) target(%arg10 : memref<80x128xf32, #tpu.memory_space<vmem>>) offsets(%dma_start3A_399 : memref<80xi32, #tpu.memory_space<vmem>>) semaphore(%arg15 : memref<!tpu.dma_semaphore, #tpu.memory_space<semaphore_mem>>)
      %dma_wait3A_403 = arith.constant 0 : i32
      %dma_wait3A_404 = arith.constant 7 : i32
      %dma_wait3A_405 = arith.constant 0 : i32
      %dma_wait3A_406 = tpu.memref_slice %arg7[%dma_wait3A_403, %dma_wait3A_404, %dma_wait3A_405] : memref<2x8x80xi32, #tpu.memory_space<vmem>> -> memref<1x1x80xi32, #tpu.memory_space<vmem>>
      %dma_wait3A_407 = tpu.memref_squeeze %dma_wait3A_406 : memref<1x1x80xi32, #tpu.memory_space<vmem>> -> memref<80xi32, #tpu.memory_space<vmem>>
      %dma_wait3A_408 = arith.constant 0 : i32
      %dma_wait3A_409 = arith.constant 0 : i32
      %dma_wait3A_410 = tpu.memref_slice %arg3[%dma_wait3A_408, %dma_wait3A_409] : memref<10240x128xf32, #tpu.memory_space<hbm>> -> memref<10240x128xf32, #tpu.memory_space<hbm>>
      tpu.wait_indirect_dma semaphore(%arg16 : memref<!tpu.dma_semaphore, #tpu.memory_space<semaphore_mem>>) src(%dma_wait3A_410 : memref<10240x128xf32, #tpu.memory_space<hbm>>) dst(%arg11 : memref<80x128xf32, #tpu.memory_space<vmem>>)
      %run_scoped3A_411 = arith.constant 1 : i32
      %run_scoped3A_412 = arith.constant 7 : i32
      "tpu.region"() ({
        %run_scoped3A_439 = tpu.sem_alloc : memref<!tpu.dma_semaphore, #tpu.memory_space<semaphore_mem>>
        %dma_start3A_440 = arith.constant 0 : i32
        %dma_start3A_441 = tpu.memref_slice %arg7[%run_scoped3A_411, %run_scoped3A_412, %dma_start3A_440] : memref<2x8x80xi32, #tpu.memory_space<vmem>> -> memref<1x1x80xi32, #tpu.memory_space<vmem>>
        %dma_start3A_442 = tpu.memref_squeeze %dma_start3A_441 : memref<1x1x80xi32, #tpu.memory_space<vmem>> -> memref<80xi32, #tpu.memory_space<vmem>>
        %dma_start3A_443 = arith.constant 0 : i32
        %dma_start3A_444 = arith.constant 0 : i32
        %dma_start3A_445 = tpu.memref_slice %arg12[%dma_start3A_443, %dma_start3A_444] : memref<10240x128xf32, #tpu.memory_space<vmem_shared>> -> memref<10240x128xf32, #tpu.memory_space<vmem_shared>>
        tpu.enqueue_indirect_dma source(%arg11 : memref<80x128xf32, #tpu.memory_space<vmem>>) target(%dma_start3A_445 : memref<10240x128xf32, #tpu.memory_space<vmem_shared>>) offsets(%dma_start3A_442 : memref<80xi32, #tpu.memory_space<vmem>>) semaphore(%run_scoped3A_439 : memref<!tpu.dma_semaphore, #tpu.memory_space<semaphore_mem>>) {add = true}
        %dma_wait3A_446 = arith.constant 0 : i32
        %dma_wait3A_447 = tpu.memref_slice %arg7[%run_scoped3A_411, %run_scoped3A_412, %dma_wait3A_446] : memref<2x8x80xi32, #tpu.memory_space<vmem>> -> memref<1x1x80xi32, #tpu.memory_space<vmem>>
        %dma_wait3A_448 = tpu.memref_squeeze %dma_wait3A_447 : memref<1x1x80xi32, #tpu.memory_space<vmem>> -> memref<80xi32, #tpu.memory_space<vmem>>
        %dma_wait3A_449 = arith.constant 0 : i32
        %dma_wait3A_450 = arith.constant 0 : i32
        %dma_wait3A_451 = tpu.memref_slice %arg12[%dma_wait3A_449, %dma_wait3A_450] : memref<10240x128xf32, #tpu.memory_space<vmem_shared>> -> memref<10240x128xf32, #tpu.memory_space<vmem_shared>>
        tpu.wait_indirect_dma semaphore(%run_scoped3A_439 : memref<!tpu.dma_semaphore, #tpu.memory_space<semaphore_mem>>) src(%arg11 : memref<80x128xf32, #tpu.memory_space<vmem>>) dst(%dma_wait3A_451 : memref<10240x128xf32, #tpu.memory_space<vmem_shared>>)
        tpu.yield
      }) : () -> ()
      %dma_start3A_413 = arith.constant 0 : i32
      %dma_start3A_414 = arith.constant 3 : i32
      %dma_start3A_415 = arith.constant 0 : i32
      %dma_start3A_416 = tpu.memref_slice %arg6[%dma_start3A_413, %dma_start3A_414, %dma_start3A_415] : memref<2x8x80xi32, #tpu.memory_space<vmem>> -> memref<1x1x80xi32, #tpu.memory_space<vmem>>
      %dma_start3A_417 = tpu.memref_squeeze %dma_start3A_416 : memref<1x1x80xi32, #tpu.memory_space<vmem>> -> memref<80xi32, #tpu.memory_space<vmem>>
      %dma_start3A_418 = arith.constant 0 : i32
      %dma_start3A_419 = arith.constant 0 : i32
      %dma_start3A_420 = tpu.memref_slice %arg3[%dma_start3A_418, %dma_start3A_419] : memref<10240x128xf32, #tpu.memory_space<hbm>> -> memref<10240x128xf32, #tpu.memory_space<hbm>>
      tpu.enqueue_indirect_dma source(%dma_start3A_420 : memref<10240x128xf32, #tpu.memory_space<hbm>>) target(%arg11 : memref<80x128xf32, #tpu.memory_space<vmem>>) offsets(%dma_start3A_417 : memref<80xi32, #tpu.memory_space<vmem>>) semaphore(%arg16 : memref<!tpu.dma_semaphore, #tpu.memory_space<semaphore_mem>>)
      %mul3A_421 = arith.constant 2 : i32
      %mul3A_422 = arith.muli %mul3A_421, %scan3A_93 : i32
      %add3A_423 = arith.constant 2 : i32
      %add3A_424 = arith.addi %mul3A_422, %add3A_423 : i32
      %add3A_425 = arith.constant 1 : i32
      %add3A_426 = arith.addi %add3A_424, %add3A_425 : i32
      %min3A_427 = arith.constant 15 : i32
      %min3A_428 = arith.minsi %add3A_426, %min3A_427 : i32
      %dma_start3A_429 = arith.constant 0 : i32
      %dma_start3A_430 = arith.constant 0 : i32
      %dma_start3A_431 = arith.constant 0 : i32
      %dma_start3A_432 = tpu.memref_slice %arg2[%add3A, %min3A_428, %dma_start3A_429, %dma_start3A_430, %dma_start3A_431] : memref<32x16x2x8x80xi32, #tpu.memory_space<hbm>> -> memref<1x1x2x8x80xi32, #tpu.memory_space<hbm>>
      %dma_start3A_433 = tpu.memref_squeeze %dma_start3A_432 : memref<1x1x2x8x80xi32, #tpu.memory_space<hbm>> -> memref<2x8x80xi32, #tpu.memory_space<hbm>>
      %dma_start3A_434 = arith.constant 0 : i32
      %dma_start3A_435 = arith.constant 0 : i32
      %dma_start3A_436 = arith.constant 0 : i32
      %dma_start3A_437 = tpu.memref_slice %arg2[%add3A, %min3A_428, %dma_start3A_434, %dma_start3A_435, %dma_start3A_436] : memref<32x16x2x8x80xi32, #tpu.memory_space<hbm>> -> memref<1x1x2x8x80xi32, #tpu.memory_space<hbm>>
      %dma_start3A_438 = tpu.memref_squeeze %dma_start3A_437 : memref<1x1x2x8x80xi32, #tpu.memory_space<hbm>> -> memref<2x8x80xi32, #tpu.memory_space<hbm>>
      tpu.enqueue_dma source(%dma_start3A_438 : memref<2x8x80xi32, #tpu.memory_space<hbm>>) target(%arg7 : memref<2x8x80xi32, #tpu.memory_space<vmem>>) target_semaphore(%arg18 : memref<!tpu.dma_semaphore, #tpu.memory_space<semaphore_mem>>)
    }
    %scan3A_49 = arith.constant 8 : i32
    %dma_wait3A = arith.constant 0 : i32
    %dma_wait3A_50 = arith.constant 0 : i32
    %dma_wait3A_51 = arith.constant 0 : i32
    %dma_wait3A_52 = arith.constant 0 : i32
    %dma_wait3A_53 = tpu.memref_slice %arg2[%add3A, %dma_wait3A, %dma_wait3A_50, %dma_wait3A_51, %dma_wait3A_52] : memref<32x16x2x8x80xi32, #tpu.memory_space<hbm>> -> memref<1x1x2x8x80xi32, #tpu.memory_space<hbm>>
    %dma_wait3A_54 = tpu.memref_squeeze %dma_wait3A_53 : memref<1x1x2x8x80xi32, #tpu.memory_space<hbm>> -> memref<2x8x80xi32, #tpu.memory_space<hbm>>
    %dma_wait3A_55 = arith.constant 0 : i32
    %dma_wait3A_56 = arith.constant 0 : i32
    %dma_wait3A_57 = arith.constant 0 : i32
    %dma_wait3A_58 = tpu.memref_slice %arg2[%add3A, %dma_wait3A, %dma_wait3A_55, %dma_wait3A_56, %dma_wait3A_57] : memref<32x16x2x8x80xi32, #tpu.memory_space<hbm>> -> memref<1x1x2x8x80xi32, #tpu.memory_space<hbm>>
    %dma_wait3A_59 = tpu.memref_squeeze %dma_wait3A_58 : memref<1x1x2x8x80xi32, #tpu.memory_space<hbm>> -> memref<2x8x80xi32, #tpu.memory_space<hbm>>
    tpu.wait_dma2 semaphore(%arg18 : memref<!tpu.dma_semaphore, #tpu.memory_space<semaphore_mem>>) src(%dma_wait3A_59 : memref<2x8x80xi32, #tpu.memory_space<hbm>>) dst(%arg7 : memref<2x8x80xi32, #tpu.memory_space<vmem>>)
    %dma_wait3A_60 = arith.constant 0 : i32
    %dma_wait3A_61 = arith.constant 0 : i32
    %dma_wait3A_62 = arith.constant 0 : i32
    %dma_wait3A_63 = tpu.memref_slice %arg6[%dma_wait3A_60, %dma_wait3A_61, %dma_wait3A_62] : memref<2x8x80xi32, #tpu.memory_space<vmem>> -> memref<1x1x80xi32, #tpu.memory_space<vmem>>
    %dma_wait3A_64 = tpu.memref_squeeze %dma_wait3A_63 : memref<1x1x80xi32, #tpu.memory_space<vmem>> -> memref<80xi32, #tpu.memory_space<vmem>>
    %dma_wait3A_65 = arith.constant 0 : i32
    %dma_wait3A_66 = arith.constant 0 : i32
    %dma_wait3A_67 = tpu.memref_slice %arg3[%dma_wait3A_65, %dma_wait3A_66] : memref<10240x128xf32, #tpu.memory_space<hbm>> -> memref<10240x128xf32, #tpu.memory_space<hbm>>
    tpu.wait_indirect_dma semaphore(%arg13 : memref<!tpu.dma_semaphore, #tpu.memory_space<semaphore_mem>>) src(%dma_wait3A_67 : memref<10240x128xf32, #tpu.memory_space<hbm>>) dst(%arg8 : memref<80x128xf32, #tpu.memory_space<vmem>>)
    %dma_wait3A_68 = arith.constant 0 : i32
    %dma_wait3A_69 = arith.constant 1 : i32
    %dma_wait3A_70 = arith.constant 0 : i32
    %dma_wait3A_71 = tpu.memref_slice %arg6[%dma_wait3A_68, %dma_wait3A_69, %dma_wait3A_70] : memref<2x8x80xi32, #tpu.memory_space<vmem>> -> memref<1x1x80xi32, #tpu.memory_space<vmem>>
    %dma_wait3A_72 = tpu.memref_squeeze %dma_wait3A_71 : memref<1x1x80xi32, #tpu.memory_space<vmem>> -> memref<80xi32, #tpu.memory_space<vmem>>
    %dma_wait3A_73 = arith.constant 0 : i32
    %dma_wait3A_74 = arith.constant 0 : i32
    %dma_wait3A_75 = tpu.memref_slice %arg3[%dma_wait3A_73, %dma_wait3A_74] : memref<10240x128xf32, #tpu.memory_space<hbm>> -> memref<10240x128xf32, #tpu.memory_space<hbm>>
    tpu.wait_indirect_dma semaphore(%arg14 : memref<!tpu.dma_semaphore, #tpu.memory_space<semaphore_mem>>) src(%dma_wait3A_75 : memref<10240x128xf32, #tpu.memory_space<hbm>>) dst(%arg9 : memref<80x128xf32, #tpu.memory_space<vmem>>)
    %dma_wait3A_76 = arith.constant 0 : i32
    %dma_wait3A_77 = arith.constant 2 : i32
    %dma_wait3A_78 = arith.constant 0 : i32
    %dma_wait3A_79 = tpu.memref_slice %arg6[%dma_wait3A_76, %dma_wait3A_77, %dma_wait3A_78] : memref<2x8x80xi32, #tpu.memory_space<vmem>> -> memref<1x1x80xi32, #tpu.memory_space<vmem>>
    %dma_wait3A_80 = tpu.memref_squeeze %dma_wait3A_79 : memref<1x1x80xi32, #tpu.memory_space<vmem>> -> memref<80xi32, #tpu.memory_space<vmem>>
    %dma_wait3A_81 = arith.constant 0 : i32
    %dma_wait3A_82 = arith.constant 0 : i32
    %dma_wait3A_83 = tpu.memref_slice %arg3[%dma_wait3A_81, %dma_wait3A_82] : memref<10240x128xf32, #tpu.memory_space<hbm>> -> memref<10240x128xf32, #tpu.memory_space<hbm>>
    tpu.wait_indirect_dma semaphore(%arg15 : memref<!tpu.dma_semaphore, #tpu.memory_space<semaphore_mem>>) src(%dma_wait3A_83 : memref<10240x128xf32, #tpu.memory_space<hbm>>) dst(%arg10 : memref<80x128xf32, #tpu.memory_space<vmem>>)
    %dma_wait3A_84 = arith.constant 0 : i32
    %dma_wait3A_85 = arith.constant 3 : i32
    %dma_wait3A_86 = arith.constant 0 : i32
    %dma_wait3A_87 = tpu.memref_slice %arg6[%dma_wait3A_84, %dma_wait3A_85, %dma_wait3A_86] : memref<2x8x80xi32, #tpu.memory_space<vmem>> -> memref<1x1x80xi32, #tpu.memory_space<vmem>>
    %dma_wait3A_88 = tpu.memref_squeeze %dma_wait3A_87 : memref<1x1x80xi32, #tpu.memory_space<vmem>> -> memref<80xi32, #tpu.memory_space<vmem>>
    %dma_wait3A_89 = arith.constant 0 : i32
    %dma_wait3A_90 = arith.constant 0 : i32
    %dma_wait3A_91 = tpu.memref_slice %arg3[%dma_wait3A_89, %dma_wait3A_90] : memref<10240x128xf32, #tpu.memory_space<hbm>> -> memref<10240x128xf32, #tpu.memory_space<hbm>>
    tpu.wait_indirect_dma semaphore(%arg16 : memref<!tpu.dma_semaphore, #tpu.memory_space<semaphore_mem>>) src(%dma_wait3A_91 : memref<10240x128xf32, #tpu.memory_space<hbm>>) dst(%arg11 : memref<80x128xf32, #tpu.memory_space<vmem>>)
    %barrier3A_92 = arith.constant 0 : index
    tpu.barrier barrier_id(%barrier3A_92)
    "tpu.region"() ({
      %run_scoped3A_93 = tpu.sem_alloc : memref<!tpu.dma_semaphore, #tpu.memory_space<semaphore_mem>>
      %dma_start3A_94 = arith.constant 0 : i32
      %dma_start3A_95 = tpu.memref_slice %arg5[%arg0, %mul3A_2, %dma_start3A_94] : memref<2x10240x128xf32, #tpu.memory_space<hbm>> -> memref<1x640x128xf32, #tpu.memory_space<hbm>>
      %dma_start3A_96 = tpu.memref_squeeze %dma_start3A_95 : memref<1x640x128xf32, #tpu.memory_space<hbm>> -> memref<640x128xf32, #tpu.memory_space<hbm>>
      %dma_start3A_97 = arith.constant 0 : i32
      %dma_start3A_98 = tpu.memref_slice %arg12[%mul3A_2, %dma_start3A_97] : memref<10240x128xf32, #tpu.memory_space<vmem_shared>> -> memref<640x128xf32, #tpu.memory_space<vmem_shared>>
      tpu.enqueue_dma source(%dma_start3A_98 : memref<640x128xf32, #tpu.memory_space<vmem_shared>>) target(%dma_start3A_96 : memref<640x128xf32, #tpu.memory_space<hbm>>) target_semaphore(%run_scoped3A_93 : memref<!tpu.dma_semaphore, #tpu.memory_space<semaphore_mem>>)
      %dma_wait3A_99 = arith.constant 0 : i32
      %dma_wait3A_100 = tpu.memref_slice %arg5[%arg0, %mul3A_2, %dma_wait3A_99] : memref<2x10240x128xf32, #tpu.memory_space<hbm>> -> memref<1x640x128xf32, #tpu.memory_space<hbm>>
      %dma_wait3A_101 = tpu.memref_squeeze %dma_wait3A_100 : memref<1x640x128xf32, #tpu.memory_space<hbm>> -> memref<640x128xf32, #tpu.memory_space<hbm>>
      %dma_wait3A_102 = arith.constant 0 : i32
      %dma_wait3A_103 = tpu.memref_slice %arg12[%mul3A_2, %dma_wait3A_102] : memref<10240x128xf32, #tpu.memory_space<vmem_shared>> -> memref<640x128xf32, #tpu.memory_space<vmem_shared>>
      tpu.wait_dma2 semaphore(%run_scoped3A_93 : memref<!tpu.dma_semaphore, #tpu.memory_space<semaphore_mem>>) src(%dma_wait3A_103 : memref<640x128xf32, #tpu.memory_space<vmem_shared>>) dst(%dma_wait3A_101 : memref<640x128xf32, #tpu.memory_space<hbm>>)
      tpu.yield
    }) : () -> ()
    return
  }
}

#map = affine_map<(d0, d1) -> (0, 0, 0, 0, 0)>
#map1 = affine_map<(d0, d1) -> (0, 0)>
#map2 = affine_map<(d0, d1) -> (0, 0, 0)>
module attributes {stable_mosaic.version = 14 : i64} {
  func.func @_edge_kernel(%arg0: i32, %arg1: i32, %arg2: memref<32x16x2x8x80xi32, #tpu.memory_space<hbm>>, %arg3: memref<10240x128xf32, #tpu.memory_space<hbm>>, %arg4: memref<10240x128xf32, #tpu.memory_space<hbm>>, %arg5: memref<2x10240x128xf32, #tpu.memory_space<hbm>>, %arg6: memref<2x8x80xi32, #tpu.memory_space<vmem>>, %arg7: memref<2x8x80xi32, #tpu.memory_space<vmem>>, %arg8: memref<80x128xf32, #tpu.memory_space<vmem>>, %arg9: memref<80x128xf32, #tpu.memory_space<vmem>>, %arg10: memref<80x128xf32, #tpu.memory_space<vmem>>, %arg11: memref<80x128xf32, #tpu.memory_space<vmem>>, %arg12: memref<10240x128xf32, #tpu.memory_space<vmem_shared>>, %arg13: memref<!tpu.dma_semaphore, #tpu.memory_space<semaphore_mem>>, %arg14: memref<!tpu.dma_semaphore, #tpu.memory_space<semaphore_mem>>, %arg15: memref<!tpu.dma_semaphore, #tpu.memory_space<semaphore_mem>>, %arg16: memref<!tpu.dma_semaphore, #tpu.memory_space<semaphore_mem>>, %arg17: memref<!tpu.dma_semaphore, #tpu.memory_space<semaphore_mem>>, %arg18: memref<!tpu.dma_semaphore, #tpu.memory_space<semaphore_mem>>) attributes {dimension_semantics = [#tpu.dimension_semantics<core_parallel>, #tpu.dimension_semantics<subcore_parallel>], iteration_bounds = array<i64: 2, 16>, scalar_prefetch = 0 : i64, scratch_operands = 13 : i64, tpu.core_type = #tpu.core_type<sc_vector_subcore>, window_params = [{transform_indices = #map}, {transform_indices = #map1}, {transform_indices = #map1}, {transform_indices = #map2}]} {
    %mul3A = arith.constant 16 : i32
    %mul3A_0 = arith.muli %arg0, %mul3A : i32
    %add3A = arith.addi %mul3A_0, %arg1 : i32
    %mul3A_1 = arith.constant 640 : i32
    %mul3A_2 = arith.muli %arg1, %mul3A_1 : i32
    "tpu.region"() ({
      %run_scoped3A_93 = tpu.sem_alloc : memref<!tpu.dma_semaphore, #tpu.memory_space<semaphore_mem>>
      %dma_start3A_94 = arith.constant 0 : i32
      %dma_start3A_95 = tpu.memref_slice %arg12[%mul3A_2, %dma_start3A_94] : memref<10240x128xf32, #tpu.memory_space<vmem_shared>> -> memref<640x128xf32, #tpu.memory_space<vmem_shared>>
      %dma_start3A_96 = arith.constant 0 : i32
      %dma_start3A_97 = tpu.memref_slice %arg4[%mul3A_2, %dma_start3A_96] : memref<10240x128xf32, #tpu.memory_space<hbm>> -> memref<640x128xf32, #tpu.memory_space<hbm>>
      tpu.enqueue_dma source(%dma_start3A_97 : memref<640x128xf32, #tpu.memory_space<hbm>>) target(%dma_start3A_95 : memref<640x128xf32, #tpu.memory_space<vmem_shared>>) target_semaphore(%run_scoped3A_93 : memref<!tpu.dma_semaphore, #tpu.memory_space<semaphore_mem>>)
      %dma_wait3A_98 = arith.constant 0 : i32
      %dma_wait3A_99 = tpu.memref_slice %arg12[%mul3A_2, %dma_wait3A_98] : memref<10240x128xf32, #tpu.memory_space<vmem_shared>> -> memref<640x128xf32, #tpu.memory_space<vmem_shared>>
      %dma_wait3A_100 = arith.constant 0 : i32
      %dma_wait3A_101 = tpu.memref_slice %arg4[%mul3A_2, %dma_wait3A_100] : memref<10240x128xf32, #tpu.memory_space<hbm>> -> memref<640x128xf32, #tpu.memory_space<hbm>>
      tpu.wait_dma2 semaphore(%run_scoped3A_93 : memref<!tpu.dma_semaphore, #tpu.memory_space<semaphore_mem>>) src(%dma_wait3A_101 : memref<640x128xf32, #tpu.memory_space<hbm>>) dst(%dma_wait3A_99 : memref<640x128xf32, #tpu.memory_space<vmem_shared>>)
      tpu.yield
    }) : () -> ()
    %run_scoped3A = arith.constant 0 : i32
    "tpu.region"() ({
      %run_scoped3A_93 = tpu.sem_alloc : memref<!tpu.dma_semaphore, #tpu.memory_space<semaphore_mem>>
      %dma_start3A_94 = arith.constant 0 : i32
      %dma_start3A_95 = arith.constant 0 : i32
      %dma_start3A_96 = arith.constant 0 : i32
      %dma_start3A_97 = tpu.memref_slice %arg2[%add3A, %run_scoped3A, %dma_start3A_94, %dma_start3A_95, %dma_start3A_96] : memref<32x16x2x8x80xi32, #tpu.memory_space<hbm>> -> memref<1x1x2x8x80xi32, #tpu.memory_space<hbm>>
      %dma_start3A_98 = tpu.memref_squeeze %dma_start3A_97 : memref<1x1x2x8x80xi32, #tpu.memory_space<hbm>> -> memref<2x8x80xi32, #tpu.memory_space<hbm>>
      %dma_start3A_99 = arith.constant 0 : i32
      %dma_start3A_100 = arith.constant 0 : i32
      %dma_start3A_101 = arith.constant 0 : i32
      %dma_start3A_102 = tpu.memref_slice %arg2[%add3A, %run_scoped3A, %dma_start3A_99, %dma_start3A_100, %dma_start3A_101] : memref<32x16x2x8x80xi32, #tpu.memory_space<hbm>> -> memref<1x1x2x8x80xi32, #tpu.memory_space<hbm>>
      %dma_start3A_103 = tpu.memref_squeeze %dma_start3A_102 : memref<1x1x2x8x80xi32, #tpu.memory_space<hbm>> -> memref<2x8x80xi32, #tpu.memory_space<hbm>>
      tpu.enqueue_dma source(%dma_start3A_103 : memref<2x8x80xi32, #tpu.memory_space<hbm>>) target(%arg6 : memref<2x8x80xi32, #tpu.memory_space<vmem>>) target_semaphore(%run_scoped3A_93 : memref<!tpu.dma_semaphore, #tpu.memory_space<semaphore_mem>>)
      %dma_wait3A_104 = arith.constant 0 : i32
      %dma_wait3A_105 = arith.constant 0 : i32
      %dma_wait3A_106 = arith.constant 0 : i32
      %dma_wait3A_107 = tpu.memref_slice %arg2[%add3A, %run_scoped3A, %dma_wait3A_104, %dma_wait3A_105, %dma_wait3A_106] : memref<32x16x2x8x80xi32, #tpu.memory_space<hbm>> -> memref<1x1x2x8x80xi32, #tpu.memory_space<hbm>>
      %dma_wait3A_108 = tpu.memref_squeeze %dma_wait3A_107 : memref<1x1x2x8x80xi32, #tpu.memory_space<hbm>> -> memref<2x8x80xi32, #tpu.memory_space<hbm>>
      %dma_wait3A_109 = arith.constant 0 : i32
      %dma_wait3A_110 = arith.constant 0 : i32
      %dma_wait3A_111 = arith.constant 0 : i32
      %dma_wait3A_112 = tpu.memref_slice %arg2[%add3A, %run_scoped3A, %dma_wait3A_109, %dma_wait3A_110, %dma_wait3A_111] : memref<32x16x2x8x80xi32, #tpu.memory_space<hbm>> -> memref<1x1x2x8x80xi32, #tpu.memory_space<hbm>>
      %dma_wait3A_113 = tpu.memref_squeeze %dma_wait3A_112 : memref<1x1x2x8x80xi32, #tpu.memory_space<hbm>> -> memref<2x8x80xi32, #tpu.memory_space<hbm>>
      tpu.wait_dma2 semaphore(%run_scoped3A_93 : memref<!tpu.dma_semaphore, #tpu.memory_space<semaphore_mem>>) src(%dma_wait3A_113 : memref<2x8x80xi32, #tpu.memory_space<hbm>>) dst(%arg6 : memref<2x8x80xi32, #tpu.memory_space<vmem>>)
      tpu.yield
    }) : () -> ()
    %dma_start3A = arith.constant 1 : i32
    %dma_start3A_3 = arith.constant 0 : i32
    %dma_start3A_4 = arith.constant 0 : i32
    %dma_start3A_5 = arith.constant 0 : i32
    %dma_start3A_6 = tpu.memref_slice %arg2[%add3A, %dma_start3A, %dma_start3A_3, %dma_start3A_4, %dma_start3A_5] : memref<32x16x2x8x80xi32, #tpu.memory_space<hbm>> -> memref<1x1x2x8x80xi32, #tpu.memory_space<hbm>>
    %dma_start3A_7 = tpu.memref_squeeze %dma_start3A_6 : memref<1x1x2x8x80xi32, #tpu.memory_space<hbm>> -> memref<2x8x80xi32, #tpu.memory_space<hbm>>
    %dma_start3A_8 = arith.constant 0 : i32
    %dma_start3A_9 = arith.constant 0 : i32
    %dma_start3A_10 = arith.constant 0 : i32
    %dma_start3A_11 = tpu.memref_slice %arg2[%add3A, %dma_start3A, %dma_start3A_8, %dma_start3A_9, %dma_start3A_10] : memref<32x16x2x8x80xi32, #tpu.memory_space<hbm>> -> memref<1x1x2x8x80xi32, #tpu.memory_space<hbm>>
    %dma_start3A_12 = tpu.memref_squeeze %dma_start3A_11 : memref<1x1x2x8x80xi32, #tpu.memory_space<hbm>> -> memref<2x8x80xi32, #tpu.memory_space<hbm>>
    tpu.enqueue_dma source(%dma_start3A_12 : memref<2x8x80xi32, #tpu.memory_space<hbm>>) target(%arg7 : memref<2x8x80xi32, #tpu.memory_space<vmem>>) target_semaphore(%arg18 : memref<!tpu.dma_semaphore, #tpu.memory_space<semaphore_mem>>)
    %barrier3A = arith.constant 0 : index
    tpu.barrier barrier_id(%barrier3A)
    %dma_start3A_13 = arith.constant 0 : i32
    %dma_start3A_14 = arith.constant 0 : i32
    %dma_start3A_15 = arith.constant 0 : i32
    %dma_start3A_16 = tpu.memref_slice %arg6[%dma_start3A_13, %dma_start3A_14, %dma_start3A_15] : memref<2x8x80xi32, #tpu.memory_space<vmem>> -> memref<1x1x80xi32, #tpu.memory_space<vmem>>
    %dma_start3A_17 = tpu.memref_squeeze %dma_start3A_16 : memref<1x1x80xi32, #tpu.memory_space<vmem>> -> memref<80xi32, #tpu.memory_space<vmem>>
    %dma_start3A_18 = arith.constant 0 : i32
    %dma_start3A_19 = arith.constant 0 : i32
    %dma_start3A_20 = tpu.memref_slice %arg3[%dma_start3A_18, %dma_start3A_19] : memref<10240x128xf32, #tpu.memory_space<hbm>> -> memref<10240x128xf32, #tpu.memory_space<hbm>>
    tpu.enqueue_indirect_dma source(%dma_start3A_20 : memref<10240x128xf32, #tpu.memory_space<hbm>>) target(%arg8 : memref<80x128xf32, #tpu.memory_space<vmem>>) offsets(%dma_start3A_17 : memref<80xi32, #tpu.memory_space<vmem>>) semaphore(%arg13 : memref<!tpu.dma_semaphore, #tpu.memory_space<semaphore_mem>>)
    %dma_start3A_21 = arith.constant 0 : i32
    %dma_start3A_22 = arith.constant 1 : i32
    %dma_start3A_23 = arith.constant 0 : i32
    %dma_start3A_24 = tpu.memref_slice %arg6[%dma_start3A_21, %dma_start3A_22, %dma_start3A_23] : memref<2x8x80xi32, #tpu.memory_space<vmem>> -> memref<1x1x80xi32, #tpu.memory_space<vmem>>
    %dma_start3A_25 = tpu.memref_squeeze %dma_start3A_24 : memref<1x1x80xi32, #tpu.memory_space<vmem>> -> memref<80xi32, #tpu.memory_space<vmem>>
    %dma_start3A_26 = arith.constant 0 : i32
    %dma_start3A_27 = arith.constant 0 : i32
    %dma_start3A_28 = tpu.memref_slice %arg3[%dma_start3A_26, %dma_start3A_27] : memref<10240x128xf32, #tpu.memory_space<hbm>> -> memref<10240x128xf32, #tpu.memory_space<hbm>>
    tpu.enqueue_indirect_dma source(%dma_start3A_28 : memref<10240x128xf32, #tpu.memory_space<hbm>>) target(%arg9 : memref<80x128xf32, #tpu.memory_space<vmem>>) offsets(%dma_start3A_25 : memref<80xi32, #tpu.memory_space<vmem>>) semaphore(%arg14 : memref<!tpu.dma_semaphore, #tpu.memory_space<semaphore_mem>>)
    %dma_start3A_29 = arith.constant 0 : i32
    %dma_start3A_30 = arith.constant 2 : i32
    %dma_start3A_31 = arith.constant 0 : i32
    %dma_start3A_32 = tpu.memref_slice %arg6[%dma_start3A_29, %dma_start3A_30, %dma_start3A_31] : memref<2x8x80xi32, #tpu.memory_space<vmem>> -> memref<1x1x80xi32, #tpu.memory_space<vmem>>
    %dma_start3A_33 = tpu.memref_squeeze %dma_start3A_32 : memref<1x1x80xi32, #tpu.memory_space<vmem>> -> memref<80xi32, #tpu.memory_space<vmem>>
    %dma_start3A_34 = arith.constant 0 : i32
    %dma_start3A_35 = arith.constant 0 : i32
    %dma_start3A_36 = tpu.memref_slice %arg3[%dma_start3A_34, %dma_start3A_35] : memref<10240x128xf32, #tpu.memory_space<hbm>> -> memref<10240x128xf32, #tpu.memory_space<hbm>>
    tpu.enqueue_indirect_dma source(%dma_start3A_36 : memref<10240x128xf32, #tpu.memory_space<hbm>>) target(%arg10 : memref<80x128xf32, #tpu.memory_space<vmem>>) offsets(%dma_start3A_33 : memref<80xi32, #tpu.memory_space<vmem>>) semaphore(%arg15 : memref<!tpu.dma_semaphore, #tpu.memory_space<semaphore_mem>>)
    %dma_start3A_37 = arith.constant 0 : i32
    %dma_start3A_38 = arith.constant 3 : i32
    %dma_start3A_39 = arith.constant 0 : i32
    %dma_start3A_40 = tpu.memref_slice %arg6[%dma_start3A_37, %dma_start3A_38, %dma_start3A_39] : memref<2x8x80xi32, #tpu.memory_space<vmem>> -> memref<1x1x80xi32, #tpu.memory_space<vmem>>
    %dma_start3A_41 = tpu.memref_squeeze %dma_start3A_40 : memref<1x1x80xi32, #tpu.memory_space<vmem>> -> memref<80xi32, #tpu.memory_space<vmem>>
    %dma_start3A_42 = arith.constant 0 : i32
    %dma_start3A_43 = arith.constant 0 : i32
    %dma_start3A_44 = tpu.memref_slice %arg3[%dma_start3A_42, %dma_start3A_43] : memref<10240x128xf32, #tpu.memory_space<hbm>> -> memref<10240x128xf32, #tpu.memory_space<hbm>>
    tpu.enqueue_indirect_dma source(%dma_start3A_44 : memref<10240x128xf32, #tpu.memory_space<hbm>>) target(%arg11 : memref<80x128xf32, #tpu.memory_space<vmem>>) offsets(%dma_start3A_41 : memref<80xi32, #tpu.memory_space<vmem>>) semaphore(%arg16 : memref<!tpu.dma_semaphore, #tpu.memory_space<semaphore_mem>>)
    %scan3A = arith.constant 0 : i32
    %scan3A_45 = arith.constant 0 : i32
    %scan3A_46 = arith.constant 8 : i32
    %scan3A_47 = arith.addi %scan3A_45, %scan3A_46 : i32
    %scan3A_48 = arith.constant 1 : i32
    scf.for %scan3A_93 = %scan3A_45 to %scan3A_47 step %scan3A_48  : i32 {
      %dma_wait3A_94 = arith.constant 0 : i32
      %dma_wait3A_95 = arith.constant 0 : i32
      %dma_wait3A_96 = arith.constant 0 : i32
      %dma_wait3A_97 = arith.constant 0 : i32
      %dma_wait3A_98 = tpu.memref_slice %arg2[%add3A, %dma_wait3A_94, %dma_wait3A_95, %dma_wait3A_96, %dma_wait3A_97] : memref<32x16x2x8x80xi32, #tpu.memory_space<hbm>> -> memref<1x1x2x8x80xi32, #tpu.memory_space<hbm>>
      %dma_wait3A_99 = tpu.memref_squeeze %dma_wait3A_98 : memref<1x1x2x8x80xi32, #tpu.memory_space<hbm>> -> memref<2x8x80xi32, #tpu.memory_space<hbm>>
      %dma_wait3A_100 = arith.constant 0 : i32
      %dma_wait3A_101 = arith.constant 0 : i32
      %dma_wait3A_102 = arith.constant 0 : i32
      %dma_wait3A_103 = tpu.memref_slice %arg2[%add3A, %dma_wait3A_94, %dma_wait3A_100, %dma_wait3A_101, %dma_wait3A_102] : memref<32x16x2x8x80xi32, #tpu.memory_space<hbm>> -> memref<1x1x2x8x80xi32, #tpu.memory_space<hbm>>
      %dma_wait3A_104 = tpu.memref_squeeze %dma_wait3A_103 : memref<1x1x2x8x80xi32, #tpu.memory_space<hbm>> -> memref<2x8x80xi32, #tpu.memory_space<hbm>>
      tpu.wait_dma2 semaphore(%arg18 : memref<!tpu.dma_semaphore, #tpu.memory_space<semaphore_mem>>) src(%dma_wait3A_104 : memref<2x8x80xi32, #tpu.memory_space<hbm>>) dst(%arg7 : memref<2x8x80xi32, #tpu.memory_space<vmem>>)
      %dma_wait3A_105 = arith.constant 0 : i32
      %dma_wait3A_106 = arith.constant 0 : i32
      %dma_wait3A_107 = arith.constant 0 : i32
      %dma_wait3A_108 = tpu.memref_slice %arg6[%dma_wait3A_105, %dma_wait3A_106, %dma_wait3A_107] : memref<2x8x80xi32, #tpu.memory_space<vmem>> -> memref<1x1x80xi32, #tpu.memory_space<vmem>>
      %dma_wait3A_109 = tpu.memref_squeeze %dma_wait3A_108 : memref<1x1x80xi32, #tpu.memory_space<vmem>> -> memref<80xi32, #tpu.memory_space<vmem>>
      %dma_wait3A_110 = arith.constant 0 : i32
      %dma_wait3A_111 = arith.constant 0 : i32
      %dma_wait3A_112 = tpu.memref_slice %arg3[%dma_wait3A_110, %dma_wait3A_111] : memref<10240x128xf32, #tpu.memory_space<hbm>> -> memref<10240x128xf32, #tpu.memory_space<hbm>>
      tpu.wait_indirect_dma semaphore(%arg13 : memref<!tpu.dma_semaphore, #tpu.memory_space<semaphore_mem>>) src(%dma_wait3A_112 : memref<10240x128xf32, #tpu.memory_space<hbm>>) dst(%arg8 : memref<80x128xf32, #tpu.memory_space<vmem>>)
      %run_scoped3A_113 = arith.constant 1 : i32
      %run_scoped3A_114 = arith.constant 0 : i32
      "tpu.region"() ({
        %run_scoped3A_439 = tpu.sem_alloc : memref<!tpu.dma_semaphore, #tpu.memory_space<semaphore_mem>>
        %dma_start3A_440 = arith.constant 0 : i32
        %dma_start3A_441 = tpu.memref_slice %arg6[%run_scoped3A_113, %run_scoped3A_114, %dma_start3A_440] : memref<2x8x80xi32, #tpu.memory_space<vmem>> -> memref<1x1x80xi32, #tpu.memory_space<vmem>>
        %dma_start3A_442 = tpu.memref_squeeze %dma_start3A_441 : memref<1x1x80xi32, #tpu.memory_space<vmem>> -> memref<80xi32, #tpu.memory_space<vmem>>
        %dma_start3A_443 = arith.constant 0 : i32
        %dma_start3A_444 = arith.constant 0 : i32
        %dma_start3A_445 = tpu.memref_slice %arg12[%dma_start3A_443, %dma_start3A_444] : memref<10240x128xf32, #tpu.memory_space<vmem_shared>> -> memref<10240x128xf32, #tpu.memory_space<vmem_shared>>
        tpu.enqueue_indirect_dma source(%arg8 : memref<80x128xf32, #tpu.memory_space<vmem>>) target(%dma_start3A_445 : memref<10240x128xf32, #tpu.memory_space<vmem_shared>>) offsets(%dma_start3A_442 : memref<80xi32, #tpu.memory_space<vmem>>) semaphore(%run_scoped3A_439 : memref<!tpu.dma_semaphore, #tpu.memory_space<semaphore_mem>>) {add = true}
        %dma_wait3A_446 = arith.constant 0 : i32
        %dma_wait3A_447 = tpu.memref_slice %arg6[%run_scoped3A_113, %run_scoped3A_114, %dma_wait3A_446] : memref<2x8x80xi32, #tpu.memory_space<vmem>> -> memref<1x1x80xi32, #tpu.memory_space<vmem>>
        %dma_wait3A_448 = tpu.memref_squeeze %dma_wait3A_447 : memref<1x1x80xi32, #tpu.memory_space<vmem>> -> memref<80xi32, #tpu.memory_space<vmem>>
        %dma_wait3A_449 = arith.constant 0 : i32
        %dma_wait3A_450 = arith.constant 0 : i32
        %dma_wait3A_451 = tpu.memref_slice %arg12[%dma_wait3A_449, %dma_wait3A_450] : memref<10240x128xf32, #tpu.memory_space<vmem_shared>> -> memref<10240x128xf32, #tpu.memory_space<vmem_shared>>
        tpu.wait_indirect_dma semaphore(%run_scoped3A_439 : memref<!tpu.dma_semaphore, #tpu.memory_space<semaphore_mem>>) src(%arg8 : memref<80x128xf32, #tpu.memory_space<vmem>>) dst(%dma_wait3A_451 : memref<10240x128xf32, #tpu.memory_space<vmem_shared>>)
        tpu.yield
      }) : () -> ()
      %dma_start3A_115 = arith.constant 0 : i32
      %dma_start3A_116 = arith.constant 4 : i32
      %dma_start3A_117 = arith.constant 0 : i32
      %dma_start3A_118 = tpu.memref_slice %arg6[%dma_start3A_115, %dma_start3A_116, %dma_start3A_117] : memref<2x8x80xi32, #tpu.memory_space<vmem>> -> memref<1x1x80xi32, #tpu.memory_space<vmem>>
      %dma_start3A_119 = tpu.memref_squeeze %dma_start3A_118 : memref<1x1x80xi32, #tpu.memory_space<vmem>> -> memref<80xi32, #tpu.memory_space<vmem>>
      %dma_start3A_120 = arith.constant 0 : i32
      %dma_start3A_121 = arith.constant 0 : i32
      %dma_start3A_122 = tpu.memref_slice %arg3[%dma_start3A_120, %dma_start3A_121] : memref<10240x128xf32, #tpu.memory_space<hbm>> -> memref<10240x128xf32, #tpu.memory_space<hbm>>
      tpu.enqueue_indirect_dma source(%dma_start3A_122 : memref<10240x128xf32, #tpu.memory_space<hbm>>) target(%arg8 : memref<80x128xf32, #tpu.memory_space<vmem>>) offsets(%dma_start3A_119 : memref<80xi32, #tpu.memory_space<vmem>>) semaphore(%arg13 : memref<!tpu.dma_semaphore, #tpu.memory_space<semaphore_mem>>)
      %dma_wait3A_123 = arith.constant 0 : i32
      %dma_wait3A_124 = arith.constant 1 : i32
      %dma_wait3A_125 = arith.constant 0 : i32
      %dma_wait3A_126 = tpu.memref_slice %arg6[%dma_wait3A_123, %dma_wait3A_124, %dma_wait3A_125] : memref<2x8x80xi32, #tpu.memory_space<vmem>> -> memref<1x1x80xi32, #tpu.memory_space<vmem>>
      %dma_wait3A_127 = tpu.memref_squeeze %dma_wait3A_126 : memref<1x1x80xi32, #tpu.memory_space<vmem>> -> memref<80xi32, #tpu.memory_space<vmem>>
      %dma_wait3A_128 = arith.constant 0 : i32
      %dma_wait3A_129 = arith.constant 0 : i32
      %dma_wait3A_130 = tpu.memref_slice %arg3[%dma_wait3A_128, %dma_wait3A_129] : memref<10240x128xf32, #tpu.memory_space<hbm>> -> memref<10240x128xf32, #tpu.memory_space<hbm>>
      tpu.wait_indirect_dma semaphore(%arg14 : memref<!tpu.dma_semaphore, #tpu.memory_space<semaphore_mem>>) src(%dma_wait3A_130 : memref<10240x128xf32, #tpu.memory_space<hbm>>) dst(%arg9 : memref<80x128xf32, #tpu.memory_space<vmem>>)
      %run_scoped3A_131 = arith.constant 1 : i32
      %run_scoped3A_132 = arith.constant 1 : i32
      "tpu.region"() ({
        %run_scoped3A_439 = tpu.sem_alloc : memref<!tpu.dma_semaphore, #tpu.memory_space<semaphore_mem>>
        %dma_start3A_440 = arith.constant 0 : i32
        %dma_start3A_441 = tpu.memref_slice %arg6[%run_scoped3A_131, %run_scoped3A_132, %dma_start3A_440] : memref<2x8x80xi32, #tpu.memory_space<vmem>> -> memref<1x1x80xi32, #tpu.memory_space<vmem>>
        %dma_start3A_442 = tpu.memref_squeeze %dma_start3A_441 : memref<1x1x80xi32, #tpu.memory_space<vmem>> -> memref<80xi32, #tpu.memory_space<vmem>>
        %dma_start3A_443 = arith.constant 0 : i32
        %dma_start3A_444 = arith.constant 0 : i32
        %dma_start3A_445 = tpu.memref_slice %arg12[%dma_start3A_443, %dma_start3A_444] : memref<10240x128xf32, #tpu.memory_space<vmem_shared>> -> memref<10240x128xf32, #tpu.memory_space<vmem_shared>>
        tpu.enqueue_indirect_dma source(%arg9 : memref<80x128xf32, #tpu.memory_space<vmem>>) target(%dma_start3A_445 : memref<10240x128xf32, #tpu.memory_space<vmem_shared>>) offsets(%dma_start3A_442 : memref<80xi32, #tpu.memory_space<vmem>>) semaphore(%run_scoped3A_439 : memref<!tpu.dma_semaphore, #tpu.memory_space<semaphore_mem>>) {add = true}
        %dma_wait3A_446 = arith.constant 0 : i32
        %dma_wait3A_447 = tpu.memref_slice %arg6[%run_scoped3A_131, %run_scoped3A_132, %dma_wait3A_446] : memref<2x8x80xi32, #tpu.memory_space<vmem>> -> memref<1x1x80xi32, #tpu.memory_space<vmem>>
        %dma_wait3A_448 = tpu.memref_squeeze %dma_wait3A_447 : memref<1x1x80xi32, #tpu.memory_space<vmem>> -> memref<80xi32, #tpu.memory_space<vmem>>
        %dma_wait3A_449 = arith.constant 0 : i32
        %dma_wait3A_450 = arith.constant 0 : i32
        %dma_wait3A_451 = tpu.memref_slice %arg12[%dma_wait3A_449, %dma_wait3A_450] : memref<10240x128xf32, #tpu.memory_space<vmem_shared>> -> memref<10240x128xf32, #tpu.memory_space<vmem_shared>>
        tpu.wait_indirect_dma semaphore(%run_scoped3A_439 : memref<!tpu.dma_semaphore, #tpu.memory_space<semaphore_mem>>) src(%arg9 : memref<80x128xf32, #tpu.memory_space<vmem>>) dst(%dma_wait3A_451 : memref<10240x128xf32, #tpu.memory_space<vmem_shared>>)
        tpu.yield
      }) : () -> ()
      %dma_start3A_133 = arith.constant 0 : i32
      %dma_start3A_134 = arith.constant 5 : i32
      %dma_start3A_135 = arith.constant 0 : i32
      %dma_start3A_136 = tpu.memref_slice %arg6[%dma_start3A_133, %dma_start3A_134, %dma_start3A_135] : memref<2x8x80xi32, #tpu.memory_space<vmem>> -> memref<1x1x80xi32, #tpu.memory_space<vmem>>
      %dma_start3A_137 = tpu.memref_squeeze %dma_start3A_136 : memref<1x1x80xi32, #tpu.memory_space<vmem>> -> memref<80xi32, #tpu.memory_space<vmem>>
      %dma_start3A_138 = arith.constant 0 : i32
      %dma_start3A_139 = arith.constant 0 : i32
      %dma_start3A_140 = tpu.memref_slice %arg3[%dma_start3A_138, %dma_start3A_139] : memref<10240x128xf32, #tpu.memory_space<hbm>> -> memref<10240x128xf32, #tpu.memory_space<hbm>>
      tpu.enqueue_indirect_dma source(%dma_start3A_140 : memref<10240x128xf32, #tpu.memory_space<hbm>>) target(%arg9 : memref<80x128xf32, #tpu.memory_space<vmem>>) offsets(%dma_start3A_137 : memref<80xi32, #tpu.memory_space<vmem>>) semaphore(%arg14 : memref<!tpu.dma_semaphore, #tpu.memory_space<semaphore_mem>>)
      %dma_wait3A_141 = arith.constant 0 : i32
      %dma_wait3A_142 = arith.constant 2 : i32
      %dma_wait3A_143 = arith.constant 0 : i32
      %dma_wait3A_144 = tpu.memref_slice %arg6[%dma_wait3A_141, %dma_wait3A_142, %dma_wait3A_143] : memref<2x8x80xi32, #tpu.memory_space<vmem>> -> memref<1x1x80xi32, #tpu.memory_space<vmem>>
      %dma_wait3A_145 = tpu.memref_squeeze %dma_wait3A_144 : memref<1x1x80xi32, #tpu.memory_space<vmem>> -> memref<80xi32, #tpu.memory_space<vmem>>
      %dma_wait3A_146 = arith.constant 0 : i32
      %dma_wait3A_147 = arith.constant 0 : i32
      %dma_wait3A_148 = tpu.memref_slice %arg3[%dma_wait3A_146, %dma_wait3A_147] : memref<10240x128xf32, #tpu.memory_space<hbm>> -> memref<10240x128xf32, #tpu.memory_space<hbm>>
      tpu.wait_indirect_dma semaphore(%arg15 : memref<!tpu.dma_semaphore, #tpu.memory_space<semaphore_mem>>) src(%dma_wait3A_148 : memref<10240x128xf32, #tpu.memory_space<hbm>>) dst(%arg10 : memref<80x128xf32, #tpu.memory_space<vmem>>)
      %run_scoped3A_149 = arith.constant 1 : i32
      %run_scoped3A_150 = arith.constant 2 : i32
      "tpu.region"() ({
        %run_scoped3A_439 = tpu.sem_alloc : memref<!tpu.dma_semaphore, #tpu.memory_space<semaphore_mem>>
        %dma_start3A_440 = arith.constant 0 : i32
        %dma_start3A_441 = tpu.memref_slice %arg6[%run_scoped3A_149, %run_scoped3A_150, %dma_start3A_440] : memref<2x8x80xi32, #tpu.memory_space<vmem>> -> memref<1x1x80xi32, #tpu.memory_space<vmem>>
        %dma_start3A_442 = tpu.memref_squeeze %dma_start3A_441 : memref<1x1x80xi32, #tpu.memory_space<vmem>> -> memref<80xi32, #tpu.memory_space<vmem>>
        %dma_start3A_443 = arith.constant 0 : i32
        %dma_start3A_444 = arith.constant 0 : i32
        %dma_start3A_445 = tpu.memref_slice %arg12[%dma_start3A_443, %dma_start3A_444] : memref<10240x128xf32, #tpu.memory_space<vmem_shared>> -> memref<10240x128xf32, #tpu.memory_space<vmem_shared>>
        tpu.enqueue_indirect_dma source(%arg10 : memref<80x128xf32, #tpu.memory_space<vmem>>) target(%dma_start3A_445 : memref<10240x128xf32, #tpu.memory_space<vmem_shared>>) offsets(%dma_start3A_442 : memref<80xi32, #tpu.memory_space<vmem>>) semaphore(%run_scoped3A_439 : memref<!tpu.dma_semaphore, #tpu.memory_space<semaphore_mem>>) {add = true}
        %dma_wait3A_446 = arith.constant 0 : i32
        %dma_wait3A_447 = tpu.memref_slice %arg6[%run_scoped3A_149, %run_scoped3A_150, %dma_wait3A_446] : memref<2x8x80xi32, #tpu.memory_space<vmem>> -> memref<1x1x80xi32, #tpu.memory_space<vmem>>
        %dma_wait3A_448 = tpu.memref_squeeze %dma_wait3A_447 : memref<1x1x80xi32, #tpu.memory_space<vmem>> -> memref<80xi32, #tpu.memory_space<vmem>>
        %dma_wait3A_449 = arith.constant 0 : i32
        %dma_wait3A_450 = arith.constant 0 : i32
        %dma_wait3A_451 = tpu.memref_slice %arg12[%dma_wait3A_449, %dma_wait3A_450] : memref<10240x128xf32, #tpu.memory_space<vmem_shared>> -> memref<10240x128xf32, #tpu.memory_space<vmem_shared>>
        tpu.wait_indirect_dma semaphore(%run_scoped3A_439 : memref<!tpu.dma_semaphore, #tpu.memory_space<semaphore_mem>>) src(%arg10 : memref<80x128xf32, #tpu.memory_space<vmem>>) dst(%dma_wait3A_451 : memref<10240x128xf32, #tpu.memory_space<vmem_shared>>)
        tpu.yield
      }) : () -> ()
      %dma_start3A_151 = arith.constant 0 : i32
      %dma_start3A_152 = arith.constant 6 : i32
      %dma_start3A_153 = arith.constant 0 : i32
      %dma_start3A_154 = tpu.memref_slice %arg6[%dma_start3A_151, %dma_start3A_152, %dma_start3A_153] : memref<2x8x80xi32, #tpu.memory_space<vmem>> -> memref<1x1x80xi32, #tpu.memory_space<vmem>>
      %dma_start3A_155 = tpu.memref_squeeze %dma_start3A_154 : memref<1x1x80xi32, #tpu.memory_space<vmem>> -> memref<80xi32, #tpu.memory_space<vmem>>
      %dma_start3A_156 = arith.constant 0 : i32
      %dma_start3A_157 = arith.constant 0 : i32
      %dma_start3A_158 = tpu.memref_slice %arg3[%dma_start3A_156, %dma_start3A_157] : memref<10240x128xf32, #tpu.memory_space<hbm>> -> memref<10240x128xf32, #tpu.memory_space<hbm>>
      tpu.enqueue_indirect_dma source(%dma_start3A_158 : memref<10240x128xf32, #tpu.memory_space<hbm>>) target(%arg10 : memref<80x128xf32, #tpu.memory_space<vmem>>) offsets(%dma_start3A_155 : memref<80xi32, #tpu.memory_space<vmem>>) semaphore(%arg15 : memref<!tpu.dma_semaphore, #tpu.memory_space<semaphore_mem>>)
      %dma_wait3A_159 = arith.constant 0 : i32
      %dma_wait3A_160 = arith.constant 3 : i32
      %dma_wait3A_161 = arith.constant 0 : i32
      %dma_wait3A_162 = tpu.memref_slice %arg6[%dma_wait3A_159, %dma_wait3A_160, %dma_wait3A_161] : memref<2x8x80xi32, #tpu.memory_space<vmem>> -> memref<1x1x80xi32, #tpu.memory_space<vmem>>
      %dma_wait3A_163 = tpu.memref_squeeze %dma_wait3A_162 : memref<1x1x80xi32, #tpu.memory_space<vmem>> -> memref<80xi32, #tpu.memory_space<vmem>>
      %dma_wait3A_164 = arith.constant 0 : i32
      %dma_wait3A_165 = arith.constant 0 : i32
      %dma_wait3A_166 = tpu.memref_slice %arg3[%dma_wait3A_164, %dma_wait3A_165] : memref<10240x128xf32, #tpu.memory_space<hbm>> -> memref<10240x128xf32, #tpu.memory_space<hbm>>
      tpu.wait_indirect_dma semaphore(%arg16 : memref<!tpu.dma_semaphore, #tpu.memory_space<semaphore_mem>>) src(%dma_wait3A_166 : memref<10240x128xf32, #tpu.memory_space<hbm>>) dst(%arg11 : memref<80x128xf32, #tpu.memory_space<vmem>>)
      %run_scoped3A_167 = arith.constant 1 : i32
      %run_scoped3A_168 = arith.constant 3 : i32
      "tpu.region"() ({
        %run_scoped3A_439 = tpu.sem_alloc : memref<!tpu.dma_semaphore, #tpu.memory_space<semaphore_mem>>
        %dma_start3A_440 = arith.constant 0 : i32
        %dma_start3A_441 = tpu.memref_slice %arg6[%run_scoped3A_167, %run_scoped3A_168, %dma_start3A_440] : memref<2x8x80xi32, #tpu.memory_space<vmem>> -> memref<1x1x80xi32, #tpu.memory_space<vmem>>
        %dma_start3A_442 = tpu.memref_squeeze %dma_start3A_441 : memref<1x1x80xi32, #tpu.memory_space<vmem>> -> memref<80xi32, #tpu.memory_space<vmem>>
        %dma_start3A_443 = arith.constant 0 : i32
        %dma_start3A_444 = arith.constant 0 : i32
        %dma_start3A_445 = tpu.memref_slice %arg12[%dma_start3A_443, %dma_start3A_444] : memref<10240x128xf32, #tpu.memory_space<vmem_shared>> -> memref<10240x128xf32, #tpu.memory_space<vmem_shared>>
        tpu.enqueue_indirect_dma source(%arg11 : memref<80x128xf32, #tpu.memory_space<vmem>>) target(%dma_start3A_445 : memref<10240x128xf32, #tpu.memory_space<vmem_shared>>) offsets(%dma_start3A_442 : memref<80xi32, #tpu.memory_space<vmem>>) semaphore(%run_scoped3A_439 : memref<!tpu.dma_semaphore, #tpu.memory_space<semaphore_mem>>) {add = true}
        %dma_wait3A_446 = arith.constant 0 : i32
        %dma_wait3A_447 = tpu.memref_slice %arg6[%run_scoped3A_167, %run_scoped3A_168, %dma_wait3A_446] : memref<2x8x80xi32, #tpu.memory_space<vmem>> -> memref<1x1x80xi32, #tpu.memory_space<vmem>>
        %dma_wait3A_448 = tpu.memref_squeeze %dma_wait3A_447 : memref<1x1x80xi32, #tpu.memory_space<vmem>> -> memref<80xi32, #tpu.memory_space<vmem>>
        %dma_wait3A_449 = arith.constant 0 : i32
        %dma_wait3A_450 = arith.constant 0 : i32
        %dma_wait3A_451 = tpu.memref_slice %arg12[%dma_wait3A_449, %dma_wait3A_450] : memref<10240x128xf32, #tpu.memory_space<vmem_shared>> -> memref<10240x128xf32, #tpu.memory_space<vmem_shared>>
        tpu.wait_indirect_dma semaphore(%run_scoped3A_439 : memref<!tpu.dma_semaphore, #tpu.memory_space<semaphore_mem>>) src(%arg11 : memref<80x128xf32, #tpu.memory_space<vmem>>) dst(%dma_wait3A_451 : memref<10240x128xf32, #tpu.memory_space<vmem_shared>>)
        tpu.yield
      }) : () -> ()
      %dma_start3A_169 = arith.constant 0 : i32
      %dma_start3A_170 = arith.constant 7 : i32
      %dma_start3A_171 = arith.constant 0 : i32
      %dma_start3A_172 = tpu.memref_slice %arg6[%dma_start3A_169, %dma_start3A_170, %dma_start3A_171] : memref<2x8x80xi32, #tpu.memory_space<vmem>> -> memref<1x1x80xi32, #tpu.memory_space<vmem>>
      %dma_start3A_173 = tpu.memref_squeeze %dma_start3A_172 : memref<1x1x80xi32, #tpu.memory_space<vmem>> -> memref<80xi32, #tpu.memory_space<vmem>>
      %dma_start3A_174 = arith.constant 0 : i32
      %dma_start3A_175 = arith.constant 0 : i32
      %dma_start3A_176 = tpu.memref_slice %arg3[%dma_start3A_174, %dma_start3A_175] : memref<10240x128xf32, #tpu.memory_space<hbm>> -> memref<10240x128xf32, #tpu.memory_space<hbm>>
      tpu.enqueue_indirect_dma source(%dma_start3A_176 : memref<10240x128xf32, #tpu.memory_space<hbm>>) target(%arg11 : memref<80x128xf32, #tpu.memory_space<vmem>>) offsets(%dma_start3A_173 : memref<80xi32, #tpu.memory_space<vmem>>) semaphore(%arg16 : memref<!tpu.dma_semaphore, #tpu.memory_space<semaphore_mem>>)
      %dma_wait3A_177 = arith.constant 0 : i32
      %dma_wait3A_178 = arith.constant 4 : i32
      %dma_wait3A_179 = arith.constant 0 : i32
      %dma_wait3A_180 = tpu.memref_slice %arg6[%dma_wait3A_177, %dma_wait3A_178, %dma_wait3A_179] : memref<2x8x80xi32, #tpu.memory_space<vmem>> -> memref<1x1x80xi32, #tpu.memory_space<vmem>>
      %dma_wait3A_181 = tpu.memref_squeeze %dma_wait3A_180 : memref<1x1x80xi32, #tpu.memory_space<vmem>> -> memref<80xi32, #tpu.memory_space<vmem>>
      %dma_wait3A_182 = arith.constant 0 : i32
      %dma_wait3A_183 = arith.constant 0 : i32
      %dma_wait3A_184 = tpu.memref_slice %arg3[%dma_wait3A_182, %dma_wait3A_183] : memref<10240x128xf32, #tpu.memory_space<hbm>> -> memref<10240x128xf32, #tpu.memory_space<hbm>>
      tpu.wait_indirect_dma semaphore(%arg13 : memref<!tpu.dma_semaphore, #tpu.memory_space<semaphore_mem>>) src(%dma_wait3A_184 : memref<10240x128xf32, #tpu.memory_space<hbm>>) dst(%arg8 : memref<80x128xf32, #tpu.memory_space<vmem>>)
      %run_scoped3A_185 = arith.constant 1 : i32
      %run_scoped3A_186 = arith.constant 4 : i32
      "tpu.region"() ({
        %run_scoped3A_439 = tpu.sem_alloc : memref<!tpu.dma_semaphore, #tpu.memory_space<semaphore_mem>>
        %dma_start3A_440 = arith.constant 0 : i32
        %dma_start3A_441 = tpu.memref_slice %arg6[%run_scoped3A_185, %run_scoped3A_186, %dma_start3A_440] : memref<2x8x80xi32, #tpu.memory_space<vmem>> -> memref<1x1x80xi32, #tpu.memory_space<vmem>>
        %dma_start3A_442 = tpu.memref_squeeze %dma_start3A_441 : memref<1x1x80xi32, #tpu.memory_space<vmem>> -> memref<80xi32, #tpu.memory_space<vmem>>
        %dma_start3A_443 = arith.constant 0 : i32
        %dma_start3A_444 = arith.constant 0 : i32
        %dma_start3A_445 = tpu.memref_slice %arg12[%dma_start3A_443, %dma_start3A_444] : memref<10240x128xf32, #tpu.memory_space<vmem_shared>> -> memref<10240x128xf32, #tpu.memory_space<vmem_shared>>
        tpu.enqueue_indirect_dma source(%arg8 : memref<80x128xf32, #tpu.memory_space<vmem>>) target(%dma_start3A_445 : memref<10240x128xf32, #tpu.memory_space<vmem_shared>>) offsets(%dma_start3A_442 : memref<80xi32, #tpu.memory_space<vmem>>) semaphore(%run_scoped3A_439 : memref<!tpu.dma_semaphore, #tpu.memory_space<semaphore_mem>>) {add = true}
        %dma_wait3A_446 = arith.constant 0 : i32
        %dma_wait3A_447 = tpu.memref_slice %arg6[%run_scoped3A_185, %run_scoped3A_186, %dma_wait3A_446] : memref<2x8x80xi32, #tpu.memory_space<vmem>> -> memref<1x1x80xi32, #tpu.memory_space<vmem>>
        %dma_wait3A_448 = tpu.memref_squeeze %dma_wait3A_447 : memref<1x1x80xi32, #tpu.memory_space<vmem>> -> memref<80xi32, #tpu.memory_space<vmem>>
        %dma_wait3A_449 = arith.constant 0 : i32
        %dma_wait3A_450 = arith.constant 0 : i32
        %dma_wait3A_451 = tpu.memref_slice %arg12[%dma_wait3A_449, %dma_wait3A_450] : memref<10240x128xf32, #tpu.memory_space<vmem_shared>> -> memref<10240x128xf32, #tpu.memory_space<vmem_shared>>
        tpu.wait_indirect_dma semaphore(%run_scoped3A_439 : memref<!tpu.dma_semaphore, #tpu.memory_space<semaphore_mem>>) src(%arg8 : memref<80x128xf32, #tpu.memory_space<vmem>>) dst(%dma_wait3A_451 : memref<10240x128xf32, #tpu.memory_space<vmem_shared>>)
        tpu.yield
      }) : () -> ()
      %dma_start3A_187 = arith.constant 0 : i32
      %dma_start3A_188 = arith.constant 0 : i32
      %dma_start3A_189 = arith.constant 0 : i32
      %dma_start3A_190 = tpu.memref_slice %arg7[%dma_start3A_187, %dma_start3A_188, %dma_start3A_189] : memref<2x8x80xi32, #tpu.memory_space<vmem>> -> memref<1x1x80xi32, #tpu.memory_space<vmem>>
      %dma_start3A_191 = tpu.memref_squeeze %dma_start3A_190 : memref<1x1x80xi32, #tpu.memory_space<vmem>> -> memref<80xi32, #tpu.memory_space<vmem>>
      %dma_start3A_192 = arith.constant 0 : i32
      %dma_start3A_193 = arith.constant 0 : i32
      %dma_start3A_194 = tpu.memref_slice %arg3[%dma_start3A_192, %dma_start3A_193] : memref<10240x128xf32, #tpu.memory_space<hbm>> -> memref<10240x128xf32, #tpu.memory_space<hbm>>
      tpu.enqueue_indirect_dma source(%dma_start3A_194 : memref<10240x128xf32, #tpu.memory_space<hbm>>) target(%arg8 : memref<80x128xf32, #tpu.memory_space<vmem>>) offsets(%dma_start3A_191 : memref<80xi32, #tpu.memory_space<vmem>>) semaphore(%arg13 : memref<!tpu.dma_semaphore, #tpu.memory_space<semaphore_mem>>)
      %dma_wait3A_195 = arith.constant 0 : i32
      %dma_wait3A_196 = arith.constant 5 : i32
      %dma_wait3A_197 = arith.constant 0 : i32
      %dma_wait3A_198 = tpu.memref_slice %arg6[%dma_wait3A_195, %dma_wait3A_196, %dma_wait3A_197] : memref<2x8x80xi32, #tpu.memory_space<vmem>> -> memref<1x1x80xi32, #tpu.memory_space<vmem>>
      %dma_wait3A_199 = tpu.memref_squeeze %dma_wait3A_198 : memref<1x1x80xi32, #tpu.memory_space<vmem>> -> memref<80xi32, #tpu.memory_space<vmem>>
      %dma_wait3A_200 = arith.constant 0 : i32
      %dma_wait3A_201 = arith.constant 0 : i32
      %dma_wait3A_202 = tpu.memref_slice %arg3[%dma_wait3A_200, %dma_wait3A_201] : memref<10240x128xf32, #tpu.memory_space<hbm>> -> memref<10240x128xf32, #tpu.memory_space<hbm>>
      tpu.wait_indirect_dma semaphore(%arg14 : memref<!tpu.dma_semaphore, #tpu.memory_space<semaphore_mem>>) src(%dma_wait3A_202 : memref<10240x128xf32, #tpu.memory_space<hbm>>) dst(%arg9 : memref<80x128xf32, #tpu.memory_space<vmem>>)
      %run_scoped3A_203 = arith.constant 1 : i32
      %run_scoped3A_204 = arith.constant 5 : i32
      "tpu.region"() ({
        %run_scoped3A_439 = tpu.sem_alloc : memref<!tpu.dma_semaphore, #tpu.memory_space<semaphore_mem>>
        %dma_start3A_440 = arith.constant 0 : i32
        %dma_start3A_441 = tpu.memref_slice %arg6[%run_scoped3A_203, %run_scoped3A_204, %dma_start3A_440] : memref<2x8x80xi32, #tpu.memory_space<vmem>> -> memref<1x1x80xi32, #tpu.memory_space<vmem>>
        %dma_start3A_442 = tpu.memref_squeeze %dma_start3A_441 : memref<1x1x80xi32, #tpu.memory_space<vmem>> -> memref<80xi32, #tpu.memory_space<vmem>>
        %dma_start3A_443 = arith.constant 0 : i32
        %dma_start3A_444 = arith.constant 0 : i32
        %dma_start3A_445 = tpu.memref_slice %arg12[%dma_start3A_443, %dma_start3A_444] : memref<10240x128xf32, #tpu.memory_space<vmem_shared>> -> memref<10240x128xf32, #tpu.memory_space<vmem_shared>>
        tpu.enqueue_indirect_dma source(%arg9 : memref<80x128xf32, #tpu.memory_space<vmem>>) target(%dma_start3A_445 : memref<10240x128xf32, #tpu.memory_space<vmem_shared>>) offsets(%dma_start3A_442 : memref<80xi32, #tpu.memory_space<vmem>>) semaphore(%run_scoped3A_439 : memref<!tpu.dma_semaphore, #tpu.memory_space<semaphore_mem>>) {add = true}
        %dma_wait3A_446 = arith.constant 0 : i32
        %dma_wait3A_447 = tpu.memref_slice %arg6[%run_scoped3A_203, %run_scoped3A_204, %dma_wait3A_446] : memref<2x8x80xi32, #tpu.memory_space<vmem>> -> memref<1x1x80xi32, #tpu.memory_space<vmem>>
        %dma_wait3A_448 = tpu.memref_squeeze %dma_wait3A_447 : memref<1x1x80xi32, #tpu.memory_space<vmem>> -> memref<80xi32, #tpu.memory_space<vmem>>
        %dma_wait3A_449 = arith.constant 0 : i32
        %dma_wait3A_450 = arith.constant 0 : i32
        %dma_wait3A_451 = tpu.memref_slice %arg12[%dma_wait3A_449, %dma_wait3A_450] : memref<10240x128xf32, #tpu.memory_space<vmem_shared>> -> memref<10240x128xf32, #tpu.memory_space<vmem_shared>>
        tpu.wait_indirect_dma semaphore(%run_scoped3A_439 : memref<!tpu.dma_semaphore, #tpu.memory_space<semaphore_mem>>) src(%arg9 : memref<80x128xf32, #tpu.memory_space<vmem>>) dst(%dma_wait3A_451 : memref<10240x128xf32, #tpu.memory_space<vmem_shared>>)
        tpu.yield
      }) : () -> ()
      %dma_start3A_205 = arith.constant 0 : i32
      %dma_start3A_206 = arith.constant 1 : i32
      %dma_start3A_207 = arith.constant 0 : i32
      %dma_start3A_208 = tpu.memref_slice %arg7[%dma_start3A_205, %dma_start3A_206, %dma_start3A_207] : memref<2x8x80xi32, #tpu.memory_space<vmem>> -> memref<1x1x80xi32, #tpu.memory_space<vmem>>
      %dma_start3A_209 = tpu.memref_squeeze %dma_start3A_208 : memref<1x1x80xi32, #tpu.memory_space<vmem>> -> memref<80xi32, #tpu.memory_space<vmem>>
      %dma_start3A_210 = arith.constant 0 : i32
      %dma_start3A_211 = arith.constant 0 : i32
      %dma_start3A_212 = tpu.memref_slice %arg3[%dma_start3A_210, %dma_start3A_211] : memref<10240x128xf32, #tpu.memory_space<hbm>> -> memref<10240x128xf32, #tpu.memory_space<hbm>>
      tpu.enqueue_indirect_dma source(%dma_start3A_212 : memref<10240x128xf32, #tpu.memory_space<hbm>>) target(%arg9 : memref<80x128xf32, #tpu.memory_space<vmem>>) offsets(%dma_start3A_209 : memref<80xi32, #tpu.memory_space<vmem>>) semaphore(%arg14 : memref<!tpu.dma_semaphore, #tpu.memory_space<semaphore_mem>>)
      %dma_wait3A_213 = arith.constant 0 : i32
      %dma_wait3A_214 = arith.constant 6 : i32
      %dma_wait3A_215 = arith.constant 0 : i32
      %dma_wait3A_216 = tpu.memref_slice %arg6[%dma_wait3A_213, %dma_wait3A_214, %dma_wait3A_215] : memref<2x8x80xi32, #tpu.memory_space<vmem>> -> memref<1x1x80xi32, #tpu.memory_space<vmem>>
      %dma_wait3A_217 = tpu.memref_squeeze %dma_wait3A_216 : memref<1x1x80xi32, #tpu.memory_space<vmem>> -> memref<80xi32, #tpu.memory_space<vmem>>
      %dma_wait3A_218 = arith.constant 0 : i32
      %dma_wait3A_219 = arith.constant 0 : i32
      %dma_wait3A_220 = tpu.memref_slice %arg3[%dma_wait3A_218, %dma_wait3A_219] : memref<10240x128xf32, #tpu.memory_space<hbm>> -> memref<10240x128xf32, #tpu.memory_space<hbm>>
      tpu.wait_indirect_dma semaphore(%arg15 : memref<!tpu.dma_semaphore, #tpu.memory_space<semaphore_mem>>) src(%dma_wait3A_220 : memref<10240x128xf32, #tpu.memory_space<hbm>>) dst(%arg10 : memref<80x128xf32, #tpu.memory_space<vmem>>)
      %run_scoped3A_221 = arith.constant 1 : i32
      %run_scoped3A_222 = arith.constant 6 : i32
      "tpu.region"() ({
        %run_scoped3A_439 = tpu.sem_alloc : memref<!tpu.dma_semaphore, #tpu.memory_space<semaphore_mem>>
        %dma_start3A_440 = arith.constant 0 : i32
        %dma_start3A_441 = tpu.memref_slice %arg6[%run_scoped3A_221, %run_scoped3A_222, %dma_start3A_440] : memref<2x8x80xi32, #tpu.memory_space<vmem>> -> memref<1x1x80xi32, #tpu.memory_space<vmem>>
        %dma_start3A_442 = tpu.memref_squeeze %dma_start3A_441 : memref<1x1x80xi32, #tpu.memory_space<vmem>> -> memref<80xi32, #tpu.memory_space<vmem>>
        %dma_start3A_443 = arith.constant 0 : i32
        %dma_start3A_444 = arith.constant 0 : i32
        %dma_start3A_445 = tpu.memref_slice %arg12[%dma_start3A_443, %dma_start3A_444] : memref<10240x128xf32, #tpu.memory_space<vmem_shared>> -> memref<10240x128xf32, #tpu.memory_space<vmem_shared>>
        tpu.enqueue_indirect_dma source(%arg10 : memref<80x128xf32, #tpu.memory_space<vmem>>) target(%dma_start3A_445 : memref<10240x128xf32, #tpu.memory_space<vmem_shared>>) offsets(%dma_start3A_442 : memref<80xi32, #tpu.memory_space<vmem>>) semaphore(%run_scoped3A_439 : memref<!tpu.dma_semaphore, #tpu.memory_space<semaphore_mem>>) {add = true}
        %dma_wait3A_446 = arith.constant 0 : i32
        %dma_wait3A_447 = tpu.memref_slice %arg6[%run_scoped3A_221, %run_scoped3A_222, %dma_wait3A_446] : memref<2x8x80xi32, #tpu.memory_space<vmem>> -> memref<1x1x80xi32, #tpu.memory_space<vmem>>
        %dma_wait3A_448 = tpu.memref_squeeze %dma_wait3A_447 : memref<1x1x80xi32, #tpu.memory_space<vmem>> -> memref<80xi32, #tpu.memory_space<vmem>>
        %dma_wait3A_449 = arith.constant 0 : i32
        %dma_wait3A_450 = arith.constant 0 : i32
        %dma_wait3A_451 = tpu.memref_slice %arg12[%dma_wait3A_449, %dma_wait3A_450] : memref<10240x128xf32, #tpu.memory_space<vmem_shared>> -> memref<10240x128xf32, #tpu.memory_space<vmem_shared>>
        tpu.wait_indirect_dma semaphore(%run_scoped3A_439 : memref<!tpu.dma_semaphore, #tpu.memory_space<semaphore_mem>>) src(%arg10 : memref<80x128xf32, #tpu.memory_space<vmem>>) dst(%dma_wait3A_451 : memref<10240x128xf32, #tpu.memory_space<vmem_shared>>)
        tpu.yield
      }) : () -> ()
      %dma_start3A_223 = arith.constant 0 : i32
      %dma_start3A_224 = arith.constant 2 : i32
      %dma_start3A_225 = arith.constant 0 : i32
      %dma_start3A_226 = tpu.memref_slice %arg7[%dma_start3A_223, %dma_start3A_224, %dma_start3A_225] : memref<2x8x80xi32, #tpu.memory_space<vmem>> -> memref<1x1x80xi32, #tpu.memory_space<vmem>>
      %dma_start3A_227 = tpu.memref_squeeze %dma_start3A_226 : memref<1x1x80xi32, #tpu.memory_space<vmem>> -> memref<80xi32, #tpu.memory_space<vmem>>
      %dma_start3A_228 = arith.constant 0 : i32
      %dma_start3A_229 = arith.constant 0 : i32
      %dma_start3A_230 = tpu.memref_slice %arg3[%dma_start3A_228, %dma_start3A_229] : memref<10240x128xf32, #tpu.memory_space<hbm>> -> memref<10240x128xf32, #tpu.memory_space<hbm>>
      tpu.enqueue_indirect_dma source(%dma_start3A_230 : memref<10240x128xf32, #tpu.memory_space<hbm>>) target(%arg10 : memref<80x128xf32, #tpu.memory_space<vmem>>) offsets(%dma_start3A_227 : memref<80xi32, #tpu.memory_space<vmem>>) semaphore(%arg15 : memref<!tpu.dma_semaphore, #tpu.memory_space<semaphore_mem>>)
      %dma_wait3A_231 = arith.constant 0 : i32
      %dma_wait3A_232 = arith.constant 7 : i32
      %dma_wait3A_233 = arith.constant 0 : i32
      %dma_wait3A_234 = tpu.memref_slice %arg6[%dma_wait3A_231, %dma_wait3A_232, %dma_wait3A_233] : memref<2x8x80xi32, #tpu.memory_space<vmem>> -> memref<1x1x80xi32, #tpu.memory_space<vmem>>
      %dma_wait3A_235 = tpu.memref_squeeze %dma_wait3A_234 : memref<1x1x80xi32, #tpu.memory_space<vmem>> -> memref<80xi32, #tpu.memory_space<vmem>>
      %dma_wait3A_236 = arith.constant 0 : i32
      %dma_wait3A_237 = arith.constant 0 : i32
      %dma_wait3A_238 = tpu.memref_slice %arg3[%dma_wait3A_236, %dma_wait3A_237] : memref<10240x128xf32, #tpu.memory_space<hbm>> -> memref<10240x128xf32, #tpu.memory_space<hbm>>
      tpu.wait_indirect_dma semaphore(%arg16 : memref<!tpu.dma_semaphore, #tpu.memory_space<semaphore_mem>>) src(%dma_wait3A_238 : memref<10240x128xf32, #tpu.memory_space<hbm>>) dst(%arg11 : memref<80x128xf32, #tpu.memory_space<vmem>>)
      %run_scoped3A_239 = arith.constant 1 : i32
      %run_scoped3A_240 = arith.constant 7 : i32
      "tpu.region"() ({
        %run_scoped3A_439 = tpu.sem_alloc : memref<!tpu.dma_semaphore, #tpu.memory_space<semaphore_mem>>
        %dma_start3A_440 = arith.constant 0 : i32
        %dma_start3A_441 = tpu.memref_slice %arg6[%run_scoped3A_239, %run_scoped3A_240, %dma_start3A_440] : memref<2x8x80xi32, #tpu.memory_space<vmem>> -> memref<1x1x80xi32, #tpu.memory_space<vmem>>
        %dma_start3A_442 = tpu.memref_squeeze %dma_start3A_441 : memref<1x1x80xi32, #tpu.memory_space<vmem>> -> memref<80xi32, #tpu.memory_space<vmem>>
        %dma_start3A_443 = arith.constant 0 : i32
        %dma_start3A_444 = arith.constant 0 : i32
        %dma_start3A_445 = tpu.memref_slice %arg12[%dma_start3A_443, %dma_start3A_444] : memref<10240x128xf32, #tpu.memory_space<vmem_shared>> -> memref<10240x128xf32, #tpu.memory_space<vmem_shared>>
        tpu.enqueue_indirect_dma source(%arg11 : memref<80x128xf32, #tpu.memory_space<vmem>>) target(%dma_start3A_445 : memref<10240x128xf32, #tpu.memory_space<vmem_shared>>) offsets(%dma_start3A_442 : memref<80xi32, #tpu.memory_space<vmem>>) semaphore(%run_scoped3A_439 : memref<!tpu.dma_semaphore, #tpu.memory_space<semaphore_mem>>) {add = true}
        %dma_wait3A_446 = arith.constant 0 : i32
        %dma_wait3A_447 = tpu.memref_slice %arg6[%run_scoped3A_239, %run_scoped3A_240, %dma_wait3A_446] : memref<2x8x80xi32, #tpu.memory_space<vmem>> -> memref<1x1x80xi32, #tpu.memory_space<vmem>>
        %dma_wait3A_448 = tpu.memref_squeeze %dma_wait3A_447 : memref<1x1x80xi32, #tpu.memory_space<vmem>> -> memref<80xi32, #tpu.memory_space<vmem>>
        %dma_wait3A_449 = arith.constant 0 : i32
        %dma_wait3A_450 = arith.constant 0 : i32
        %dma_wait3A_451 = tpu.memref_slice %arg12[%dma_wait3A_449, %dma_wait3A_450] : memref<10240x128xf32, #tpu.memory_space<vmem_shared>> -> memref<10240x128xf32, #tpu.memory_space<vmem_shared>>
        tpu.wait_indirect_dma semaphore(%run_scoped3A_439 : memref<!tpu.dma_semaphore, #tpu.memory_space<semaphore_mem>>) src(%arg11 : memref<80x128xf32, #tpu.memory_space<vmem>>) dst(%dma_wait3A_451 : memref<10240x128xf32, #tpu.memory_space<vmem_shared>>)
        tpu.yield
      }) : () -> ()
      %dma_start3A_241 = arith.constant 0 : i32
      %dma_start3A_242 = arith.constant 3 : i32
      %dma_start3A_243 = arith.constant 0 : i32
      %dma_start3A_244 = tpu.memref_slice %arg7[%dma_start3A_241, %dma_start3A_242, %dma_start3A_243] : memref<2x8x80xi32, #tpu.memory_space<vmem>> -> memref<1x1x80xi32, #tpu.memory_space<vmem>>
      %dma_start3A_245 = tpu.memref_squeeze %dma_start3A_244 : memref<1x1x80xi32, #tpu.memory_space<vmem>> -> memref<80xi32, #tpu.memory_space<vmem>>
      %dma_start3A_246 = arith.constant 0 : i32
      %dma_start3A_247 = arith.constant 0 : i32
      %dma_start3A_248 = tpu.memref_slice %arg3[%dma_start3A_246, %dma_start3A_247] : memref<10240x128xf32, #tpu.memory_space<hbm>> -> memref<10240x128xf32, #tpu.memory_space<hbm>>
      tpu.enqueue_indirect_dma source(%dma_start3A_248 : memref<10240x128xf32, #tpu.memory_space<hbm>>) target(%arg11 : memref<80x128xf32, #tpu.memory_space<vmem>>) offsets(%dma_start3A_245 : memref<80xi32, #tpu.memory_space<vmem>>) semaphore(%arg16 : memref<!tpu.dma_semaphore, #tpu.memory_space<semaphore_mem>>)
      %mul3A_249 = arith.constant 2 : i32
      %mul3A_250 = arith.muli %mul3A_249, %scan3A_93 : i32
      %add3A_251 = arith.constant 2 : i32
      %add3A_252 = arith.addi %mul3A_250, %add3A_251 : i32
      %add3A_253 = arith.constant 0 : i32
      %add3A_254 = arith.addi %add3A_252, %add3A_253 : i32
      %min3A = arith.constant 15 : i32
      %min3A_255 = arith.minsi %add3A_254, %min3A : i32
      %dma_start3A_256 = arith.constant 0 : i32
      %dma_start3A_257 = arith.constant 0 : i32
      %dma_start3A_258 = arith.constant 0 : i32
      %dma_start3A_259 = tpu.memref_slice %arg2[%add3A, %min3A_255, %dma_start3A_256, %dma_start3A_257, %dma_start3A_258] : memref<32x16x2x8x80xi32, #tpu.memory_space<hbm>> -> memref<1x1x2x8x80xi32, #tpu.memory_space<hbm>>
      %dma_start3A_260 = tpu.memref_squeeze %dma_start3A_259 : memref<1x1x2x8x80xi32, #tpu.memory_space<hbm>> -> memref<2x8x80xi32, #tpu.memory_space<hbm>>
      %dma_start3A_261 = arith.constant 0 : i32
      %dma_start3A_262 = arith.constant 0 : i32
      %dma_start3A_263 = arith.constant 0 : i32
      %dma_start3A_264 = tpu.memref_slice %arg2[%add3A, %min3A_255, %dma_start3A_261, %dma_start3A_262, %dma_start3A_263] : memref<32x16x2x8x80xi32, #tpu.memory_space<hbm>> -> memref<1x1x2x8x80xi32, #tpu.memory_space<hbm>>
      %dma_start3A_265 = tpu.memref_squeeze %dma_start3A_264 : memref<1x1x2x8x80xi32, #tpu.memory_space<hbm>> -> memref<2x8x80xi32, #tpu.memory_space<hbm>>
      tpu.enqueue_dma source(%dma_start3A_265 : memref<2x8x80xi32, #tpu.memory_space<hbm>>) target(%arg6 : memref<2x8x80xi32, #tpu.memory_space<vmem>>) target_semaphore(%arg17 : memref<!tpu.dma_semaphore, #tpu.memory_space<semaphore_mem>>)
      %dma_wait3A_266 = arith.constant 0 : i32
      %dma_wait3A_267 = arith.constant 0 : i32
      %dma_wait3A_268 = arith.constant 0 : i32
      %dma_wait3A_269 = arith.constant 0 : i32
      %dma_wait3A_270 = tpu.memref_slice %arg2[%add3A, %dma_wait3A_266, %dma_wait3A_267, %dma_wait3A_268, %dma_wait3A_269] : memref<32x16x2x8x80xi32, #tpu.memory_space<hbm>> -> memref<1x1x2x8x80xi32, #tpu.memory_space<hbm>>
      %dma_wait3A_271 = tpu.memref_squeeze %dma_wait3A_270 : memref<1x1x2x8x80xi32, #tpu.memory_space<hbm>> -> memref<2x8x80xi32, #tpu.memory_space<hbm>>
      %dma_wait3A_272 = arith.constant 0 : i32
      %dma_wait3A_273 = arith.constant 0 : i32
      %dma_wait3A_274 = arith.constant 0 : i32
      %dma_wait3A_275 = tpu.memref_slice %arg2[%add3A, %dma_wait3A_266, %dma_wait3A_272, %dma_wait3A_273, %dma_wait3A_274] : memref<32x16x2x8x80xi32, #tpu.memory_space<hbm>> -> memref<1x1x2x8x80xi32, #tpu.memory_space<hbm>>
      %dma_wait3A_276 = tpu.memref_squeeze %dma_wait3A_275 : memref<1x1x2x8x80xi32, #tpu.memory_space<hbm>> -> memref<2x8x80xi32, #tpu.memory_space<hbm>>
      tpu.wait_dma2 semaphore(%arg17 : memref<!tpu.dma_semaphore, #tpu.memory_space<semaphore_mem>>) src(%dma_wait3A_276 : memref<2x8x80xi32, #tpu.memory_space<hbm>>) dst(%arg6 : memref<2x8x80xi32, #tpu.memory_space<vmem>>)
      %dma_wait3A_277 = arith.constant 0 : i32
      %dma_wait3A_278 = arith.constant 0 : i32
      %dma_wait3A_279 = arith.constant 0 : i32
      %dma_wait3A_280 = tpu.memref_slice %arg7[%dma_wait3A_277, %dma_wait3A_278, %dma_wait3A_279] : memref<2x8x80xi32, #tpu.memory_space<vmem>> -> memref<1x1x80xi32, #tpu.memory_space<vmem>>
      %dma_wait3A_281 = tpu.memref_squeeze %dma_wait3A_280 : memref<1x1x80xi32, #tpu.memory_space<vmem>> -> memref<80xi32, #tpu.memory_space<vmem>>
      %dma_wait3A_282 = arith.constant 0 : i32
      %dma_wait3A_283 = arith.constant 0 : i32
      %dma_wait3A_284 = tpu.memref_slice %arg3[%dma_wait3A_282, %dma_wait3A_283] : memref<10240x128xf32, #tpu.memory_space<hbm>> -> memref<10240x128xf32, #tpu.memory_space<hbm>>
      tpu.wait_indirect_dma semaphore(%arg13 : memref<!tpu.dma_semaphore, #tpu.memory_space<semaphore_mem>>) src(%dma_wait3A_284 : memref<10240x128xf32, #tpu.memory_space<hbm>>) dst(%arg8 : memref<80x128xf32, #tpu.memory_space<vmem>>)
      %run_scoped3A_285 = arith.constant 1 : i32
      %run_scoped3A_286 = arith.constant 0 : i32
      "tpu.region"() ({
        %run_scoped3A_439 = tpu.sem_alloc : memref<!tpu.dma_semaphore, #tpu.memory_space<semaphore_mem>>
        %dma_start3A_440 = arith.constant 0 : i32
        %dma_start3A_441 = tpu.memref_slice %arg7[%run_scoped3A_285, %run_scoped3A_286, %dma_start3A_440] : memref<2x8x80xi32, #tpu.memory_space<vmem>> -> memref<1x1x80xi32, #tpu.memory_space<vmem>>
        %dma_start3A_442 = tpu.memref_squeeze %dma_start3A_441 : memref<1x1x80xi32, #tpu.memory_space<vmem>> -> memref<80xi32, #tpu.memory_space<vmem>>
        %dma_start3A_443 = arith.constant 0 : i32
        %dma_start3A_444 = arith.constant 0 : i32
        %dma_start3A_445 = tpu.memref_slice %arg12[%dma_start3A_443, %dma_start3A_444] : memref<10240x128xf32, #tpu.memory_space<vmem_shared>> -> memref<10240x128xf32, #tpu.memory_space<vmem_shared>>
        tpu.enqueue_indirect_dma source(%arg8 : memref<80x128xf32, #tpu.memory_space<vmem>>) target(%dma_start3A_445 : memref<10240x128xf32, #tpu.memory_space<vmem_shared>>) offsets(%dma_start3A_442 : memref<80xi32, #tpu.memory_space<vmem>>) semaphore(%run_scoped3A_439 : memref<!tpu.dma_semaphore, #tpu.memory_space<semaphore_mem>>) {add = true}
        %dma_wait3A_446 = arith.constant 0 : i32
        %dma_wait3A_447 = tpu.memref_slice %arg7[%run_scoped3A_285, %run_scoped3A_286, %dma_wait3A_446] : memref<2x8x80xi32, #tpu.memory_space<vmem>> -> memref<1x1x80xi32, #tpu.memory_space<vmem>>
        %dma_wait3A_448 = tpu.memref_squeeze %dma_wait3A_447 : memref<1x1x80xi32, #tpu.memory_space<vmem>> -> memref<80xi32, #tpu.memory_space<vmem>>
        %dma_wait3A_449 = arith.constant 0 : i32
        %dma_wait3A_450 = arith.constant 0 : i32
        %dma_wait3A_451 = tpu.memref_slice %arg12[%dma_wait3A_449, %dma_wait3A_450] : memref<10240x128xf32, #tpu.memory_space<vmem_shared>> -> memref<10240x128xf32, #tpu.memory_space<vmem_shared>>
        tpu.wait_indirect_dma semaphore(%run_scoped3A_439 : memref<!tpu.dma_semaphore, #tpu.memory_space<semaphore_mem>>) src(%arg8 : memref<80x128xf32, #tpu.memory_space<vmem>>) dst(%dma_wait3A_451 : memref<10240x128xf32, #tpu.memory_space<vmem_shared>>)
        tpu.yield
      }) : () -> ()
      %dma_start3A_287 = arith.constant 0 : i32
      %dma_start3A_288 = arith.constant 4 : i32
      %dma_start3A_289 = arith.constant 0 : i32
      %dma_start3A_290 = tpu.memref_slice %arg7[%dma_start3A_287, %dma_start3A_288, %dma_start3A_289] : memref<2x8x80xi32, #tpu.memory_space<vmem>> -> memref<1x1x80xi32, #tpu.memory_space<vmem>>
      %dma_start3A_291 = tpu.memref_squeeze %dma_start3A_290 : memref<1x1x80xi32, #tpu.memory_space<vmem>> -> memref<80xi32, #tpu.memory_space<vmem>>
      %dma_start3A_292 = arith.constant 0 : i32
      %dma_start3A_293 = arith.constant 0 : i32
      %dma_start3A_294 = tpu.memref_slice %arg3[%dma_start3A_292, %dma_start3A_293] : memref<10240x128xf32, #tpu.memory_space<hbm>> -> memref<10240x128xf32, #tpu.memory_space<hbm>>
      tpu.enqueue_indirect_dma source(%dma_start3A_294 : memref<10240x128xf32, #tpu.memory_space<hbm>>) target(%arg8 : memref<80x128xf32, #tpu.memory_space<vmem>>) offsets(%dma_start3A_291 : memref<80xi32, #tpu.memory_space<vmem>>) semaphore(%arg13 : memref<!tpu.dma_semaphore, #tpu.memory_space<semaphore_mem>>)
      %dma_wait3A_295 = arith.constant 0 : i32
      %dma_wait3A_296 = arith.constant 1 : i32
      %dma_wait3A_297 = arith.constant 0 : i32
      %dma_wait3A_298 = tpu.memref_slice %arg7[%dma_wait3A_295, %dma_wait3A_296, %dma_wait3A_297] : memref<2x8x80xi32, #tpu.memory_space<vmem>> -> memref<1x1x80xi32, #tpu.memory_space<vmem>>
      %dma_wait3A_299 = tpu.memref_squeeze %dma_wait3A_298 : memref<1x1x80xi32, #tpu.memory_space<vmem>> -> memref<80xi32, #tpu.memory_space<vmem>>
      %dma_wait3A_300 = arith.constant 0 : i32
      %dma_wait3A_301 = arith.constant 0 : i32
      %dma_wait3A_302 = tpu.memref_slice %arg3[%dma_wait3A_300, %dma_wait3A_301] : memref<10240x128xf32, #tpu.memory_space<hbm>> -> memref<10240x128xf32, #tpu.memory_space<hbm>>
      tpu.wait_indirect_dma semaphore(%arg14 : memref<!tpu.dma_semaphore, #tpu.memory_space<semaphore_mem>>) src(%dma_wait3A_302 : memref<10240x128xf32, #tpu.memory_space<hbm>>) dst(%arg9 : memref<80x128xf32, #tpu.memory_space<vmem>>)
      %run_scoped3A_303 = arith.constant 1 : i32
      %run_scoped3A_304 = arith.constant 1 : i32
      "tpu.region"() ({
        %run_scoped3A_439 = tpu.sem_alloc : memref<!tpu.dma_semaphore, #tpu.memory_space<semaphore_mem>>
        %dma_start3A_440 = arith.constant 0 : i32
        %dma_start3A_441 = tpu.memref_slice %arg7[%run_scoped3A_303, %run_scoped3A_304, %dma_start3A_440] : memref<2x8x80xi32, #tpu.memory_space<vmem>> -> memref<1x1x80xi32, #tpu.memory_space<vmem>>
        %dma_start3A_442 = tpu.memref_squeeze %dma_start3A_441 : memref<1x1x80xi32, #tpu.memory_space<vmem>> -> memref<80xi32, #tpu.memory_space<vmem>>
        %dma_start3A_443 = arith.constant 0 : i32
        %dma_start3A_444 = arith.constant 0 : i32
        %dma_start3A_445 = tpu.memref_slice %arg12[%dma_start3A_443, %dma_start3A_444] : memref<10240x128xf32, #tpu.memory_space<vmem_shared>> -> memref<10240x128xf32, #tpu.memory_space<vmem_shared>>
        tpu.enqueue_indirect_dma source(%arg9 : memref<80x128xf32, #tpu.memory_space<vmem>>) target(%dma_start3A_445 : memref<10240x128xf32, #tpu.memory_space<vmem_shared>>) offsets(%dma_start3A_442 : memref<80xi32, #tpu.memory_space<vmem>>) semaphore(%run_scoped3A_439 : memref<!tpu.dma_semaphore, #tpu.memory_space<semaphore_mem>>) {add = true}
        %dma_wait3A_446 = arith.constant 0 : i32
        %dma_wait3A_447 = tpu.memref_slice %arg7[%run_scoped3A_303, %run_scoped3A_304, %dma_wait3A_446] : memref<2x8x80xi32, #tpu.memory_space<vmem>> -> memref<1x1x80xi32, #tpu.memory_space<vmem>>
        %dma_wait3A_448 = tpu.memref_squeeze %dma_wait3A_447 : memref<1x1x80xi32, #tpu.memory_space<vmem>> -> memref<80xi32, #tpu.memory_space<vmem>>
        %dma_wait3A_449 = arith.constant 0 : i32
        %dma_wait3A_450 = arith.constant 0 : i32
        %dma_wait3A_451 = tpu.memref_slice %arg12[%dma_wait3A_449, %dma_wait3A_450] : memref<10240x128xf32, #tpu.memory_space<vmem_shared>> -> memref<10240x128xf32, #tpu.memory_space<vmem_shared>>
        tpu.wait_indirect_dma semaphore(%run_scoped3A_439 : memref<!tpu.dma_semaphore, #tpu.memory_space<semaphore_mem>>) src(%arg9 : memref<80x128xf32, #tpu.memory_space<vmem>>) dst(%dma_wait3A_451 : memref<10240x128xf32, #tpu.memory_space<vmem_shared>>)
        tpu.yield
      }) : () -> ()
      %dma_start3A_305 = arith.constant 0 : i32
      %dma_start3A_306 = arith.constant 5 : i32
      %dma_start3A_307 = arith.constant 0 : i32
      %dma_start3A_308 = tpu.memref_slice %arg7[%dma_start3A_305, %dma_start3A_306, %dma_start3A_307] : memref<2x8x80xi32, #tpu.memory_space<vmem>> -> memref<1x1x80xi32, #tpu.memory_space<vmem>>
      %dma_start3A_309 = tpu.memref_squeeze %dma_start3A_308 : memref<1x1x80xi32, #tpu.memory_space<vmem>> -> memref<80xi32, #tpu.memory_space<vmem>>
      %dma_start3A_310 = arith.constant 0 : i32
      %dma_start3A_311 = arith.constant 0 : i32
      %dma_start3A_312 = tpu.memref_slice %arg3[%dma_start3A_310, %dma_start3A_311] : memref<10240x128xf32, #tpu.memory_space<hbm>> -> memref<10240x128xf32, #tpu.memory_space<hbm>>
      tpu.enqueue_indirect_dma source(%dma_start3A_312 : memref<10240x128xf32, #tpu.memory_space<hbm>>) target(%arg9 : memref<80x128xf32, #tpu.memory_space<vmem>>) offsets(%dma_start3A_309 : memref<80xi32, #tpu.memory_space<vmem>>) semaphore(%arg14 : memref<!tpu.dma_semaphore, #tpu.memory_space<semaphore_mem>>)
      %dma_wait3A_313 = arith.constant 0 : i32
      %dma_wait3A_314 = arith.constant 2 : i32
      %dma_wait3A_315 = arith.constant 0 : i32
      %dma_wait3A_316 = tpu.memref_slice %arg7[%dma_wait3A_313, %dma_wait3A_314, %dma_wait3A_315] : memref<2x8x80xi32, #tpu.memory_space<vmem>> -> memref<1x1x80xi32, #tpu.memory_space<vmem>>
      %dma_wait3A_317 = tpu.memref_squeeze %dma_wait3A_316 : memref<1x1x80xi32, #tpu.memory_space<vmem>> -> memref<80xi32, #tpu.memory_space<vmem>>
      %dma_wait3A_318 = arith.constant 0 : i32
      %dma_wait3A_319 = arith.constant 0 : i32
      %dma_wait3A_320 = tpu.memref_slice %arg3[%dma_wait3A_318, %dma_wait3A_319] : memref<10240x128xf32, #tpu.memory_space<hbm>> -> memref<10240x128xf32, #tpu.memory_space<hbm>>
      tpu.wait_indirect_dma semaphore(%arg15 : memref<!tpu.dma_semaphore, #tpu.memory_space<semaphore_mem>>) src(%dma_wait3A_320 : memref<10240x128xf32, #tpu.memory_space<hbm>>) dst(%arg10 : memref<80x128xf32, #tpu.memory_space<vmem>>)
      %run_scoped3A_321 = arith.constant 1 : i32
      %run_scoped3A_322 = arith.constant 2 : i32
      "tpu.region"() ({
        %run_scoped3A_439 = tpu.sem_alloc : memref<!tpu.dma_semaphore, #tpu.memory_space<semaphore_mem>>
        %dma_start3A_440 = arith.constant 0 : i32
        %dma_start3A_441 = tpu.memref_slice %arg7[%run_scoped3A_321, %run_scoped3A_322, %dma_start3A_440] : memref<2x8x80xi32, #tpu.memory_space<vmem>> -> memref<1x1x80xi32, #tpu.memory_space<vmem>>
        %dma_start3A_442 = tpu.memref_squeeze %dma_start3A_441 : memref<1x1x80xi32, #tpu.memory_space<vmem>> -> memref<80xi32, #tpu.memory_space<vmem>>
        %dma_start3A_443 = arith.constant 0 : i32
        %dma_start3A_444 = arith.constant 0 : i32
        %dma_start3A_445 = tpu.memref_slice %arg12[%dma_start3A_443, %dma_start3A_444] : memref<10240x128xf32, #tpu.memory_space<vmem_shared>> -> memref<10240x128xf32, #tpu.memory_space<vmem_shared>>
        tpu.enqueue_indirect_dma source(%arg10 : memref<80x128xf32, #tpu.memory_space<vmem>>) target(%dma_start3A_445 : memref<10240x128xf32, #tpu.memory_space<vmem_shared>>) offsets(%dma_start3A_442 : memref<80xi32, #tpu.memory_space<vmem>>) semaphore(%run_scoped3A_439 : memref<!tpu.dma_semaphore, #tpu.memory_space<semaphore_mem>>) {add = true}
        %dma_wait3A_446 = arith.constant 0 : i32
        %dma_wait3A_447 = tpu.memref_slice %arg7[%run_scoped3A_321, %run_scoped3A_322, %dma_wait3A_446] : memref<2x8x80xi32, #tpu.memory_space<vmem>> -> memref<1x1x80xi32, #tpu.memory_space<vmem>>
        %dma_wait3A_448 = tpu.memref_squeeze %dma_wait3A_447 : memref<1x1x80xi32, #tpu.memory_space<vmem>> -> memref<80xi32, #tpu.memory_space<vmem>>
        %dma_wait3A_449 = arith.constant 0 : i32
        %dma_wait3A_450 = arith.constant 0 : i32
        %dma_wait3A_451 = tpu.memref_slice %arg12[%dma_wait3A_449, %dma_wait3A_450] : memref<10240x128xf32, #tpu.memory_space<vmem_shared>> -> memref<10240x128xf32, #tpu.memory_space<vmem_shared>>
        tpu.wait_indirect_dma semaphore(%run_scoped3A_439 : memref<!tpu.dma_semaphore, #tpu.memory_space<semaphore_mem>>) src(%arg10 : memref<80x128xf32, #tpu.memory_space<vmem>>) dst(%dma_wait3A_451 : memref<10240x128xf32, #tpu.memory_space<vmem_shared>>)
        tpu.yield
      }) : () -> ()
      %dma_start3A_323 = arith.constant 0 : i32
      %dma_start3A_324 = arith.constant 6 : i32
      %dma_start3A_325 = arith.constant 0 : i32
      %dma_start3A_326 = tpu.memref_slice %arg7[%dma_start3A_323, %dma_start3A_324, %dma_start3A_325] : memref<2x8x80xi32, #tpu.memory_space<vmem>> -> memref<1x1x80xi32, #tpu.memory_space<vmem>>
      %dma_start3A_327 = tpu.memref_squeeze %dma_start3A_326 : memref<1x1x80xi32, #tpu.memory_space<vmem>> -> memref<80xi32, #tpu.memory_space<vmem>>
      %dma_start3A_328 = arith.constant 0 : i32
      %dma_start3A_329 = arith.constant 0 : i32
      %dma_start3A_330 = tpu.memref_slice %arg3[%dma_start3A_328, %dma_start3A_329] : memref<10240x128xf32, #tpu.memory_space<hbm>> -> memref<10240x128xf32, #tpu.memory_space<hbm>>
      tpu.enqueue_indirect_dma source(%dma_start3A_330 : memref<10240x128xf32, #tpu.memory_space<hbm>>) target(%arg10 : memref<80x128xf32, #tpu.memory_space<vmem>>) offsets(%dma_start3A_327 : memref<80xi32, #tpu.memory_space<vmem>>) semaphore(%arg15 : memref<!tpu.dma_semaphore, #tpu.memory_space<semaphore_mem>>)
      %dma_wait3A_331 = arith.constant 0 : i32
      %dma_wait3A_332 = arith.constant 3 : i32
      %dma_wait3A_333 = arith.constant 0 : i32
      %dma_wait3A_334 = tpu.memref_slice %arg7[%dma_wait3A_331, %dma_wait3A_332, %dma_wait3A_333] : memref<2x8x80xi32, #tpu.memory_space<vmem>> -> memref<1x1x80xi32, #tpu.memory_space<vmem>>
      %dma_wait3A_335 = tpu.memref_squeeze %dma_wait3A_334 : memref<1x1x80xi32, #tpu.memory_space<vmem>> -> memref<80xi32, #tpu.memory_space<vmem>>
      %dma_wait3A_336 = arith.constant 0 : i32
      %dma_wait3A_337 = arith.constant 0 : i32
      %dma_wait3A_338 = tpu.memref_slice %arg3[%dma_wait3A_336, %dma_wait3A_337] : memref<10240x128xf32, #tpu.memory_space<hbm>> -> memref<10240x128xf32, #tpu.memory_space<hbm>>
      tpu.wait_indirect_dma semaphore(%arg16 : memref<!tpu.dma_semaphore, #tpu.memory_space<semaphore_mem>>) src(%dma_wait3A_338 : memref<10240x128xf32, #tpu.memory_space<hbm>>) dst(%arg11 : memref<80x128xf32, #tpu.memory_space<vmem>>)
      %run_scoped3A_339 = arith.constant 1 : i32
      %run_scoped3A_340 = arith.constant 3 : i32
      "tpu.region"() ({
        %run_scoped3A_439 = tpu.sem_alloc : memref<!tpu.dma_semaphore, #tpu.memory_space<semaphore_mem>>
        %dma_start3A_440 = arith.constant 0 : i32
        %dma_start3A_441 = tpu.memref_slice %arg7[%run_scoped3A_339, %run_scoped3A_340, %dma_start3A_440] : memref<2x8x80xi32, #tpu.memory_space<vmem>> -> memref<1x1x80xi32, #tpu.memory_space<vmem>>
        %dma_start3A_442 = tpu.memref_squeeze %dma_start3A_441 : memref<1x1x80xi32, #tpu.memory_space<vmem>> -> memref<80xi32, #tpu.memory_space<vmem>>
        %dma_start3A_443 = arith.constant 0 : i32
        %dma_start3A_444 = arith.constant 0 : i32
        %dma_start3A_445 = tpu.memref_slice %arg12[%dma_start3A_443, %dma_start3A_444] : memref<10240x128xf32, #tpu.memory_space<vmem_shared>> -> memref<10240x128xf32, #tpu.memory_space<vmem_shared>>
        tpu.enqueue_indirect_dma source(%arg11 : memref<80x128xf32, #tpu.memory_space<vmem>>) target(%dma_start3A_445 : memref<10240x128xf32, #tpu.memory_space<vmem_shared>>) offsets(%dma_start3A_442 : memref<80xi32, #tpu.memory_space<vmem>>) semaphore(%run_scoped3A_439 : memref<!tpu.dma_semaphore, #tpu.memory_space<semaphore_mem>>) {add = true}
        %dma_wait3A_446 = arith.constant 0 : i32
        %dma_wait3A_447 = tpu.memref_slice %arg7[%run_scoped3A_339, %run_scoped3A_340, %dma_wait3A_446] : memref<2x8x80xi32, #tpu.memory_space<vmem>> -> memref<1x1x80xi32, #tpu.memory_space<vmem>>
        %dma_wait3A_448 = tpu.memref_squeeze %dma_wait3A_447 : memref<1x1x80xi32, #tpu.memory_space<vmem>> -> memref<80xi32, #tpu.memory_space<vmem>>
        %dma_wait3A_449 = arith.constant 0 : i32
        %dma_wait3A_450 = arith.constant 0 : i32
        %dma_wait3A_451 = tpu.memref_slice %arg12[%dma_wait3A_449, %dma_wait3A_450] : memref<10240x128xf32, #tpu.memory_space<vmem_shared>> -> memref<10240x128xf32, #tpu.memory_space<vmem_shared>>
        tpu.wait_indirect_dma semaphore(%run_scoped3A_439 : memref<!tpu.dma_semaphore, #tpu.memory_space<semaphore_mem>>) src(%arg11 : memref<80x128xf32, #tpu.memory_space<vmem>>) dst(%dma_wait3A_451 : memref<10240x128xf32, #tpu.memory_space<vmem_shared>>)
        tpu.yield
      }) : () -> ()
      %dma_start3A_341 = arith.constant 0 : i32
      %dma_start3A_342 = arith.constant 7 : i32
      %dma_start3A_343 = arith.constant 0 : i32
      %dma_start3A_344 = tpu.memref_slice %arg7[%dma_start3A_341, %dma_start3A_342, %dma_start3A_343] : memref<2x8x80xi32, #tpu.memory_space<vmem>> -> memref<1x1x80xi32, #tpu.memory_space<vmem>>
      %dma_start3A_345 = tpu.memref_squeeze %dma_start3A_344 : memref<1x1x80xi32, #tpu.memory_space<vmem>> -> memref<80xi32, #tpu.memory_space<vmem>>
      %dma_start3A_346 = arith.constant 0 : i32
      %dma_start3A_347 = arith.constant 0 : i32
      %dma_start3A_348 = tpu.memref_slice %arg3[%dma_start3A_346, %dma_start3A_347] : memref<10240x128xf32, #tpu.memory_space<hbm>> -> memref<10240x128xf32, #tpu.memory_space<hbm>>
      tpu.enqueue_indirect_dma source(%dma_start3A_348 : memref<10240x128xf32, #tpu.memory_space<hbm>>) target(%arg11 : memref<80x128xf32, #tpu.memory_space<vmem>>) offsets(%dma_start3A_345 : memref<80xi32, #tpu.memory_space<vmem>>) semaphore(%arg16 : memref<!tpu.dma_semaphore, #tpu.memory_space<semaphore_mem>>)
      %dma_wait3A_349 = arith.constant 0 : i32
      %dma_wait3A_350 = arith.constant 4 : i32
      %dma_wait3A_351 = arith.constant 0 : i32
      %dma_wait3A_352 = tpu.memref_slice %arg7[%dma_wait3A_349, %dma_wait3A_350, %dma_wait3A_351] : memref<2x8x80xi32, #tpu.memory_space<vmem>> -> memref<1x1x80xi32, #tpu.memory_space<vmem>>
      %dma_wait3A_353 = tpu.memref_squeeze %dma_wait3A_352 : memref<1x1x80xi32, #tpu.memory_space<vmem>> -> memref<80xi32, #tpu.memory_space<vmem>>
      %dma_wait3A_354 = arith.constant 0 : i32
      %dma_wait3A_355 = arith.constant 0 : i32
      %dma_wait3A_356 = tpu.memref_slice %arg3[%dma_wait3A_354, %dma_wait3A_355] : memref<10240x128xf32, #tpu.memory_space<hbm>> -> memref<10240x128xf32, #tpu.memory_space<hbm>>
      tpu.wait_indirect_dma semaphore(%arg13 : memref<!tpu.dma_semaphore, #tpu.memory_space<semaphore_mem>>) src(%dma_wait3A_356 : memref<10240x128xf32, #tpu.memory_space<hbm>>) dst(%arg8 : memref<80x128xf32, #tpu.memory_space<vmem>>)
      %run_scoped3A_357 = arith.constant 1 : i32
      %run_scoped3A_358 = arith.constant 4 : i32
      "tpu.region"() ({
        %run_scoped3A_439 = tpu.sem_alloc : memref<!tpu.dma_semaphore, #tpu.memory_space<semaphore_mem>>
        %dma_start3A_440 = arith.constant 0 : i32
        %dma_start3A_441 = tpu.memref_slice %arg7[%run_scoped3A_357, %run_scoped3A_358, %dma_start3A_440] : memref<2x8x80xi32, #tpu.memory_space<vmem>> -> memref<1x1x80xi32, #tpu.memory_space<vmem>>
        %dma_start3A_442 = tpu.memref_squeeze %dma_start3A_441 : memref<1x1x80xi32, #tpu.memory_space<vmem>> -> memref<80xi32, #tpu.memory_space<vmem>>
        %dma_start3A_443 = arith.constant 0 : i32
        %dma_start3A_444 = arith.constant 0 : i32
        %dma_start3A_445 = tpu.memref_slice %arg12[%dma_start3A_443, %dma_start3A_444] : memref<10240x128xf32, #tpu.memory_space<vmem_shared>> -> memref<10240x128xf32, #tpu.memory_space<vmem_shared>>
        tpu.enqueue_indirect_dma source(%arg8 : memref<80x128xf32, #tpu.memory_space<vmem>>) target(%dma_start3A_445 : memref<10240x128xf32, #tpu.memory_space<vmem_shared>>) offsets(%dma_start3A_442 : memref<80xi32, #tpu.memory_space<vmem>>) semaphore(%run_scoped3A_439 : memref<!tpu.dma_semaphore, #tpu.memory_space<semaphore_mem>>) {add = true}
        %dma_wait3A_446 = arith.constant 0 : i32
        %dma_wait3A_447 = tpu.memref_slice %arg7[%run_scoped3A_357, %run_scoped3A_358, %dma_wait3A_446] : memref<2x8x80xi32, #tpu.memory_space<vmem>> -> memref<1x1x80xi32, #tpu.memory_space<vmem>>
        %dma_wait3A_448 = tpu.memref_squeeze %dma_wait3A_447 : memref<1x1x80xi32, #tpu.memory_space<vmem>> -> memref<80xi32, #tpu.memory_space<vmem>>
        %dma_wait3A_449 = arith.constant 0 : i32
        %dma_wait3A_450 = arith.constant 0 : i32
        %dma_wait3A_451 = tpu.memref_slice %arg12[%dma_wait3A_449, %dma_wait3A_450] : memref<10240x128xf32, #tpu.memory_space<vmem_shared>> -> memref<10240x128xf32, #tpu.memory_space<vmem_shared>>
        tpu.wait_indirect_dma semaphore(%run_scoped3A_439 : memref<!tpu.dma_semaphore, #tpu.memory_space<semaphore_mem>>) src(%arg8 : memref<80x128xf32, #tpu.memory_space<vmem>>) dst(%dma_wait3A_451 : memref<10240x128xf32, #tpu.memory_space<vmem_shared>>)
        tpu.yield
      }) : () -> ()
      %dma_start3A_359 = arith.constant 0 : i32
      %dma_start3A_360 = arith.constant 0 : i32
      %dma_start3A_361 = arith.constant 0 : i32
      %dma_start3A_362 = tpu.memref_slice %arg6[%dma_start3A_359, %dma_start3A_360, %dma_start3A_361] : memref<2x8x80xi32, #tpu.memory_space<vmem>> -> memref<1x1x80xi32, #tpu.memory_space<vmem>>
      %dma_start3A_363 = tpu.memref_squeeze %dma_start3A_362 : memref<1x1x80xi32, #tpu.memory_space<vmem>> -> memref<80xi32, #tpu.memory_space<vmem>>
      %dma_start3A_364 = arith.constant 0 : i32
      %dma_start3A_365 = arith.constant 0 : i32
      %dma_start3A_366 = tpu.memref_slice %arg3[%dma_start3A_364, %dma_start3A_365] : memref<10240x128xf32, #tpu.memory_space<hbm>> -> memref<10240x128xf32, #tpu.memory_space<hbm>>
      tpu.enqueue_indirect_dma source(%dma_start3A_366 : memref<10240x128xf32, #tpu.memory_space<hbm>>) target(%arg8 : memref<80x128xf32, #tpu.memory_space<vmem>>) offsets(%dma_start3A_363 : memref<80xi32, #tpu.memory_space<vmem>>) semaphore(%arg13 : memref<!tpu.dma_semaphore, #tpu.memory_space<semaphore_mem>>)
      %dma_wait3A_367 = arith.constant 0 : i32
      %dma_wait3A_368 = arith.constant 5 : i32
      %dma_wait3A_369 = arith.constant 0 : i32
      %dma_wait3A_370 = tpu.memref_slice %arg7[%dma_wait3A_367, %dma_wait3A_368, %dma_wait3A_369] : memref<2x8x80xi32, #tpu.memory_space<vmem>> -> memref<1x1x80xi32, #tpu.memory_space<vmem>>
      %dma_wait3A_371 = tpu.memref_squeeze %dma_wait3A_370 : memref<1x1x80xi32, #tpu.memory_space<vmem>> -> memref<80xi32, #tpu.memory_space<vmem>>
      %dma_wait3A_372 = arith.constant 0 : i32
      %dma_wait3A_373 = arith.constant 0 : i32
      %dma_wait3A_374 = tpu.memref_slice %arg3[%dma_wait3A_372, %dma_wait3A_373] : memref<10240x128xf32, #tpu.memory_space<hbm>> -> memref<10240x128xf32, #tpu.memory_space<hbm>>
      tpu.wait_indirect_dma semaphore(%arg14 : memref<!tpu.dma_semaphore, #tpu.memory_space<semaphore_mem>>) src(%dma_wait3A_374 : memref<10240x128xf32, #tpu.memory_space<hbm>>) dst(%arg9 : memref<80x128xf32, #tpu.memory_space<vmem>>)
      %run_scoped3A_375 = arith.constant 1 : i32
      %run_scoped3A_376 = arith.constant 5 : i32
      "tpu.region"() ({
        %run_scoped3A_439 = tpu.sem_alloc : memref<!tpu.dma_semaphore, #tpu.memory_space<semaphore_mem>>
        %dma_start3A_440 = arith.constant 0 : i32
        %dma_start3A_441 = tpu.memref_slice %arg7[%run_scoped3A_375, %run_scoped3A_376, %dma_start3A_440] : memref<2x8x80xi32, #tpu.memory_space<vmem>> -> memref<1x1x80xi32, #tpu.memory_space<vmem>>
        %dma_start3A_442 = tpu.memref_squeeze %dma_start3A_441 : memref<1x1x80xi32, #tpu.memory_space<vmem>> -> memref<80xi32, #tpu.memory_space<vmem>>
        %dma_start3A_443 = arith.constant 0 : i32
        %dma_start3A_444 = arith.constant 0 : i32
        %dma_start3A_445 = tpu.memref_slice %arg12[%dma_start3A_443, %dma_start3A_444] : memref<10240x128xf32, #tpu.memory_space<vmem_shared>> -> memref<10240x128xf32, #tpu.memory_space<vmem_shared>>
        tpu.enqueue_indirect_dma source(%arg9 : memref<80x128xf32, #tpu.memory_space<vmem>>) target(%dma_start3A_445 : memref<10240x128xf32, #tpu.memory_space<vmem_shared>>) offsets(%dma_start3A_442 : memref<80xi32, #tpu.memory_space<vmem>>) semaphore(%run_scoped3A_439 : memref<!tpu.dma_semaphore, #tpu.memory_space<semaphore_mem>>) {add = true}
        %dma_wait3A_446 = arith.constant 0 : i32
        %dma_wait3A_447 = tpu.memref_slice %arg7[%run_scoped3A_375, %run_scoped3A_376, %dma_wait3A_446] : memref<2x8x80xi32, #tpu.memory_space<vmem>> -> memref<1x1x80xi32, #tpu.memory_space<vmem>>
        %dma_wait3A_448 = tpu.memref_squeeze %dma_wait3A_447 : memref<1x1x80xi32, #tpu.memory_space<vmem>> -> memref<80xi32, #tpu.memory_space<vmem>>
        %dma_wait3A_449 = arith.constant 0 : i32
        %dma_wait3A_450 = arith.constant 0 : i32
        %dma_wait3A_451 = tpu.memref_slice %arg12[%dma_wait3A_449, %dma_wait3A_450] : memref<10240x128xf32, #tpu.memory_space<vmem_shared>> -> memref<10240x128xf32, #tpu.memory_space<vmem_shared>>
        tpu.wait_indirect_dma semaphore(%run_scoped3A_439 : memref<!tpu.dma_semaphore, #tpu.memory_space<semaphore_mem>>) src(%arg9 : memref<80x128xf32, #tpu.memory_space<vmem>>) dst(%dma_wait3A_451 : memref<10240x128xf32, #tpu.memory_space<vmem_shared>>)
        tpu.yield
      }) : () -> ()
      %dma_start3A_377 = arith.constant 0 : i32
      %dma_start3A_378 = arith.constant 1 : i32
      %dma_start3A_379 = arith.constant 0 : i32
      %dma_start3A_380 = tpu.memref_slice %arg6[%dma_start3A_377, %dma_start3A_378, %dma_start3A_379] : memref<2x8x80xi32, #tpu.memory_space<vmem>> -> memref<1x1x80xi32, #tpu.memory_space<vmem>>
      %dma_start3A_381 = tpu.memref_squeeze %dma_start3A_380 : memref<1x1x80xi32, #tpu.memory_space<vmem>> -> memref<80xi32, #tpu.memory_space<vmem>>
      %dma_start3A_382 = arith.constant 0 : i32
      %dma_start3A_383 = arith.constant 0 : i32
      %dma_start3A_384 = tpu.memref_slice %arg3[%dma_start3A_382, %dma_start3A_383] : memref<10240x128xf32, #tpu.memory_space<hbm>> -> memref<10240x128xf32, #tpu.memory_space<hbm>>
      tpu.enqueue_indirect_dma source(%dma_start3A_384 : memref<10240x128xf32, #tpu.memory_space<hbm>>) target(%arg9 : memref<80x128xf32, #tpu.memory_space<vmem>>) offsets(%dma_start3A_381 : memref<80xi32, #tpu.memory_space<vmem>>) semaphore(%arg14 : memref<!tpu.dma_semaphore, #tpu.memory_space<semaphore_mem>>)
      %dma_wait3A_385 = arith.constant 0 : i32
      %dma_wait3A_386 = arith.constant 6 : i32
      %dma_wait3A_387 = arith.constant 0 : i32
      %dma_wait3A_388 = tpu.memref_slice %arg7[%dma_wait3A_385, %dma_wait3A_386, %dma_wait3A_387] : memref<2x8x80xi32, #tpu.memory_space<vmem>> -> memref<1x1x80xi32, #tpu.memory_space<vmem>>
      %dma_wait3A_389 = tpu.memref_squeeze %dma_wait3A_388 : memref<1x1x80xi32, #tpu.memory_space<vmem>> -> memref<80xi32, #tpu.memory_space<vmem>>
      %dma_wait3A_390 = arith.constant 0 : i32
      %dma_wait3A_391 = arith.constant 0 : i32
      %dma_wait3A_392 = tpu.memref_slice %arg3[%dma_wait3A_390, %dma_wait3A_391] : memref<10240x128xf32, #tpu.memory_space<hbm>> -> memref<10240x128xf32, #tpu.memory_space<hbm>>
      tpu.wait_indirect_dma semaphore(%arg15 : memref<!tpu.dma_semaphore, #tpu.memory_space<semaphore_mem>>) src(%dma_wait3A_392 : memref<10240x128xf32, #tpu.memory_space<hbm>>) dst(%arg10 : memref<80x128xf32, #tpu.memory_space<vmem>>)
      %run_scoped3A_393 = arith.constant 1 : i32
      %run_scoped3A_394 = arith.constant 6 : i32
      "tpu.region"() ({
        %run_scoped3A_439 = tpu.sem_alloc : memref<!tpu.dma_semaphore, #tpu.memory_space<semaphore_mem>>
        %dma_start3A_440 = arith.constant 0 : i32
        %dma_start3A_441 = tpu.memref_slice %arg7[%run_scoped3A_393, %run_scoped3A_394, %dma_start3A_440] : memref<2x8x80xi32, #tpu.memory_space<vmem>> -> memref<1x1x80xi32, #tpu.memory_space<vmem>>
        %dma_start3A_442 = tpu.memref_squeeze %dma_start3A_441 : memref<1x1x80xi32, #tpu.memory_space<vmem>> -> memref<80xi32, #tpu.memory_space<vmem>>
        %dma_start3A_443 = arith.constant 0 : i32
        %dma_start3A_444 = arith.constant 0 : i32
        %dma_start3A_445 = tpu.memref_slice %arg12[%dma_start3A_443, %dma_start3A_444] : memref<10240x128xf32, #tpu.memory_space<vmem_shared>> -> memref<10240x128xf32, #tpu.memory_space<vmem_shared>>
        tpu.enqueue_indirect_dma source(%arg10 : memref<80x128xf32, #tpu.memory_space<vmem>>) target(%dma_start3A_445 : memref<10240x128xf32, #tpu.memory_space<vmem_shared>>) offsets(%dma_start3A_442 : memref<80xi32, #tpu.memory_space<vmem>>) semaphore(%run_scoped3A_439 : memref<!tpu.dma_semaphore, #tpu.memory_space<semaphore_mem>>) {add = true}
        %dma_wait3A_446 = arith.constant 0 : i32
        %dma_wait3A_447 = tpu.memref_slice %arg7[%run_scoped3A_393, %run_scoped3A_394, %dma_wait3A_446] : memref<2x8x80xi32, #tpu.memory_space<vmem>> -> memref<1x1x80xi32, #tpu.memory_space<vmem>>
        %dma_wait3A_448 = tpu.memref_squeeze %dma_wait3A_447 : memref<1x1x80xi32, #tpu.memory_space<vmem>> -> memref<80xi32, #tpu.memory_space<vmem>>
        %dma_wait3A_449 = arith.constant 0 : i32
        %dma_wait3A_450 = arith.constant 0 : i32
        %dma_wait3A_451 = tpu.memref_slice %arg12[%dma_wait3A_449, %dma_wait3A_450] : memref<10240x128xf32, #tpu.memory_space<vmem_shared>> -> memref<10240x128xf32, #tpu.memory_space<vmem_shared>>
        tpu.wait_indirect_dma semaphore(%run_scoped3A_439 : memref<!tpu.dma_semaphore, #tpu.memory_space<semaphore_mem>>) src(%arg10 : memref<80x128xf32, #tpu.memory_space<vmem>>) dst(%dma_wait3A_451 : memref<10240x128xf32, #tpu.memory_space<vmem_shared>>)
        tpu.yield
      }) : () -> ()
      %dma_start3A_395 = arith.constant 0 : i32
      %dma_start3A_396 = arith.constant 2 : i32
      %dma_start3A_397 = arith.constant 0 : i32
      %dma_start3A_398 = tpu.memref_slice %arg6[%dma_start3A_395, %dma_start3A_396, %dma_start3A_397] : memref<2x8x80xi32, #tpu.memory_space<vmem>> -> memref<1x1x80xi32, #tpu.memory_space<vmem>>
      %dma_start3A_399 = tpu.memref_squeeze %dma_start3A_398 : memref<1x1x80xi32, #tpu.memory_space<vmem>> -> memref<80xi32, #tpu.memory_space<vmem>>
      %dma_start3A_400 = arith.constant 0 : i32
      %dma_start3A_401 = arith.constant 0 : i32
      %dma_start3A_402 = tpu.memref_slice %arg3[%dma_start3A_400, %dma_start3A_401] : memref<10240x128xf32, #tpu.memory_space<hbm>> -> memref<10240x128xf32, #tpu.memory_space<hbm>>
      tpu.enqueue_indirect_dma source(%dma_start3A_402 : memref<10240x128xf32, #tpu.memory_space<hbm>>) target(%arg10 : memref<80x128xf32, #tpu.memory_space<vmem>>) offsets(%dma_start3A_399 : memref<80xi32, #tpu.memory_space<vmem>>) semaphore(%arg15 : memref<!tpu.dma_semaphore, #tpu.memory_space<semaphore_mem>>)
      %dma_wait3A_403 = arith.constant 0 : i32
      %dma_wait3A_404 = arith.constant 7 : i32
      %dma_wait3A_405 = arith.constant 0 : i32
      %dma_wait3A_406 = tpu.memref_slice %arg7[%dma_wait3A_403, %dma_wait3A_404, %dma_wait3A_405] : memref<2x8x80xi32, #tpu.memory_space<vmem>> -> memref<1x1x80xi32, #tpu.memory_space<vmem>>
      %dma_wait3A_407 = tpu.memref_squeeze %dma_wait3A_406 : memref<1x1x80xi32, #tpu.memory_space<vmem>> -> memref<80xi32, #tpu.memory_space<vmem>>
      %dma_wait3A_408 = arith.constant 0 : i32
      %dma_wait3A_409 = arith.constant 0 : i32
      %dma_wait3A_410 = tpu.memref_slice %arg3[%dma_wait3A_408, %dma_wait3A_409] : memref<10240x128xf32, #tpu.memory_space<hbm>> -> memref<10240x128xf32, #tpu.memory_space<hbm>>
      tpu.wait_indirect_dma semaphore(%arg16 : memref<!tpu.dma_semaphore, #tpu.memory_space<semaphore_mem>>) src(%dma_wait3A_410 : memref<10240x128xf32, #tpu.memory_space<hbm>>) dst(%arg11 : memref<80x128xf32, #tpu.memory_space<vmem>>)
      %run_scoped3A_411 = arith.constant 1 : i32
      %run_scoped3A_412 = arith.constant 7 : i32
      "tpu.region"() ({
        %run_scoped3A_439 = tpu.sem_alloc : memref<!tpu.dma_semaphore, #tpu.memory_space<semaphore_mem>>
        %dma_start3A_440 = arith.constant 0 : i32
        %dma_start3A_441 = tpu.memref_slice %arg7[%run_scoped3A_411, %run_scoped3A_412, %dma_start3A_440] : memref<2x8x80xi32, #tpu.memory_space<vmem>> -> memref<1x1x80xi32, #tpu.memory_space<vmem>>
        %dma_start3A_442 = tpu.memref_squeeze %dma_start3A_441 : memref<1x1x80xi32, #tpu.memory_space<vmem>> -> memref<80xi32, #tpu.memory_space<vmem>>
        %dma_start3A_443 = arith.constant 0 : i32
        %dma_start3A_444 = arith.constant 0 : i32
        %dma_start3A_445 = tpu.memref_slice %arg12[%dma_start3A_443, %dma_start3A_444] : memref<10240x128xf32, #tpu.memory_space<vmem_shared>> -> memref<10240x128xf32, #tpu.memory_space<vmem_shared>>
        tpu.enqueue_indirect_dma source(%arg11 : memref<80x128xf32, #tpu.memory_space<vmem>>) target(%dma_start3A_445 : memref<10240x128xf32, #tpu.memory_space<vmem_shared>>) offsets(%dma_start3A_442 : memref<80xi32, #tpu.memory_space<vmem>>) semaphore(%run_scoped3A_439 : memref<!tpu.dma_semaphore, #tpu.memory_space<semaphore_mem>>) {add = true}
        %dma_wait3A_446 = arith.constant 0 : i32
        %dma_wait3A_447 = tpu.memref_slice %arg7[%run_scoped3A_411, %run_scoped3A_412, %dma_wait3A_446] : memref<2x8x80xi32, #tpu.memory_space<vmem>> -> memref<1x1x80xi32, #tpu.memory_space<vmem>>
        %dma_wait3A_448 = tpu.memref_squeeze %dma_wait3A_447 : memref<1x1x80xi32, #tpu.memory_space<vmem>> -> memref<80xi32, #tpu.memory_space<vmem>>
        %dma_wait3A_449 = arith.constant 0 : i32
        %dma_wait3A_450 = arith.constant 0 : i32
        %dma_wait3A_451 = tpu.memref_slice %arg12[%dma_wait3A_449, %dma_wait3A_450] : memref<10240x128xf32, #tpu.memory_space<vmem_shared>> -> memref<10240x128xf32, #tpu.memory_space<vmem_shared>>
        tpu.wait_indirect_dma semaphore(%run_scoped3A_439 : memref<!tpu.dma_semaphore, #tpu.memory_space<semaphore_mem>>) src(%arg11 : memref<80x128xf32, #tpu.memory_space<vmem>>) dst(%dma_wait3A_451 : memref<10240x128xf32, #tpu.memory_space<vmem_shared>>)
        tpu.yield
      }) : () -> ()
      %dma_start3A_413 = arith.constant 0 : i32
      %dma_start3A_414 = arith.constant 3 : i32
      %dma_start3A_415 = arith.constant 0 : i32
      %dma_start3A_416 = tpu.memref_slice %arg6[%dma_start3A_413, %dma_start3A_414, %dma_start3A_415] : memref<2x8x80xi32, #tpu.memory_space<vmem>> -> memref<1x1x80xi32, #tpu.memory_space<vmem>>
      %dma_start3A_417 = tpu.memref_squeeze %dma_start3A_416 : memref<1x1x80xi32, #tpu.memory_space<vmem>> -> memref<80xi32, #tpu.memory_space<vmem>>
      %dma_start3A_418 = arith.constant 0 : i32
      %dma_start3A_419 = arith.constant 0 : i32
      %dma_start3A_420 = tpu.memref_slice %arg3[%dma_start3A_418, %dma_start3A_419] : memref<10240x128xf32, #tpu.memory_space<hbm>> -> memref<10240x128xf32, #tpu.memory_space<hbm>>
      tpu.enqueue_indirect_dma source(%dma_start3A_420 : memref<10240x128xf32, #tpu.memory_space<hbm>>) target(%arg11 : memref<80x128xf32, #tpu.memory_space<vmem>>) offsets(%dma_start3A_417 : memref<80xi32, #tpu.memory_space<vmem>>) semaphore(%arg16 : memref<!tpu.dma_semaphore, #tpu.memory_space<semaphore_mem>>)
      %mul3A_421 = arith.constant 2 : i32
      %mul3A_422 = arith.muli %mul3A_421, %scan3A_93 : i32
      %add3A_423 = arith.constant 2 : i32
      %add3A_424 = arith.addi %mul3A_422, %add3A_423 : i32
      %add3A_425 = arith.constant 1 : i32
      %add3A_426 = arith.addi %add3A_424, %add3A_425 : i32
      %min3A_427 = arith.constant 15 : i32
      %min3A_428 = arith.minsi %add3A_426, %min3A_427 : i32
      %dma_start3A_429 = arith.constant 0 : i32
      %dma_start3A_430 = arith.constant 0 : i32
      %dma_start3A_431 = arith.constant 0 : i32
      %dma_start3A_432 = tpu.memref_slice %arg2[%add3A, %min3A_428, %dma_start3A_429, %dma_start3A_430, %dma_start3A_431] : memref<32x16x2x8x80xi32, #tpu.memory_space<hbm>> -> memref<1x1x2x8x80xi32, #tpu.memory_space<hbm>>
      %dma_start3A_433 = tpu.memref_squeeze %dma_start3A_432 : memref<1x1x2x8x80xi32, #tpu.memory_space<hbm>> -> memref<2x8x80xi32, #tpu.memory_space<hbm>>
      %dma_start3A_434 = arith.constant 0 : i32
      %dma_start3A_435 = arith.constant 0 : i32
      %dma_start3A_436 = arith.constant 0 : i32
      %dma_start3A_437 = tpu.memref_slice %arg2[%add3A, %min3A_428, %dma_start3A_434, %dma_start3A_435, %dma_start3A_436] : memref<32x16x2x8x80xi32, #tpu.memory_space<hbm>> -> memref<1x1x2x8x80xi32, #tpu.memory_space<hbm>>
      %dma_start3A_438 = tpu.memref_squeeze %dma_start3A_437 : memref<1x1x2x8x80xi32, #tpu.memory_space<hbm>> -> memref<2x8x80xi32, #tpu.memory_space<hbm>>
      tpu.enqueue_dma source(%dma_start3A_438 : memref<2x8x80xi32, #tpu.memory_space<hbm>>) target(%arg7 : memref<2x8x80xi32, #tpu.memory_space<vmem>>) target_semaphore(%arg18 : memref<!tpu.dma_semaphore, #tpu.memory_space<semaphore_mem>>)
    }
    %scan3A_49 = arith.constant 8 : i32
    %dma_wait3A = arith.constant 0 : i32
    %dma_wait3A_50 = arith.constant 0 : i32
    %dma_wait3A_51 = arith.constant 0 : i32
    %dma_wait3A_52 = arith.constant 0 : i32
    %dma_wait3A_53 = tpu.memref_slice %arg2[%add3A, %dma_wait3A, %dma_wait3A_50, %dma_wait3A_51, %dma_wait3A_52] : memref<32x16x2x8x80xi32, #tpu.memory_space<hbm>> -> memref<1x1x2x8x80xi32, #tpu.memory_space<hbm>>
    %dma_wait3A_54 = tpu.memref_squeeze %dma_wait3A_53 : memref<1x1x2x8x80xi32, #tpu.memory_space<hbm>> -> memref<2x8x80xi32, #tpu.memory_space<hbm>>
    %dma_wait3A_55 = arith.constant 0 : i32
    %dma_wait3A_56 = arith.constant 0 : i32
    %dma_wait3A_57 = arith.constant 0 : i32
    %dma_wait3A_58 = tpu.memref_slice %arg2[%add3A, %dma_wait3A, %dma_wait3A_55, %dma_wait3A_56, %dma_wait3A_57] : memref<32x16x2x8x80xi32, #tpu.memory_space<hbm>> -> memref<1x1x2x8x80xi32, #tpu.memory_space<hbm>>
    %dma_wait3A_59 = tpu.memref_squeeze %dma_wait3A_58 : memref<1x1x2x8x80xi32, #tpu.memory_space<hbm>> -> memref<2x8x80xi32, #tpu.memory_space<hbm>>
    tpu.wait_dma2 semaphore(%arg18 : memref<!tpu.dma_semaphore, #tpu.memory_space<semaphore_mem>>) src(%dma_wait3A_59 : memref<2x8x80xi32, #tpu.memory_space<hbm>>) dst(%arg7 : memref<2x8x80xi32, #tpu.memory_space<vmem>>)
    %dma_wait3A_60 = arith.constant 0 : i32
    %dma_wait3A_61 = arith.constant 0 : i32
    %dma_wait3A_62 = arith.constant 0 : i32
    %dma_wait3A_63 = tpu.memref_slice %arg6[%dma_wait3A_60, %dma_wait3A_61, %dma_wait3A_62] : memref<2x8x80xi32, #tpu.memory_space<vmem>> -> memref<1x1x80xi32, #tpu.memory_space<vmem>>
    %dma_wait3A_64 = tpu.memref_squeeze %dma_wait3A_63 : memref<1x1x80xi32, #tpu.memory_space<vmem>> -> memref<80xi32, #tpu.memory_space<vmem>>
    %dma_wait3A_65 = arith.constant 0 : i32
    %dma_wait3A_66 = arith.constant 0 : i32
    %dma_wait3A_67 = tpu.memref_slice %arg3[%dma_wait3A_65, %dma_wait3A_66] : memref<10240x128xf32, #tpu.memory_space<hbm>> -> memref<10240x128xf32, #tpu.memory_space<hbm>>
    tpu.wait_indirect_dma semaphore(%arg13 : memref<!tpu.dma_semaphore, #tpu.memory_space<semaphore_mem>>) src(%dma_wait3A_67 : memref<10240x128xf32, #tpu.memory_space<hbm>>) dst(%arg8 : memref<80x128xf32, #tpu.memory_space<vmem>>)
    %dma_wait3A_68 = arith.constant 0 : i32
    %dma_wait3A_69 = arith.constant 1 : i32
    %dma_wait3A_70 = arith.constant 0 : i32
    %dma_wait3A_71 = tpu.memref_slice %arg6[%dma_wait3A_68, %dma_wait3A_69, %dma_wait3A_70] : memref<2x8x80xi32, #tpu.memory_space<vmem>> -> memref<1x1x80xi32, #tpu.memory_space<vmem>>
    %dma_wait3A_72 = tpu.memref_squeeze %dma_wait3A_71 : memref<1x1x80xi32, #tpu.memory_space<vmem>> -> memref<80xi32, #tpu.memory_space<vmem>>
    %dma_wait3A_73 = arith.constant 0 : i32
    %dma_wait3A_74 = arith.constant 0 : i32
    %dma_wait3A_75 = tpu.memref_slice %arg3[%dma_wait3A_73, %dma_wait3A_74] : memref<10240x128xf32, #tpu.memory_space<hbm>> -> memref<10240x128xf32, #tpu.memory_space<hbm>>
    tpu.wait_indirect_dma semaphore(%arg14 : memref<!tpu.dma_semaphore, #tpu.memory_space<semaphore_mem>>) src(%dma_wait3A_75 : memref<10240x128xf32, #tpu.memory_space<hbm>>) dst(%arg9 : memref<80x128xf32, #tpu.memory_space<vmem>>)
    %dma_wait3A_76 = arith.constant 0 : i32
    %dma_wait3A_77 = arith.constant 2 : i32
    %dma_wait3A_78 = arith.constant 0 : i32
    %dma_wait3A_79 = tpu.memref_slice %arg6[%dma_wait3A_76, %dma_wait3A_77, %dma_wait3A_78] : memref<2x8x80xi32, #tpu.memory_space<vmem>> -> memref<1x1x80xi32, #tpu.memory_space<vmem>>
    %dma_wait3A_80 = tpu.memref_squeeze %dma_wait3A_79 : memref<1x1x80xi32, #tpu.memory_space<vmem>> -> memref<80xi32, #tpu.memory_space<vmem>>
    %dma_wait3A_81 = arith.constant 0 : i32
    %dma_wait3A_82 = arith.constant 0 : i32
    %dma_wait3A_83 = tpu.memref_slice %arg3[%dma_wait3A_81, %dma_wait3A_82] : memref<10240x128xf32, #tpu.memory_space<hbm>> -> memref<10240x128xf32, #tpu.memory_space<hbm>>
    tpu.wait_indirect_dma semaphore(%arg15 : memref<!tpu.dma_semaphore, #tpu.memory_space<semaphore_mem>>) src(%dma_wait3A_83 : memref<10240x128xf32, #tpu.memory_space<hbm>>) dst(%arg10 : memref<80x128xf32, #tpu.memory_space<vmem>>)
    %dma_wait3A_84 = arith.constant 0 : i32
    %dma_wait3A_85 = arith.constant 3 : i32
    %dma_wait3A_86 = arith.constant 0 : i32
    %dma_wait3A_87 = tpu.memref_slice %arg6[%dma_wait3A_84, %dma_wait3A_85, %dma_wait3A_86] : memref<2x8x80xi32, #tpu.memory_space<vmem>> -> memref<1x1x80xi32, #tpu.memory_space<vmem>>
    %dma_wait3A_88 = tpu.memref_squeeze %dma_wait3A_87 : memref<1x1x80xi32, #tpu.memory_space<vmem>> -> memref<80xi32, #tpu.memory_space<vmem>>
    %dma_wait3A_89 = arith.constant 0 : i32
    %dma_wait3A_90 = arith.constant 0 : i32
    %dma_wait3A_91 = tpu.memref_slice %arg3[%dma_wait3A_89, %dma_wait3A_90] : memref<10240x128xf32, #tpu.memory_space<hbm>> -> memref<10240x128xf32, #tpu.memory_space<hbm>>
    tpu.wait_indirect_dma semaphore(%arg16 : memref<!tpu.dma_semaphore, #tpu.memory_space<semaphore_mem>>) src(%dma_wait3A_91 : memref<10240x128xf32, #tpu.memory_space<hbm>>) dst(%arg11 : memref<80x128xf32, #tpu.memory_space<vmem>>)
    %barrier3A_92 = arith.constant 0 : index
    tpu.barrier barrier_id(%barrier3A_92)
    "tpu.region"() ({
      %run_scoped3A_93 = tpu.sem_alloc : memref<!tpu.dma_semaphore, #tpu.memory_space<semaphore_mem>>
      %dma_start3A_94 = arith.constant 0 : i32
      %dma_start3A_95 = tpu.memref_slice %arg5[%arg0, %mul3A_2, %dma_start3A_94] : memref<2x10240x128xf32, #tpu.memory_space<hbm>> -> memref<1x640x128xf32, #tpu.memory_space<hbm>>
      %dma_start3A_96 = tpu.memref_squeeze %dma_start3A_95 : memref<1x640x128xf32, #tpu.memory_space<hbm>> -> memref<640x128xf32, #tpu.memory_space<hbm>>
      %dma_start3A_97 = arith.constant 0 : i32
      %dma_start3A_98 = tpu.memref_slice %arg12[%mul3A_2, %dma_start3A_97] : memref<10240x128xf32, #tpu.memory_space<vmem_shared>> -> memref<640x128xf32, #tpu.memory_space<vmem_shared>>
      tpu.enqueue_dma source(%dma_start3A_98 : memref<640x128xf32, #tpu.memory_space<vmem_shared>>) target(%dma_start3A_96 : memref<640x128xf32, #tpu.memory_space<hbm>>) target_semaphore(%run_scoped3A_93 : memref<!tpu.dma_semaphore, #tpu.memory_space<semaphore_mem>>)
      %dma_wait3A_99 = arith.constant 0 : i32
      %dma_wait3A_100 = tpu.memref_slice %arg5[%arg0, %mul3A_2, %dma_wait3A_99] : memref<2x10240x128xf32, #tpu.memory_space<hbm>> -> memref<1x640x128xf32, #tpu.memory_space<hbm>>
      %dma_wait3A_101 = tpu.memref_squeeze %dma_wait3A_100 : memref<1x640x128xf32, #tpu.memory_space<hbm>> -> memref<640x128xf32, #tpu.memory_space<hbm>>
      %dma_wait3A_102 = arith.constant 0 : i32
      %dma_wait3A_103 = tpu.memref_slice %arg12[%mul3A_2, %dma_wait3A_102] : memref<10240x128xf32, #tpu.memory_space<vmem_shared>> -> memref<640x128xf32, #tpu.memory_space<vmem_shared>>
      tpu.wait_dma2 semaphore(%run_scoped3A_93 : memref<!tpu.dma_semaphore, #tpu.memory_space<semaphore_mem>>) src(%dma_wait3A_103 : memref<640x128xf32, #tpu.memory_space<vmem_shared>>) dst(%dma_wait3A_101 : memref<640x128xf32, #tpu.memory_space<hbm>>)
      tpu.yield
    }) : () -> ()
    return
  }
}

module attributes {stable_mosaic.version = 14 : i64} {
  func.func @_norm_prescale_body(%arg0: i32, %arg1: memref<32x2x640xf32, #tpu.memory_space<vmem>>, %arg2: memref<640x128xf32, #tpu.memory_space<vmem>>, %arg3: memref<640x128xf32, #tpu.memory_space<vmem>>, %arg4: memref<640x1xf32, #tpu.memory_space<vmem>>, %arg5: memref<640x1xf32, #tpu.memory_space<vmem>>) attributes {dimension_semantics = [#tpu.dimension_semantics<arbitrary>], iteration_bounds = array<i64: 16>, scalar_prefetch = 0 : i64, scratch_operands = 0 : i64, tpu.core_type = #tpu.core_type<tc>, window_params = [{transform_indices = @transform_0, window_bounds = array<i64: 32, 2, 640>}, {transform_indices = @transform_1, window_bounds = array<i64: 640, 128>}, {transform_indices = @transform_2, window_bounds = array<i64: 640, 128>}, {transform_indices = @transform_3, window_bounds = array<i64: 640, 1>}, {transform_indices = @transform_4, window_bounds = array<i64: 640, 1>}]} {
    %get3A = arith.constant 0 : index
    %get3A_0 = arith.constant 0 : index
    %get3A_1 = arith.constant 0 : index
    %get3A_2 = vector.load %arg1[%get3A, %get3A_0, %get3A_1] : memref<32x2x640xf32, #tpu.memory_space<vmem>>, vector<32x2x640xf32>
    %reduce_sum3A = arith.constant dense<0.000000e+00> : vector<2x640xf32>
    %reduce_sum3A_3 = vector.multi_reduction <add>, %get3A_2, %reduce_sum3A [0] : vector<32x2x640xf32> to vector<2x640xf32>
    %slice3A = vector.extract_strided_slice %reduce_sum3A_3 {offsets = [0, 0], sizes = [1, 640], strides = [1, 1]} : vector<2x640xf32> to vector<1x640xf32>
    %squeeze3A = vector.shape_cast %slice3A : vector<1x640xf32> to vector<640xf32>
    %jit3A = arith.constant 1.000000e+00 : f32
    %max3A = vector.broadcast %jit3A : f32 to vector<640xf32>
    %max3A_4 = arith.maximumf %max3A, %squeeze3A : vector<640xf32>
    %rsqrt3A = math.rsqrt %max3A_4 : vector<640xf32>
    %slice3A_5 = vector.extract_strided_slice %reduce_sum3A_3 {offsets = [1, 0], sizes = [1, 640], strides = [1, 1]} : vector<2x640xf32> to vector<1x640xf32>
    %squeeze3A_6 = vector.shape_cast %slice3A_5 : vector<1x640xf32> to vector<640xf32>
    %jit3A_7 = arith.constant 1.000000e+00 : f32
    %max3A_8 = vector.broadcast %jit3A_7 : f32 to vector<640xf32>
    %max3A_9 = arith.maximumf %max3A_8, %squeeze3A_6 : vector<640xf32>
    %rsqrt3A_10 = math.rsqrt %max3A_9 : vector<640xf32>
    %get3A_11 = arith.constant 0 : index
    %get3A_12 = arith.constant 0 : index
    %get3A_13 = vector.load %arg2[%get3A_11, %get3A_12] : memref<640x128xf32, #tpu.memory_space<vmem>>, vector<640x128xf32>
    %broadcast_in_dim3A = vector.shape_cast %rsqrt3A : vector<640xf32> to vector<640x1xf32>
    %mul3A = vector.broadcast %broadcast_in_dim3A : vector<640x1xf32> to vector<640x128xf32>
    %mul3A_14 = arith.mulf %get3A_13, %mul3A : vector<640x128xf32>
    %swap3A = arith.constant 0 : index
    %swap3A_15 = arith.constant 0 : index
    %swap3A_16 = vector.load %arg3[%swap3A, %swap3A_15] : memref<640x128xf32, #tpu.memory_space<vmem>>, vector<640x128xf32>
    tpu.vector_store %arg3[%swap3A, %swap3A_15], %mul3A_14 {strides = array<i32>} : memref<640x128xf32, #tpu.memory_space<vmem>>, vector<640x128xf32>,
    %mul3A_17 = arith.mulf %rsqrt3A, %rsqrt3A_10 : vector<640xf32>
    %broadcast_in_dim3A_18 = vector.shape_cast %mul3A_17 : vector<640xf32> to vector<640x1xf32>
    %swap3A_19 = arith.constant 0 : index
    %swap3A_20 = arith.constant 0 : index
    %swap3A_21 = vector.load %arg4[%swap3A_19, %swap3A_20] : memref<640x1xf32, #tpu.memory_space<vmem>>, vector<640x1xf32>
    tpu.vector_store %arg4[%swap3A_19, %swap3A_20], %broadcast_in_dim3A_18 {strides = array<i32>} : memref<640x1xf32, #tpu.memory_space<vmem>>, vector<640x1xf32>,
    %broadcast_in_dim3A_22 = vector.shape_cast %rsqrt3A_10 : vector<640xf32> to vector<640x1xf32>
    %swap3A_23 = arith.constant 0 : index
    %swap3A_24 = arith.constant 0 : index
    %swap3A_25 = vector.load %arg5[%swap3A_23, %swap3A_24] : memref<640x1xf32, #tpu.memory_space<vmem>>, vector<640x1xf32>
    tpu.vector_store %arg5[%swap3A_23, %swap3A_24], %broadcast_in_dim3A_22 {strides = array<i32>} : memref<640x1xf32, #tpu.memory_space<vmem>>, vector<640x1xf32>,
    return
  }
  func.func @transform_0(%arg0: i32) -> (i32, i32, i32) {
    %c0_i32 = arith.constant 0 : i32
    %c0_i32_0 = arith.constant 0 : i32
    %c0_i32_1 = arith.constant 0 : i32
    return %c0_i32, %c0_i32_0, %arg0 : i32, i32, i32
  }
  func.func @transform_1(%arg0: i32) -> (i32, i32) {
    %c0_i32 = arith.constant 0 : i32
    %c0_i32_0 = arith.constant 0 : i32
    return %arg0, %c0_i32 : i32, i32
  }
  func.func @transform_2(%arg0: i32) -> (i32, i32) {
    %c0_i32 = arith.constant 0 : i32
    %c0_i32_0 = arith.constant 0 : i32
    return %arg0, %c0_i32 : i32, i32
  }
  func.func @transform_3(%arg0: i32) -> (i32, i32) {
    %c0_i32 = arith.constant 0 : i32
    %c0_i32_0 = arith.constant 0 : i32
    return %arg0, %c0_i32 : i32, i32
  }
  func.func @transform_4(%arg0: i32) -> (i32, i32) {
    %c0_i32 = arith.constant 0 : i32
    %c0_i32_0 = arith.constant 0 : i32
    return %arg0, %c0_i32 : i32, i32
  }
}

module attributes {stable_mosaic.version = 14 : i64} {
  func.func @_combine_body(%arg0: i32, %arg1: memref<2x640x128xf32, #tpu.memory_space<vmem>>, %arg2: memref<640x1xf32, #tpu.memory_space<vmem>>, %arg3: memref<640x128xf32, #tpu.memory_space<vmem>>) attributes {dimension_semantics = [#tpu.dimension_semantics<arbitrary>], iteration_bounds = array<i64: 16>, scalar_prefetch = 0 : i64, scratch_operands = 0 : i64, tpu.core_type = #tpu.core_type<tc>, window_params = [{transform_indices = @transform_0, window_bounds = array<i64: 2, 640, 128>}, {transform_indices = @transform_1, window_bounds = array<i64: 640, 1>}, {transform_indices = @transform_2, window_bounds = array<i64: 640, 128>}]} {
    %get3A = arith.constant 0 : index
    %get3A_0 = arith.constant 0 : index
    %get3A_1 = arith.constant 0 : index
    %get3A_2 = vector.load %arg1[%get3A, %get3A_0, %get3A_1] : memref<2x640x128xf32, #tpu.memory_space<vmem>>, vector<2x640x128xf32>
    %slice3A = vector.extract_strided_slice %get3A_2 {offsets = [0, 0, 0], sizes = [1, 640, 128], strides = [1, 1, 1]} : vector<2x640x128xf32> to vector<1x640x128xf32>
    %squeeze3A = vector.shape_cast %slice3A : vector<1x640x128xf32> to vector<640x128xf32>
    %slice3A_3 = vector.extract_strided_slice %get3A_2 {offsets = [1, 0, 0], sizes = [1, 640, 128], strides = [1, 1, 1]} : vector<2x640x128xf32> to vector<1x640x128xf32>
    %squeeze3A_4 = vector.shape_cast %slice3A_3 : vector<1x640x128xf32> to vector<640x128xf32>
    %add3A = arith.addf %squeeze3A, %squeeze3A_4 : vector<640x128xf32>
    %get3A_5 = arith.constant 0 : index
    %get3A_6 = arith.constant 0 : index
    %get3A_7 = vector.load %arg2[%get3A_5, %get3A_6] : memref<640x1xf32, #tpu.memory_space<vmem>>, vector<640x1xf32>
    %mul3A = vector.broadcast %get3A_7 : vector<640x1xf32> to vector<640x128xf32>
    %mul3A_8 = arith.mulf %add3A, %mul3A : vector<640x128xf32>
    %swap3A = arith.constant 0 : index
    %swap3A_9 = arith.constant 0 : index
    %swap3A_10 = vector.load %arg3[%swap3A, %swap3A_9] : memref<640x128xf32, #tpu.memory_space<vmem>>, vector<640x128xf32>
    tpu.vector_store %arg3[%swap3A, %swap3A_9], %mul3A_8 {strides = array<i32>} : memref<640x128xf32, #tpu.memory_space<vmem>>, vector<640x128xf32>,
    return
  }
  func.func @transform_0(%arg0: i32) -> (i32, i32, i32) {
    %c0_i32 = arith.constant 0 : i32
    %c0_i32_0 = arith.constant 0 : i32
    %c0_i32_1 = arith.constant 0 : i32
    return %c0_i32, %arg0, %c0_i32_0 : i32, i32, i32
  }
  func.func @transform_1(%arg0: i32) -> (i32, i32) {
    %c0_i32 = arith.constant 0 : i32
    %c0_i32_0 = arith.constant 0 : i32
    return %arg0, %c0_i32 : i32, i32
  }
  func.func @transform_2(%arg0: i32) -> (i32, i32) {
    %c0_i32 = arith.constant 0 : i32
    %c0_i32_0 = arith.constant 0 : i32
    return %arg0, %c0_i32 : i32, i32
  }
}

</mosaic_0001>

<sc_bundles>
// kernel: kernel.11.cloned.1.call-start
scs
__scs_entry_jumppad:
0x0: {  	(pc) =	sbr.rel $0x88, $3  }
0x1: {  	(tag) =	ssettag $0x0;
	lr =	simm.s32 $0x1  }
0x2: {  	[smem:$0x3F9F] =	sst lr;
	_ =	strace $0xD0000000  }
0x3: {  	_ = 	snop  }
0x4: {  	_ = 	snop  }
0x5: {  	_ = 	snop  }
0x6: {  	_ = 	snop  }
0x7: {  	_ = 	snop  }
__scs_overlays_trampoline_lowered:
0x8: {  	[smem:$0x3FAE] =	sst s0  }
0x9: {  	[smem:$0x3FAF] =	sst s1  }
0xa: {  	[smem:$0x3FB0] =	sst s2  }
0xb: {  	[smem:$0x3FB1] =	sst s3  }
0xc: {  	[smem:$0x3FB2] =	sst s4  }
0xd: {  	[smem:$0x3FB3] =	sst s5  }
0xe: {  	[smem:$0x3FB4] =	sst s6  }
0xf: {  	[smem:$0x3FB5] =	sst s7  }
0x10: {  	[smem:$0x3FB6] =	sst s8  }
0x11: {  	[smem:$0x3FB7] =	sst s9;
	s0 =	simm.s32 @!p0 $0x0  }
0x12: {  	s1 =	sld [smem:$0x3F9D];
	s0 =	simm.s32 @p0 $0x1  }
0x13: {  	[smem:$0x3FB8] =	sst s0;
	s0 =	simm.s32 @!p1 $0x0  }
0x14: {  	s2 =	sld [smem:$0x3F9C];
	s0 =	simm.s32 @p1 $0x1  }
0x15: {  	[smem:$0x3FB9] =	sst s0;
	s0 =	simm.s32 @!p2 $0x0  }
0x16: {  	s3 =	sld [smem:$0x3FDB];
	s0 =	simm.s32 @p2 $0x1  }
0x17: {  	s4 =	simm.s32 $0x1BF5;
	[smem:$0x3FBB] =	sst s0  }
0x18: {  	s0 =	sld [smem:$0x3F9E];
	_ =	swait.ge [sflag:s4], $0x0  }
0x19: {  	s7 =	sld [smem:$0x3F9F]  }
0x1a: {  	s8 =	sadd.s32 $0xFFFFE003, lr  }
0x1b: {  	s9 =	sadd.s32 $0xFFFFFEF7, lr;
	s5 =	simm.s32 $0xFFFFFFFF;
	p2 =	slt.u32 s8, $0xFFFFF086  }
0x1c: {  	p1 =	slt.u32 s9, $0xF7A;
	s5 =	simm.s32 @!p2 $0x0  }
0x1d: {  	s5 =	simm.s32 @p1 $0x1;
	p0 =	seq.s32 s7, s2  }
0x1e: {  	s7 =	smul.u32 @!p0 $0xF7A, s2;
	p2 =	seq.s32 @!p0 s5, $0x0  }
0x1f: {  	s9 =	smul.u32 $0xF7A, s1;
	s8 =	simm.s32 @!p0 $0x1BF5;
	p2 =	por !p2, p0  }
0x20: {  	[sflag:s8] =	ssyncset.s32 @!p0 $0xFFFFF086;
	s6 =	sadd.s32 @!p0 s3, s7;
	s7 =	simm.s32 @!p0 $0x108  }
0x21: {  	s3 =	sadd.s32 s3, s9;
	s6 =	sadd.s32 @!p0 $0x88, s6;
	s7 =	simm.s32 @p2 $0x1082  }
0x22: {  	[simem:s7], [sflag:s8] =	dma.local @!p0 [hbm:s6], $0xF7A  }
0x23: {  	s9 =	sor.u32 $0xD0000000, s2;
	s6 =	simm.s32 $0x108;
	_ =	swait.ge @!p0 [sflag:s8], $0x0  }
0x24: {  	s3 =	sadd.s32 $0x88, s3;
	s6 =	simm.s32 @!p1 $0x1082;
	[sflag:s4] =	ssyncset.s32 $0xFFFFF086  }
0x25: {  	[simem:s6], [sflag:s4] =	dma.local [hbm:s3], $0xF7A  }
0x26: {  	[smem:$0x3F9F] =	sst s1;
	(tag) =	ssettag s2;
	_ =	strace s9  }
0x27: {  	s1 =	sld [smem:$0x3FAF]  }
0x28: {  	s2 =	sld [smem:$0x3FB0]  }
0x29: {  	s4 =	sld [smem:$0x3FB2]  }
0x2a: {  	p0 =	seq.s32 s5, $0x0;
	s5 =	sld [smem:$0x3FB3]  }
0x2b: {  	s6 =	sld [smem:$0x3FB4]  }
0x2c: {  	s7 =	sld [smem:$0x3FB5]  }
0x2d: {  	s3 =	simm.s32 $0x108;
	s8 =	sld [smem:$0x3FB6]  }
0x2e: {  	s3 =	simm.s32 @!p0 $0x1082;
	s9 =	sld [smem:$0x3FB7]  }
0x2f: {  	lr =	sadd.s32 s0, s3;
	s0 =	sld [smem:$0x3FAE]  }
0x30: {  	s3 =	sld [smem:$0x3FB1]  }
0x31: {  	[smem:$0x3FBA] =	sst s10  }
0x32: {  	s10 =	sld [smem:$0x3FB8];
	_ =	sdelay $0x3  }
0x33: {  	p0 =	seq.s32 s10, $0x1;
	s10 =	sld [smem:$0x3FBA];
	_ =	sdelay $0x3  }
0x34: {  	[smem:$0x3FBA] =	sst s10  }
0x35: {  	s10 =	sld [smem:$0x3FB9];
	_ =	sdelay $0x3  }
0x36: {  	p1 =	seq.s32 s10, $0x1;
	s10 =	sld [smem:$0x3FBA];
	_ =	sdelay $0x3  }
0x37: {  	[smem:$0x3FBA] =	sst s10  }
0x38: {  	s10 =	sld [smem:$0x3FBB]  }
0x39: {  	_ = 	snop;
	(pc) =	sbr.ind lr, $3  }
0x3a: {  	_ = 	snop  }
0x3b: {  	_ = 	snop  }
0x3c: {  	p2 =	seq.s32 s10, $0x1;
	s10 =	sld [smem:$0x3FBA]  }
0x3d: {  	_ =	shalt  }
0x3e: {  	_ =	shalt  }
0x3f: {  	_ =	shalt  }
0x40: {  	_ =	shalt  }
0x41: {  	_ =	shalt  }
0x42: {  	_ =	shalt  }
0x43: {  	_ =	shalt  }
0x44: {  	_ =	shalt  }
0x45: {  	_ =	shalt  }
0x46: {  	_ =	shalt  }
0x47: {  	_ =	shalt  }
0x48: {  	_ =	shalt  }
0x49: {  	_ =	shalt  }
0x4a: {  	_ =	shalt  }
0x4b: {  	_ =	shalt  }
0x4c: {  	_ =	shalt  }
0x4d: {  	_ =	shalt  }
0x4e: {  	_ =	shalt  }
0x4f: {  	_ =	shalt  }
0x50: {  	_ =	shalt  }
0x51: {  	_ =	shalt  }
0x52: {  	_ =	shalt  }
0x53: {  	_ =	shalt  }
0x54: {  	_ =	shalt  }
0x55: {  	_ =	shalt  }
0x56: {  	_ =	shalt  }
0x57: {  	_ =	shalt  }
0x58: {  	_ =	shalt  }
0x59: {  	_ =	shalt  }
0x5a: {  	_ =	shalt  }
0x5b: {  	_ =	shalt  }
0x5c: {  	_ =	shalt  }
0x5d: {  	_ =	shalt  }
0x5e: {  	_ =	shalt  }
0x5f: {  	_ =	shalt  }
0x60: {  	_ =	shalt  }
0x61: {  	_ =	shalt  }
0x62: {  	_ =	shalt  }
0x63: {  	_ =	shalt  }
0x64: {  	_ =	shalt  }
0x65: {  	_ =	shalt  }
0x66: {  	_ =	shalt  }
0x67: {  	_ =	shalt  }
0x68: {  	_ =	shalt  }
0x69: {  	_ =	shalt  }
0x6a: {  	_ =	shalt  }
0x6b: {  	_ =	shalt  }
0x6c: {  	_ =	shalt  }
0x6d: {  	_ =	shalt  }
0x6e: {  	_ =	shalt  }
0x6f: {  	_ =	shalt  }
0x70: {  	_ =	shalt  }
0x71: {  	_ =	shalt  }
0x72: {  	_ =	shalt  }
0x73: {  	_ =	shalt  }
0x74: {  	_ =	shalt  }
0x75: {  	_ =	shalt  }
0x76: {  	_ =	shalt  }
0x77: {  	_ =	shalt  }
0x78: {  	_ =	shalt  }
0x79: {  	_ =	shalt  }
0x7a: {  	_ =	shalt  }
0x7b: {  	_ =	shalt  }
0x7c: {  	_ =	shalt  }
0x7d: {  	_ =	shalt  }
0x7e: {  	_ =	shalt  }
0x7f: {  	_ =	shalt  }
0x80: {  	_ =	shalt  }
0x81: {  	_ =	shalt  }
0x82: {  	_ =	shalt  }
0x83: {  	_ =	shalt  }
0x84: {  	_ =	shalt  }
0x85: {  	_ =	shalt  }
0x86: {  	_ =	shalt  }
0x87: {  	_ =	shalt  }
.Lfunc_end0:
.L_simem_size_0:
called_computation.1_lowered:
.L_overlay_start_0:
0x88: {  	s2 =	sld [smem:$0x3FD9]  }
0x89: {  	s3 =	sld [smem:$0x3FFE];
	_ =	sdelay $0x1  }
0x8a: {  	s1 =	srdreg.scid  }
0x8b: {  	s0 =	sand.u32 $0x1, s1  }
0x8c: {  	s17 =	sshll.u32 s0, $0xA;
	s2 =	sadd.s32 s3, s2  }
0x8d: {  	s2 =	sadd.s32 s2, s17  }
0x8e: {  	[smem:$0x3FC6] =	sst s2  }
0x8f: {  	_ = 	snop  }
0x90: {  	s2 =	sld [smem:$0x3FD0];
	(tm) =	ssettm $0x1  }
0x91: {  	s18 =	sld [smem:$0x3FFB];
	_ =	sdelay $0x3  }
0x92: {  	_ =	strace s18  }
0x93: {  	s3 =	sld [smem:$0x3FFC];
	_ =	sdelay $0x3  }
0x94: {  	_ =	strace s3  }
0x95: {  	s3 =	sld [smem:$0x3FFD];
	_ =	sdelay $0x3  }
0x96: {  	_ =	strace s3  }
0x97: {  	_ =	strace $0x8FFFFFFF  }
0x98: {  	s19 =	sld [smem:$0x3FDB];
	_ =	sdelay $0x1  }
0x99: {  	s4 =	simm.s32 $_scs_section_size  }
0x9a: {  	s5 =	simm.s32 $_size__tile_overlayer_lowered;
	s6 =	simm.s32 $_tile_overlayer_lowered  }
0x9b: {  	s22 =	simm.s32 $0x1BFF;
	s21 =	sshll.u32 s6, $0x1;
	s3 =	sadd.s32 s4, s19  }
0x9c: {  	s7 =	simm.s32 $0x0;
	s20 =	sshll.u32 s5, $0x1;
	s5 =	sadd.s32 s21, s3  }
0x9d: {  	[timem:s7], [sflag:s22] =	dma.local [hbm:s5], s20  }
0x9e: {  	_ =	swait.ge [sflag:s22], s20  }
0x9f: {  	s4 =	ssub.s32 $0x0, s20;
	[sflag:s22] =	ssyncset.done $0x0  }
0xa0: {  	[sflag:s22] =	ssyncadd.s32 s4;
	_ =	sdelay $0x1  }
0xa1: {  	s23 =	simm.s32 $0x1B8B  }
0xa2: {  	_ =	swait.ge [sflag:s23], $0x1  }
0xa3: {  	[sflag:s23] =	ssyncset.done $0x0  }
0xa4: {  	s25 =	simm.s32 $0x1B8E;
	s24 =	sld [smem:$0x3FFE];
	[sflag:s23] =	ssyncadd.s32 $0xFFFFFFFF  }
0xa5: {  	s26 =	simm.s32 $execute0_lowered;
	[smem:$0x3FD2] =	sst s25  }
0xa6: {  	s5 =	sshll.u32 s26, $0x1;
	_ =	strace $0x80000049;
	[dreg:$0x1] =	wrdreg $0xFFFFFFFF  }
0xa7: {  	s28 =	simm.s32 $_size_execute0_lowered;
	s3 =	sadd.s32 s3, s5;
	[dreg:$0x0] =	wrdreg $0x0  }
0xa8: {  	s5 =	sshll.u32 s28, $0x1;
	[dreg:$0x2] =	wrdreg s3  }
0xa9: {  	[dreg:$0x3] =	wrdreg s5  }
0xaa: {  	[dreg:$0x4] =	wrdreg $0xC0  }
0xab: {  	_ =	task [dreg:s7], $0x5FFFF  }
0xac: {  	[dreg:$0x1] =	wrdreg $0xFFFFFFFF  }
0xad: {  	[dreg:$0x0] =	wrdreg $0x60  }
0xae: {  	[dreg:$0x2] =	wrdreg s2  }
0xaf: {  	[dreg:$0x3] =	wrdreg s24  }
0xb0: {  	[dreg:$0x4] =	wrdreg $0xB0000  }
0xb1: {  	[dreg:$0x5] =	wrdreg $0x9  }
0xb2: {  	_ =	task.clear_ibuf [dreg:s7], $0x6FFFF;
	_ =	strace $0x90000049  }
0xb3: {  	s29 =	simm.s32 $0x9;
	_ =	strace $0x8000004B  }
0xb4: {  	_ =	swait.ge [sflag:s29], $0x1  }
0xb5: {  	[sflag:s29] =	ssyncadd.s32 $0xFFFFFFFF  }
0xb6: {  	_ =	strace $0x9000004B  }
0xb7: {  	_ =	sfence  }
0xb8: {  	s30 =	sld [smem:$0x0];
	_ =	sdelay $0x2  }
0xb9: {  	s31 =	sshll.u32 s1, $0xD;
	s1 =	sshrl.u32 s1, $0x2  }
0xba: {  	s3 =	sand.u32 $0x4000, s31;
	s1 =	sadd.s32 s1, s30  }
0xbb: {  	s0 =	sor.u32 s3, s0;
	s1 =	sshll.u32 s1, $0x11  }
0xbc: {  	s0 =	sor.u32 s1, s0  }
0xbd: {  	s0 =	sadd.s32 $0x8F2B, s0  }
0xbe: {  	[sflag:s0] =	ssyncadd.remote.s32 $0x1  }
0xbf: {  	_ =	sfence.sel $0xFFFF  }
0xc0: {  	[dreg:$0x0] =	wrdreg $0xFFFFFFFF;
	(pc) =	sbr.abs _section_cstart, $3  }
0xc1: {  	[dreg:$0x1] =	wrdreg $0xFFFFFFFF  }
0xc2: {  	_ =	task.clear_ibuf [dreg:s7], $0x2FFFF;
	_ =	strace $0x9FFFFFFF  }
0xc3: {  	(tm) =	ssettm $0x7FFFFFFF  }
tec
execute0_lowered:
.L_overlay_start_1:
0x0: {  	(tag) =	ssettag $0x1  }
0x1: {  	s1 =	rddreg [dreg:$0x0]  }
0x2: {  	s0 =	rddreg [dreg:$0x1]  }
0x3: {  	s3 =	rddreg [dreg:$0x2];
	s4 =	simm.s32 $0x0  }
0x4: {  	s11 =	stileid.u32;
	s2 =	srdreg.scid;
	s12 =	simm.s32 $0x400  }
0x5: {  	s13 =	simm.s32 $0x200;
	s15 =	simm.s32 $0x480;
	s17 =	simm.s32 $0x280  }
0x6: {  	s18 =	simm.s32 $0x500;
	s20 =	simm.s32 $0x300;
	[smem:$0x7FF] =	sst s4  }
0x7: {  	s21 =	simm.s32 $0x580;
	_ =	strace $0x8000004A;
	[dreg:$0x6] =	wrdreg s12  }
0x8: {  	s23 =	simm.s32 $0x380;
	s28 =	simm.s32 $0x4;
	[dreg:$0x7] =	wrdreg s13  }
0x9: {  	s29 =	simm.s32 $0x5;
	s30 =	simm.s32 $0xF80;
	[dreg:$0x8] =	wrdreg s15  }
0xa: {  	s31 =	simm.s32 $0x0;
	s6 =	smul.u32 $0x14000, s11;
	[dreg:$0x9] =	wrdreg s17  }
0xb: {  	s2 =	sand.u32 $0x1, s2;
	s9 =	sshll.u32 s11, $0xF;
	[dreg:$0xa] =	wrdreg s18  }
0xc: {  	s5 =	sadd.s32 $0x1C00, s0;
	s16 =	smul.u32 $0x50000, s11;
	[dreg:$0xb] =	wrdreg s20  }
0xd: {  	s24 =	sshll.u32 s11, $0x6;
	s7 =	smul.u32 $0x140000, s2;
	[dreg:$0xc] =	wrdreg s21  }
0xe: {  	s8 =	sshll.u32 s2, $0x13;
	s2 =	ssub.s32 $0x2, s2;
	[dreg:$0xd] =	wrdreg s23  }
0xf: {  	s13 =	simm.s32 $0x900;
	s15 =	simm.s32 $0x980;
	s17 =	simm.s32 $0xA00  }
0x10: {  	s18 =	simm.s32 $0xC80;
	s20 =	simm.s32 $0xD00;
	s21 =	simm.s32 $0xB00  }
0x11: {  	s23 =	simm.s32 $0xB80;
	s10 =	sshrl.u32 s6, $0x3;
	[dreg:$0x12] =	wrdreg s13  }
0x12: {  	s8 =	sor.u32 s9, s8;
	s14 =	sshrl.u32 s2, $0x1;
	[dreg:$0x14] =	wrdreg s15  }
0x13: {  	s19 =	sshrl.u32 s16, $0x2;
	s9 =	simm.s32 $0x700;
	[dreg:$0x16] =	wrdreg s17  }
0x14: {  	s16 =	simm.s32 $0xC00;
	s13 =	simm.s32 $0x7;
	[dreg:$0x17] =	wrdreg s18  }
0x15: {  	s15 =	simm.s32 $0x50;
	s17 =	simm.s32 $0x80;
	[dreg:$0x19] =	wrdreg s20  }
0x16: {  	s18 =	simm.s32 $0x3800;
	[dreg:$0x1a] =	wrdreg s21;
	s20 =	simm.s32 $0x6000  }
0x17: {  	[dreg:$0x1c] =	wrdreg s23;
	s21 =	simm.s32 $0x180;
	s23 =	simm.s32 $0x6  }
0x18: {  	s25 =	sadd.s32 s10, s0;
	s6 =	sadd.s32 s6, s7;
	[dreg:$0x11] =	wrdreg s9  }
0x19: {  	s26 =	sor.u32 $0x1000, s8;
	s10 =	sor.u32 $0x1800, s8;
	[dreg:$0x15] =	wrdreg s16  }
0x1a: {  	s2 =	ssub.s32 s2, s14;
	s12 =	sadd.s32 s19, s3;
	[dreg:$0x4] =	wrdreg s26  }
0x1b: {  	s7 =	sor.u32 $0x1C07, s24;
	s14 =	simm.s32 $0x780;
	[dreg:$0x5] =	wrdreg s10  }
0x1c: {  	s8 =	sshrl.u32 s8, $0x3;
	s19 =	simm.s32 $0xA80;
	[dreg:$0x13] =	wrdreg s14  }
0x1d: {  	s16 =	simm.s32 $0x1000;
	s24 =	simm.s32 $0xE00;
	[dreg:$0x18] =	wrdreg s19  }
0x1e: {  	s6 =	sshrl.u32 s6, $0x3;
	s22 =	sadd.s32 $0x29C00, s25;
	[dreg:$0x1d] =	wrdreg s24  }
0x1f: {  	s25 =	simm.s32 $0x600;
	s26 =	simm.s32 $0x680;
	[smem:$0x7FB] =	sst s22  }
0x20: {  	s8 =	sadd.s32 s1, s8;
	s12 =	sshrl.u32 s12, $0x3;
	[dreg:$0xe] =	wrdreg s25  }
0x21: {  	s0 =	sadd.s32 s6, s0;
	[dreg:$0xf] =	wrdreg s26;
	s6 =	simm.s32 $0x880  }
0x22: {  	s14 =	simm.s32 $0x800;
	s11 =	sadd.s32 $0x100, s8;
	[dreg:$0x10] =	wrdreg s6  }
0x23: {  	s19 =	simm.s32 $0x100;
	s22 =	simm.s32 $0xD80;
	[smem:$0x7FC] =	sst s11  }
0x24: {  	s24 =	simm.s32 $0x1;
	s25 =	simm.s32 $0xE80;
	[dreg:$0x1b] =	wrdreg s22  }
0x25: {  	s26 =	simm.s32 $0xF00;
	s0 =	sadd.s32 $0x51C00, s0;
	[dreg:$0x1e] =	wrdreg s25  }
0x26: {  	s11 =	smax.u32 s2, $0x1;
	s22 =	simm.s32 $0x8800;
	[dreg:$0x1f] =	wrdreg s26  }
0x27: {  	s25 =	simm.s32 $0x2;
	s26 =	simm.s32 $0x3;
	[smem:$0x7FD] =	sst s0  }
.LBB2_1:
0x28: {  	s0 =	sld [smem:$0x7FB];
	_ =	sdelay $0x2  }
0x29: {  	[spmem:s12], [sflag:s7] =	dma.local [hbm:s0], $0x2800  }
0x2a: {  	_ =	swait.ge [sflag:s13], $0x2800  }
0x2b: {  	[sflag:s13] =	ssyncset.done $0x0  }
0x2c: {  	[sflag:s13] =	ssyncadd.s32 $0xFFFFD800  }
0x2d: {  	[tilespmem:s4], [sflag:$0x7] =	stream.linear.gather [hbm4b:s8+s4], $0x800, $0x38;
	[tilespmem:$0x1F000] =	vst v63  }
0x2e: {  	_ =	swait.ge [sflag:s13], $0x800  }
0x2f: {  	s10 =	sld [smem:$0x7FC]  }
0x30: {  	[sflag:s13] =	ssyncset.done $0x0  }
0x31: {  	[sflag:s13] =	ssyncadd.s32 $0xFFFFF800  }
0x32: {  	[tilespmem:s14], [sflag:$0x6] =	stream.linear.gather [hbm4b:s10+s4], $0x800, $0x38;
	[tilespmem:$0x1F000] =	vst v63  }
0x33: {  	[bflag:$0x0] =	sbarrier.arrive $0xFFFF  }
0x34: {  	[tilespmem:s16], [sflag:$0x1] =	stream.indirect.gather [hbm4b:s5+s15], $0x80, s4, s15, $0xb8;
	[tilespmem:$0x1F000] =	vst v63  }
0x35: {  	_ = 	snop  }
0x36: {  	[tilespmem:s18], [sflag:$0x2] =	stream.indirect.gather [hbm4b:s5+s15], $0x80, s17, s15, $0xb8;
	[tilespmem:$0x1F000] =	vst v63  }
0x37: {  	_ = 	snop  }
0x38: {  	[tilespmem:s20], [sflag:$0x3] =	stream.indirect.gather [hbm4b:s5+s15], $0x80, s19, s15, $0xb8;
	[tilespmem:$0x1F000] =	vst v63  }
0x39: {  	_ = 	snop  }
0x3a: {  	[tilespmem:s22], [sflag:$0x4] =	stream.indirect.gather [hbm4b:s5+s15], $0x80, s21, s15, $0xb8;
	[tilespmem:$0x1F000] =	vst v63  }
0x3b: {  	_ =	swait.ge [sflag:s23], $0x800  }
0x3c: {  	[sflag:s23] =	ssyncset.done $0x0  }
0x3d: {  	[sflag:s23] =	ssyncadd.s32 $0xFFFFF800  }
0x3e: {  	_ =	swait.ge [sflag:s24], $0x2800  }
0x3f: {  	[sflag:s24] =	ssyncset.done $0x0  }
0x40: {  	s2 =	rddreg [dreg:$0x6];
	[sflag:s24] =	ssyncadd.s32 $0xFFFFD800  }
0x41: {  	[spmem:s3] =	stream.indirect.scatter.add.f32 [tilespmem:s16], [sflag:$0x7], $0x80, s2, s15, $0xb8;
	[tilespmem:$0x1F000] =	vst v63  }
0x42: {  	_ =	swait.ge [sflag:s13], $0x2800  }
0x43: {  	[sflag:s13] =	ssyncset.done $0x0  }
0x44: {  	s6 =	rddreg [dreg:$0x7];
	[sflag:s13] =	ssyncadd.s32 $0xFFFFD800  }
0x45: {  	[tilespmem:s16], [sflag:$0x1] =	stream.indirect.gather [hbm4b:s5+s15], $0x80, s6, s15, $0xb8;
	[tilespmem:$0x1F000] =	vst v63  }
0x46: {  	_ =	swait.ge [sflag:s25], $0x2800  }
0x47: {  	[sflag:s25] =	ssyncset.done $0x0  }
0x48: {  	s9 =	rddreg [dreg:$0x8];
	[sflag:s25] =	ssyncadd.s32 $0xFFFFD800  }
0x49: {  	[spmem:s3] =	stream.indirect.scatter.add.f32 [tilespmem:s18], [sflag:$0x7], $0x80, s9, s15, $0xb8;
	[tilespmem:$0x1F000] =	vst v63  }
0x4a: {  	_ =	swait.ge [sflag:s13], $0x2800  }
0x4b: {  	[sflag:s13] =	ssyncset.done $0x0  }
0x4c: {  	s10 =	rddreg [dreg:$0x9];
	[sflag:s13] =	ssyncadd.s32 $0xFFFFD800  }
0x4d: {  	[tilespmem:s18], [sflag:$0x2] =	stream.indirect.gather [hbm4b:s5+s15], $0x80, s10, s15, $0xb8;
	[tilespmem:$0x1F000] =	vst v63  }
0x4e: {  	_ =	swait.ge [sflag:s26], $0x2800  }
0x4f: {  	[sflag:s26] =	ssyncset.done $0x0  }
0x50: {  	s2 =	rddreg [dreg:$0xa];
	[sflag:s26] =	ssyncadd.s32 $0xFFFFD800  }
0x51: {  	[spmem:s3] =	stream.indirect.scatter.add.f32 [tilespmem:s20], [sflag:$0x7], $0x80, s2, s15, $0xb8;
	[tilespmem:$0x1F000] =	vst v63  }
0x52: {  	_ =	swait.ge [sflag:s13], $0x2800  }
0x53: {  	[sflag:s13] =	ssyncset.done $0x0  }
0x54: {  	s6 =	rddreg [dreg:$0xb];
	[sflag:s13] =	ssyncadd.s32 $0xFFFFD800  }
0x55: {  	[tilespmem:s20], [sflag:$0x3] =	stream.indirect.gather [hbm4b:s5+s15], $0x80, s6, s15, $0xb8;
	[tilespmem:$0x1F000] =	vst v63  }
0x56: {  	_ =	swait.ge [sflag:s28], $0x2800  }
0x57: {  	[sflag:s28] =	ssyncset.done $0x0  }
0x58: {  	s9 =	rddreg [dreg:$0xc];
	[sflag:s28] =	ssyncadd.s32 $0xFFFFD800  }
0x59: {  	[spmem:s3] =	stream.indirect.scatter.add.f32 [tilespmem:s22], [sflag:$0x7], $0x80, s9, s15, $0xb8;
	[tilespmem:$0x1F000] =	vst v63  }
0x5a: {  	_ =	swait.ge [sflag:s13], $0x2800  }
0x5b: {  	[sflag:s13] =	ssyncset.done $0x0  }
0x5c: {  	s10 =	rddreg [dreg:$0xd];
	[sflag:s13] =	ssyncadd.s32 $0xFFFFD800  }
0x5d: {  	[tilespmem:s22], [sflag:$0x4] =	stream.indirect.gather [hbm4b:s5+s15], $0x80, s10, s15, $0xb8;
	[tilespmem:$0x1F000] =	vst v63  }
0x5e: {  	_ =	swait.ge [sflag:s24], $0x2800  }
0x5f: {  	[sflag:s24] =	ssyncset.done $0x0  }
0x60: {  	s2 =	rddreg [dreg:$0xe];
	[sflag:s24] =	ssyncadd.s32 $0xFFFFD800  }
0x61: {  	[spmem:s3] =	stream.indirect.scatter.add.f32 [tilespmem:s16], [sflag:$0x7], $0x80, s2, s15, $0xb8;
	[tilespmem:$0x1F000] =	vst v63  }
0x62: {  	_ =	swait.ge [sflag:s13], $0x2800  }
0x63: {  	[sflag:s13] =	ssyncset.done $0x0  }
0x64: {  	[sflag:s13] =	ssyncadd.s32 $0xFFFFD800  }
0x65: {  	[tilespmem:s16], [sflag:$0x1] =	stream.indirect.gather [hbm4b:s5+s15], $0x80, s14, s15, $0xb8;
	[tilespmem:$0x1F000] =	vst v63  }
0x66: {  	_ =	swait.ge [sflag:s25], $0x2800  }
0x67: {  	[sflag:s25] =	ssyncset.done $0x0  }
0x68: {  	s6 =	rddreg [dreg:$0xf];
	[sflag:s25] =	ssyncadd.s32 $0xFFFFD800  }
0x69: {  	[spmem:s3] =	stream.indirect.scatter.add.f32 [tilespmem:s18], [sflag:$0x7], $0x80, s6, s15, $0xb8;
	[tilespmem:$0x1F000] =	vst v63  }
0x6a: {  	_ =	swait.ge [sflag:s13], $0x2800  }
0x6b: {  	[sflag:s13] =	ssyncset.done $0x0  }
0x6c: {  	s9 =	rddreg [dreg:$0x10];
	[sflag:s13] =	ssyncadd.s32 $0xFFFFD800  }
0x6d: {  	[tilespmem:s18], [sflag:$0x2] =	stream.indirect.gather [hbm4b:s5+s15], $0x80, s9, s15, $0xb8;
	[tilespmem:$0x1F000] =	vst v63  }
0x6e: {  	_ =	swait.ge [sflag:s26], $0x2800  }
0x6f: {  	[sflag:s26] =	ssyncset.done $0x0  }
0x70: {  	s10 =	rddreg [dreg:$0x11];
	[sflag:s26] =	ssyncadd.s32 $0xFFFFD800  }
0x71: {  	[spmem:s3] =	stream.indirect.scatter.add.f32 [tilespmem:s20], [sflag:$0x7], $0x80, s10, s15, $0xb8;
	[tilespmem:$0x1F000] =	vst v63  }
0x72: {  	_ =	swait.ge [sflag:s13], $0x2800  }
0x73: {  	[sflag:s13] =	ssyncset.done $0x0  }
0x74: {  	s2 =	rddreg [dreg:$0x12];
	[sflag:s13] =	ssyncadd.s32 $0xFFFFD800  }
0x75: {  	[tilespmem:s20], [sflag:$0x3] =	stream.indirect.gather [hbm4b:s5+s15], $0x80, s2, s15, $0xb8;
	[tilespmem:$0x1F000] =	vst v63  }
0x76: {  	_ =	swait.ge [sflag:s28], $0x2800  }
0x77: {  	[sflag:s28] =	ssyncset.done $0x0  }
0x78: {  	s6 =	rddreg [dreg:$0x13];
	[sflag:s28] =	ssyncadd.s32 $0xFFFFD800  }
0x79: {  	[spmem:s3] =	stream.indirect.scatter.add.f32 [tilespmem:s22], [sflag:$0x7], $0x80, s6, s15, $0xb8;
	[tilespmem:$0x1F000] =	vst v63  }
0x7a: {  	s2 =	smin.u32 s4, $0xD;
	_ =	swait.ge [sflag:s13], $0x2800  }
0x7b: {  	s2 =	sshll.u32 s2, $0xB;
	s9 =	rddreg [dreg:$0x4]  }
0x7c: {  	[sflag:s13] =	ssyncset.done $0x0;
	s0 =	sadd.s32 s2, s9  }
0x7d: {  	s6 =	rddreg [dreg:$0x14];
	[sflag:s13] =	ssyncadd.s32 $0xFFFFD800;
	s0 =	sshrl.u32 s0, $0x3  }
0x7e: {  	[tilespmem:s22], [sflag:$0x4] =	stream.indirect.gather [hbm4b:s5+s15], $0x80, s6, s15, $0xb8;
	[tilespmem:$0x1F000] =	vst v63  }
0x7f: {  	s0 =	sadd.s32 s1, s0  }
0x80: {  	[tilespmem:s4], [sflag:$0x5] =	stream.linear.gather [hbm4b:s0+s4], $0x800, $0x38;
	[tilespmem:$0x1F000] =	vst v63  }
0x81: {  	_ =	swait.ge [sflag:s29], $0x800  }
0x82: {  	[sflag:s29] =	ssyncset.done $0x0  }
0x83: {  	[sflag:s29] =	ssyncadd.s32 $0xFFFFF800  }
0x84: {  	_ =	swait.ge [sflag:s24], $0x2800  }
0x85: {  	[sflag:s24] =	ssyncset.done $0x0  }
0x86: {  	s10 =	rddreg [dreg:$0x15];
	[sflag:s24] =	ssyncadd.s32 $0xFFFFD800  }
0x87: {  	[spmem:s3] =	stream.indirect.scatter.add.f32 [tilespmem:s16], [sflag:$0x7], $0x80, s10, s15, $0xb8;
	[tilespmem:$0x1F000] =	vst v63  }
0x88: {  	_ =	swait.ge [sflag:s13], $0x2800  }
0x89: {  	[sflag:s13] =	ssyncset.done $0x0  }
0x8a: {  	s2 =	rddreg [dreg:$0x16];
	[sflag:s13] =	ssyncadd.s32 $0xFFFFD800  }
0x8b: {  	[tilespmem:s16], [sflag:$0x1] =	stream.indirect.gather [hbm4b:s5+s15], $0x80, s2, s15, $0xb8;
	[tilespmem:$0x1F000] =	vst v63  }
0x8c: {  	_ =	swait.ge [sflag:s25], $0x2800  }
0x8d: {  	[sflag:s25] =	ssyncset.done $0x0  }
0x8e: {  	s6 =	rddreg [dreg:$0x17];
	[sflag:s25] =	ssyncadd.s32 $0xFFFFD800  }
0x8f: {  	[spmem:s3] =	stream.indirect.scatter.add.f32 [tilespmem:s18], [sflag:$0x7], $0x80, s6, s15, $0xb8;
	[tilespmem:$0x1F000] =	vst v63  }
0x90: {  	_ =	swait.ge [sflag:s13], $0x2800  }
0x91: {  	[sflag:s13] =	ssyncset.done $0x0  }
0x92: {  	s9 =	rddreg [dreg:$0x18];
	[sflag:s13] =	ssyncadd.s32 $0xFFFFD800  }
0x93: {  	[tilespmem:s18], [sflag:$0x2] =	stream.indirect.gather [hbm4b:s5+s15], $0x80, s9, s15, $0xb8;
	[tilespmem:$0x1F000] =	vst v63  }
0x94: {  	_ =	swait.ge [sflag:s26], $0x2800  }
0x95: {  	[sflag:s26] =	ssyncset.done $0x0  }
0x96: {  	s10 =	rddreg [dreg:$0x19];
	[sflag:s26] =	ssyncadd.s32 $0xFFFFD800  }
0x97: {  	[spmem:s3] =	stream.indirect.scatter.add.f32 [tilespmem:s20], [sflag:$0x7], $0x80, s10, s15, $0xb8;
	[tilespmem:$0x1F000] =	vst v63  }
0x98: {  	_ =	swait.ge [sflag:s13], $0x2800  }
0x99: {  	[sflag:s13] =	ssyncset.done $0x0  }
0x9a: {  	s2 =	rddreg [dreg:$0x1a];
	[sflag:s13] =	ssyncadd.s32 $0xFFFFD800  }
0x9b: {  	[tilespmem:s20], [sflag:$0x3] =	stream.indirect.gather [hbm4b:s5+s15], $0x80, s2, s15, $0xb8;
	[tilespmem:$0x1F000] =	vst v63  }
0x9c: {  	_ =	swait.ge [sflag:s28], $0x2800  }
0x9d: {  	[sflag:s28] =	ssyncset.done $0x0  }
0x9e: {  	s6 =	rddreg [dreg:$0x1b];
	[sflag:s28] =	ssyncadd.s32 $0xFFFFD800  }
0x9f: {  	[spmem:s3] =	stream.indirect.scatter.add.f32 [tilespmem:s22], [sflag:$0x7], $0x80, s6, s15, $0xb8;
	[tilespmem:$0x1F000] =	vst v63  }
0xa0: {  	_ =	swait.ge [sflag:s13], $0x2800  }
0xa1: {  	[sflag:s13] =	ssyncset.done $0x0  }
0xa2: {  	s9 =	rddreg [dreg:$0x1c];
	[sflag:s13] =	ssyncadd.s32 $0xFFFFD800  }
0xa3: {  	[tilespmem:s22], [sflag:$0x4] =	stream.indirect.gather [hbm4b:s5+s15], $0x80, s9, s15, $0xb8;
	[tilespmem:$0x1F000] =	vst v63  }
0xa4: {  	_ =	swait.ge [sflag:s24], $0x2800  }
0xa5: {  	[sflag:s24] =	ssyncset.done $0x0  }
0xa6: {  	s10 =	rddreg [dreg:$0x1d];
	[sflag:s24] =	ssyncadd.s32 $0xFFFFD800  }
0xa7: {  	[spmem:s3] =	stream.indirect.scatter.add.f32 [tilespmem:s16], [sflag:$0x7], $0x80, s10, s15, $0xb8;
	[tilespmem:$0x1F000] =	vst v63  }
0xa8: {  	_ =	swait.ge [sflag:s13], $0x2800  }
0xa9: {  	[sflag:s13] =	ssyncset.done $0x0  }
0xaa: {  	[sflag:s13] =	ssyncadd.s32 $0xFFFFD800  }
0xab: {  	[tilespmem:s16], [sflag:$0x1] =	stream.indirect.gather [hbm4b:s5+s15], $0x80, s4, s15, $0xb8;
	[tilespmem:$0x1F000] =	vst v63  }
0xac: {  	_ =	swait.ge [sflag:s25], $0x2800  }
0xad: {  	[sflag:s25] =	ssyncset.done $0x0  }
0xae: {  	s2 =	rddreg [dreg:$0x1e];
	[sflag:s25] =	ssyncadd.s32 $0xFFFFD800  }
0xaf: {  	[spmem:s3] =	stream.indirect.scatter.add.f32 [tilespmem:s18], [sflag:$0x7], $0x80, s2, s15, $0xb8;
	[tilespmem:$0x1F000] =	vst v63  }
0xb0: {  	_ =	swait.ge [sflag:s13], $0x2800  }
0xb1: {  	[sflag:s13] =	ssyncset.done $0x0  }
0xb2: {  	[sflag:s13] =	ssyncadd.s32 $0xFFFFD800  }
0xb3: {  	[tilespmem:s18], [sflag:$0x2] =	stream.indirect.gather [hbm4b:s5+s15], $0x80, s17, s15, $0xb8;
	[tilespmem:$0x1F000] =	vst v63  }
0xb4: {  	_ =	swait.ge [sflag:s26], $0x2800  }
0xb5: {  	[sflag:s26] =	ssyncset.done $0x0  }
0xb6: {  	s6 =	rddreg [dreg:$0x1f];
	[sflag:s26] =	ssyncadd.s32 $0xFFFFD800  }
0xb7: {  	[spmem:s3] =	stream.indirect.scatter.add.f32 [tilespmem:s20], [sflag:$0x7], $0x80, s6, s15, $0xb8;
	[tilespmem:$0x1F000] =	vst v63  }
0xb8: {  	_ =	swait.ge [sflag:s13], $0x2800  }
0xb9: {  	[sflag:s13] =	ssyncset.done $0x0  }
0xba: {  	[sflag:s13] =	ssyncadd.s32 $0xFFFFD800  }
0xbb: {  	[tilespmem:s20], [sflag:$0x3] =	stream.indirect.gather [hbm4b:s5+s15], $0x80, s19, s15, $0xb8;
	[tilespmem:$0x1F000] =	vst v63  }
0xbc: {  	_ =	swait.ge [sflag:s28], $0x2800  }
0xbd: {  	[sflag:s28] =	ssyncset.done $0x0  }
0xbe: {  	[sflag:s28] =	ssyncadd.s32 $0xFFFFD800  }
0xbf: {  	[spmem:s3] =	stream.indirect.scatter.add.f32 [tilespmem:s22], [sflag:$0x7], $0x80, s30, s15, $0xb8;
	[tilespmem:$0x1F000] =	vst v63  }
0xc0: {  	s9 =	smin.u32 s4, $0xC;
	_ =	swait.ge [sflag:s13], $0x2800  }
0xc1: {  	s0 =	sshll.u32 s9, $0xB;
	[sflag:s13] =	ssyncset.done $0x0;
	s10 =	rddreg [dreg:$0x5]  }
0xc2: {  	[sflag:s13] =	ssyncadd.s32 $0xFFFFD800;
	s2 =	sadd.s32 s0, s10;
	s0 =	simm.s32 $0x2  }
0xc3: {  	[tilespmem:s22], [sflag:$0x4] =	stream.indirect.gather [hbm4b:s5+s15], $0x80, s21, s15, $0xb8;
	[tilespmem:$0x1F000] =	vst v63  }
.LBB2_2:
0xc4: {  	s6 =	sshrl.u32 s2, $0x3  }
0xc5: {  	s6 =	sadd.s32 s1, s6  }
0xc6: {  	[tilespmem:s14], [sflag:$0x6] =	stream.linear.gather [hbm4b:s6+s4], $0x800, $0x38;
	[tilespmem:$0x1F000] =	vst v63  }
0xc7: {  	_ =	swait.ge [sflag:s23], $0x800  }
0xc8: {  	[sflag:s23] =	ssyncset.done $0x0  }
0xc9: {  	[sflag:s23] =	ssyncadd.s32 $0xFFFFF800  }
0xca: {  	_ =	swait.ge [sflag:s24], $0x2800  }
0xcb: {  	[sflag:s24] =	ssyncset.done $0x0  }
0xcc: {  	s9 =	rddreg [dreg:$0x6];
	[sflag:s24] =	ssyncadd.s32 $0xFFFFD800  }
0xcd: {  	[spmem:s3] =	stream.indirect.scatter.add.f32 [tilespmem:s16], [sflag:$0x7], $0x80, s9, s15, $0xb8;
	[tilespmem:$0x1F000] =	vst v63  }
0xce: {  	_ =	swait.ge [sflag:s13], $0x2800  }
0xcf: {  	[sflag:s13] =	ssyncset.done $0x0  }
0xd0: {  	s10 =	rddreg [dreg:$0x7];
	[sflag:s13] =	ssyncadd.s32 $0xFFFFD800  }
0xd1: {  	[tilespmem:s16], [sflag:$0x1] =	stream.indirect.gather [hbm4b:s5+s15], $0x80, s10, s15, $0xb8;
	[tilespmem:$0x1F000] =	vst v63  }
0xd2: {  	_ =	swait.ge [sflag:s25], $0x2800  }
0xd3: {  	[sflag:s25] =	ssyncset.done $0x0  }
0xd4: {  	s9 =	rddreg [dreg:$0x8];
	[sflag:s25] =	ssyncadd.s32 $0xFFFFD800  }
0xd5: {  	[spmem:s3] =	stream.indirect.scatter.add.f32 [tilespmem:s18], [sflag:$0x7], $0x80, s9, s15, $0xb8;
	[tilespmem:$0x1F000] =	vst v63  }
0xd6: {  	_ =	swait.ge [sflag:s13], $0x2800  }
0xd7: {  	[sflag:s13] =	ssyncset.done $0x0  }
0xd8: {  	s10 =	rddreg [dreg:$0x9];
	[sflag:s13] =	ssyncadd.s32 $0xFFFFD800  }
0xd9: {  	[tilespmem:s18], [sflag:$0x2] =	stream.indirect.gather [hbm4b:s5+s15], $0x80, s10, s15, $0xb8;
	[tilespmem:$0x1F000] =	vst v63  }
0xda: {  	_ =	swait.ge [sflag:s26], $0x2800  }
0xdb: {  	[sflag:s26] =	ssyncset.done $0x0  }
0xdc: {  	s9 =	rddreg [dreg:$0xa];
	[sflag:s26] =	ssyncadd.s32 $0xFFFFD800  }
0xdd: {  	[spmem:s3] =	stream.indirect.scatter.add.f32 [tilespmem:s20], [sflag:$0x7], $0x80, s9, s15, $0xb8;
	[tilespmem:$0x1F000] =	vst v63  }
0xde: {  	_ =	swait.ge [sflag:s13], $0x2800  }
0xdf: {  	[sflag:s13] =	ssyncset.done $0x0  }
0xe0: {  	s10 =	rddreg [dreg:$0xb];
	[sflag:s13] =	ssyncadd.s32 $0xFFFFD800  }
0xe1: {  	[tilespmem:s20], [sflag:$0x3] =	stream.indirect.gather [hbm4b:s5+s15], $0x80, s10, s15, $0xb8;
	[tilespmem:$0x1F000] =	vst v63  }
0xe2: {  	_ =	swait.ge [sflag:s28], $0x2800  }
0xe3: {  	[sflag:s28] =	ssyncset.done $0x0  }
0xe4: {  	s9 =	rddreg [dreg:$0xc];
	[sflag:s28] =	ssyncadd.s32 $0xFFFFD800  }
0xe5: {  	[spmem:s3] =	stream.indirect.scatter.add.f32 [tilespmem:s22], [sflag:$0x7], $0x80, s9, s15, $0xb8;
	[tilespmem:$0x1F000] =	vst v63  }
0xe6: {  	_ =	swait.ge [sflag:s13], $0x2800  }
0xe7: {  	[sflag:s13] =	ssyncset.done $0x0  }
0xe8: {  	s10 =	rddreg [dreg:$0xd];
	[sflag:s13] =	ssyncadd.s32 $0xFFFFD800  }
0xe9: {  	[tilespmem:s22], [sflag:$0x4] =	stream.indirect.gather [hbm4b:s5+s15], $0x80, s10, s15, $0xb8;
	[tilespmem:$0x1F000] =	vst v63  }
0xea: {  	_ =	swait.ge [sflag:s24], $0x2800  }
0xeb: {  	[sflag:s24] =	ssyncset.done $0x0  }
0xec: {  	s9 =	rddreg [dreg:$0xe];
	[sflag:s24] =	ssyncadd.s32 $0xFFFFD800  }
0xed: {  	[spmem:s3] =	stream.indirect.scatter.add.f32 [tilespmem:s16], [sflag:$0x7], $0x80, s9, s15, $0xb8;
	[tilespmem:$0x1F000] =	vst v63  }
0xee: {  	_ =	swait.ge [sflag:s13], $0x2800  }
0xef: {  	[sflag:s13] =	ssyncset.done $0x0  }
0xf0: {  	[sflag:s13] =	ssyncadd.s32 $0xFFFFD800  }
0xf1: {  	[tilespmem:s16], [sflag:$0x1] =	stream.indirect.gather [hbm4b:s5+s15], $0x80, s14, s15, $0xb8;
	[tilespmem:$0x1F000] =	vst v63  }
0xf2: {  	_ =	swait.ge [sflag:s25], $0x2800  }
0xf3: {  	[sflag:s25] =	ssyncset.done $0x0  }
0xf4: {  	s10 =	rddreg [dreg:$0xf];
	[sflag:s25] =	ssyncadd.s32 $0xFFFFD800  }
0xf5: {  	[spmem:s3] =	stream.indirect.scatter.add.f32 [tilespmem:s18], [sflag:$0x7], $0x80, s10, s15, $0xb8;
	[tilespmem:$0x1F000] =	vst v63  }
0xf6: {  	_ =	swait.ge [sflag:s13], $0x2800  }
0xf7: {  	[sflag:s13] =	ssyncset.done $0x0  }
0xf8: {  	s9 =	rddreg [dreg:$0x10];
	[sflag:s13] =	ssyncadd.s32 $0xFFFFD800  }
0xf9: {  	[tilespmem:s18], [sflag:$0x2] =	stream.indirect.gather [hbm4b:s5+s15], $0x80, s9, s15, $0xb8;
	[tilespmem:$0x1F000] =	vst v63  }
0xfa: {  	_ =	swait.ge [sflag:s26], $0x2800  }
0xfb: {  	[sflag:s26] =	ssyncset.done $0x0  }
0xfc: {  	s10 =	rddreg [dreg:$0x11];
	[sflag:s26] =	ssyncadd.s32 $0xFFFFD800  }
0xfd: {  	[spmem:s3] =	stream.indirect.scatter.add.f32 [tilespmem:s20], [sflag:$0x7], $0x80, s10, s15, $0xb8;
	[tilespmem:$0x1F000] =	vst v63  }
0xfe: {  	_ =	swait.ge [sflag:s13], $0x2800  }
0xff: {  	[sflag:s13] =	ssyncset.done $0x0  }
0x100: {  	s9 =	rddreg [dreg:$0x12];
	[sflag:s13] =	ssyncadd.s32 $0xFFFFD800  }
0x101: {  	[tilespmem:s20], [sflag:$0x3] =	stream.indirect.gather [hbm4b:s5+s15], $0x80, s9, s15, $0xb8;
	[tilespmem:$0x1F000] =	vst v63  }
0x102: {  	_ =	swait.ge [sflag:s28], $0x2800  }
0x103: {  	[sflag:s28] =	ssyncset.done $0x0  }
0x104: {  	s2 =	smov.u32 s0;
	s10 =	rddreg [dreg:$0x13];
	[sflag:s28] =	ssyncadd.s32 $0xFFFFD800  }
0x105: {  	[spmem:s3] =	stream.indirect.scatter.add.f32 [tilespmem:s22], [sflag:$0x7], $0x80, s10, s15, $0xb8;
	[tilespmem:$0x1F000] =	vst v63  }
0x106: {  	s10 =	smin.u32 s2, $0xD;
	_ =	swait.ge [sflag:s13], $0x2800  }
0x107: {  	s10 =	sshll.u32 s10, $0xB;
	s6 =	rddreg [dreg:$0x4]  }
0x108: {  	[sflag:s13] =	ssyncset.done $0x0;
	s6 =	sadd.s32 s10, s6  }
0x109: {  	s9 =	rddreg [dreg:$0x14];
	[sflag:s13] =	ssyncadd.s32 $0xFFFFD800;
	s6 =	sshrl.u32 s6, $0x3  }
0x10a: {  	[tilespmem:s22], [sflag:$0x4] =	stream.indirect.gather [hbm4b:s5+s15], $0x80, s9, s15, $0xb8;
	[tilespmem:$0x1F000] =	vst v63  }
0x10b: {  	s6 =	sadd.s32 s1, s6  }
0x10c: {  	[tilespmem:s4], [sflag:$0x5] =	stream.linear.gather [hbm4b:s6+s4], $0x800, $0x38;
	[tilespmem:$0x1F000] =	vst v63  }
0x10d: {  	_ =	swait.ge [sflag:s29], $0x800  }
0x10e: {  	[sflag:s29] =	ssyncset.done $0x0  }
0x10f: {  	[sflag:s29] =	ssyncadd.s32 $0xFFFFF800  }
0x110: {  	_ =	swait.ge [sflag:s24], $0x2800  }
0x111: {  	[sflag:s24] =	ssyncset.done $0x0  }
0x112: {  	s9 =	rddreg [dreg:$0x15];
	[sflag:s24] =	ssyncadd.s32 $0xFFFFD800  }
0x113: {  	[spmem:s3] =	stream.indirect.scatter.add.f32 [tilespmem:s16], [sflag:$0x7], $0x80, s9, s15, $0xb8;
	[tilespmem:$0x1F000] =	vst v63  }
0x114: {  	_ =	swait.ge [sflag:s13], $0x2800  }
0x115: {  	[sflag:s13] =	ssyncset.done $0x0  }
0x116: {  	s10 =	rddreg [dreg:$0x16];
	[sflag:s13] =	ssyncadd.s32 $0xFFFFD800  }
0x117: {  	[tilespmem:s16], [sflag:$0x1] =	stream.indirect.gather [hbm4b:s5+s15], $0x80, s10, s15, $0xb8;
	[tilespmem:$0x1F000] =	vst v63  }
0x118: {  	_ =	swait.ge [sflag:s25], $0x2800  }
0x119: {  	[sflag:s25] =	ssyncset.done $0x0  }
0x11a: {  	s9 =	rddreg [dreg:$0x17];
	[sflag:s25] =	ssyncadd.s32 $0xFFFFD800  }
0x11b: {  	[spmem:s3] =	stream.indirect.scatter.add.f32 [tilespmem:s18], [sflag:$0x7], $0x80, s9, s15, $0xb8;
	[tilespmem:$0x1F000] =	vst v63  }
0x11c: {  	_ =	swait.ge [sflag:s13], $0x2800  }
0x11d: {  	[sflag:s13] =	ssyncset.done $0x0  }
0x11e: {  	s10 =	rddreg [dreg:$0x18];
	[sflag:s13] =	ssyncadd.s32 $0xFFFFD800  }
0x11f: {  	[tilespmem:s18], [sflag:$0x2] =	stream.indirect.gather [hbm4b:s5+s15], $0x80, s10, s15, $0xb8;
	[tilespmem:$0x1F000] =	vst v63  }
0x120: {  	_ =	swait.ge [sflag:s26], $0x2800  }
0x121: {  	[sflag:s26] =	ssyncset.done $0x0  }
0x122: {  	s9 =	rddreg [dreg:$0x19];
	[sflag:s26] =	ssyncadd.s32 $0xFFFFD800  }
0x123: {  	[spmem:s3] =	stream.indirect.scatter.add.f32 [tilespmem:s20], [sflag:$0x7], $0x80, s9, s15, $0xb8;
	[tilespmem:$0x1F000] =	vst v63  }
0x124: {  	_ =	swait.ge [sflag:s13], $0x2800  }
0x125: {  	[sflag:s13] =	ssyncset.done $0x0  }
0x126: {  	s10 =	rddreg [dreg:$0x1a];
	[sflag:s13] =	ssyncadd.s32 $0xFFFFD800  }
0x127: {  	[tilespmem:s20], [sflag:$0x3] =	stream.indirect.gather [hbm4b:s5+s15], $0x80, s10, s15, $0xb8;
	[tilespmem:$0x1F000] =	vst v63  }
0x128: {  	_ =	swait.ge [sflag:s28], $0x2800  }
0x129: {  	[sflag:s28] =	ssyncset.done $0x0  }
0x12a: {  	s9 =	rddreg [dreg:$0x1b];
	[sflag:s28] =	ssyncadd.s32 $0xFFFFD800  }
0x12b: {  	[spmem:s3] =	stream.indirect.scatter.add.f32 [tilespmem:s22], [sflag:$0x7], $0x80, s9, s15, $0xb8;
	[tilespmem:$0x1F000] =	vst v63  }
0x12c: {  	_ =	swait.ge [sflag:s13], $0x2800  }
0x12d: {  	[sflag:s13] =	ssyncset.done $0x0  }
0x12e: {  	s10 =	rddreg [dreg:$0x1c];
	[sflag:s13] =	ssyncadd.s32 $0xFFFFD800  }
0x12f: {  	[tilespmem:s22], [sflag:$0x4] =	stream.indirect.gather [hbm4b:s5+s15], $0x80, s10, s15, $0xb8;
	[tilespmem:$0x1F000] =	vst v63  }
0x130: {  	_ =	swait.ge [sflag:s24], $0x2800  }
0x131: {  	[sflag:s24] =	ssyncset.done $0x0  }
0x132: {  	s9 =	rddreg [dreg:$0x1d];
	[sflag:s24] =	ssyncadd.s32 $0xFFFFD800  }
0x133: {  	[spmem:s3] =	stream.indirect.scatter.add.f32 [tilespmem:s16], [sflag:$0x7], $0x80, s9, s15, $0xb8;
	[tilespmem:$0x1F000] =	vst v63  }
0x134: {  	_ =	swait.ge [sflag:s13], $0x2800  }
0x135: {  	[sflag:s13] =	ssyncset.done $0x0  }
0x136: {  	[sflag:s13] =	ssyncadd.s32 $0xFFFFD800  }
0x137: {  	[tilespmem:s16], [sflag:$0x1] =	stream.indirect.gather [hbm4b:s5+s15], $0x80, s4, s15, $0xb8;
	[tilespmem:$0x1F000] =	vst v63  }
0x138: {  	_ =	swait.ge [sflag:s25], $0x2800  }
0x139: {  	[sflag:s25] =	ssyncset.done $0x0  }
0x13a: {  	s10 =	rddreg [dreg:$0x1e];
	[sflag:s25] =	ssyncadd.s32 $0xFFFFD800  }
0x13b: {  	[spmem:s3] =	stream.indirect.scatter.add.f32 [tilespmem:s18], [sflag:$0x7], $0x80, s10, s15, $0xb8;
	[tilespmem:$0x1F000] =	vst v63  }
0x13c: {  	_ =	swait.ge [sflag:s13], $0x2800  }
0x13d: {  	[sflag:s13] =	ssyncset.done $0x0  }
0x13e: {  	[sflag:s13] =	ssyncadd.s32 $0xFFFFD800  }
0x13f: {  	[tilespmem:s18], [sflag:$0x2] =	stream.indirect.gather [hbm4b:s5+s15], $0x80, s17, s15, $0xb8;
	[tilespmem:$0x1F000] =	vst v63  }
0x140: {  	_ =	swait.ge [sflag:s26], $0x2800  }
0x141: {  	[sflag:s26] =	ssyncset.done $0x0  }
0x142: {  	s9 =	rddreg [dreg:$0x1f];
	[sflag:s26] =	ssyncadd.s32 $0xFFFFD800  }
0x143: {  	[spmem:s3] =	stream.indirect.scatter.add.f32 [tilespmem:s20], [sflag:$0x7], $0x80, s9, s15, $0xb8;
	[tilespmem:$0x1F000] =	vst v63  }
0x144: {  	_ =	swait.ge [sflag:s13], $0x2800  }
0x145: {  	[sflag:s13] =	ssyncset.done $0x0  }
0x146: {  	[sflag:s13] =	ssyncadd.s32 $0xFFFFD800  }
0x147: {  	[tilespmem:s20], [sflag:$0x3] =	stream.indirect.gather [hbm4b:s5+s15], $0x80, s19, s15, $0xb8;
	[tilespmem:$0x1F000] =	vst v63  }
0x148: {  	_ =	swait.ge [sflag:s28], $0x2800  }
0x149: {  	[sflag:s28] =	ssyncset.done $0x0  }
0x14a: {  	p0 =	sne.s32 s0, $0xE;
	[sflag:s28] =	ssyncadd.s32 $0xFFFFD800  }
0x14b: {  	[spmem:s3] =	stream.indirect.scatter.add.f32 [tilespmem:s22], [sflag:$0x7], $0x80, s30, s15, $0xb8;
	[tilespmem:$0x1F000] =	vst v63  }
.Ltmp0:
0x14c: {  	_ = 	snop;
	(pc) =	sbr.rel @p0 .LBB2_2-.Ltmp0, $4  }
0x14d: {  	s2 =	smin.u32 s2, $0xC;
	_ =	swait.ge [sflag:s13], $0x2800  }
0x14e: {  	s2 =	sshll.u32 s2, $0xB;
	[sflag:s13] =	ssyncset.done $0x0;
	s10 =	rddreg [dreg:$0x5]  }
0x14f: {  	s0 =	sadd.s32 $0x2, s0;
	[sflag:s13] =	ssyncadd.s32 $0xFFFFD800;
	s2 =	sadd.s32 s2, s10  }
0x150: {  	[tilespmem:s22], [sflag:$0x4] =	stream.indirect.gather [hbm4b:s5+s15], $0x80, s21, s15, $0xb8;
	[tilespmem:$0x1F000] =	vst v63  }
0x151: {  	s0 =	sshrl.u32 s2, $0x3  }
0x152: {  	s0 =	sadd.s32 s1, s0  }
0x153: {  	[tilespmem:s14], [sflag:$0x6] =	stream.linear.gather [hbm4b:s0+s4], $0x800, $0x38;
	[tilespmem:$0x1F000] =	vst v63  }
0x154: {  	_ =	swait.ge [sflag:s23], $0x800  }
0x155: {  	[sflag:s23] =	ssyncset.done $0x0  }
0x156: {  	[sflag:s23] =	ssyncadd.s32 $0xFFFFF800  }
0x157: {  	_ =	swait.ge [sflag:s24], $0x2800  }
0x158: {  	[sflag:s24] =	ssyncset.done $0x0  }
0x159: {  	[sflag:s24] =	ssyncadd.s32 $0xFFFFD800  }
0x15a: {  	_ =	swait.ge [sflag:s25], $0x2800  }
0x15b: {  	[sflag:s25] =	ssyncset.done $0x0  }
0x15c: {  	[sflag:s25] =	ssyncadd.s32 $0xFFFFD800  }
0x15d: {  	_ =	swait.ge [sflag:s26], $0x2800  }
0x15e: {  	[sflag:s26] =	ssyncset.done $0x0  }
0x15f: {  	[sflag:s26] =	ssyncadd.s32 $0xFFFFD800  }
0x160: {  	_ =	swait.ge [sflag:s28], $0x2800  }
0x161: {  	[sflag:s28] =	ssyncset.done $0x0  }
0x162: {  	[sflag:s28] =	ssyncadd.s32 $0xFFFFD800  }
0x163: {  	[bflag:$0x0] =	sbarrier.arrive $0xFFFF  }
0x164: {  	s31 =	sadd.s32 $0x1, s31;
	s10 =	sld [smem:$0x7FD]  }
0x165: {  	p0 =	sne.s32 s31, s11  }
.Ltmp1:
0x166: {  	_ = 	snop;
	(pc) =	sbr.rel @p0 .LBB2_1-.Ltmp1, $4  }
0x167: {  	[hbm:s10], [sflag:s7] =	dma.local [spmem:s12], $0x2800  }
0x168: {  	_ =	swait.ge [sflag:s13], $0x2800  }
0x169: {  	[sflag:s13] =	ssyncset.done $0x0  }
0x16a: {  	[sflag:s13] =	ssyncadd.s32 $0xFFFFD800  }
0x16b: {  	_ =	sfence.sel $0x180000  }
0x16c: {  	[bflag:$0x0] =	sbarrier.arrive $0xFFFF  }
0x16d: {  	_ =	strace $0x9000004A  }
0x16e: {  	s0 =	stileid.u32;
	[bflag:$0x2] =	sbarrier.arrive $0xFFFF  }
0x16f: {  	p0 =	sne.s32 s0, $0x0;
	s0 =	rddreg [dreg:$0x3]  }
0x170: {  	s0 =	sadd.s32 @!p0 $0x100000, s0  }
0x171: {  	[sflag:s0] =	ssyncadd.tile.s32 @!p0 $0x1;
	_ =	shalt  }
.Lfunc_end2:
_tile_overlayer_lowered:
.L_overlay_start_2:
0x172: {  	(tag) =	ssettag $0x2  }
0x173: {  	s0 =	rddreg [dreg:$0x0];
	s2 =	stileid.u32  }
0x174: {  	s1 =	rddreg [dreg:$0x1];
	p0 =	sne.s32 s2, $0x0  }
0x175: {  	s3 =	rddreg [dreg:$0x2];
	[bflag:$0x3] =	sbarrier.arrive $0xFFFF;
	s2 =	simm.s32 @!p0 $0x1C07  }
0x176: {  	[timem:s3], [sflag:s2] =	dma.local @!p0 [hbm:s0], s1  }
0x177: {  	s0 =	simm.s32 @!p0 $0x7  }
0x178: {  	_ =	swait.ge @!p0 [sflag:s0], s1  }
0x179: {  	s1 =	ssub.s32 @!p0 $0x0, s1;
	[sflag:s0] =	ssyncset.done @!p0 $0x0  }
0x17a: {  	[sflag:s0] =	ssyncadd.s32 @!p0 s1  }
0x17b: {  	[bflag:$0x3] =	sbarrier.arrive $0xFFFF  }
0x17c: {  	_ =	shalt  }

// kernel: kernel.14.cloned.1.call-start
scs
__scs_entry_jumppad:
0x0: {  	(pc) =	sbr.rel $0x88, $3  }
0x1: {  	(tag) =	ssettag $0x0;
	lr =	simm.s32 $0x1  }
0x2: {  	[smem:$0x3F9F] =	sst lr;
	_ =	strace $0xD0000000  }
0x3: {  	_ = 	snop  }
0x4: {  	_ = 	snop  }
0x5: {  	_ = 	snop  }
0x6: {  	_ = 	snop  }
0x7: {  	_ = 	snop  }
__scs_overlays_trampoline_lowered:
0x8: {  	[smem:$0x3FAE] =	sst s0  }
0x9: {  	[smem:$0x3FAF] =	sst s1  }
0xa: {  	[smem:$0x3FB0] =	sst s2  }
0xb: {  	[smem:$0x3FB1] =	sst s3  }
0xc: {  	[smem:$0x3FB2] =	sst s4  }
0xd: {  	[smem:$0x3FB3] =	sst s5  }
0xe: {  	[smem:$0x3FB4] =	sst s6  }
0xf: {  	[smem:$0x3FB5] =	sst s7  }
0x10: {  	[smem:$0x3FB6] =	sst s8  }
0x11: {  	[smem:$0x3FB7] =	sst s9;
	s0 =	simm.s32 @!p0 $0x0  }
0x12: {  	s1 =	sld [smem:$0x3F9D];
	s0 =	simm.s32 @p0 $0x1  }
0x13: {  	[smem:$0x3FB8] =	sst s0;
	s0 =	simm.s32 @!p1 $0x0  }
0x14: {  	s2 =	sld [smem:$0x3F9C];
	s0 =	simm.s32 @p1 $0x1  }
0x15: {  	[smem:$0x3FB9] =	sst s0;
	s0 =	simm.s32 @!p2 $0x0  }
0x16: {  	s3 =	sld [smem:$0x3FDB];
	s0 =	simm.s32 @p2 $0x1  }
0x17: {  	s4 =	simm.s32 $0x1BF5;
	[smem:$0x3FBB] =	sst s0  }
0x18: {  	s0 =	sld [smem:$0x3F9E];
	_ =	swait.ge [sflag:s4], $0x0  }
0x19: {  	s7 =	sld [smem:$0x3F9F]  }
0x1a: {  	s8 =	sadd.s32 $0xFFFFE003, lr  }
0x1b: {  	s9 =	sadd.s32 $0xFFFFFEF7, lr;
	s5 =	simm.s32 $0xFFFFFFFF;
	p2 =	slt.u32 s8, $0xFFFFF086  }
0x1c: {  	p1 =	slt.u32 s9, $0xF7A;
	s5 =	simm.s32 @!p2 $0x0  }
0x1d: {  	s5 =	simm.s32 @p1 $0x1;
	p0 =	seq.s32 s7, s2  }
0x1e: {  	s7 =	smul.u32 @!p0 $0xF7A, s2;
	p2 =	seq.s32 @!p0 s5, $0x0  }
0x1f: {  	s9 =	smul.u32 $0xF7A, s1;
	s8 =	simm.s32 @!p0 $0x1BF5;
	p2 =	por !p2, p0  }
0x20: {  	[sflag:s8] =	ssyncset.s32 @!p0 $0xFFFFF086;
	s6 =	sadd.s32 @!p0 s3, s7;
	s7 =	simm.s32 @!p0 $0x108  }
0x21: {  	s3 =	sadd.s32 s3, s9;
	s6 =	sadd.s32 @!p0 $0x88, s6;
	s7 =	simm.s32 @p2 $0x1082  }
0x22: {  	[simem:s7], [sflag:s8] =	dma.local @!p0 [hbm:s6], $0xF7A  }
0x23: {  	s9 =	sor.u32 $0xD0000000, s2;
	s6 =	simm.s32 $0x108;
	_ =	swait.ge @!p0 [sflag:s8], $0x0  }
0x24: {  	s3 =	sadd.s32 $0x88, s3;
	s6 =	simm.s32 @!p1 $0x1082;
	[sflag:s4] =	ssyncset.s32 $0xFFFFF086  }
0x25: {  	[simem:s6], [sflag:s4] =	dma.local [hbm:s3], $0xF7A  }
0x26: {  	[smem:$0x3F9F] =	sst s1;
	(tag) =	ssettag s2;
	_ =	strace s9  }
0x27: {  	s1 =	sld [smem:$0x3FAF]  }
0x28: {  	s2 =	sld [smem:$0x3FB0]  }
0x29: {  	s4 =	sld [smem:$0x3FB2]  }
0x2a: {  	p0 =	seq.s32 s5, $0x0;
	s5 =	sld [smem:$0x3FB3]  }
0x2b: {  	s6 =	sld [smem:$0x3FB4]  }
0x2c: {  	s7 =	sld [smem:$0x3FB5]  }
0x2d: {  	s3 =	simm.s32 $0x108;
	s8 =	sld [smem:$0x3FB6]  }
0x2e: {  	s3 =	simm.s32 @!p0 $0x1082;
	s9 =	sld [smem:$0x3FB7]  }
0x2f: {  	lr =	sadd.s32 s0, s3;
	s0 =	sld [smem:$0x3FAE]  }
0x30: {  	s3 =	sld [smem:$0x3FB1]  }
0x31: {  	[smem:$0x3FBA] =	sst s10  }
0x32: {  	s10 =	sld [smem:$0x3FB8];
	_ =	sdelay $0x3  }
0x33: {  	p0 =	seq.s32 s10, $0x1;
	s10 =	sld [smem:$0x3FBA];
	_ =	sdelay $0x3  }
0x34: {  	[smem:$0x3FBA] =	sst s10  }
0x35: {  	s10 =	sld [smem:$0x3FB9];
	_ =	sdelay $0x3  }
0x36: {  	p1 =	seq.s32 s10, $0x1;
	s10 =	sld [smem:$0x3FBA];
	_ =	sdelay $0x3  }
0x37: {  	[smem:$0x3FBA] =	sst s10  }
0x38: {  	s10 =	sld [smem:$0x3FBB]  }
0x39: {  	_ = 	snop;
	(pc) =	sbr.ind lr, $3  }
0x3a: {  	_ = 	snop  }
0x3b: {  	_ = 	snop  }
0x3c: {  	p2 =	seq.s32 s10, $0x1;
	s10 =	sld [smem:$0x3FBA]  }
0x3d: {  	_ =	shalt  }
0x3e: {  	_ =	shalt  }
0x3f: {  	_ =	shalt  }
0x40: {  	_ =	shalt  }
0x41: {  	_ =	shalt  }
0x42: {  	_ =	shalt  }
0x43: {  	_ =	shalt  }
0x44: {  	_ =	shalt  }
0x45: {  	_ =	shalt  }
0x46: {  	_ =	shalt  }
0x47: {  	_ =	shalt  }
0x48: {  	_ =	shalt  }
0x49: {  	_ =	shalt  }
0x4a: {  	_ =	shalt  }
0x4b: {  	_ =	shalt  }
0x4c: {  	_ =	shalt  }
0x4d: {  	_ =	shalt  }
0x4e: {  	_ =	shalt  }
0x4f: {  	_ =	shalt  }
0x50: {  	_ =	shalt  }
0x51: {  	_ =	shalt  }
0x52: {  	_ =	shalt  }
0x53: {  	_ =	shalt  }
0x54: {  	_ =	shalt  }
0x55: {  	_ =	shalt  }
0x56: {  	_ =	shalt  }
0x57: {  	_ =	shalt  }
0x58: {  	_ =	shalt  }
0x59: {  	_ =	shalt  }
0x5a: {  	_ =	shalt  }
0x5b: {  	_ =	shalt  }
0x5c: {  	_ =	shalt  }
0x5d: {  	_ =	shalt  }
0x5e: {  	_ =	shalt  }
0x5f: {  	_ =	shalt  }
0x60: {  	_ =	shalt  }
0x61: {  	_ =	shalt  }
0x62: {  	_ =	shalt  }
0x63: {  	_ =	shalt  }
0x64: {  	_ =	shalt  }
0x65: {  	_ =	shalt  }
0x66: {  	_ =	shalt  }
0x67: {  	_ =	shalt  }
0x68: {  	_ =	shalt  }
0x69: {  	_ =	shalt  }
0x6a: {  	_ =	shalt  }
0x6b: {  	_ =	shalt  }
0x6c: {  	_ =	shalt  }
0x6d: {  	_ =	shalt  }
0x6e: {  	_ =	shalt  }
0x6f: {  	_ =	shalt  }
0x70: {  	_ =	shalt  }
0x71: {  	_ =	shalt  }
0x72: {  	_ =	shalt  }
0x73: {  	_ =	shalt  }
0x74: {  	_ =	shalt  }
0x75: {  	_ =	shalt  }
0x76: {  	_ =	shalt  }
0x77: {  	_ =	shalt  }
0x78: {  	_ =	shalt  }
0x79: {  	_ =	shalt  }
0x7a: {  	_ =	shalt  }
0x7b: {  	_ =	shalt  }
0x7c: {  	_ =	shalt  }
0x7d: {  	_ =	shalt  }
0x7e: {  	_ =	shalt  }
0x7f: {  	_ =	shalt  }
0x80: {  	_ =	shalt  }
0x81: {  	_ =	shalt  }
0x82: {  	_ =	shalt  }
0x83: {  	_ =	shalt  }
0x84: {  	_ =	shalt  }
0x85: {  	_ =	shalt  }
0x86: {  	_ =	shalt  }
0x87: {  	_ =	shalt  }
.Lfunc_end0:
.L_simem_size_0:
called_computation.2_lowered:
.L_overlay_start_0:
0x88: {  	s2 =	sld [smem:$0x3FD9]  }
0x89: {  	s3 =	sld [smem:$0x3FFE];
	_ =	sdelay $0x1  }
0x8a: {  	s1 =	srdreg.scid  }
0x8b: {  	s0 =	sand.u32 $0x1, s1  }
0x8c: {  	s17 =	sshll.u32 s0, $0xA;
	s2 =	sadd.s32 s3, s2  }
0x8d: {  	s2 =	sadd.s32 s2, s17  }
0x8e: {  	[smem:$0x3FC6] =	sst s2  }
0x8f: {  	_ = 	snop  }
0x90: {  	s2 =	sld [smem:$0x3FD0];
	(tm) =	ssettm $0x1  }
0x91: {  	s18 =	sld [smem:$0x3FFB];
	_ =	sdelay $0x3  }
0x92: {  	_ =	strace s18  }
0x93: {  	s3 =	sld [smem:$0x3FFC];
	_ =	sdelay $0x3  }
0x94: {  	_ =	strace s3  }
0x95: {  	s3 =	sld [smem:$0x3FFD];
	_ =	sdelay $0x3  }
0x96: {  	_ =	strace s3  }
0x97: {  	_ =	strace $0x8FFFFFFF  }
0x98: {  	s19 =	sld [smem:$0x3FDB];
	_ =	sdelay $0x1  }
0x99: {  	s4 =	simm.s32 $_scs_section_size  }
0x9a: {  	s5 =	simm.s32 $_size__tile_overlayer_lowered;
	s6 =	simm.s32 $_tile_overlayer_lowered  }
0x9b: {  	s22 =	simm.s32 $0x1BFF;
	s21 =	sshll.u32 s6, $0x1;
	s3 =	sadd.s32 s4, s19  }
0x9c: {  	s7 =	simm.s32 $0x0;
	s20 =	sshll.u32 s5, $0x1;
	s5 =	sadd.s32 s21, s3  }
0x9d: {  	[timem:s7], [sflag:s22] =	dma.local [hbm:s5], s20  }
0x9e: {  	_ =	swait.ge [sflag:s22], s20  }
0x9f: {  	s4 =	ssub.s32 $0x0, s20;
	[sflag:s22] =	ssyncset.done $0x0  }
0xa0: {  	[sflag:s22] =	ssyncadd.s32 s4;
	_ =	sdelay $0x1  }
0xa1: {  	s23 =	simm.s32 $0x1B8B  }
0xa2: {  	_ =	swait.ge [sflag:s23], $0x1  }
0xa3: {  	[sflag:s23] =	ssyncset.done $0x0  }
0xa4: {  	s25 =	simm.s32 $0x1B8E;
	s24 =	sld [smem:$0x3FFE];
	[sflag:s23] =	ssyncadd.s32 $0xFFFFFFFF  }
0xa5: {  	s26 =	simm.s32 $execute0_lowered;
	[smem:$0x3FD2] =	sst s25  }
0xa6: {  	s5 =	sshll.u32 s26, $0x1;
	_ =	strace $0x8000004C;
	[dreg:$0x1] =	wrdreg $0xFFFFFFFF  }
0xa7: {  	s28 =	simm.s32 $_size_execute0_lowered;
	s3 =	sadd.s32 s3, s5;
	[dreg:$0x0] =	wrdreg $0x0  }
0xa8: {  	s5 =	sshll.u32 s28, $0x1;
	[dreg:$0x2] =	wrdreg s3  }
0xa9: {  	[dreg:$0x3] =	wrdreg s5  }
0xaa: {  	[dreg:$0x4] =	wrdreg $0xC0  }
0xab: {  	_ =	task [dreg:s7], $0x5FFFF  }
0xac: {  	[dreg:$0x1] =	wrdreg $0xFFFFFFFF  }
0xad: {  	[dreg:$0x0] =	wrdreg $0x60  }
0xae: {  	[dreg:$0x2] =	wrdreg s2  }
0xaf: {  	[dreg:$0x3] =	wrdreg s24  }
0xb0: {  	[dreg:$0x4] =	wrdreg $0xB0000  }
0xb1: {  	[dreg:$0x5] =	wrdreg $0x9  }
0xb2: {  	_ =	task.clear_ibuf [dreg:s7], $0x6FFFF;
	_ =	strace $0x9000004C  }
0xb3: {  	s29 =	simm.s32 $0x9;
	_ =	strace $0x8000004E  }
0xb4: {  	_ =	swait.ge [sflag:s29], $0x1  }
0xb5: {  	[sflag:s29] =	ssyncadd.s32 $0xFFFFFFFF  }
0xb6: {  	_ =	strace $0x9000004E  }
0xb7: {  	_ =	sfence  }
0xb8: {  	s30 =	sld [smem:$0x0];
	_ =	sdelay $0x2  }
0xb9: {  	s31 =	sshll.u32 s1, $0xD;
	s1 =	sshrl.u32 s1, $0x2  }
0xba: {  	s3 =	sand.u32 $0x4000, s31;
	s1 =	sadd.s32 s1, s30  }
0xbb: {  	s0 =	sor.u32 s3, s0;
	s1 =	sshll.u32 s1, $0x11  }
0xbc: {  	s0 =	sor.u32 s1, s0  }
0xbd: {  	s0 =	sadd.s32 $0x8F2B, s0  }
0xbe: {  	[sflag:s0] =	ssyncadd.remote.s32 $0x1  }
0xbf: {  	_ =	sfence.sel $0xFFFF  }
0xc0: {  	[dreg:$0x0] =	wrdreg $0xFFFFFFFF;
	(pc) =	sbr.abs _section_cstart, $3  }
0xc1: {  	[dreg:$0x1] =	wrdreg $0xFFFFFFFF  }
0xc2: {  	_ =	task.clear_ibuf [dreg:s7], $0x2FFFF;
	_ =	strace $0x9FFFFFFF  }
0xc3: {  	(tm) =	ssettm $0x7FFFFFFF  }
tec
execute0_lowered:
.L_overlay_start_1:
0x0: {  	(tag) =	ssettag $0x1  }
0x1: {  	s1 =	rddreg [dreg:$0x0]  }
0x2: {  	s0 =	rddreg [dreg:$0x1]  }
0x3: {  	s3 =	rddreg [dreg:$0x2];
	s4 =	simm.s32 $0x0  }
0x4: {  	s11 =	stileid.u32;
	s2 =	srdreg.scid;
	s12 =	simm.s32 $0x400  }
0x5: {  	s13 =	simm.s32 $0x200;
	s15 =	simm.s32 $0x480;
	s17 =	simm.s32 $0x280  }
0x6: {  	s18 =	simm.s32 $0x500;
	s20 =	simm.s32 $0x300;
	[smem:$0x7FF] =	sst s4  }
0x7: {  	s21 =	simm.s32 $0x580;
	_ =	strace $0x8000004D;
	[dreg:$0x6] =	wrdreg s12  }
0x8: {  	s23 =	simm.s32 $0x380;
	s28 =	simm.s32 $0x4;
	[dreg:$0x7] =	wrdreg s13  }
0x9: {  	s29 =	simm.s32 $0x5;
	s30 =	simm.s32 $0xF80;
	[dreg:$0x8] =	wrdreg s15  }
0xa: {  	s31 =	simm.s32 $0x0;
	s6 =	smul.u32 $0x14000, s11;
	[dreg:$0x9] =	wrdreg s17  }
0xb: {  	s2 =	sand.u32 $0x1, s2;
	s9 =	sshll.u32 s11, $0xF;
	[dreg:$0xa] =	wrdreg s18  }
0xc: {  	s5 =	sadd.s32 $0x1C00, s0;
	s16 =	smul.u32 $0x50000, s11;
	[dreg:$0xb] =	wrdreg s20  }
0xd: {  	s24 =	sshll.u32 s11, $0x6;
	s7 =	smul.u32 $0x140000, s2;
	[dreg:$0xc] =	wrdreg s21  }
0xe: {  	s8 =	sshll.u32 s2, $0x13;
	s2 =	ssub.s32 $0x2, s2;
	[dreg:$0xd] =	wrdreg s23  }
0xf: {  	s13 =	simm.s32 $0x900;
	s15 =	simm.s32 $0x980;
	s17 =	simm.s32 $0xA00  }
0x10: {  	s18 =	simm.s32 $0xC80;
	s20 =	simm.s32 $0xD00;
	s21 =	simm.s32 $0xB00  }
0x11: {  	s23 =	simm.s32 $0xB80;
	s10 =	sshrl.u32 s6, $0x3;
	[dreg:$0x12] =	wrdreg s13  }
0x12: {  	s8 =	sor.u32 s9, s8;
	s14 =	sshrl.u32 s2, $0x1;
	[dreg:$0x14] =	wrdreg s15  }
0x13: {  	s19 =	sshrl.u32 s16, $0x2;
	s9 =	simm.s32 $0x700;
	[dreg:$0x16] =	wrdreg s17  }
0x14: {  	s16 =	simm.s32 $0xC00;
	s13 =	simm.s32 $0x7;
	[dreg:$0x17] =	wrdreg s18  }
0x15: {  	s15 =	simm.s32 $0x50;
	s17 =	simm.s32 $0x80;
	[dreg:$0x19] =	wrdreg s20  }
0x16: {  	s18 =	simm.s32 $0x3800;
	[dreg:$0x1a] =	wrdreg s21;
	s20 =	simm.s32 $0x6000  }
0x17: {  	[dreg:$0x1c] =	wrdreg s23;
	s21 =	simm.s32 $0x180;
	s23 =	simm.s32 $0x6  }
0x18: {  	s25 =	sadd.s32 s10, s0;
	s6 =	sadd.s32 s6, s7;
	[dreg:$0x11] =	wrdreg s9  }
0x19: {  	s26 =	sor.u32 $0x1000, s8;
	s10 =	sor.u32 $0x1800, s8;
	[dreg:$0x15] =	wrdreg s16  }
0x1a: {  	s2 =	ssub.s32 s2, s14;
	s12 =	sadd.s32 s19, s3;
	[dreg:$0x4] =	wrdreg s26  }
0x1b: {  	s7 =	sor.u32 $0x1C07, s24;
	s14 =	simm.s32 $0x780;
	[dreg:$0x5] =	wrdreg s10  }
0x1c: {  	s8 =	sshrl.u32 s8, $0x3;
	s19 =	simm.s32 $0xA80;
	[dreg:$0x13] =	wrdreg s14  }
0x1d: {  	s16 =	simm.s32 $0x1000;
	s24 =	simm.s32 $0xE00;
	[dreg:$0x18] =	wrdreg s19  }
0x1e: {  	s6 =	sshrl.u32 s6, $0x3;
	s22 =	sadd.s32 $0x29C00, s25;
	[dreg:$0x1d] =	wrdreg s24  }
0x1f: {  	s25 =	simm.s32 $0x600;
	s26 =	simm.s32 $0x680;
	[smem:$0x7FB] =	sst s22  }
0x20: {  	s8 =	sadd.s32 s1, s8;
	s12 =	sshrl.u32 s12, $0x3;
	[dreg:$0xe] =	wrdreg s25  }
0x21: {  	s0 =	sadd.s32 s6, s0;
	[dreg:$0xf] =	wrdreg s26;
	s6 =	simm.s32 $0x880  }
0x22: {  	s14 =	simm.s32 $0x800;
	s11 =	sadd.s32 $0x100, s8;
	[dreg:$0x10] =	wrdreg s6  }
0x23: {  	s19 =	simm.s32 $0x100;
	s22 =	simm.s32 $0xD80;
	[smem:$0x7FC] =	sst s11  }
0x24: {  	s24 =	simm.s32 $0x1;
	s25 =	simm.s32 $0xE80;
	[dreg:$0x1b] =	wrdreg s22  }
0x25: {  	s26 =	simm.s32 $0xF00;
	s0 =	sadd.s32 $0x51C00, s0;
	[dreg:$0x1e] =	wrdreg s25  }
0x26: {  	s11 =	smax.u32 s2, $0x1;
	s22 =	simm.s32 $0x8800;
	[dreg:$0x1f] =	wrdreg s26  }
0x27: {  	s25 =	simm.s32 $0x2;
	s26 =	simm.s32 $0x3;
	[smem:$0x7FD] =	sst s0  }
.LBB2_1:
0x28: {  	s0 =	sld [smem:$0x7FB];
	_ =	sdelay $0x2  }
0x29: {  	[spmem:s12], [sflag:s7] =	dma.local [hbm:s0], $0x2800  }
0x2a: {  	_ =	swait.ge [sflag:s13], $0x2800  }
0x2b: {  	[sflag:s13] =	ssyncset.done $0x0  }
0x2c: {  	[sflag:s13] =	ssyncadd.s32 $0xFFFFD800  }
0x2d: {  	[tilespmem:s4], [sflag:$0x7] =	stream.linear.gather [hbm4b:s8+s4], $0x800, $0x38;
	[tilespmem:$0x1F000] =	vst v63  }
0x2e: {  	_ =	swait.ge [sflag:s13], $0x800  }
0x2f: {  	s10 =	sld [smem:$0x7FC]  }
0x30: {  	[sflag:s13] =	ssyncset.done $0x0  }
0x31: {  	[sflag:s13] =	ssyncadd.s32 $0xFFFFF800  }
0x32: {  	[tilespmem:s14], [sflag:$0x6] =	stream.linear.gather [hbm4b:s10+s4], $0x800, $0x38;
	[tilespmem:$0x1F000] =	vst v63  }
0x33: {  	[bflag:$0x0] =	sbarrier.arrive $0xFFFF  }
0x34: {  	[tilespmem:s16], [sflag:$0x1] =	stream.indirect.gather [hbm4b:s5+s15], $0x80, s4, s15, $0xb8;
	[tilespmem:$0x1F000] =	vst v63  }
0x35: {  	_ = 	snop  }
0x36: {  	[tilespmem:s18], [sflag:$0x2] =	stream.indirect.gather [hbm4b:s5+s15], $0x80, s17, s15, $0xb8;
	[tilespmem:$0x1F000] =	vst v63  }
0x37: {  	_ = 	snop  }
0x38: {  	[tilespmem:s20], [sflag:$0x3] =	stream.indirect.gather [hbm4b:s5+s15], $0x80, s19, s15, $0xb8;
	[tilespmem:$0x1F000] =	vst v63  }
0x39: {  	_ = 	snop  }
0x3a: {  	[tilespmem:s22], [sflag:$0x4] =	stream.indirect.gather [hbm4b:s5+s15], $0x80, s21, s15, $0xb8;
	[tilespmem:$0x1F000] =	vst v63  }
0x3b: {  	_ =	swait.ge [sflag:s23], $0x800  }
0x3c: {  	[sflag:s23] =	ssyncset.done $0x0  }
0x3d: {  	[sflag:s23] =	ssyncadd.s32 $0xFFFFF800  }
0x3e: {  	_ =	swait.ge [sflag:s24], $0x2800  }
0x3f: {  	[sflag:s24] =	ssyncset.done $0x0  }
0x40: {  	s2 =	rddreg [dreg:$0x6];
	[sflag:s24] =	ssyncadd.s32 $0xFFFFD800  }
0x41: {  	[spmem:s3] =	stream.indirect.scatter.add.f32 [tilespmem:s16], [sflag:$0x7], $0x80, s2, s15, $0xb8;
	[tilespmem:$0x1F000] =	vst v63  }
0x42: {  	_ =	swait.ge [sflag:s13], $0x2800  }
0x43: {  	[sflag:s13] =	ssyncset.done $0x0  }
0x44: {  	s6 =	rddreg [dreg:$0x7];
	[sflag:s13] =	ssyncadd.s32 $0xFFFFD800  }
0x45: {  	[tilespmem:s16], [sflag:$0x1] =	stream.indirect.gather [hbm4b:s5+s15], $0x80, s6, s15, $0xb8;
	[tilespmem:$0x1F000] =	vst v63  }
0x46: {  	_ =	swait.ge [sflag:s25], $0x2800  }
0x47: {  	[sflag:s25] =	ssyncset.done $0x0  }
0x48: {  	s9 =	rddreg [dreg:$0x8];
	[sflag:s25] =	ssyncadd.s32 $0xFFFFD800  }
0x49: {  	[spmem:s3] =	stream.indirect.scatter.add.f32 [tilespmem:s18], [sflag:$0x7], $0x80, s9, s15, $0xb8;
	[tilespmem:$0x1F000] =	vst v63  }
0x4a: {  	_ =	swait.ge [sflag:s13], $0x2800  }
0x4b: {  	[sflag:s13] =	ssyncset.done $0x0  }
0x4c: {  	s10 =	rddreg [dreg:$0x9];
	[sflag:s13] =	ssyncadd.s32 $0xFFFFD800  }
0x4d: {  	[tilespmem:s18], [sflag:$0x2] =	stream.indirect.gather [hbm4b:s5+s15], $0x80, s10, s15, $0xb8;
	[tilespmem:$0x1F000] =	vst v63  }
0x4e: {  	_ =	swait.ge [sflag:s26], $0x2800  }
0x4f: {  	[sflag:s26] =	ssyncset.done $0x0  }
0x50: {  	s2 =	rddreg [dreg:$0xa];
	[sflag:s26] =	ssyncadd.s32 $0xFFFFD800  }
0x51: {  	[spmem:s3] =	stream.indirect.scatter.add.f32 [tilespmem:s20], [sflag:$0x7], $0x80, s2, s15, $0xb8;
	[tilespmem:$0x1F000] =	vst v63  }
0x52: {  	_ =	swait.ge [sflag:s13], $0x2800  }
0x53: {  	[sflag:s13] =	ssyncset.done $0x0  }
0x54: {  	s6 =	rddreg [dreg:$0xb];
	[sflag:s13] =	ssyncadd.s32 $0xFFFFD800  }
0x55: {  	[tilespmem:s20], [sflag:$0x3] =	stream.indirect.gather [hbm4b:s5+s15], $0x80, s6, s15, $0xb8;
	[tilespmem:$0x1F000] =	vst v63  }
0x56: {  	_ =	swait.ge [sflag:s28], $0x2800  }
0x57: {  	[sflag:s28] =	ssyncset.done $0x0  }
0x58: {  	s9 =	rddreg [dreg:$0xc];
	[sflag:s28] =	ssyncadd.s32 $0xFFFFD800  }
0x59: {  	[spmem:s3] =	stream.indirect.scatter.add.f32 [tilespmem:s22], [sflag:$0x7], $0x80, s9, s15, $0xb8;
	[tilespmem:$0x1F000] =	vst v63  }
0x5a: {  	_ =	swait.ge [sflag:s13], $0x2800  }
0x5b: {  	[sflag:s13] =	ssyncset.done $0x0  }
0x5c: {  	s10 =	rddreg [dreg:$0xd];
	[sflag:s13] =	ssyncadd.s32 $0xFFFFD800  }
0x5d: {  	[tilespmem:s22], [sflag:$0x4] =	stream.indirect.gather [hbm4b:s5+s15], $0x80, s10, s15, $0xb8;
	[tilespmem:$0x1F000] =	vst v63  }
0x5e: {  	_ =	swait.ge [sflag:s24], $0x2800  }
0x5f: {  	[sflag:s24] =	ssyncset.done $0x0  }
0x60: {  	s2 =	rddreg [dreg:$0xe];
	[sflag:s24] =	ssyncadd.s32 $0xFFFFD800  }
0x61: {  	[spmem:s3] =	stream.indirect.scatter.add.f32 [tilespmem:s16], [sflag:$0x7], $0x80, s2, s15, $0xb8;
	[tilespmem:$0x1F000] =	vst v63  }
0x62: {  	_ =	swait.ge [sflag:s13], $0x2800  }
0x63: {  	[sflag:s13] =	ssyncset.done $0x0  }
0x64: {  	[sflag:s13] =	ssyncadd.s32 $0xFFFFD800  }
0x65: {  	[tilespmem:s16], [sflag:$0x1] =	stream.indirect.gather [hbm4b:s5+s15], $0x80, s14, s15, $0xb8;
	[tilespmem:$0x1F000] =	vst v63  }
0x66: {  	_ =	swait.ge [sflag:s25], $0x2800  }
0x67: {  	[sflag:s25] =	ssyncset.done $0x0  }
0x68: {  	s6 =	rddreg [dreg:$0xf];
	[sflag:s25] =	ssyncadd.s32 $0xFFFFD800  }
0x69: {  	[spmem:s3] =	stream.indirect.scatter.add.f32 [tilespmem:s18], [sflag:$0x7], $0x80, s6, s15, $0xb8;
	[tilespmem:$0x1F000] =	vst v63  }
0x6a: {  	_ =	swait.ge [sflag:s13], $0x2800  }
0x6b: {  	[sflag:s13] =	ssyncset.done $0x0  }
0x6c: {  	s9 =	rddreg [dreg:$0x10];
	[sflag:s13] =	ssyncadd.s32 $0xFFFFD800  }
0x6d: {  	[tilespmem:s18], [sflag:$0x2] =	stream.indirect.gather [hbm4b:s5+s15], $0x80, s9, s15, $0xb8;
	[tilespmem:$0x1F000] =	vst v63  }
0x6e: {  	_ =	swait.ge [sflag:s26], $0x2800  }
0x6f: {  	[sflag:s26] =	ssyncset.done $0x0  }
0x70: {  	s10 =	rddreg [dreg:$0x11];
	[sflag:s26] =	ssyncadd.s32 $0xFFFFD800  }
0x71: {  	[spmem:s3] =	stream.indirect.scatter.add.f32 [tilespmem:s20], [sflag:$0x7], $0x80, s10, s15, $0xb8;
	[tilespmem:$0x1F000] =	vst v63  }
0x72: {  	_ =	swait.ge [sflag:s13], $0x2800  }
0x73: {  	[sflag:s13] =	ssyncset.done $0x0  }
0x74: {  	s2 =	rddreg [dreg:$0x12];
	[sflag:s13] =	ssyncadd.s32 $0xFFFFD800  }
0x75: {  	[tilespmem:s20], [sflag:$0x3] =	stream.indirect.gather [hbm4b:s5+s15], $0x80, s2, s15, $0xb8;
	[tilespmem:$0x1F000] =	vst v63  }
0x76: {  	_ =	swait.ge [sflag:s28], $0x2800  }
0x77: {  	[sflag:s28] =	ssyncset.done $0x0  }
0x78: {  	s6 =	rddreg [dreg:$0x13];
	[sflag:s28] =	ssyncadd.s32 $0xFFFFD800  }
0x79: {  	[spmem:s3] =	stream.indirect.scatter.add.f32 [tilespmem:s22], [sflag:$0x7], $0x80, s6, s15, $0xb8;
	[tilespmem:$0x1F000] =	vst v63  }
0x7a: {  	s2 =	smin.u32 s4, $0xD;
	_ =	swait.ge [sflag:s13], $0x2800  }
0x7b: {  	s2 =	sshll.u32 s2, $0xB;
	s9 =	rddreg [dreg:$0x4]  }
0x7c: {  	[sflag:s13] =	ssyncset.done $0x0;
	s0 =	sadd.s32 s2, s9  }
0x7d: {  	s6 =	rddreg [dreg:$0x14];
	[sflag:s13] =	ssyncadd.s32 $0xFFFFD800;
	s0 =	sshrl.u32 s0, $0x3  }
0x7e: {  	[tilespmem:s22], [sflag:$0x4] =	stream.indirect.gather [hbm4b:s5+s15], $0x80, s6, s15, $0xb8;
	[tilespmem:$0x1F000] =	vst v63  }
0x7f: {  	s0 =	sadd.s32 s1, s0  }
0x80: {  	[tilespmem:s4], [sflag:$0x5] =	stream.linear.gather [hbm4b:s0+s4], $0x800, $0x38;
	[tilespmem:$0x1F000] =	vst v63  }
0x81: {  	_ =	swait.ge [sflag:s29], $0x800  }
0x82: {  	[sflag:s29] =	ssyncset.done $0x0  }
0x83: {  	[sflag:s29] =	ssyncadd.s32 $0xFFFFF800  }
0x84: {  	_ =	swait.ge [sflag:s24], $0x2800  }
0x85: {  	[sflag:s24] =	ssyncset.done $0x0  }
0x86: {  	s10 =	rddreg [dreg:$0x15];
	[sflag:s24] =	ssyncadd.s32 $0xFFFFD800  }
0x87: {  	[spmem:s3] =	stream.indirect.scatter.add.f32 [tilespmem:s16], [sflag:$0x7], $0x80, s10, s15, $0xb8;
	[tilespmem:$0x1F000] =	vst v63  }
0x88: {  	_ =	swait.ge [sflag:s13], $0x2800  }
0x89: {  	[sflag:s13] =	ssyncset.done $0x0  }
0x8a: {  	s2 =	rddreg [dreg:$0x16];
	[sflag:s13] =	ssyncadd.s32 $0xFFFFD800  }
0x8b: {  	[tilespmem:s16], [sflag:$0x1] =	stream.indirect.gather [hbm4b:s5+s15], $0x80, s2, s15, $0xb8;
	[tilespmem:$0x1F000] =	vst v63  }
0x8c: {  	_ =	swait.ge [sflag:s25], $0x2800  }
0x8d: {  	[sflag:s25] =	ssyncset.done $0x0  }
0x8e: {  	s6 =	rddreg [dreg:$0x17];
	[sflag:s25] =	ssyncadd.s32 $0xFFFFD800  }
0x8f: {  	[spmem:s3] =	stream.indirect.scatter.add.f32 [tilespmem:s18], [sflag:$0x7], $0x80, s6, s15, $0xb8;
	[tilespmem:$0x1F000] =	vst v63  }
0x90: {  	_ =	swait.ge [sflag:s13], $0x2800  }
0x91: {  	[sflag:s13] =	ssyncset.done $0x0  }
0x92: {  	s9 =	rddreg [dreg:$0x18];
	[sflag:s13] =	ssyncadd.s32 $0xFFFFD800  }
0x93: {  	[tilespmem:s18], [sflag:$0x2] =	stream.indirect.gather [hbm4b:s5+s15], $0x80, s9, s15, $0xb8;
	[tilespmem:$0x1F000] =	vst v63  }
0x94: {  	_ =	swait.ge [sflag:s26], $0x2800  }
0x95: {  	[sflag:s26] =	ssyncset.done $0x0  }
0x96: {  	s10 =	rddreg [dreg:$0x19];
	[sflag:s26] =	ssyncadd.s32 $0xFFFFD800  }
0x97: {  	[spmem:s3] =	stream.indirect.scatter.add.f32 [tilespmem:s20], [sflag:$0x7], $0x80, s10, s15, $0xb8;
	[tilespmem:$0x1F000] =	vst v63  }
0x98: {  	_ =	swait.ge [sflag:s13], $0x2800  }
0x99: {  	[sflag:s13] =	ssyncset.done $0x0  }
0x9a: {  	s2 =	rddreg [dreg:$0x1a];
	[sflag:s13] =	ssyncadd.s32 $0xFFFFD800  }
0x9b: {  	[tilespmem:s20], [sflag:$0x3] =	stream.indirect.gather [hbm4b:s5+s15], $0x80, s2, s15, $0xb8;
	[tilespmem:$0x1F000] =	vst v63  }
0x9c: {  	_ =	swait.ge [sflag:s28], $0x2800  }
0x9d: {  	[sflag:s28] =	ssyncset.done $0x0  }
0x9e: {  	s6 =	rddreg [dreg:$0x1b];
	[sflag:s28] =	ssyncadd.s32 $0xFFFFD800  }
0x9f: {  	[spmem:s3] =	stream.indirect.scatter.add.f32 [tilespmem:s22], [sflag:$0x7], $0x80, s6, s15, $0xb8;
	[tilespmem:$0x1F000] =	vst v63  }
0xa0: {  	_ =	swait.ge [sflag:s13], $0x2800  }
0xa1: {  	[sflag:s13] =	ssyncset.done $0x0  }
0xa2: {  	s9 =	rddreg [dreg:$0x1c];
	[sflag:s13] =	ssyncadd.s32 $0xFFFFD800  }
0xa3: {  	[tilespmem:s22], [sflag:$0x4] =	stream.indirect.gather [hbm4b:s5+s15], $0x80, s9, s15, $0xb8;
	[tilespmem:$0x1F000] =	vst v63  }
0xa4: {  	_ =	swait.ge [sflag:s24], $0x2800  }
0xa5: {  	[sflag:s24] =	ssyncset.done $0x0  }
0xa6: {  	s10 =	rddreg [dreg:$0x1d];
	[sflag:s24] =	ssyncadd.s32 $0xFFFFD800  }
0xa7: {  	[spmem:s3] =	stream.indirect.scatter.add.f32 [tilespmem:s16], [sflag:$0x7], $0x80, s10, s15, $0xb8;
	[tilespmem:$0x1F000] =	vst v63  }
0xa8: {  	_ =	swait.ge [sflag:s13], $0x2800  }
0xa9: {  	[sflag:s13] =	ssyncset.done $0x0  }
0xaa: {  	[sflag:s13] =	ssyncadd.s32 $0xFFFFD800  }
0xab: {  	[tilespmem:s16], [sflag:$0x1] =	stream.indirect.gather [hbm4b:s5+s15], $0x80, s4, s15, $0xb8;
	[tilespmem:$0x1F000] =	vst v63  }
0xac: {  	_ =	swait.ge [sflag:s25], $0x2800  }
0xad: {  	[sflag:s25] =	ssyncset.done $0x0  }
0xae: {  	s2 =	rddreg [dreg:$0x1e];
	[sflag:s25] =	ssyncadd.s32 $0xFFFFD800  }
0xaf: {  	[spmem:s3] =	stream.indirect.scatter.add.f32 [tilespmem:s18], [sflag:$0x7], $0x80, s2, s15, $0xb8;
	[tilespmem:$0x1F000] =	vst v63  }
0xb0: {  	_ =	swait.ge [sflag:s13], $0x2800  }
0xb1: {  	[sflag:s13] =	ssyncset.done $0x0  }
0xb2: {  	[sflag:s13] =	ssyncadd.s32 $0xFFFFD800  }
0xb3: {  	[tilespmem:s18], [sflag:$0x2] =	stream.indirect.gather [hbm4b:s5+s15], $0x80, s17, s15, $0xb8;
	[tilespmem:$0x1F000] =	vst v63  }
0xb4: {  	_ =	swait.ge [sflag:s26], $0x2800  }
0xb5: {  	[sflag:s26] =	ssyncset.done $0x0  }
0xb6: {  	s6 =	rddreg [dreg:$0x1f];
	[sflag:s26] =	ssyncadd.s32 $0xFFFFD800  }
0xb7: {  	[spmem:s3] =	stream.indirect.scatter.add.f32 [tilespmem:s20], [sflag:$0x7], $0x80, s6, s15, $0xb8;
	[tilespmem:$0x1F000] =	vst v63  }
0xb8: {  	_ =	swait.ge [sflag:s13], $0x2800  }
0xb9: {  	[sflag:s13] =	ssyncset.done $0x0  }
0xba: {  	[sflag:s13] =	ssyncadd.s32 $0xFFFFD800  }
0xbb: {  	[tilespmem:s20], [sflag:$0x3] =	stream.indirect.gather [hbm4b:s5+s15], $0x80, s19, s15, $0xb8;
	[tilespmem:$0x1F000] =	vst v63  }
0xbc: {  	_ =	swait.ge [sflag:s28], $0x2800  }
0xbd: {  	[sflag:s28] =	ssyncset.done $0x0  }
0xbe: {  	[sflag:s28] =	ssyncadd.s32 $0xFFFFD800  }
0xbf: {  	[spmem:s3] =	stream.indirect.scatter.add.f32 [tilespmem:s22], [sflag:$0x7], $0x80, s30, s15, $0xb8;
	[tilespmem:$0x1F000] =	vst v63  }
0xc0: {  	s9 =	smin.u32 s4, $0xC;
	_ =	swait.ge [sflag:s13], $0x2800  }
0xc1: {  	s0 =	sshll.u32 s9, $0xB;
	[sflag:s13] =	ssyncset.done $0x0;
	s10 =	rddreg [dreg:$0x5]  }
0xc2: {  	[sflag:s13] =	ssyncadd.s32 $0xFFFFD800;
	s2 =	sadd.s32 s0, s10;
	s0 =	simm.s32 $0x2  }
0xc3: {  	[tilespmem:s22], [sflag:$0x4] =	stream.indirect.gather [hbm4b:s5+s15], $0x80, s21, s15, $0xb8;
	[tilespmem:$0x1F000] =	vst v63  }
.LBB2_2:
0xc4: {  	s6 =	sshrl.u32 s2, $0x3  }
0xc5: {  	s6 =	sadd.s32 s1, s6  }
0xc6: {  	[tilespmem:s14], [sflag:$0x6] =	stream.linear.gather [hbm4b:s6+s4], $0x800, $0x38;
	[tilespmem:$0x1F000] =	vst v63  }
0xc7: {  	_ =	swait.ge [sflag:s23], $0x800  }
0xc8: {  	[sflag:s23] =	ssyncset.done $0x0  }
0xc9: {  	[sflag:s23] =	ssyncadd.s32 $0xFFFFF800  }
0xca: {  	_ =	swait.ge [sflag:s24], $0x2800  }
0xcb: {  	[sflag:s24] =	ssyncset.done $0x0  }
0xcc: {  	s9 =	rddreg [dreg:$0x6];
	[sflag:s24] =	ssyncadd.s32 $0xFFFFD800  }
0xcd: {  	[spmem:s3] =	stream.indirect.scatter.add.f32 [tilespmem:s16], [sflag:$0x7], $0x80, s9, s15, $0xb8;
	[tilespmem:$0x1F000] =	vst v63  }
0xce: {  	_ =	swait.ge [sflag:s13], $0x2800  }
0xcf: {  	[sflag:s13] =	ssyncset.done $0x0  }
0xd0: {  	s10 =	rddreg [dreg:$0x7];
	[sflag:s13] =	ssyncadd.s32 $0xFFFFD800  }
0xd1: {  	[tilespmem:s16], [sflag:$0x1] =	stream.indirect.gather [hbm4b:s5+s15], $0x80, s10, s15, $0xb8;
	[tilespmem:$0x1F000] =	vst v63  }
0xd2: {  	_ =	swait.ge [sflag:s25], $0x2800  }
0xd3: {  	[sflag:s25] =	ssyncset.done $0x0  }
0xd4: {  	s9 =	rddreg [dreg:$0x8];
	[sflag:s25] =	ssyncadd.s32 $0xFFFFD800  }
0xd5: {  	[spmem:s3] =	stream.indirect.scatter.add.f32 [tilespmem:s18], [sflag:$0x7], $0x80, s9, s15, $0xb8;
	[tilespmem:$0x1F000] =	vst v63  }
0xd6: {  	_ =	swait.ge [sflag:s13], $0x2800  }
0xd7: {  	[sflag:s13] =	ssyncset.done $0x0  }
0xd8: {  	s10 =	rddreg [dreg:$0x9];
	[sflag:s13] =	ssyncadd.s32 $0xFFFFD800  }
0xd9: {  	[tilespmem:s18], [sflag:$0x2] =	stream.indirect.gather [hbm4b:s5+s15], $0x80, s10, s15, $0xb8;
	[tilespmem:$0x1F000] =	vst v63  }
0xda: {  	_ =	swait.ge [sflag:s26], $0x2800  }
0xdb: {  	[sflag:s26] =	ssyncset.done $0x0  }
0xdc: {  	s9 =	rddreg [dreg:$0xa];
	[sflag:s26] =	ssyncadd.s32 $0xFFFFD800  }
0xdd: {  	[spmem:s3] =	stream.indirect.scatter.add.f32 [tilespmem:s20], [sflag:$0x7], $0x80, s9, s15, $0xb8;
	[tilespmem:$0x1F000] =	vst v63  }
0xde: {  	_ =	swait.ge [sflag:s13], $0x2800  }
0xdf: {  	[sflag:s13] =	ssyncset.done $0x0  }
0xe0: {  	s10 =	rddreg [dreg:$0xb];
	[sflag:s13] =	ssyncadd.s32 $0xFFFFD800  }
0xe1: {  	[tilespmem:s20], [sflag:$0x3] =	stream.indirect.gather [hbm4b:s5+s15], $0x80, s10, s15, $0xb8;
	[tilespmem:$0x1F000] =	vst v63  }
0xe2: {  	_ =	swait.ge [sflag:s28], $0x2800  }
0xe3: {  	[sflag:s28] =	ssyncset.done $0x0  }
0xe4: {  	s9 =	rddreg [dreg:$0xc];
	[sflag:s28] =	ssyncadd.s32 $0xFFFFD800  }
0xe5: {  	[spmem:s3] =	stream.indirect.scatter.add.f32 [tilespmem:s22], [sflag:$0x7], $0x80, s9, s15, $0xb8;
	[tilespmem:$0x1F000] =	vst v63  }
0xe6: {  	_ =	swait.ge [sflag:s13], $0x2800  }
0xe7: {  	[sflag:s13] =	ssyncset.done $0x0  }
0xe8: {  	s10 =	rddreg [dreg:$0xd];
	[sflag:s13] =	ssyncadd.s32 $0xFFFFD800  }
0xe9: {  	[tilespmem:s22], [sflag:$0x4] =	stream.indirect.gather [hbm4b:s5+s15], $0x80, s10, s15, $0xb8;
	[tilespmem:$0x1F000] =	vst v63  }
0xea: {  	_ =	swait.ge [sflag:s24], $0x2800  }
0xeb: {  	[sflag:s24] =	ssyncset.done $0x0  }
0xec: {  	s9 =	rddreg [dreg:$0xe];
	[sflag:s24] =	ssyncadd.s32 $0xFFFFD800  }
0xed: {  	[spmem:s3] =	stream.indirect.scatter.add.f32 [tilespmem:s16], [sflag:$0x7], $0x80, s9, s15, $0xb8;
	[tilespmem:$0x1F000] =	vst v63  }
0xee: {  	_ =	swait.ge [sflag:s13], $0x2800  }
0xef: {  	[sflag:s13] =	ssyncset.done $0x0  }
0xf0: {  	[sflag:s13] =	ssyncadd.s32 $0xFFFFD800  }
0xf1: {  	[tilespmem:s16], [sflag:$0x1] =	stream.indirect.gather [hbm4b:s5+s15], $0x80, s14, s15, $0xb8;
	[tilespmem:$0x1F000] =	vst v63  }
0xf2: {  	_ =	swait.ge [sflag:s25], $0x2800  }
0xf3: {  	[sflag:s25] =	ssyncset.done $0x0  }
0xf4: {  	s10 =	rddreg [dreg:$0xf];
	[sflag:s25] =	ssyncadd.s32 $0xFFFFD800  }
0xf5: {  	[spmem:s3] =	stream.indirect.scatter.add.f32 [tilespmem:s18], [sflag:$0x7], $0x80, s10, s15, $0xb8;
	[tilespmem:$0x1F000] =	vst v63  }
0xf6: {  	_ =	swait.ge [sflag:s13], $0x2800  }
0xf7: {  	[sflag:s13] =	ssyncset.done $0x0  }
0xf8: {  	s9 =	rddreg [dreg:$0x10];
	[sflag:s13] =	ssyncadd.s32 $0xFFFFD800  }
0xf9: {  	[tilespmem:s18], [sflag:$0x2] =	stream.indirect.gather [hbm4b:s5+s15], $0x80, s9, s15, $0xb8;
	[tilespmem:$0x1F000] =	vst v63  }
0xfa: {  	_ =	swait.ge [sflag:s26], $0x2800  }
0xfb: {  	[sflag:s26] =	ssyncset.done $0x0  }
0xfc: {  	s10 =	rddreg [dreg:$0x11];
	[sflag:s26] =	ssyncadd.s32 $0xFFFFD800  }
0xfd: {  	[spmem:s3] =	stream.indirect.scatter.add.f32 [tilespmem:s20], [sflag:$0x7], $0x80, s10, s15, $0xb8;
	[tilespmem:$0x1F000] =	vst v63  }
0xfe: {  	_ =	swait.ge [sflag:s13], $0x2800  }
0xff: {  	[sflag:s13] =	ssyncset.done $0x0  }
0x100: {  	s9 =	rddreg [dreg:$0x12];
	[sflag:s13] =	ssyncadd.s32 $0xFFFFD800  }
0x101: {  	[tilespmem:s20], [sflag:$0x3] =	stream.indirect.gather [hbm4b:s5+s15], $0x80, s9, s15, $0xb8;
	[tilespmem:$0x1F000] =	vst v63  }
0x102: {  	_ =	swait.ge [sflag:s28], $0x2800  }
0x103: {  	[sflag:s28] =	ssyncset.done $0x0  }
0x104: {  	s2 =	smov.u32 s0;
	s10 =	rddreg [dreg:$0x13];
	[sflag:s28] =	ssyncadd.s32 $0xFFFFD800  }
0x105: {  	[spmem:s3] =	stream.indirect.scatter.add.f32 [tilespmem:s22], [sflag:$0x7], $0x80, s10, s15, $0xb8;
	[tilespmem:$0x1F000] =	vst v63  }
0x106: {  	s10 =	smin.u32 s2, $0xD;
	_ =	swait.ge [sflag:s13], $0x2800  }
0x107: {  	s10 =	sshll.u32 s10, $0xB;
	s6 =	rddreg [dreg:$0x4]  }
0x108: {  	[sflag:s13] =	ssyncset.done $0x0;
	s6 =	sadd.s32 s10, s6  }
0x109: {  	s9 =	rddreg [dreg:$0x14];
	[sflag:s13] =	ssyncadd.s32 $0xFFFFD800;
	s6 =	sshrl.u32 s6, $0x3  }
0x10a: {  	[tilespmem:s22], [sflag:$0x4] =	stream.indirect.gather [hbm4b:s5+s15], $0x80, s9, s15, $0xb8;
	[tilespmem:$0x1F000] =	vst v63  }
0x10b: {  	s6 =	sadd.s32 s1, s6  }
0x10c: {  	[tilespmem:s4], [sflag:$0x5] =	stream.linear.gather [hbm4b:s6+s4], $0x800, $0x38;
	[tilespmem:$0x1F000] =	vst v63  }
0x10d: {  	_ =	swait.ge [sflag:s29], $0x800  }
0x10e: {  	[sflag:s29] =	ssyncset.done $0x0  }
0x10f: {  	[sflag:s29] =	ssyncadd.s32 $0xFFFFF800  }
0x110: {  	_ =	swait.ge [sflag:s24], $0x2800  }
0x111: {  	[sflag:s24] =	ssyncset.done $0x0  }
0x112: {  	s9 =	rddreg [dreg:$0x15];
	[sflag:s24] =	ssyncadd.s32 $0xFFFFD800  }
0x113: {  	[spmem:s3] =	stream.indirect.scatter.add.f32 [tilespmem:s16], [sflag:$0x7], $0x80, s9, s15, $0xb8;
	[tilespmem:$0x1F000] =	vst v63  }
0x114: {  	_ =	swait.ge [sflag:s13], $0x2800  }
0x115: {  	[sflag:s13] =	ssyncset.done $0x0  }
0x116: {  	s10 =	rddreg [dreg:$0x16];
	[sflag:s13] =	ssyncadd.s32 $0xFFFFD800  }
0x117: {  	[tilespmem:s16], [sflag:$0x1] =	stream.indirect.gather [hbm4b:s5+s15], $0x80, s10, s15, $0xb8;
	[tilespmem:$0x1F000] =	vst v63  }
0x118: {  	_ =	swait.ge [sflag:s25], $0x2800  }
0x119: {  	[sflag:s25] =	ssyncset.done $0x0  }
0x11a: {  	s9 =	rddreg [dreg:$0x17];
	[sflag:s25] =	ssyncadd.s32 $0xFFFFD800  }
0x11b: {  	[spmem:s3] =	stream.indirect.scatter.add.f32 [tilespmem:s18], [sflag:$0x7], $0x80, s9, s15, $0xb8;
	[tilespmem:$0x1F000] =	vst v63  }
0x11c: {  	_ =	swait.ge [sflag:s13], $0x2800  }
0x11d: {  	[sflag:s13] =	ssyncset.done $0x0  }
0x11e: {  	s10 =	rddreg [dreg:$0x18];
	[sflag:s13] =	ssyncadd.s32 $0xFFFFD800  }
0x11f: {  	[tilespmem:s18], [sflag:$0x2] =	stream.indirect.gather [hbm4b:s5+s15], $0x80, s10, s15, $0xb8;
	[tilespmem:$0x1F000] =	vst v63  }
0x120: {  	_ =	swait.ge [sflag:s26], $0x2800  }
0x121: {  	[sflag:s26] =	ssyncset.done $0x0  }
0x122: {  	s9 =	rddreg [dreg:$0x19];
	[sflag:s26] =	ssyncadd.s32 $0xFFFFD800  }
0x123: {  	[spmem:s3] =	stream.indirect.scatter.add.f32 [tilespmem:s20], [sflag:$0x7], $0x80, s9, s15, $0xb8;
	[tilespmem:$0x1F000] =	vst v63  }
0x124: {  	_ =	swait.ge [sflag:s13], $0x2800  }
0x125: {  	[sflag:s13] =	ssyncset.done $0x0  }
0x126: {  	s10 =	rddreg [dreg:$0x1a];
	[sflag:s13] =	ssyncadd.s32 $0xFFFFD800  }
0x127: {  	[tilespmem:s20], [sflag:$0x3] =	stream.indirect.gather [hbm4b:s5+s15], $0x80, s10, s15, $0xb8;
	[tilespmem:$0x1F000] =	vst v63  }
0x128: {  	_ =	swait.ge [sflag:s28], $0x2800  }
0x129: {  	[sflag:s28] =	ssyncset.done $0x0  }
0x12a: {  	s9 =	rddreg [dreg:$0x1b];
	[sflag:s28] =	ssyncadd.s32 $0xFFFFD800  }
0x12b: {  	[spmem:s3] =	stream.indirect.scatter.add.f32 [tilespmem:s22], [sflag:$0x7], $0x80, s9, s15, $0xb8;
	[tilespmem:$0x1F000] =	vst v63  }
0x12c: {  	_ =	swait.ge [sflag:s13], $0x2800  }
0x12d: {  	[sflag:s13] =	ssyncset.done $0x0  }
0x12e: {  	s10 =	rddreg [dreg:$0x1c];
	[sflag:s13] =	ssyncadd.s32 $0xFFFFD800  }
0x12f: {  	[tilespmem:s22], [sflag:$0x4] =	stream.indirect.gather [hbm4b:s5+s15], $0x80, s10, s15, $0xb8;
	[tilespmem:$0x1F000] =	vst v63  }
0x130: {  	_ =	swait.ge [sflag:s24], $0x2800  }
0x131: {  	[sflag:s24] =	ssyncset.done $0x0  }
0x132: {  	s9 =	rddreg [dreg:$0x1d];
	[sflag:s24] =	ssyncadd.s32 $0xFFFFD800  }
0x133: {  	[spmem:s3] =	stream.indirect.scatter.add.f32 [tilespmem:s16], [sflag:$0x7], $0x80, s9, s15, $0xb8;
	[tilespmem:$0x1F000] =	vst v63  }
0x134: {  	_ =	swait.ge [sflag:s13], $0x2800  }
0x135: {  	[sflag:s13] =	ssyncset.done $0x0  }
0x136: {  	[sflag:s13] =	ssyncadd.s32 $0xFFFFD800  }
0x137: {  	[tilespmem:s16], [sflag:$0x1] =	stream.indirect.gather [hbm4b:s5+s15], $0x80, s4, s15, $0xb8;
	[tilespmem:$0x1F000] =	vst v63  }
0x138: {  	_ =	swait.ge [sflag:s25], $0x2800  }
0x139: {  	[sflag:s25] =	ssyncset.done $0x0  }
0x13a: {  	s10 =	rddreg [dreg:$0x1e];
	[sflag:s25] =	ssyncadd.s32 $0xFFFFD800  }
0x13b: {  	[spmem:s3] =	stream.indirect.scatter.add.f32 [tilespmem:s18], [sflag:$0x7], $0x80, s10, s15, $0xb8;
	[tilespmem:$0x1F000] =	vst v63  }
0x13c: {  	_ =	swait.ge [sflag:s13], $0x2800  }
0x13d: {  	[sflag:s13] =	ssyncset.done $0x0  }
0x13e: {  	[sflag:s13] =	ssyncadd.s32 $0xFFFFD800  }
0x13f: {  	[tilespmem:s18], [sflag:$0x2] =	stream.indirect.gather [hbm4b:s5+s15], $0x80, s17, s15, $0xb8;
	[tilespmem:$0x1F000] =	vst v63  }
0x140: {  	_ =	swait.ge [sflag:s26], $0x2800  }
0x141: {  	[sflag:s26] =	ssyncset.done $0x0  }
0x142: {  	s9 =	rddreg [dreg:$0x1f];
	[sflag:s26] =	ssyncadd.s32 $0xFFFFD800  }
0x143: {  	[spmem:s3] =	stream.indirect.scatter.add.f32 [tilespmem:s20], [sflag:$0x7], $0x80, s9, s15, $0xb8;
	[tilespmem:$0x1F000] =	vst v63  }
0x144: {  	_ =	swait.ge [sflag:s13], $0x2800  }
0x145: {  	[sflag:s13] =	ssyncset.done $0x0  }
0x146: {  	[sflag:s13] =	ssyncadd.s32 $0xFFFFD800  }
0x147: {  	[tilespmem:s20], [sflag:$0x3] =	stream.indirect.gather [hbm4b:s5+s15], $0x80, s19, s15, $0xb8;
	[tilespmem:$0x1F000] =	vst v63  }
0x148: {  	_ =	swait.ge [sflag:s28], $0x2800  }
0x149: {  	[sflag:s28] =	ssyncset.done $0x0  }
0x14a: {  	p0 =	sne.s32 s0, $0xE;
	[sflag:s28] =	ssyncadd.s32 $0xFFFFD800  }
0x14b: {  	[spmem:s3] =	stream.indirect.scatter.add.f32 [tilespmem:s22], [sflag:$0x7], $0x80, s30, s15, $0xb8;
	[tilespmem:$0x1F000] =	vst v63  }
.Ltmp0:
0x14c: {  	_ = 	snop;
	(pc) =	sbr.rel @p0 .LBB2_2-.Ltmp0, $4  }
0x14d: {  	s2 =	smin.u32 s2, $0xC;
	_ =	swait.ge [sflag:s13], $0x2800  }
0x14e: {  	s2 =	sshll.u32 s2, $0xB;
	[sflag:s13] =	ssyncset.done $0x0;
	s10 =	rddreg [dreg:$0x5]  }
0x14f: {  	s0 =	sadd.s32 $0x2, s0;
	[sflag:s13] =	ssyncadd.s32 $0xFFFFD800;
	s2 =	sadd.s32 s2, s10  }
0x150: {  	[tilespmem:s22], [sflag:$0x4] =	stream.indirect.gather [hbm4b:s5+s15], $0x80, s21, s15, $0xb8;
	[tilespmem:$0x1F000] =	vst v63  }
0x151: {  	s0 =	sshrl.u32 s2, $0x3  }
0x152: {  	s0 =	sadd.s32 s1, s0  }
0x153: {  	[tilespmem:s14], [sflag:$0x6] =	stream.linear.gather [hbm4b:s0+s4], $0x800, $0x38;
	[tilespmem:$0x1F000] =	vst v63  }
0x154: {  	_ =	swait.ge [sflag:s23], $0x800  }
0x155: {  	[sflag:s23] =	ssyncset.done $0x0  }
0x156: {  	[sflag:s23] =	ssyncadd.s32 $0xFFFFF800  }
0x157: {  	_ =	swait.ge [sflag:s24], $0x2800  }
0x158: {  	[sflag:s24] =	ssyncset.done $0x0  }
0x159: {  	[sflag:s24] =	ssyncadd.s32 $0xFFFFD800  }
0x15a: {  	_ =	swait.ge [sflag:s25], $0x2800  }
0x15b: {  	[sflag:s25] =	ssyncset.done $0x0  }
0x15c: {  	[sflag:s25] =	ssyncadd.s32 $0xFFFFD800  }
0x15d: {  	_ =	swait.ge [sflag:s26], $0x2800  }
0x15e: {  	[sflag:s26] =	ssyncset.done $0x0  }
0x15f: {  	[sflag:s26] =	ssyncadd.s32 $0xFFFFD800  }
0x160: {  	_ =	swait.ge [sflag:s28], $0x2800  }
0x161: {  	[sflag:s28] =	ssyncset.done $0x0  }
0x162: {  	[sflag:s28] =	ssyncadd.s32 $0xFFFFD800  }
0x163: {  	[bflag:$0x0] =	sbarrier.arrive $0xFFFF  }
0x164: {  	s31 =	sadd.s32 $0x1, s31;
	s10 =	sld [smem:$0x7FD]  }
0x165: {  	p0 =	sne.s32 s31, s11  }
.Ltmp1:
0x166: {  	_ = 	snop;
	(pc) =	sbr.rel @p0 .LBB2_1-.Ltmp1, $4  }
0x167: {  	[hbm:s10], [sflag:s7] =	dma.local [spmem:s12], $0x2800  }
0x168: {  	_ =	swait.ge [sflag:s13], $0x2800  }
0x169: {  	[sflag:s13] =	ssyncset.done $0x0  }
0x16a: {  	[sflag:s13] =	ssyncadd.s32 $0xFFFFD800  }
0x16b: {  	_ =	sfence.sel $0x180000  }
0x16c: {  	[bflag:$0x0] =	sbarrier.arrive $0xFFFF  }
0x16d: {  	_ =	strace $0x9000004D  }
0x16e: {  	s0 =	stileid.u32;
	[bflag:$0x2] =	sbarrier.arrive $0xFFFF  }
0x16f: {  	p0 =	sne.s32 s0, $0x0;
	s0 =	rddreg [dreg:$0x3]  }
0x170: {  	s0 =	sadd.s32 @!p0 $0x100000, s0  }
0x171: {  	[sflag:s0] =	ssyncadd.tile.s32 @!p0 $0x1;
	_ =	shalt  }
.Lfunc_end2:
_tile_overlayer_lowered:
.L_overlay_start_2:
0x172: {  	(tag) =	ssettag $0x2  }
0x173: {  	s0 =	rddreg [dreg:$0x0];
	s2 =	stileid.u32  }
0x174: {  	s1 =	rddreg [dreg:$0x1];
	p0 =	sne.s32 s2, $0x0  }
0x175: {  	s3 =	rddreg [dreg:$0x2];
	[bflag:$0x3] =	sbarrier.arrive $0xFFFF;
	s2 =	simm.s32 @!p0 $0x1C07  }
0x176: {  	[timem:s3], [sflag:s2] =	dma.local @!p0 [hbm:s0], s1  }
0x177: {  	s0 =	simm.s32 @!p0 $0x7  }
0x178: {  	_ =	swait.ge @!p0 [sflag:s0], s1  }
0x179: {  	s1 =	ssub.s32 @!p0 $0x0, s1;
	[sflag:s0] =	ssyncset.done @!p0 $0x0  }
0x17a: {  	[sflag:s0] =	ssyncadd.s32 @!p0 s1  }
0x17b: {  	[bflag:$0x3] =	sbarrier.arrive $0xFFFF  }
0x17c: {  	_ =	shalt  }

// kernel: kernel.8.cloned.1.call-start
scs
__scs_entry_jumppad:
0x0: {  	(pc) =	sbr.rel $0x88, $3  }
0x1: {  	(tag) =	ssettag $0x0;
	lr =	simm.s32 $0x1  }
0x2: {  	[smem:$0x3F9F] =	sst lr;
	_ =	strace $0xD0000000  }
0x3: {  	_ = 	snop  }
0x4: {  	_ = 	snop  }
0x5: {  	_ = 	snop  }
0x6: {  	_ = 	snop  }
0x7: {  	_ = 	snop  }
__scs_overlays_trampoline_lowered:
0x8: {  	[smem:$0x3FAE] =	sst s0  }
0x9: {  	[smem:$0x3FAF] =	sst s1  }
0xa: {  	[smem:$0x3FB0] =	sst s2  }
0xb: {  	[smem:$0x3FB1] =	sst s3  }
0xc: {  	[smem:$0x3FB2] =	sst s4  }
0xd: {  	[smem:$0x3FB3] =	sst s5  }
0xe: {  	[smem:$0x3FB4] =	sst s6  }
0xf: {  	[smem:$0x3FB5] =	sst s7  }
0x10: {  	[smem:$0x3FB6] =	sst s8  }
0x11: {  	[smem:$0x3FB7] =	sst s9;
	s0 =	simm.s32 @!p0 $0x0  }
0x12: {  	s1 =	sld [smem:$0x3F9D];
	s0 =	simm.s32 @p0 $0x1  }
0x13: {  	[smem:$0x3FB8] =	sst s0;
	s0 =	simm.s32 @!p1 $0x0  }
0x14: {  	s2 =	sld [smem:$0x3F9C];
	s0 =	simm.s32 @p1 $0x1  }
0x15: {  	[smem:$0x3FB9] =	sst s0;
	s0 =	simm.s32 @!p2 $0x0  }
0x16: {  	s3 =	sld [smem:$0x3FDB];
	s0 =	simm.s32 @p2 $0x1  }
0x17: {  	s4 =	simm.s32 $0x1BF5;
	[smem:$0x3FBB] =	sst s0  }
0x18: {  	s0 =	sld [smem:$0x3F9E];
	_ =	swait.ge [sflag:s4], $0x0  }
0x19: {  	s7 =	sld [smem:$0x3F9F]  }
0x1a: {  	s8 =	sadd.s32 $0xFFFFE003, lr  }
0x1b: {  	s9 =	sadd.s32 $0xFFFFFEF7, lr;
	s5 =	simm.s32 $0xFFFFFFFF;
	p2 =	slt.u32 s8, $0xFFFFF086  }
0x1c: {  	p1 =	slt.u32 s9, $0xF7A;
	s5 =	simm.s32 @!p2 $0x0  }
0x1d: {  	s5 =	simm.s32 @p1 $0x1;
	p0 =	seq.s32 s7, s2  }
0x1e: {  	s7 =	smul.u32 @!p0 $0xF7A, s2;
	p2 =	seq.s32 @!p0 s5, $0x0  }
0x1f: {  	s9 =	smul.u32 $0xF7A, s1;
	s8 =	simm.s32 @!p0 $0x1BF5;
	p2 =	por !p2, p0  }
0x20: {  	[sflag:s8] =	ssyncset.s32 @!p0 $0xFFFFF086;
	s6 =	sadd.s32 @!p0 s3, s7;
	s7 =	simm.s32 @!p0 $0x108  }
0x21: {  	s3 =	sadd.s32 s3, s9;
	s6 =	sadd.s32 @!p0 $0x88, s6;
	s7 =	simm.s32 @p2 $0x1082  }
0x22: {  	[simem:s7], [sflag:s8] =	dma.local @!p0 [hbm:s6], $0xF7A  }
0x23: {  	s9 =	sor.u32 $0xD0000000, s2;
	s6 =	simm.s32 $0x108;
	_ =	swait.ge @!p0 [sflag:s8], $0x0  }
0x24: {  	s3 =	sadd.s32 $0x88, s3;
	s6 =	simm.s32 @!p1 $0x1082;
	[sflag:s4] =	ssyncset.s32 $0xFFFFF086  }
0x25: {  	[simem:s6], [sflag:s4] =	dma.local [hbm:s3], $0xF7A  }
0x26: {  	[smem:$0x3F9F] =	sst s1;
	(tag) =	ssettag s2;
	_ =	strace s9  }
0x27: {  	s1 =	sld [smem:$0x3FAF]  }
0x28: {  	s2 =	sld [smem:$0x3FB0]  }
0x29: {  	s4 =	sld [smem:$0x3FB2]  }
0x2a: {  	p0 =	seq.s32 s5, $0x0;
	s5 =	sld [smem:$0x3FB3]  }
0x2b: {  	s6 =	sld [smem:$0x3FB4]  }
0x2c: {  	s7 =	sld [smem:$0x3FB5]  }
0x2d: {  	s3 =	simm.s32 $0x108;
	s8 =	sld [smem:$0x3FB6]  }
0x2e: {  	s3 =	simm.s32 @!p0 $0x1082;
	s9 =	sld [smem:$0x3FB7]  }
0x2f: {  	lr =	sadd.s32 s0, s3;
	s0 =	sld [smem:$0x3FAE]  }
0x30: {  	s3 =	sld [smem:$0x3FB1]  }
0x31: {  	[smem:$0x3FBA] =	sst s10  }
0x32: {  	s10 =	sld [smem:$0x3FB8];
	_ =	sdelay $0x3  }
0x33: {  	p0 =	seq.s32 s10, $0x1;
	s10 =	sld [smem:$0x3FBA];
	_ =	sdelay $0x3  }
0x34: {  	[smem:$0x3FBA] =	sst s10  }
0x35: {  	s10 =	sld [smem:$0x3FB9];
	_ =	sdelay $0x3  }
0x36: {  	p1 =	seq.s32 s10, $0x1;
	s10 =	sld [smem:$0x3FBA];
	_ =	sdelay $0x3  }
0x37: {  	[smem:$0x3FBA] =	sst s10  }
0x38: {  	s10 =	sld [smem:$0x3FBB]  }
0x39: {  	_ = 	snop;
	(pc) =	sbr.ind lr, $3  }
0x3a: {  	_ = 	snop  }
0x3b: {  	_ = 	snop  }
0x3c: {  	p2 =	seq.s32 s10, $0x1;
	s10 =	sld [smem:$0x3FBA]  }
0x3d: {  	_ =	shalt  }
0x3e: {  	_ =	shalt  }
0x3f: {  	_ =	shalt  }
0x40: {  	_ =	shalt  }
0x41: {  	_ =	shalt  }
0x42: {  	_ =	shalt  }
0x43: {  	_ =	shalt  }
0x44: {  	_ =	shalt  }
0x45: {  	_ =	shalt  }
0x46: {  	_ =	shalt  }
0x47: {  	_ =	shalt  }
0x48: {  	_ =	shalt  }
0x49: {  	_ =	shalt  }
0x4a: {  	_ =	shalt  }
0x4b: {  	_ =	shalt  }
0x4c: {  	_ =	shalt  }
0x4d: {  	_ =	shalt  }
0x4e: {  	_ =	shalt  }
0x4f: {  	_ =	shalt  }
0x50: {  	_ =	shalt  }
0x51: {  	_ =	shalt  }
0x52: {  	_ =	shalt  }
0x53: {  	_ =	shalt  }
0x54: {  	_ =	shalt  }
0x55: {  	_ =	shalt  }
0x56: {  	_ =	shalt  }
0x57: {  	_ =	shalt  }
0x58: {  	_ =	shalt  }
0x59: {  	_ =	shalt  }
0x5a: {  	_ =	shalt  }
0x5b: {  	_ =	shalt  }
0x5c: {  	_ =	shalt  }
0x5d: {  	_ =	shalt  }
0x5e: {  	_ =	shalt  }
0x5f: {  	_ =	shalt  }
0x60: {  	_ =	shalt  }
0x61: {  	_ =	shalt  }
0x62: {  	_ =	shalt  }
0x63: {  	_ =	shalt  }
0x64: {  	_ =	shalt  }
0x65: {  	_ =	shalt  }
0x66: {  	_ =	shalt  }
0x67: {  	_ =	shalt  }
0x68: {  	_ =	shalt  }
0x69: {  	_ =	shalt  }
0x6a: {  	_ =	shalt  }
0x6b: {  	_ =	shalt  }
0x6c: {  	_ =	shalt  }
0x6d: {  	_ =	shalt  }
0x6e: {  	_ =	shalt  }
0x6f: {  	_ =	shalt  }
0x70: {  	_ =	shalt  }
0x71: {  	_ =	shalt  }
0x72: {  	_ =	shalt  }
0x73: {  	_ =	shalt  }
0x74: {  	_ =	shalt  }
0x75: {  	_ =	shalt  }
0x76: {  	_ =	shalt  }
0x77: {  	_ =	shalt  }
0x78: {  	_ =	shalt  }
0x79: {  	_ =	shalt  }
0x7a: {  	_ =	shalt  }
0x7b: {  	_ =	shalt  }
0x7c: {  	_ =	shalt  }
0x7d: {  	_ =	shalt  }
0x7e: {  	_ =	shalt  }
0x7f: {  	_ =	shalt  }
0x80: {  	_ =	shalt  }
0x81: {  	_ =	shalt  }
0x82: {  	_ =	shalt  }
0x83: {  	_ =	shalt  }
0x84: {  	_ =	shalt  }
0x85: {  	_ =	shalt  }
0x86: {  	_ =	shalt  }
0x87: {  	_ =	shalt  }
.Lfunc_end0:
.L_simem_size_0:
called_computation_lowered:
.L_overlay_start_0:
0x88: {  	s2 =	sld [smem:$0x3FD9]  }
0x89: {  	s3 =	sld [smem:$0x3FFE];
	_ =	sdelay $0x1  }
0x8a: {  	s1 =	srdreg.scid  }
0x8b: {  	s0 =	sand.u32 $0x1, s1  }
0x8c: {  	s16 =	sshll.u32 s0, $0xA;
	s2 =	sadd.s32 s3, s2  }
0x8d: {  	s2 =	sadd.s32 s2, s16  }
0x8e: {  	[smem:$0x3FC6] =	sst s2  }
0x8f: {  	_ = 	snop  }
0x90: {  	(tm) =	ssettm $0x1  }
0x91: {  	s17 =	sld [smem:$0x3FFB];
	_ =	sdelay $0x3  }
0x92: {  	_ =	strace s17  }
0x93: {  	s2 =	sld [smem:$0x3FFC];
	_ =	sdelay $0x3  }
0x94: {  	_ =	strace s2  }
0x95: {  	s2 =	sld [smem:$0x3FFD];
	_ =	sdelay $0x3  }
0x96: {  	_ =	strace s2  }
0x97: {  	_ =	strace $0x8FFFFFFF  }
0x98: {  	s18 =	sld [smem:$0x3FDB];
	_ =	sdelay $0x1  }
0x99: {  	s19 =	simm.s32 $_scs_section_size  }
0x9a: {  	s4 =	simm.s32 $_size__tile_overlayer_lowered;
	s5 =	simm.s32 $_tile_overlayer_lowered  }
0x9b: {  	s22 =	simm.s32 $0x1BFF;
	s21 =	sshll.u32 s5, $0x1;
	s2 =	sadd.s32 s19, s18  }
0x9c: {  	s6 =	simm.s32 $0x0;
	s20 =	sshll.u32 s4, $0x1;
	s4 =	sadd.s32 s21, s2  }
0x9d: {  	[timem:s6], [sflag:s22] =	dma.local [hbm:s4], s20  }
0x9e: {  	_ =	swait.ge [sflag:s22], s20  }
0x9f: {  	s3 =	ssub.s32 $0x0, s20;
	[sflag:s22] =	ssyncset.done $0x0  }
0xa0: {  	[sflag:s22] =	ssyncadd.s32 s3;
	_ =	sdelay $0x1  }
0xa1: {  	s23 =	simm.s32 $0x1B8B  }
0xa2: {  	_ =	swait.ge [sflag:s23], $0x1  }
0xa3: {  	[sflag:s23] =	ssyncset.done $0x0  }
0xa4: {  	s25 =	simm.s32 $0x1B8E;
	s24 =	sld [smem:$0x3FFE];
	[sflag:s23] =	ssyncadd.s32 $0xFFFFFFFF  }
0xa5: {  	s26 =	simm.s32 $execute0_lowered;
	[smem:$0x3FD2] =	sst s25  }
0xa6: {  	s4 =	sshll.u32 s26, $0x1;
	_ =	strace $0x80000046;
	[dreg:$0x1] =	wrdreg $0xFFFFFFFF  }
0xa7: {  	s28 =	simm.s32 $_size_execute0_lowered;
	s2 =	sadd.s32 s2, s4;
	[dreg:$0x0] =	wrdreg $0x0  }
0xa8: {  	s4 =	sshll.u32 s28, $0x1;
	[dreg:$0x2] =	wrdreg s2  }
0xa9: {  	[dreg:$0x3] =	wrdreg s4  }
0xaa: {  	[dreg:$0x4] =	wrdreg $0xC0  }
0xab: {  	_ =	task [dreg:s6], $0x5FFFF  }
0xac: {  	[dreg:$0x1] =	wrdreg $0xFFFFFFFF  }
0xad: {  	[dreg:$0x0] =	wrdreg $0x60  }
0xae: {  	[dreg:$0x2] =	wrdreg s24  }
0xaf: {  	[dreg:$0x3] =	wrdreg $0x9  }
0xb0: {  	_ =	task.clear_ibuf [dreg:s6], $0x4FFFF;
	_ =	strace $0x90000046  }
0xb1: {  	s29 =	simm.s32 $0x9;
	_ =	strace $0x80000048  }
0xb2: {  	_ =	swait.ge [sflag:s29], $0x1  }
0xb3: {  	[sflag:s29] =	ssyncadd.s32 $0xFFFFFFFF  }
0xb4: {  	_ =	strace $0x90000048  }
0xb5: {  	_ =	sfence  }
0xb6: {  	s30 =	sld [smem:$0x0];
	_ =	sdelay $0x2  }
0xb7: {  	s31 =	sshll.u32 s1, $0xD;
	s1 =	sshrl.u32 s1, $0x2  }
0xb8: {  	s3 =	sand.u32 $0x4000, s31;
	s1 =	sadd.s32 s1, s30  }
0xb9: {  	s0 =	sor.u32 s3, s0;
	s1 =	sshll.u32 s1, $0x11  }
0xba: {  	s0 =	sor.u32 s1, s0  }
0xbb: {  	s0 =	sadd.s32 $0x8F2B, s0  }
0xbc: {  	[sflag:s0] =	ssyncadd.remote.s32 $0x1  }
0xbd: {  	_ =	sfence.sel $0xFFFF  }
0xbe: {  	[dreg:$0x0] =	wrdreg $0xFFFFFFFF;
	(pc) =	sbr.abs _section_cstart, $3  }
0xbf: {  	[dreg:$0x1] =	wrdreg $0xFFFFFFFF  }
0xc0: {  	_ =	task.clear_ibuf [dreg:s6], $0x2FFFF;
	_ =	strace $0x9FFFFFFF  }
0xc1: {  	(tm) =	ssettm $0x7FFFFFFF  }
tec
execute0_lowered:
.L_overlay_start_1:
0x0: {  	(tag) =	ssettag $0x1  }
0x1: {  	s0 =	srdreg.scid;
	s4 =	rddreg [dreg:$0x0];
	s2 =	simm.s32 $0x0  }
0x2: {  	s10 =	simm.s32 $0x400;
	s11 =	simm.s32 $0x1;
	s3 =	sand.u32 $0x1, s0  }
0x3: {  	s12 =	simm.s32 $0x2800;
	s0 =	stileid.u32;
	s1 =	sshll.u32 s3, $0x4  }
0x4: {  	s13 =	simm.s32 $0x5000;
	s14 =	simm.s32 $0x7800;
	s5 =	sor.u32 s0, s1  }
0x5: {  	s15 =	simm.s32 $0x100;
	s16 =	simm.s32 $0x0;
	s6 =	sshrl.u32 s5, $0x3  }
0x6: {  	[smem:$0x7FF] =	sst s2;
	s7 =	sshll.u32 s0, $0x7;
	s6 =	smul.u32 $0x14000, s6  }
0x7: {  	s31 =	ssub.s32 $0x2, s3;
	s3 =	sadd.s32 $0x15C00, s4;
	s7 =	sand.u32 $0x380, s7  }
0x8: {  	s1 =	rddreg [dreg:$0x1];
	s5 =	smul.u32 $0xA00, s5;
	s6 =	sor.u32 s7, s6  }
0x9: {  	_ =	strace $0x80000047;
	s8 =	sshrl.u32 s31, $0x1;
	s6 =	sshrl.u32 s6, $0x3  }
0xa: {  	s8 =	ssub.s32 s31, s8;
	s9 =	sadd.s32 s5, s4;
	s6 =	sadd.s32 s6, s4  }
0xb: {  	s8 =	smax.u32 s8, $0x1;
	s7 =	sadd.s32 $0x16210, s9;
	s4 =	sadd.s32 $0xBC00, s6  }
0xc: {  	v0 =	vimm.f32 $1.000000000e+00;
	s5 =	sadd.s32 $0x1C00, s6;
	s6 =	sadd.s32 $0x16200, s9;
	s9 =	simm.s32 $0x80  }
.LBB2_1:
0xd: {  	[tilespmem:s2], [sflag:$0x1] =	stream.strided.gather [hbm4b:s4+s9], $0x2800, s10, s9, $0x38;
	[tilespmem:$0xA000] =	vst v63  }
0xe: {  	_ =	swait.ge [sflag:s11], $0x2800  }
0xf: {  	[sflag:s11] =	ssyncset.done $0x0  }
0x10: {  	[sflag:s11] =	ssyncadd.s32 $0xFFFFD800  }
0x11: {  	[tilespmem:s12], [sflag:$0x1] =	stream.strided.gather [hbm4b:s5+s9], $0x2800, s10, s9, $0x38;
	[tilespmem:$0xA000] =	vst v63  }
0x12: {  	_ =	swait.ge [sflag:s11], $0x2800  }
0x13: {  	[sflag:s11] =	ssyncset.done $0x0  }
0x14: {  	[sflag:s11] =	ssyncadd.s32 $0xFFFFD800  }
0x15: {  	[tilespmem:s13], [sflag:$0x1] =	stream.linear.gather [hbm4b:s3+s2], $0x2800, $0x38;
	[tilespmem:$0xA000] =	vst v63  }
0x16: {  	_ =	swait.ge [sflag:s11], $0x2800  }
0x17: {  	[sflag:s11] =	ssyncset.done $0x0  }
0x18: {  	[sflag:s11] =	ssyncadd.s32 $0xFFFFD800  }
0x19: {  	[tilespmem:s14], [sflag:$0x1] =	stream.linear.gather [hbm4b:s3+s2], $0x2800, $0x38;
	[tilespmem:$0xA000] =	vst v63  }
0x1a: {  	_ =	swait.ge [sflag:s11], $0x2800  }
0x1b: {  	[sflag:s11] =	ssyncset.done $0x0  }
0x1c: {  	s18 =	simm.s32 $0x0;
	s17 =	simm.s32 $0x40;
	[sflag:s11] =	ssyncadd.s32 $0xFFFFD800  }
.LBB2_2:
0x1d: {  	p0 =	sne.s32 s17, $0x9FC0;
	v1 =	vld [tilespmem:s18+$0x0];
	_ =	sdelay $0x7  }
0x1e: {  	[tilespmem:v1+s13+$0x0] =	vst.idx.add.f32.msk $0xffff, v0  }
0x1f: {  	v1 =	vld [tilespmem:s18+$0x2800];
	_ =	sdelay $0x3  }
.Ltmp0:
0x20: {  	(pc) =	sbr.rel @p0 .LBB2_2-.Ltmp0, $2  }
0x21: {  	_ =	sdelay $0x2  }
0x22: {  	s18 =	sshra.s32 s17, $0x2;
	s17 =	sadd.s32 $0x40, s17;
	[tilespmem:v1+s14+$0x0] =	vst.idx.add.f32.msk $0xffff, v0  }
0x23: {  	v1 =	vld [tilespmem:s18+$0x0];
	_ =	sdelay $0x7  }
0x24: {  	[tilespmem:v1+s13+$0x0] =	vst.idx.add.f32.msk $0xffff, v0  }
0x25: {  	v1 =	vld [tilespmem:s18+$0x2800];
	_ =	sdelay $0x7  }
0x26: {  	[tilespmem:v1+s14+$0x0] =	vst.idx.add.f32.msk $0xffff, v0  }
0x27: {  	[hbm4b:s6+s9] =	stream.strided.scatter [tilespmem:s13], [sflag:$0x1], $0x2800, s15, s9, $0x38;
	[tilespmem:$0xA000] =	vst v63  }
0x28: {  	s16 =	sadd.s32 $0x1, s16;
	_ =	swait.ge [sflag:s11], $0x2800  }
0x29: {  	p0 =	sne.s32 s16, s8;
	[sflag:s11] =	ssyncset.done $0x0  }
.Ltmp1:
0x2a: {  	[sflag:s11] =	ssyncadd.s32 $0xFFFFD800;
	(pc) =	sbr.rel @p0 .LBB2_1-.Ltmp1, $4  }
0x2b: {  	[hbm4b:s7+s9] =	stream.strided.scatter [tilespmem:s14], [sflag:$0x1], $0x2800, s15, s9, $0x38;
	[tilespmem:$0xA000] =	vst v63  }
0x2c: {  	_ =	swait.ge [sflag:s11], $0x2800  }
0x2d: {  	[sflag:s11] =	ssyncset.done $0x0  }
0x2e: {  	[sflag:s11] =	ssyncadd.s32 $0xFFFFD800  }
0x2f: {  	_ =	sfence.sel $0x180000  }
0x30: {  	[bflag:$0x0] =	sbarrier.arrive $0xFFFF  }
0x31: {  	p0 =	sne.s32 s0, $0x0;
	_ =	strace $0x90000047  }
0x32: {  	s0 =	sadd.s32 @!p0 $0x100000, s1;
	[bflag:$0x2] =	sbarrier.arrive $0xFFFF  }
0x33: {  	[sflag:s0] =	ssyncadd.tile.s32 @!p0 $0x1;
	_ =	shalt  }
.Lfunc_end2:
_tile_overlayer_lowered:
.L_overlay_start_2:
0x34: {  	(tag) =	ssettag $0x2  }
0x35: {  	s0 =	rddreg [dreg:$0x0];
	s2 =	stileid.u32  }
0x36: {  	s1 =	rddreg [dreg:$0x1];
	p0 =	sne.s32 s2, $0x0  }
0x37: {  	s3 =	rddreg [dreg:$0x2];
	[bflag:$0x3] =	sbarrier.arrive $0xFFFF;
	s2 =	simm.s32 @!p0 $0x1C01  }
0x38: {  	[timem:s3], [sflag:s2] =	dma.local @!p0 [hbm:s0], s1  }
0x39: {  	s0 =	simm.s32 @!p0 $0x1  }
0x3a: {  	_ =	swait.ge @!p0 [sflag:s0], s1  }
0x3b: {  	s1 =	ssub.s32 @!p0 $0x0, s1;
	[sflag:s0] =	ssyncset.done @!p0 $0x0  }
0x3c: {  	[sflag:s0] =	ssyncadd.s32 @!p0 s1  }
0x3d: {  	[bflag:$0x3] =	sbarrier.arrive $0xFFFF  }
0x3e: {  	_ =	shalt  }

</sc_bundles>
